<compile_context>
chip_gen: v7x
topology: tpu7x:2x2x1
jax: 0.10.2.dev20260603
libtpu: 0.0.44.dev20260713+nightly
codegen_flags: <defaults>
</compile_context>

<pallas_src>
import jax
import jax.numpy as jnp
from jax import lax
from jax.experimental import pallas as pl
from jax.experimental.pallas import tpu as pltpu
from jax.experimental.pallas import tpu_sc as plsc

N_NODES = 10000
N_EDGES = 320000
D_FEAT = 128

NC = 2
NS = 16
NW = NC * NS
BLK = 128

BLOCKS_PER_TILE = 80
E_PAD = NW * BLK * BLOCKS_PER_TILE

ACC_ROWS = 10112
STRIPE = ACC_ROWS // NS
CHUNK = 40
NBUF = 2


def _sc_pool_body(x_hbm, idx_hbm, z_hbm, out_hbm,
                  cidx, rows, acc, gsem, ssem):
    c = lax.axis_index("c")
    s = lax.axis_index("s")
    wid = s * NC + c

    pltpu.sync_copy(z_hbm, acc.at[pl.ds(s * STRIPE, STRIPE)])

    row0 = wid * BLOCKS_PER_TILE

    plsc.subcore_barrier()

    def fire_gather(j, b):
        return pltpu.async_copy(x_hbm.at[cidx.at[0, j]], rows.at[b],
                                gsem.at[b])

    def fire_scatter(j, b):
        return pltpu.async_copy(rows.at[b], acc.at[cidx.at[1, j]], ssem.at[b],
                                add=True)

    @pl.loop(0, BLOCKS_PER_TILE // CHUNK)
    def _(ci):
        base = row0 + ci * CHUNK
        pltpu.sync_copy(idx_hbm.at[:, pl.ds(base, CHUNK)], cidx)

        g_desc = [fire_gather(b, b) for b in range(NBUF)]
        s_desc = [None] * NBUF
        for j in range(CHUNK):
            b = j % NBUF
            g_desc[b].wait()
            s_desc[b] = fire_scatter(j, b)
            k = j + 1
            if NBUF <= k < CHUNK:
                bk = k % NBUF
                s_desc[bk].wait()
                g_desc[bk] = fire_gather(k, bk)
        for t in range(CHUNK - NBUF, CHUNK):
            s_desc[t % NBUF].wait()

    plsc.subcore_barrier()

    pltpu.sync_copy(acc.at[pl.ds(s * STRIPE, STRIPE)],
                    out_hbm.at[c, pl.ds(s * STRIPE, STRIPE)])


_sc_pool = pl.kernel(
    _sc_pool_body,
    out_type=jax.ShapeDtypeStruct((NC, ACC_ROWS, D_FEAT), jnp.float32),
    mesh=plsc.VectorSubcoreMesh(core_axis_name="c", subcore_axis_name="s"),
    scratch_types=[
        pltpu.VMEM((2, CHUNK, BLK), jnp.int32),
        pltpu.VMEM((NBUF, BLK, D_FEAT), jnp.float32),
        pltpu.VMEM_SHARED((ACC_ROWS, D_FEAT), jnp.float32),
        pltpu.SemaphoreType.DMA((NBUF,)),
        pltpu.SemaphoreType.DMA((NBUF,)),
    ],
)


ROW_BLK = 1000


def _tc_dense_body(x_ref, p_ref, w1_ref, w2_ref, b_ref, o_ref):
    pooled = p_ref[0] + p_ref[1]
    h = jnp.dot(x_ref[...], w1_ref[...], preferred_element_type=jnp.float32)
    h = h + jnp.dot(pooled, w2_ref[...], preferred_element_type=jnp.float32)
    o_ref[...] = jnp.maximum(h + b_ref[...], 0.0)


def _tc_dense(x, partials, w1, w2, b2d):
    n = x.shape[0]
    return pl.pallas_call(
        _tc_dense_body,
        grid=(n // ROW_BLK,),
        in_specs=[
            pl.BlockSpec((ROW_BLK, D_FEAT), lambda i: (i, 0)),
            pl.BlockSpec((NC, ROW_BLK, D_FEAT), lambda i: (0, i, 0)),
            pl.BlockSpec((D_FEAT, D_FEAT), lambda i: (0, 0)),
            pl.BlockSpec((D_FEAT, D_FEAT), lambda i: (0, 0)),
            pl.BlockSpec((1, D_FEAT), lambda i: (0, 0)),
        ],
        out_specs=pl.BlockSpec((ROW_BLK, D_FEAT), lambda i: (i, 0)),
        out_shape=jax.ShapeDtypeStruct((n, D_FEAT), jnp.float32),
    )(x, partials, w1, w2, b2d)


def kernel(x, edge_index, W, b):
    src = edge_index[0].astype(jnp.int32)
    dst = edge_index[1].astype(jnp.int32)
    pad = E_PAD - N_EDGES
    pad_ids = jnp.arange(pad, dtype=jnp.int32)
    src = jnp.concatenate([src, pad_ids % N_NODES])
    dst = jnp.concatenate([dst, N_NODES + pad_ids % (ACC_ROWS - N_NODES)])
    idx2 = jnp.stack([src.reshape(E_PAD // BLK, BLK),
                      dst.reshape(E_PAD // BLK, BLK)])
    zrows = jnp.zeros((STRIPE, D_FEAT), jnp.float32)

    partials = _sc_pool(x, idx2, zrows)
    return _tc_dense(x, partials, W[:D_FEAT], W[D_FEAT:],
                     b.reshape(1, D_FEAT))

# --- scband reference (transcript-rebuilt; emitter-appended) ---
"""Pipeline reference for scband-list-node-set-update-17961553232565 (READ-ONLY COPY).

The authoritative reference and input builder live on the scoring server;
editing this copy changes nothing except your own understanding.
"""

import jax, jax.numpy as jnp
import numpy as np

N_NODES = 10000
N_EDGES = 320000
D_FEAT = 128
D_OUT = 128


def setup_inputs(seed: int = 0) -> dict:
    key = jax.random.key(seed)
    k_x, k_e, k_w = jax.random.split(key, 3)
    x = jax.random.normal(k_x, (N_NODES, D_FEAT), dtype=jnp.float32)
    edge_index = jax.random.randint(k_e, (2, N_EDGES), 0, N_NODES, dtype=jnp.int64)
    # next_state params: dense layer on concat([node_state, pooled_edge_input])
    W = jax.random.normal(k_w, (2 * D_FEAT, D_OUT), dtype=jnp.float32) * 0.05
    b = jnp.zeros((D_OUT,), dtype=jnp.float32)
    return {"x": x, "edge_index": edge_index, "W": W, "b": b}


def reference(x, edge_index, W, b):
    # ListNodeSetUpdate with one edge set input (EdgesToNodePooling: broadcast
    # source node hidden state to edges, then sum-pool to destination nodes),
    # followed by NextStateFromConcat(Dense + relu).
    src = edge_index[0]
    dst = edge_index[1]
    # broadcast source node state to each edge (gather)
    messages = jnp.take(x, src, axis=0)
    # pool edge values to destination nodes (scatter-add / segment_sum)
    pooled = jax.ops.segment_sum(messages, dst, num_segments=x.shape[0])
    # next_state_inputs = (node_state, [edge_set_input], context_inputs={})
    h = jnp.concatenate([x, pooled], axis=-1)
    return jax.nn.relu(h @ W + b)

if __name__ == "__main__":
    import jax
    _d = setup_inputs()
    print(jax.jit(kernel)(*tuple(_d.values())))

</pallas_src>

<mosaic_0001>
#map = affine_map<(d0, d1) -> (0, 0)>
#map1 = affine_map<(d0, d1) -> (0, 0, 0)>
module attributes {stable_mosaic.version = 14 : i64} {
  func.func @_sc_pool_body(%arg0: i32, %arg1: i32, %arg2: memref<10000x128xf32, #tpu.memory_space<hbm>>, %arg3: memref<2x2560x128xi32, #tpu.memory_space<hbm>>, %arg4: memref<632x128xf32, #tpu.memory_space<hbm>>, %arg5: memref<2x10112x128xf32, #tpu.memory_space<hbm>>, %arg6: memref<2x40x128xi32, #tpu.memory_space<vmem>>, %arg7: memref<2x128x128xf32, #tpu.memory_space<vmem>>, %arg8: memref<10112x128xf32, #tpu.memory_space<vmem_shared>>, %arg9: memref<2x!tpu.dma_semaphore, #tpu.memory_space<semaphore_mem>>, %arg10: memref<2x!tpu.dma_semaphore, #tpu.memory_space<semaphore_mem>>) attributes {dimension_semantics = [#tpu.dimension_semantics<core_parallel>, #tpu.dimension_semantics<subcore_parallel>], iteration_bounds = array<i64: 2, 16>, scalar_prefetch = 0 : i64, scratch_operands = 5 : i64, tpu.core_type = #tpu.core_type<sc_vector_subcore>, window_params = [{transform_indices = #map}, {transform_indices = #map1}, {transform_indices = #map}, {transform_indices = #map1}]} {
    %mul3A = arith.constant 2 : i32
    %mul3A_0 = arith.muli %arg1, %mul3A : i32
    %add3A = arith.addi %mul3A_0, %arg0 : i32
    %mul3A_1 = arith.constant 632 : i32
    %mul3A_2 = arith.muli %arg1, %mul3A_1 : i32
    "tpu.region"() ({
      %run_scoped3A = tpu.sem_alloc : memref<!tpu.dma_semaphore, #tpu.memory_space<semaphore_mem>>
      %dma_start3A = arith.constant 0 : i32
      %dma_start3A_14 = tpu.memref_slice %arg8[%mul3A_2, %dma_start3A] : memref<10112x128xf32, #tpu.memory_space<vmem_shared>> -> memref<632x128xf32, #tpu.memory_space<vmem_shared>>
      tpu.enqueue_dma source(%arg4 : memref<632x128xf32, #tpu.memory_space<hbm>>) target(%dma_start3A_14 : memref<632x128xf32, #tpu.memory_space<vmem_shared>>) target_semaphore(%run_scoped3A : memref<!tpu.dma_semaphore, #tpu.memory_space<semaphore_mem>>)
      %dma_wait3A = arith.constant 0 : i32
      %dma_wait3A_15 = tpu.memref_slice %arg8[%mul3A_2, %dma_wait3A] : memref<10112x128xf32, #tpu.memory_space<vmem_shared>> -> memref<632x128xf32, #tpu.memory_space<vmem_shared>>
      tpu.wait_dma2 semaphore(%run_scoped3A : memref<!tpu.dma_semaphore, #tpu.memory_space<semaphore_mem>>) src(%arg4 : memref<632x128xf32, #tpu.memory_space<hbm>>) dst(%dma_wait3A_15 : memref<632x128xf32, #tpu.memory_space<vmem_shared>>)
      tpu.yield
    }) : () -> ()
    %mul3A_3 = arith.constant 80 : i32
    %mul3A_4 = arith.muli %add3A, %mul3A_3 : i32
    %barrier3A = arith.constant 0 : index
    tpu.barrier barrier_id(%barrier3A)
    %scan3A = arith.constant 0 : i32
    %scan3A_5 = arith.constant 2 : i32
    %scan3A_6 = arith.addi %scan3A, %scan3A_5 : i32
    %scan3A_7 = arith.constant 1 : i32
    scf.for %scan3A_14 = %scan3A to %scan3A_6 step %scan3A_7  : i32 {
      %mul3A_15 = arith.constant 1 : i32
      %mul3A_16 = arith.muli %scan3A_14, %mul3A_15 : i32
      %add3A_17 = arith.constant 0 : i32
      %add3A_18 = arith.addi %add3A_17, %mul3A_16 : i32
      %mul3A_19 = arith.constant 40 : i32
      %mul3A_20 = arith.muli %add3A_18, %mul3A_19 : i32
      %add3A_21 = arith.addi %mul3A_4, %mul3A_20 : i32
      "tpu.region"() ({
        %run_scoped3A = tpu.sem_alloc : memref<!tpu.dma_semaphore, #tpu.memory_space<semaphore_mem>>
        %dma_start3A_2580 = arith.constant 0 : i32
        %dma_start3A_2581 = arith.constant 0 : i32
        %dma_start3A_2582 = tpu.memref_slice %arg3[%dma_start3A_2580, %add3A_21, %dma_start3A_2581] : memref<2x2560x128xi32, #tpu.memory_space<hbm>> -> memref<2x40x128xi32, #tpu.memory_space<hbm>>
        %dma_start3A_2583 = arith.constant 0 : i32
        %dma_start3A_2584 = arith.constant 0 : i32
        %dma_start3A_2585 = tpu.memref_slice %arg3[%dma_start3A_2583, %add3A_21, %dma_start3A_2584] : memref<2x2560x128xi32, #tpu.memory_space<hbm>> -> memref<2x40x128xi32, #tpu.memory_space<hbm>>
        tpu.enqueue_dma source(%dma_start3A_2585 : memref<2x40x128xi32, #tpu.memory_space<hbm>>) target(%arg6 : memref<2x40x128xi32, #tpu.memory_space<vmem>>) target_semaphore(%run_scoped3A : memref<!tpu.dma_semaphore, #tpu.memory_space<semaphore_mem>>)
        %dma_wait3A_2586 = arith.constant 0 : i32
        %dma_wait3A_2587 = arith.constant 0 : i32
        %dma_wait3A_2588 = tpu.memref_slice %arg3[%dma_wait3A_2586, %add3A_21, %dma_wait3A_2587] : memref<2x2560x128xi32, #tpu.memory_space<hbm>> -> memref<2x40x128xi32, #tpu.memory_space<hbm>>
        %dma_wait3A_2589 = arith.constant 0 : i32
        %dma_wait3A_2590 = arith.constant 0 : i32
        %dma_wait3A_2591 = tpu.memref_slice %arg3[%dma_wait3A_2589, %add3A_21, %dma_wait3A_2590] : memref<2x2560x128xi32, #tpu.memory_space<hbm>> -> memref<2x40x128xi32, #tpu.memory_space<hbm>>
        tpu.wait_dma2 semaphore(%run_scoped3A : memref<!tpu.dma_semaphore, #tpu.memory_space<semaphore_mem>>) src(%dma_wait3A_2591 : memref<2x40x128xi32, #tpu.memory_space<hbm>>) dst(%arg6 : memref<2x40x128xi32, #tpu.memory_space<vmem>>)
        tpu.yield
      }) : () -> ()
      %dma_start3A = arith.constant 0 : i32
      %dma_start3A_22 = arith.constant 0 : i32
      %dma_start3A_23 = arith.constant 0 : i32
      %dma_start3A_24 = arith.constant 0 : i32
      %dma_start3A_25 = arith.constant 0 : i32
      %dma_start3A_26 = arith.constant 0 : i32
      %dma_start3A_27 = tpu.memref_slice %arg7[%dma_start3A_23, %dma_start3A_25, %dma_start3A_26] : memref<2x128x128xf32, #tpu.memory_space<vmem>> -> memref<1x128x128xf32, #tpu.memory_space<vmem>>
      %dma_start3A_28 = tpu.memref_squeeze %dma_start3A_27 : memref<1x128x128xf32, #tpu.memory_space<vmem>> -> memref<128x128xf32, #tpu.memory_space<vmem>>
      %dma_start3A_29 = arith.constant 0 : i32
      %dma_start3A_30 = tpu.memref_slice %arg6[%dma_start3A, %dma_start3A_22, %dma_start3A_29] : memref<2x40x128xi32, #tpu.memory_space<vmem>> -> memref<1x1x128xi32, #tpu.memory_space<vmem>>
      %dma_start3A_31 = tpu.memref_squeeze %dma_start3A_30 : memref<1x1x128xi32, #tpu.memory_space<vmem>> -> memref<128xi32, #tpu.memory_space<vmem>>
      %dma_start3A_32 = arith.constant 0 : i32
      %dma_start3A_33 = arith.constant 0 : i32
      %dma_start3A_34 = tpu.memref_slice %arg2[%dma_start3A_32, %dma_start3A_33] : memref<10000x128xf32, #tpu.memory_space<hbm>> -> memref<10000x128xf32, #tpu.memory_space<hbm>>
      %dma_start3A_35 = tpu.memref_slice %arg9[%dma_start3A_24] : memref<2x!tpu.dma_semaphore, #tpu.memory_space<semaphore_mem>> -> memref<1x!tpu.dma_semaphore, #tpu.memory_space<semaphore_mem>>
      %dma_start3A_36 = tpu.memref_squeeze %dma_start3A_35 : memref<1x!tpu.dma_semaphore, #tpu.memory_space<semaphore_mem>> -> memref<!tpu.dma_semaphore, #tpu.memory_space<semaphore_mem>>
      tpu.enqueue_indirect_dma source(%dma_start3A_34 : memref<10000x128xf32, #tpu.memory_space<hbm>>) target(%dma_start3A_28 : memref<128x128xf32, #tpu.memory_space<vmem>>) offsets(%dma_start3A_31 : memref<128xi32, #tpu.memory_space<vmem>>) semaphore(%dma_start3A_36 : memref<!tpu.dma_semaphore, #tpu.memory_space<semaphore_mem>>)
      %dma_start3A_37 = arith.constant 0 : i32
      %dma_start3A_38 = arith.constant 1 : i32
      %dma_start3A_39 = arith.constant 1 : i32
      %dma_start3A_40 = arith.constant 1 : i32
      %dma_start3A_41 = arith.constant 0 : i32
      %dma_start3A_42 = arith.constant 0 : i32
      %dma_start3A_43 = tpu.memref_slice %arg7[%dma_start3A_39, %dma_start3A_41, %dma_start3A_42] : memref<2x128x128xf32, #tpu.memory_space<vmem>> -> memref<1x128x128xf32, #tpu.memory_space<vmem>>
      %dma_start3A_44 = tpu.memref_squeeze %dma_start3A_43 : memref<1x128x128xf32, #tpu.memory_space<vmem>> -> memref<128x128xf32, #tpu.memory_space<vmem>>
      %dma_start3A_45 = arith.constant 0 : i32
      %dma_start3A_46 = tpu.memref_slice %arg6[%dma_start3A_37, %dma_start3A_38, %dma_start3A_45] : memref<2x40x128xi32, #tpu.memory_space<vmem>> -> memref<1x1x128xi32, #tpu.memory_space<vmem>>
      %dma_start3A_47 = tpu.memref_squeeze %dma_start3A_46 : memref<1x1x128xi32, #tpu.memory_space<vmem>> -> memref<128xi32, #tpu.memory_space<vmem>>
      %dma_start3A_48 = arith.constant 0 : i32
      %dma_start3A_49 = arith.constant 0 : i32
      %dma_start3A_50 = tpu.memref_slice %arg2[%dma_start3A_48, %dma_start3A_49] : memref<10000x128xf32, #tpu.memory_space<hbm>> -> memref<10000x128xf32, #tpu.memory_space<hbm>>
      %dma_start3A_51 = tpu.memref_slice %arg9[%dma_start3A_40] : memref<2x!tpu.dma_semaphore, #tpu.memory_space<semaphore_mem>> -> memref<1x!tpu.dma_semaphore, #tpu.memory_space<semaphore_mem>>
      %dma_start3A_52 = tpu.memref_squeeze %dma_start3A_51 : memref<1x!tpu.dma_semaphore, #tpu.memory_space<semaphore_mem>> -> memref<!tpu.dma_semaphore, #tpu.memory_space<semaphore_mem>>
      tpu.enqueue_indirect_dma source(%dma_start3A_50 : memref<10000x128xf32, #tpu.memory_space<hbm>>) target(%dma_start3A_44 : memref<128x128xf32, #tpu.memory_space<vmem>>) offsets(%dma_start3A_47 : memref<128xi32, #tpu.memory_space<vmem>>) semaphore(%dma_start3A_52 : memref<!tpu.dma_semaphore, #tpu.memory_space<semaphore_mem>>)
      %dma_wait3A = arith.constant 0 : i32
      %dma_wait3A_53 = arith.constant 0 : i32
      %dma_wait3A_54 = arith.constant 0 : i32
      %dma_wait3A_55 = arith.constant 0 : i32
      %dma_wait3A_56 = arith.constant 0 : i32
      %dma_wait3A_57 = arith.constant 0 : i32
      %dma_wait3A_58 = tpu.memref_slice %arg7[%dma_wait3A_54, %dma_wait3A_56, %dma_wait3A_57] : memref<2x128x128xf32, #tpu.memory_space<vmem>> -> memref<1x128x128xf32, #tpu.memory_space<vmem>>
      %dma_wait3A_59 = tpu.memref_squeeze %dma_wait3A_58 : memref<1x128x128xf32, #tpu.memory_space<vmem>> -> memref<128x128xf32, #tpu.memory_space<vmem>>
      %dma_wait3A_60 = arith.constant 0 : i32
      %dma_wait3A_61 = tpu.memref_slice %arg6[%dma_wait3A, %dma_wait3A_53, %dma_wait3A_60] : memref<2x40x128xi32, #tpu.memory_space<vmem>> -> memref<1x1x128xi32, #tpu.memory_space<vmem>>
      %dma_wait3A_62 = tpu.memref_squeeze %dma_wait3A_61 : memref<1x1x128xi32, #tpu.memory_space<vmem>> -> memref<128xi32, #tpu.memory_space<vmem>>
      %dma_wait3A_63 = arith.constant 0 : i32
      %dma_wait3A_64 = arith.constant 0 : i32
      %dma_wait3A_65 = tpu.memref_slice %arg2[%dma_wait3A_63, %dma_wait3A_64] : memref<10000x128xf32, #tpu.memory_space<hbm>> -> memref<10000x128xf32, #tpu.memory_space<hbm>>
      %dma_wait3A_66 = tpu.memref_slice %arg9[%dma_wait3A_55] : memref<2x!tpu.dma_semaphore, #tpu.memory_space<semaphore_mem>> -> memref<1x!tpu.dma_semaphore, #tpu.memory_space<semaphore_mem>>
      %dma_wait3A_67 = tpu.memref_squeeze %dma_wait3A_66 : memref<1x!tpu.dma_semaphore, #tpu.memory_space<semaphore_mem>> -> memref<!tpu.dma_semaphore, #tpu.memory_space<semaphore_mem>>
      tpu.wait_indirect_dma semaphore(%dma_wait3A_67 : memref<!tpu.dma_semaphore, #tpu.memory_space<semaphore_mem>>) src(%dma_wait3A_65 : memref<10000x128xf32, #tpu.memory_space<hbm>>) dst(%dma_wait3A_59 : memref<128x128xf32, #tpu.memory_space<vmem>>)
      %dma_start3A_68 = arith.constant 0 : i32
      %dma_start3A_69 = arith.constant 1 : i32
      %dma_start3A_70 = arith.constant 0 : i32
      %dma_start3A_71 = arith.constant 0 : i32
      %dma_start3A_72 = arith.constant 0 : i32
      %dma_start3A_73 = arith.constant 0 : i32
      %dma_start3A_74 = tpu.memref_slice %arg7[%dma_start3A_68, %dma_start3A_72, %dma_start3A_73] : memref<2x128x128xf32, #tpu.memory_space<vmem>> -> memref<1x128x128xf32, #tpu.memory_space<vmem>>
      %dma_start3A_75 = tpu.memref_squeeze %dma_start3A_74 : memref<1x128x128xf32, #tpu.memory_space<vmem>> -> memref<128x128xf32, #tpu.memory_space<vmem>>
      %dma_start3A_76 = arith.constant 0 : i32
      %dma_start3A_77 = tpu.memref_slice %arg6[%dma_start3A_69, %dma_start3A_70, %dma_start3A_76] : memref<2x40x128xi32, #tpu.memory_space<vmem>> -> memref<1x1x128xi32, #tpu.memory_space<vmem>>
      %dma_start3A_78 = tpu.memref_squeeze %dma_start3A_77 : memref<1x1x128xi32, #tpu.memory_space<vmem>> -> memref<128xi32, #tpu.memory_space<vmem>>
      %dma_start3A_79 = arith.constant 0 : i32
      %dma_start3A_80 = arith.constant 0 : i32
      %dma_start3A_81 = tpu.memref_slice %arg8[%dma_start3A_79, %dma_start3A_80] : memref<10112x128xf32, #tpu.memory_space<vmem_shared>> -> memref<10112x128xf32, #tpu.memory_space<vmem_shared>>
      %dma_start3A_82 = tpu.memref_slice %arg10[%dma_start3A_71] : memref<2x!tpu.dma_semaphore, #tpu.memory_space<semaphore_mem>> -> memref<1x!tpu.dma_semaphore, #tpu.memory_space<semaphore_mem>>
      %dma_start3A_83 = tpu.memref_squeeze %dma_start3A_82 : memref<1x!tpu.dma_semaphore, #tpu.memory_space<semaphore_mem>> -> memref<!tpu.dma_semaphore, #tpu.memory_space<semaphore_mem>>
      tpu.enqueue_indirect_dma source(%dma_start3A_75 : memref<128x128xf32, #tpu.memory_space<vmem>>) target(%dma_start3A_81 : memref<10112x128xf32, #tpu.memory_space<vmem_shared>>) offsets(%dma_start3A_78 : memref<128xi32, #tpu.memory_space<vmem>>) semaphore(%dma_start3A_83 : memref<!tpu.dma_semaphore, #tpu.memory_space<semaphore_mem>>) {add = true}
      %dma_wait3A_84 = arith.constant 0 : i32
      %dma_wait3A_85 = arith.constant 1 : i32
      %dma_wait3A_86 = arith.constant 1 : i32
      %dma_wait3A_87 = arith.constant 1 : i32
      %dma_wait3A_88 = arith.constant 0 : i32
      %dma_wait3A_89 = arith.constant 0 : i32
      %dma_wait3A_90 = tpu.memref_slice %arg7[%dma_wait3A_86, %dma_wait3A_88, %dma_wait3A_89] : memref<2x128x128xf32, #tpu.memory_space<vmem>> -> memref<1x128x128xf32, #tpu.memory_space<vmem>>
      %dma_wait3A_91 = tpu.memref_squeeze %dma_wait3A_90 : memref<1x128x128xf32, #tpu.memory_space<vmem>> -> memref<128x128xf32, #tpu.memory_space<vmem>>
      %dma_wait3A_92 = arith.constant 0 : i32
      %dma_wait3A_93 = tpu.memref_slice %arg6[%dma_wait3A_84, %dma_wait3A_85, %dma_wait3A_92] : memref<2x40x128xi32, #tpu.memory_space<vmem>> -> memref<1x1x128xi32, #tpu.memory_space<vmem>>
      %dma_wait3A_94 = tpu.memref_squeeze %dma_wait3A_93 : memref<1x1x128xi32, #tpu.memory_space<vmem>> -> memref<128xi32, #tpu.memory_space<vmem>>
      %dma_wait3A_95 = arith.constant 0 : i32
      %dma_wait3A_96 = arith.constant 0 : i32
      %dma_wait3A_97 = tpu.memref_slice %arg2[%dma_wait3A_95, %dma_wait3A_96] : memref<10000x128xf32, #tpu.memory_space<hbm>> -> memref<10000x128xf32, #tpu.memory_space<hbm>>
      %dma_wait3A_98 = tpu.memref_slice %arg9[%dma_wait3A_87] : memref<2x!tpu.dma_semaphore, #tpu.memory_space<semaphore_mem>> -> memref<1x!tpu.dma_semaphore, #tpu.memory_space<semaphore_mem>>
      %dma_wait3A_99 = tpu.memref_squeeze %dma_wait3A_98 : memref<1x!tpu.dma_semaphore, #tpu.memory_space<semaphore_mem>> -> memref<!tpu.dma_semaphore, #tpu.memory_space<semaphore_mem>>
      tpu.wait_indirect_dma semaphore(%dma_wait3A_99 : memref<!tpu.dma_semaphore, #tpu.memory_space<semaphore_mem>>) src(%dma_wait3A_97 : memref<10000x128xf32, #tpu.memory_space<hbm>>) dst(%dma_wait3A_91 : memref<128x128xf32, #tpu.memory_space<vmem>>)
      %dma_start3A_100 = arith.constant 1 : i32
      %dma_start3A_101 = arith.constant 1 : i32
      %dma_start3A_102 = arith.constant 1 : i32
      %dma_start3A_103 = arith.constant 1 : i32
      %dma_start3A_104 = arith.constant 0 : i32
      %dma_start3A_105 = arith.constant 0 : i32
      %dma_start3A_106 = tpu.memref_slice %arg7[%dma_start3A_100, %dma_start3A_104, %dma_start3A_105] : memref<2x128x128xf32, #tpu.memory_space<vmem>> -> memref<1x128x128xf32, #tpu.memory_space<vmem>>
      %dma_start3A_107 = tpu.memref_squeeze %dma_start3A_106 : memref<1x128x128xf32, #tpu.memory_space<vmem>> -> memref<128x128xf32, #tpu.memory_space<vmem>>
      %dma_start3A_108 = arith.constant 0 : i32
      %dma_start3A_109 = tpu.memref_slice %arg6[%dma_start3A_101, %dma_start3A_102, %dma_start3A_108] : memref<2x40x128xi32, #tpu.memory_space<vmem>> -> memref<1x1x128xi32, #tpu.memory_space<vmem>>
      %dma_start3A_110 = tpu.memref_squeeze %dma_start3A_109 : memref<1x1x128xi32, #tpu.memory_space<vmem>> -> memref<128xi32, #tpu.memory_space<vmem>>
      %dma_start3A_111 = arith.constant 0 : i32
      %dma_start3A_112 = arith.constant 0 : i32
      %dma_start3A_113 = tpu.memref_slice %arg8[%dma_start3A_111, %dma_start3A_112] : memref<10112x128xf32, #tpu.memory_space<vmem_shared>> -> memref<10112x128xf32, #tpu.memory_space<vmem_shared>>
      %dma_start3A_114 = tpu.memref_slice %arg10[%dma_start3A_103] : memref<2x!tpu.dma_semaphore, #tpu.memory_space<semaphore_mem>> -> memref<1x!tpu.dma_semaphore, #tpu.memory_space<semaphore_mem>>
      %dma_start3A_115 = tpu.memref_squeeze %dma_start3A_114 : memref<1x!tpu.dma_semaphore, #tpu.memory_space<semaphore_mem>> -> memref<!tpu.dma_semaphore, #tpu.memory_space<semaphore_mem>>
      tpu.enqueue_indirect_dma source(%dma_start3A_107 : memref<128x128xf32, #tpu.memory_space<vmem>>) target(%dma_start3A_113 : memref<10112x128xf32, #tpu.memory_space<vmem_shared>>) offsets(%dma_start3A_110 : memref<128xi32, #tpu.memory_space<vmem>>) semaphore(%dma_start3A_115 : memref<!tpu.dma_semaphore, #tpu.memory_space<semaphore_mem>>) {add = true}
      %dma_wait3A_116 = arith.constant 0 : i32
      %dma_wait3A_117 = arith.constant 1 : i32
      %dma_wait3A_118 = arith.constant 0 : i32
      %dma_wait3A_119 = arith.constant 0 : i32
      %dma_wait3A_120 = arith.constant 0 : i32
      %dma_wait3A_121 = arith.constant 0 : i32
      %dma_wait3A_122 = tpu.memref_slice %arg7[%dma_wait3A_116, %dma_wait3A_120, %dma_wait3A_121] : memref<2x128x128xf32, #tpu.memory_space<vmem>> -> memref<1x128x128xf32, #tpu.memory_space<vmem>>
      %dma_wait3A_123 = tpu.memref_squeeze %dma_wait3A_122 : memref<1x128x128xf32, #tpu.memory_space<vmem>> -> memref<128x128xf32, #tpu.memory_space<vmem>>
      %dma_wait3A_124 = arith.constant 0 : i32
      %dma_wait3A_125 = tpu.memref_slice %arg6[%dma_wait3A_117, %dma_wait3A_118, %dma_wait3A_124] : memref<2x40x128xi32, #tpu.memory_space<vmem>> -> memref<1x1x128xi32, #tpu.memory_space<vmem>>
      %dma_wait3A_126 = tpu.memref_squeeze %dma_wait3A_125 : memref<1x1x128xi32, #tpu.memory_space<vmem>> -> memref<128xi32, #tpu.memory_space<vmem>>
      %dma_wait3A_127 = arith.constant 0 : i32
      %dma_wait3A_128 = arith.constant 0 : i32
      %dma_wait3A_129 = tpu.memref_slice %arg8[%dma_wait3A_127, %dma_wait3A_128] : memref<10112x128xf32, #tpu.memory_space<vmem_shared>> -> memref<10112x128xf32, #tpu.memory_space<vmem_shared>>
      %dma_wait3A_130 = tpu.memref_slice %arg10[%dma_wait3A_119] : memref<2x!tpu.dma_semaphore, #tpu.memory_space<semaphore_mem>> -> memref<1x!tpu.dma_semaphore, #tpu.memory_space<semaphore_mem>>
      %dma_wait3A_131 = tpu.memref_squeeze %dma_wait3A_130 : memref<1x!tpu.dma_semaphore, #tpu.memory_space<semaphore_mem>> -> memref<!tpu.dma_semaphore, #tpu.memory_space<semaphore_mem>>
      tpu.wait_indirect_dma semaphore(%dma_wait3A_131 : memref<!tpu.dma_semaphore, #tpu.memory_space<semaphore_mem>>) src(%dma_wait3A_123 : memref<128x128xf32, #tpu.memory_space<vmem>>) dst(%dma_wait3A_129 : memref<10112x128xf32, #tpu.memory_space<vmem_shared>>)
      %dma_start3A_132 = arith.constant 0 : i32
      %dma_start3A_133 = arith.constant 2 : i32
      %dma_start3A_134 = arith.constant 0 : i32
      %dma_start3A_135 = arith.constant 0 : i32
      %dma_start3A_136 = arith.constant 0 : i32
      %dma_start3A_137 = arith.constant 0 : i32
      %dma_start3A_138 = tpu.memref_slice %arg7[%dma_start3A_134, %dma_start3A_136, %dma_start3A_137] : memref<2x128x128xf32, #tpu.memory_space<vmem>> -> memref<1x128x128xf32, #tpu.memory_space<vmem>>
      %dma_start3A_139 = tpu.memref_squeeze %dma_start3A_138 : memref<1x128x128xf32, #tpu.memory_space<vmem>> -> memref<128x128xf32, #tpu.memory_space<vmem>>
      %dma_start3A_140 = arith.constant 0 : i32
      %dma_start3A_141 = tpu.memref_slice %arg6[%dma_start3A_132, %dma_start3A_133, %dma_start3A_140] : memref<2x40x128xi32, #tpu.memory_space<vmem>> -> memref<1x1x128xi32, #tpu.memory_space<vmem>>
      %dma_start3A_142 = tpu.memref_squeeze %dma_start3A_141 : memref<1x1x128xi32, #tpu.memory_space<vmem>> -> memref<128xi32, #tpu.memory_space<vmem>>
      %dma_start3A_143 = arith.constant 0 : i32
      %dma_start3A_144 = arith.constant 0 : i32
      %dma_start3A_145 = tpu.memref_slice %arg2[%dma_start3A_143, %dma_start3A_144] : memref<10000x128xf32, #tpu.memory_space<hbm>> -> memref<10000x128xf32, #tpu.memory_space<hbm>>
      %dma_start3A_146 = tpu.memref_slice %arg9[%dma_start3A_135] : memref<2x!tpu.dma_semaphore, #tpu.memory_space<semaphore_mem>> -> memref<1x!tpu.dma_semaphore, #tpu.memory_space<semaphore_mem>>
      %dma_start3A_147 = tpu.memref_squeeze %dma_start3A_146 : memref<1x!tpu.dma_semaphore, #tpu.memory_space<semaphore_mem>> -> memref<!tpu.dma_semaphore, #tpu.memory_space<semaphore_mem>>
      tpu.enqueue_indirect_dma source(%dma_start3A_145 : memref<10000x128xf32, #tpu.memory_space<hbm>>) target(%dma_start3A_139 : memref<128x128xf32, #tpu.memory_space<vmem>>) offsets(%dma_start3A_142 : memref<128xi32, #tpu.memory_space<vmem>>) semaphore(%dma_start3A_147 : memref<!tpu.dma_semaphore, #tpu.memory_space<semaphore_mem>>)
      %dma_wait3A_148 = arith.constant 0 : i32
      %dma_wait3A_149 = arith.constant 2 : i32
      %dma_wait3A_150 = arith.constant 0 : i32
      %dma_wait3A_151 = arith.constant 0 : i32
      %dma_wait3A_152 = arith.constant 0 : i32
      %dma_wait3A_153 = arith.constant 0 : i32
      %dma_wait3A_154 = tpu.memref_slice %arg7[%dma_wait3A_150, %dma_wait3A_152, %dma_wait3A_153] : memref<2x128x128xf32, #tpu.memory_space<vmem>> -> memref<1x128x128xf32, #tpu.memory_space<vmem>>
      %dma_wait3A_155 = tpu.memref_squeeze %dma_wait3A_154 : memref<1x128x128xf32, #tpu.memory_space<vmem>> -> memref<128x128xf32, #tpu.memory_space<vmem>>
      %dma_wait3A_156 = arith.constant 0 : i32
      %dma_wait3A_157 = tpu.memref_slice %arg6[%dma_wait3A_148, %dma_wait3A_149, %dma_wait3A_156] : memref<2x40x128xi32, #tpu.memory_space<vmem>> -> memref<1x1x128xi32, #tpu.memory_space<vmem>>
      %dma_wait3A_158 = tpu.memref_squeeze %dma_wait3A_157 : memref<1x1x128xi32, #tpu.memory_space<vmem>> -> memref<128xi32, #tpu.memory_space<vmem>>
      %dma_wait3A_159 = arith.constant 0 : i32
      %dma_wait3A_160 = arith.constant 0 : i32
      %dma_wait3A_161 = tpu.memref_slice %arg2[%dma_wait3A_159, %dma_wait3A_160] : memref<10000x128xf32, #tpu.memory_space<hbm>> -> memref<10000x128xf32, #tpu.memory_space<hbm>>
      %dma_wait3A_162 = tpu.memref_slice %arg9[%dma_wait3A_151] : memref<2x!tpu.dma_semaphore, #tpu.memory_space<semaphore_mem>> -> memref<1x!tpu.dma_semaphore, #tpu.memory_space<semaphore_mem>>
      %dma_wait3A_163 = tpu.memref_squeeze %dma_wait3A_162 : memref<1x!tpu.dma_semaphore, #tpu.memory_space<semaphore_mem>> -> memref<!tpu.dma_semaphore, #tpu.memory_space<semaphore_mem>>
      tpu.wait_indirect_dma semaphore(%dma_wait3A_163 : memref<!tpu.dma_semaphore, #tpu.memory_space<semaphore_mem>>) src(%dma_wait3A_161 : memref<10000x128xf32, #tpu.memory_space<hbm>>) dst(%dma_wait3A_155 : memref<128x128xf32, #tpu.memory_space<vmem>>)
      %dma_start3A_164 = arith.constant 0 : i32
      %dma_start3A_165 = arith.constant 1 : i32
      %dma_start3A_166 = arith.constant 2 : i32
      %dma_start3A_167 = arith.constant 0 : i32
      %dma_start3A_168 = arith.constant 0 : i32
      %dma_start3A_169 = arith.constant 0 : i32
      %dma_start3A_170 = tpu.memref_slice %arg7[%dma_start3A_164, %dma_start3A_168, %dma_start3A_169] : memref<2x128x128xf32, #tpu.memory_space<vmem>> -> memref<1x128x128xf32, #tpu.memory_space<vmem>>
      %dma_start3A_171 = tpu.memref_squeeze %dma_start3A_170 : memref<1x128x128xf32, #tpu.memory_space<vmem>> -> memref<128x128xf32, #tpu.memory_space<vmem>>
      %dma_start3A_172 = arith.constant 0 : i32
      %dma_start3A_173 = tpu.memref_slice %arg6[%dma_start3A_165, %dma_start3A_166, %dma_start3A_172] : memref<2x40x128xi32, #tpu.memory_space<vmem>> -> memref<1x1x128xi32, #tpu.memory_space<vmem>>
      %dma_start3A_174 = tpu.memref_squeeze %dma_start3A_173 : memref<1x1x128xi32, #tpu.memory_space<vmem>> -> memref<128xi32, #tpu.memory_space<vmem>>
      %dma_start3A_175 = arith.constant 0 : i32
      %dma_start3A_176 = arith.constant 0 : i32
      %dma_start3A_177 = tpu.memref_slice %arg8[%dma_start3A_175, %dma_start3A_176] : memref<10112x128xf32, #tpu.memory_space<vmem_shared>> -> memref<10112x128xf32, #tpu.memory_space<vmem_shared>>
      %dma_start3A_178 = tpu.memref_slice %arg10[%dma_start3A_167] : memref<2x!tpu.dma_semaphore, #tpu.memory_space<semaphore_mem>> -> memref<1x!tpu.dma_semaphore, #tpu.memory_space<semaphore_mem>>
      %dma_start3A_179 = tpu.memref_squeeze %dma_start3A_178 : memref<1x!tpu.dma_semaphore, #tpu.memory_space<semaphore_mem>> -> memref<!tpu.dma_semaphore, #tpu.memory_space<semaphore_mem>>
      tpu.enqueue_indirect_dma source(%dma_start3A_171 : memref<128x128xf32, #tpu.memory_space<vmem>>) target(%dma_start3A_177 : memref<10112x128xf32, #tpu.memory_space<vmem_shared>>) offsets(%dma_start3A_174 : memref<128xi32, #tpu.memory_space<vmem>>) semaphore(%dma_start3A_179 : memref<!tpu.dma_semaphore, #tpu.memory_space<semaphore_mem>>) {add = true}
      %dma_wait3A_180 = arith.constant 1 : i32
      %dma_wait3A_181 = arith.constant 1 : i32
      %dma_wait3A_182 = arith.constant 1 : i32
      %dma_wait3A_183 = arith.constant 1 : i32
      %dma_wait3A_184 = arith.constant 0 : i32
      %dma_wait3A_185 = arith.constant 0 : i32
      %dma_wait3A_186 = tpu.memref_slice %arg7[%dma_wait3A_180, %dma_wait3A_184, %dma_wait3A_185] : memref<2x128x128xf32, #tpu.memory_space<vmem>> -> memref<1x128x128xf32, #tpu.memory_space<vmem>>
      %dma_wait3A_187 = tpu.memref_squeeze %dma_wait3A_186 : memref<1x128x128xf32, #tpu.memory_space<vmem>> -> memref<128x128xf32, #tpu.memory_space<vmem>>
      %dma_wait3A_188 = arith.constant 0 : i32
      %dma_wait3A_189 = tpu.memref_slice %arg6[%dma_wait3A_181, %dma_wait3A_182, %dma_wait3A_188] : memref<2x40x128xi32, #tpu.memory_space<vmem>> -> memref<1x1x128xi32, #tpu.memory_space<vmem>>
      %dma_wait3A_190 = tpu.memref_squeeze %dma_wait3A_189 : memref<1x1x128xi32, #tpu.memory_space<vmem>> -> memref<128xi32, #tpu.memory_space<vmem>>
      %dma_wait3A_191 = arith.constant 0 : i32
      %dma_wait3A_192 = arith.constant 0 : i32
      %dma_wait3A_193 = tpu.memref_slice %arg8[%dma_wait3A_191, %dma_wait3A_192] : memref<10112x128xf32, #tpu.memory_space<vmem_shared>> -> memref<10112x128xf32, #tpu.memory_space<vmem_shared>>
      %dma_wait3A_194 = tpu.memref_slice %arg10[%dma_wait3A_183] : memref<2x!tpu.dma_semaphore, #tpu.memory_space<semaphore_mem>> -> memref<1x!tpu.dma_semaphore, #tpu.memory_space<semaphore_mem>>
      %dma_wait3A_195 = tpu.memref_squeeze %dma_wait3A_194 : memref<1x!tpu.dma_semaphore, #tpu.memory_space<semaphore_mem>> -> memref<!tpu.dma_semaphore, #tpu.memory_space<semaphore_mem>>
      tpu.wait_indirect_dma semaphore(%dma_wait3A_195 : memref<!tpu.dma_semaphore, #tpu.memory_space<semaphore_mem>>) src(%dma_wait3A_187 : memref<128x128xf32, #tpu.memory_space<vmem>>) dst(%dma_wait3A_193 : memref<10112x128xf32, #tpu.memory_space<vmem_shared>>)
      %dma_start3A_196 = arith.constant 0 : i32
      %dma_start3A_197 = arith.constant 3 : i32
      %dma_start3A_198 = arith.constant 1 : i32
      %dma_start3A_199 = arith.constant 1 : i32
      %dma_start3A_200 = arith.constant 0 : i32
      %dma_start3A_201 = arith.constant 0 : i32
      %dma_start3A_202 = tpu.memref_slice %arg7[%dma_start3A_198, %dma_start3A_200, %dma_start3A_201] : memref<2x128x128xf32, #tpu.memory_space<vmem>> -> memref<1x128x128xf32, #tpu.memory_space<vmem>>
      %dma_start3A_203 = tpu.memref_squeeze %dma_start3A_202 : memref<1x128x128xf32, #tpu.memory_space<vmem>> -> memref<128x128xf32, #tpu.memory_space<vmem>>
      %dma_start3A_204 = arith.constant 0 : i32
      %dma_start3A_205 = tpu.memref_slice %arg6[%dma_start3A_196, %dma_start3A_197, %dma_start3A_204] : memref<2x40x128xi32, #tpu.memory_space<vmem>> -> memref<1x1x128xi32, #tpu.memory_space<vmem>>
      %dma_start3A_206 = tpu.memref_squeeze %dma_start3A_205 : memref<1x1x128xi32, #tpu.memory_space<vmem>> -> memref<128xi32, #tpu.memory_space<vmem>>
      %dma_start3A_207 = arith.constant 0 : i32
      %dma_start3A_208 = arith.constant 0 : i32
      %dma_start3A_209 = tpu.memref_slice %arg2[%dma_start3A_207, %dma_start3A_208] : memref<10000x128xf32, #tpu.memory_space<hbm>> -> memref<10000x128xf32, #tpu.memory_space<hbm>>
      %dma_start3A_210 = tpu.memref_slice %arg9[%dma_start3A_199] : memref<2x!tpu.dma_semaphore, #tpu.memory_space<semaphore_mem>> -> memref<1x!tpu.dma_semaphore, #tpu.memory_space<semaphore_mem>>
      %dma_start3A_211 = tpu.memref_squeeze %dma_start3A_210 : memref<1x!tpu.dma_semaphore, #tpu.memory_space<semaphore_mem>> -> memref<!tpu.dma_semaphore, #tpu.memory_space<semaphore_mem>>
      tpu.enqueue_indirect_dma source(%dma_start3A_209 : memref<10000x128xf32, #tpu.memory_space<hbm>>) target(%dma_start3A_203 : memref<128x128xf32, #tpu.memory_space<vmem>>) offsets(%dma_start3A_206 : memref<128xi32, #tpu.memory_space<vmem>>) semaphore(%dma_start3A_211 : memref<!tpu.dma_semaphore, #tpu.memory_space<semaphore_mem>>)
      %dma_wait3A_212 = arith.constant 0 : i32
      %dma_wait3A_213 = arith.constant 3 : i32
      %dma_wait3A_214 = arith.constant 1 : i32
      %dma_wait3A_215 = arith.constant 1 : i32
      %dma_wait3A_216 = arith.constant 0 : i32
      %dma_wait3A_217 = arith.constant 0 : i32
      %dma_wait3A_218 = tpu.memref_slice %arg7[%dma_wait3A_214, %dma_wait3A_216, %dma_wait3A_217] : memref<2x128x128xf32, #tpu.memory_space<vmem>> -> memref<1x128x128xf32, #tpu.memory_space<vmem>>
      %dma_wait3A_219 = tpu.memref_squeeze %dma_wait3A_218 : memref<1x128x128xf32, #tpu.memory_space<vmem>> -> memref<128x128xf32, #tpu.memory_space<vmem>>
      %dma_wait3A_220 = arith.constant 0 : i32
      %dma_wait3A_221 = tpu.memref_slice %arg6[%dma_wait3A_212, %dma_wait3A_213, %dma_wait3A_220] : memref<2x40x128xi32, #tpu.memory_space<vmem>> -> memref<1x1x128xi32, #tpu.memory_space<vmem>>
      %dma_wait3A_222 = tpu.memref_squeeze %dma_wait3A_221 : memref<1x1x128xi32, #tpu.memory_space<vmem>> -> memref<128xi32, #tpu.memory_space<vmem>>
      %dma_wait3A_223 = arith.constant 0 : i32
      %dma_wait3A_224 = arith.constant 0 : i32
      %dma_wait3A_225 = tpu.memref_slice %arg2[%dma_wait3A_223, %dma_wait3A_224] : memref<10000x128xf32, #tpu.memory_space<hbm>> -> memref<10000x128xf32, #tpu.memory_space<hbm>>
      %dma_wait3A_226 = tpu.memref_slice %arg9[%dma_wait3A_215] : memref<2x!tpu.dma_semaphore, #tpu.memory_space<semaphore_mem>> -> memref<1x!tpu.dma_semaphore, #tpu.memory_space<semaphore_mem>>
      %dma_wait3A_227 = tpu.memref_squeeze %dma_wait3A_226 : memref<1x!tpu.dma_semaphore, #tpu.memory_space<semaphore_mem>> -> memref<!tpu.dma_semaphore, #tpu.memory_space<semaphore_mem>>
      tpu.wait_indirect_dma semaphore(%dma_wait3A_227 : memref<!tpu.dma_semaphore, #tpu.memory_space<semaphore_mem>>) src(%dma_wait3A_225 : memref<10000x128xf32, #tpu.memory_space<hbm>>) dst(%dma_wait3A_219 : memref<128x128xf32, #tpu.memory_space<vmem>>)
      %dma_start3A_228 = arith.constant 1 : i32
      %dma_start3A_229 = arith.constant 1 : i32
      %dma_start3A_230 = arith.constant 3 : i32
      %dma_start3A_231 = arith.constant 1 : i32
      %dma_start3A_232 = arith.constant 0 : i32
      %dma_start3A_233 = arith.constant 0 : i32
      %dma_start3A_234 = tpu.memref_slice %arg7[%dma_start3A_228, %dma_start3A_232, %dma_start3A_233] : memref<2x128x128xf32, #tpu.memory_space<vmem>> -> memref<1x128x128xf32, #tpu.memory_space<vmem>>
      %dma_start3A_235 = tpu.memref_squeeze %dma_start3A_234 : memref<1x128x128xf32, #tpu.memory_space<vmem>> -> memref<128x128xf32, #tpu.memory_space<vmem>>
      %dma_start3A_236 = arith.constant 0 : i32
      %dma_start3A_237 = tpu.memref_slice %arg6[%dma_start3A_229, %dma_start3A_230, %dma_start3A_236] : memref<2x40x128xi32, #tpu.memory_space<vmem>> -> memref<1x1x128xi32, #tpu.memory_space<vmem>>
      %dma_start3A_238 = tpu.memref_squeeze %dma_start3A_237 : memref<1x1x128xi32, #tpu.memory_space<vmem>> -> memref<128xi32, #tpu.memory_space<vmem>>
      %dma_start3A_239 = arith.constant 0 : i32
      %dma_start3A_240 = arith.constant 0 : i32
      %dma_start3A_241 = tpu.memref_slice %arg8[%dma_start3A_239, %dma_start3A_240] : memref<10112x128xf32, #tpu.memory_space<vmem_shared>> -> memref<10112x128xf32, #tpu.memory_space<vmem_shared>>
      %dma_start3A_242 = tpu.memref_slice %arg10[%dma_start3A_231] : memref<2x!tpu.dma_semaphore, #tpu.memory_space<semaphore_mem>> -> memref<1x!tpu.dma_semaphore, #tpu.memory_space<semaphore_mem>>
      %dma_start3A_243 = tpu.memref_squeeze %dma_start3A_242 : memref<1x!tpu.dma_semaphore, #tpu.memory_space<semaphore_mem>> -> memref<!tpu.dma_semaphore, #tpu.memory_space<semaphore_mem>>
      tpu.enqueue_indirect_dma source(%dma_start3A_235 : memref<128x128xf32, #tpu.memory_space<vmem>>) target(%dma_start3A_241 : memref<10112x128xf32, #tpu.memory_space<vmem_shared>>) offsets(%dma_start3A_238 : memref<128xi32, #tpu.memory_space<vmem>>) semaphore(%dma_start3A_243 : memref<!tpu.dma_semaphore, #tpu.memory_space<semaphore_mem>>) {add = true}
      %dma_wait3A_244 = arith.constant 0 : i32
      %dma_wait3A_245 = arith.constant 1 : i32
      %dma_wait3A_246 = arith.constant 2 : i32
      %dma_wait3A_247 = arith.constant 0 : i32
      %dma_wait3A_248 = arith.constant 0 : i32
      %dma_wait3A_249 = arith.constant 0 : i32
      %dma_wait3A_250 = tpu.memref_slice %arg7[%dma_wait3A_244, %dma_wait3A_248, %dma_wait3A_249] : memref<2x128x128xf32, #tpu.memory_space<vmem>> -> memref<1x128x128xf32, #tpu.memory_space<vmem>>
      %dma_wait3A_251 = tpu.memref_squeeze %dma_wait3A_250 : memref<1x128x128xf32, #tpu.memory_space<vmem>> -> memref<128x128xf32, #tpu.memory_space<vmem>>
      %dma_wait3A_252 = arith.constant 0 : i32
      %dma_wait3A_253 = tpu.memref_slice %arg6[%dma_wait3A_245, %dma_wait3A_246, %dma_wait3A_252] : memref<2x40x128xi32, #tpu.memory_space<vmem>> -> memref<1x1x128xi32, #tpu.memory_space<vmem>>
      %dma_wait3A_254 = tpu.memref_squeeze %dma_wait3A_253 : memref<1x1x128xi32, #tpu.memory_space<vmem>> -> memref<128xi32, #tpu.memory_space<vmem>>
      %dma_wait3A_255 = arith.constant 0 : i32
      %dma_wait3A_256 = arith.constant 0 : i32
      %dma_wait3A_257 = tpu.memref_slice %arg8[%dma_wait3A_255, %dma_wait3A_256] : memref<10112x128xf32, #tpu.memory_space<vmem_shared>> -> memref<10112x128xf32, #tpu.memory_space<vmem_shared>>
      %dma_wait3A_258 = tpu.memref_slice %arg10[%dma_wait3A_247] : memref<2x!tpu.dma_semaphore, #tpu.memory_space<semaphore_mem>> -> memref<1x!tpu.dma_semaphore, #tpu.memory_space<semaphore_mem>>
      %dma_wait3A_259 = tpu.memref_squeeze %dma_wait3A_258 : memref<1x!tpu.dma_semaphore, #tpu.memory_space<semaphore_mem>> -> memref<!tpu.dma_semaphore, #tpu.memory_space<semaphore_mem>>
      tpu.wait_indirect_dma semaphore(%dma_wait3A_259 : memref<!tpu.dma_semaphore, #tpu.memory_space<semaphore_mem>>) src(%dma_wait3A_251 : memref<128x128xf32, #tpu.memory_space<vmem>>) dst(%dma_wait3A_257 : memref<10112x128xf32, #tpu.memory_space<vmem_shared>>)
      %dma_start3A_260 = arith.constant 0 : i32
      %dma_start3A_261 = arith.constant 4 : i32
      %dma_start3A_262 = arith.constant 0 : i32
      %dma_start3A_263 = arith.constant 0 : i32
      %dma_start3A_264 = arith.constant 0 : i32
      %dma_start3A_265 = arith.constant 0 : i32
      %dma_start3A_266 = tpu.memref_slice %arg7[%dma_start3A_262, %dma_start3A_264, %dma_start3A_265] : memref<2x128x128xf32, #tpu.memory_space<vmem>> -> memref<1x128x128xf32, #tpu.memory_space<vmem>>
      %dma_start3A_267 = tpu.memref_squeeze %dma_start3A_266 : memref<1x128x128xf32, #tpu.memory_space<vmem>> -> memref<128x128xf32, #tpu.memory_space<vmem>>
      %dma_start3A_268 = arith.constant 0 : i32
      %dma_start3A_269 = tpu.memref_slice %arg6[%dma_start3A_260, %dma_start3A_261, %dma_start3A_268] : memref<2x40x128xi32, #tpu.memory_space<vmem>> -> memref<1x1x128xi32, #tpu.memory_space<vmem>>
      %dma_start3A_270 = tpu.memref_squeeze %dma_start3A_269 : memref<1x1x128xi32, #tpu.memory_space<vmem>> -> memref<128xi32, #tpu.memory_space<vmem>>
      %dma_start3A_271 = arith.constant 0 : i32
      %dma_start3A_272 = arith.constant 0 : i32
      %dma_start3A_273 = tpu.memref_slice %arg2[%dma_start3A_271, %dma_start3A_272] : memref<10000x128xf32, #tpu.memory_space<hbm>> -> memref<10000x128xf32, #tpu.memory_space<hbm>>
      %dma_start3A_274 = tpu.memref_slice %arg9[%dma_start3A_263] : memref<2x!tpu.dma_semaphore, #tpu.memory_space<semaphore_mem>> -> memref<1x!tpu.dma_semaphore, #tpu.memory_space<semaphore_mem>>
      %dma_start3A_275 = tpu.memref_squeeze %dma_start3A_274 : memref<1x!tpu.dma_semaphore, #tpu.memory_space<semaphore_mem>> -> memref<!tpu.dma_semaphore, #tpu.memory_space<semaphore_mem>>
      tpu.enqueue_indirect_dma source(%dma_start3A_273 : memref<10000x128xf32, #tpu.memory_space<hbm>>) target(%dma_start3A_267 : memref<128x128xf32, #tpu.memory_space<vmem>>) offsets(%dma_start3A_270 : memref<128xi32, #tpu.memory_space<vmem>>) semaphore(%dma_start3A_275 : memref<!tpu.dma_semaphore, #tpu.memory_space<semaphore_mem>>)
      %dma_wait3A_276 = arith.constant 0 : i32
      %dma_wait3A_277 = arith.constant 4 : i32
      %dma_wait3A_278 = arith.constant 0 : i32
      %dma_wait3A_279 = arith.constant 0 : i32
      %dma_wait3A_280 = arith.constant 0 : i32
      %dma_wait3A_281 = arith.constant 0 : i32
      %dma_wait3A_282 = tpu.memref_slice %arg7[%dma_wait3A_278, %dma_wait3A_280, %dma_wait3A_281] : memref<2x128x128xf32, #tpu.memory_space<vmem>> -> memref<1x128x128xf32, #tpu.memory_space<vmem>>
      %dma_wait3A_283 = tpu.memref_squeeze %dma_wait3A_282 : memref<1x128x128xf32, #tpu.memory_space<vmem>> -> memref<128x128xf32, #tpu.memory_space<vmem>>
      %dma_wait3A_284 = arith.constant 0 : i32
      %dma_wait3A_285 = tpu.memref_slice %arg6[%dma_wait3A_276, %dma_wait3A_277, %dma_wait3A_284] : memref<2x40x128xi32, #tpu.memory_space<vmem>> -> memref<1x1x128xi32, #tpu.memory_space<vmem>>
      %dma_wait3A_286 = tpu.memref_squeeze %dma_wait3A_285 : memref<1x1x128xi32, #tpu.memory_space<vmem>> -> memref<128xi32, #tpu.memory_space<vmem>>
      %dma_wait3A_287 = arith.constant 0 : i32
      %dma_wait3A_288 = arith.constant 0 : i32
      %dma_wait3A_289 = tpu.memref_slice %arg2[%dma_wait3A_287, %dma_wait3A_288] : memref<10000x128xf32, #tpu.memory_space<hbm>> -> memref<10000x128xf32, #tpu.memory_space<hbm>>
      %dma_wait3A_290 = tpu.memref_slice %arg9[%dma_wait3A_279] : memref<2x!tpu.dma_semaphore, #tpu.memory_space<semaphore_mem>> -> memref<1x!tpu.dma_semaphore, #tpu.memory_space<semaphore_mem>>
      %dma_wait3A_291 = tpu.memref_squeeze %dma_wait3A_290 : memref<1x!tpu.dma_semaphore, #tpu.memory_space<semaphore_mem>> -> memref<!tpu.dma_semaphore, #tpu.memory_space<semaphore_mem>>
      tpu.wait_indirect_dma semaphore(%dma_wait3A_291 : memref<!tpu.dma_semaphore, #tpu.memory_space<semaphore_mem>>) src(%dma_wait3A_289 : memref<10000x128xf32, #tpu.memory_space<hbm>>) dst(%dma_wait3A_283 : memref<128x128xf32, #tpu.memory_space<vmem>>)
      %dma_start3A_292 = arith.constant 0 : i32
      %dma_start3A_293 = arith.constant 1 : i32
      %dma_start3A_294 = arith.constant 4 : i32
      %dma_start3A_295 = arith.constant 0 : i32
      %dma_start3A_296 = arith.constant 0 : i32
      %dma_start3A_297 = arith.constant 0 : i32
      %dma_start3A_298 = tpu.memref_slice %arg7[%dma_start3A_292, %dma_start3A_296, %dma_start3A_297] : memref<2x128x128xf32, #tpu.memory_space<vmem>> -> memref<1x128x128xf32, #tpu.memory_space<vmem>>
      %dma_start3A_299 = tpu.memref_squeeze %dma_start3A_298 : memref<1x128x128xf32, #tpu.memory_space<vmem>> -> memref<128x128xf32, #tpu.memory_space<vmem>>
      %dma_start3A_300 = arith.constant 0 : i32
      %dma_start3A_301 = tpu.memref_slice %arg6[%dma_start3A_293, %dma_start3A_294, %dma_start3A_300] : memref<2x40x128xi32, #tpu.memory_space<vmem>> -> memref<1x1x128xi32, #tpu.memory_space<vmem>>
      %dma_start3A_302 = tpu.memref_squeeze %dma_start3A_301 : memref<1x1x128xi32, #tpu.memory_space<vmem>> -> memref<128xi32, #tpu.memory_space<vmem>>
      %dma_start3A_303 = arith.constant 0 : i32
      %dma_start3A_304 = arith.constant 0 : i32
      %dma_start3A_305 = tpu.memref_slice %arg8[%dma_start3A_303, %dma_start3A_304] : memref<10112x128xf32, #tpu.memory_space<vmem_shared>> -> memref<10112x128xf32, #tpu.memory_space<vmem_shared>>
      %dma_start3A_306 = tpu.memref_slice %arg10[%dma_start3A_295] : memref<2x!tpu.dma_semaphore, #tpu.memory_space<semaphore_mem>> -> memref<1x!tpu.dma_semaphore, #tpu.memory_space<semaphore_mem>>
      %dma_start3A_307 = tpu.memref_squeeze %dma_start3A_306 : memref<1x!tpu.dma_semaphore, #tpu.memory_space<semaphore_mem>> -> memref<!tpu.dma_semaphore, #tpu.memory_space<semaphore_mem>>
      tpu.enqueue_indirect_dma source(%dma_start3A_299 : memref<128x128xf32, #tpu.memory_space<vmem>>) target(%dma_start3A_305 : memref<10112x128xf32, #tpu.memory_space<vmem_shared>>) offsets(%dma_start3A_302 : memref<128xi32, #tpu.memory_space<vmem>>) semaphore(%dma_start3A_307 : memref<!tpu.dma_semaphore, #tpu.memory_space<semaphore_mem>>) {add = true}
      %dma_wait3A_308 = arith.constant 1 : i32
      %dma_wait3A_309 = arith.constant 1 : i32
      %dma_wait3A_310 = arith.constant 3 : i32
      %dma_wait3A_311 = arith.constant 1 : i32
      %dma_wait3A_312 = arith.constant 0 : i32
      %dma_wait3A_313 = arith.constant 0 : i32
      %dma_wait3A_314 = tpu.memref_slice %arg7[%dma_wait3A_308, %dma_wait3A_312, %dma_wait3A_313] : memref<2x128x128xf32, #tpu.memory_space<vmem>> -> memref<1x128x128xf32, #tpu.memory_space<vmem>>
      %dma_wait3A_315 = tpu.memref_squeeze %dma_wait3A_314 : memref<1x128x128xf32, #tpu.memory_space<vmem>> -> memref<128x128xf32, #tpu.memory_space<vmem>>
      %dma_wait3A_316 = arith.constant 0 : i32
      %dma_wait3A_317 = tpu.memref_slice %arg6[%dma_wait3A_309, %dma_wait3A_310, %dma_wait3A_316] : memref<2x40x128xi32, #tpu.memory_space<vmem>> -> memref<1x1x128xi32, #tpu.memory_space<vmem>>
      %dma_wait3A_318 = tpu.memref_squeeze %dma_wait3A_317 : memref<1x1x128xi32, #tpu.memory_space<vmem>> -> memref<128xi32, #tpu.memory_space<vmem>>
      %dma_wait3A_319 = arith.constant 0 : i32
      %dma_wait3A_320 = arith.constant 0 : i32
      %dma_wait3A_321 = tpu.memref_slice %arg8[%dma_wait3A_319, %dma_wait3A_320] : memref<10112x128xf32, #tpu.memory_space<vmem_shared>> -> memref<10112x128xf32, #tpu.memory_space<vmem_shared>>
      %dma_wait3A_322 = tpu.memref_slice %arg10[%dma_wait3A_311] : memref<2x!tpu.dma_semaphore, #tpu.memory_space<semaphore_mem>> -> memref<1x!tpu.dma_semaphore, #tpu.memory_space<semaphore_mem>>
      %dma_wait3A_323 = tpu.memref_squeeze %dma_wait3A_322 : memref<1x!tpu.dma_semaphore, #tpu.memory_space<semaphore_mem>> -> memref<!tpu.dma_semaphore, #tpu.memory_space<semaphore_mem>>
      tpu.wait_indirect_dma semaphore(%dma_wait3A_323 : memref<!tpu.dma_semaphore, #tpu.memory_space<semaphore_mem>>) src(%dma_wait3A_315 : memref<128x128xf32, #tpu.memory_space<vmem>>) dst(%dma_wait3A_321 : memref<10112x128xf32, #tpu.memory_space<vmem_shared>>)
      %dma_start3A_324 = arith.constant 0 : i32
      %dma_start3A_325 = arith.constant 5 : i32
      %dma_start3A_326 = arith.constant 1 : i32
      %dma_start3A_327 = arith.constant 1 : i32
      %dma_start3A_328 = arith.constant 0 : i32
      %dma_start3A_329 = arith.constant 0 : i32
      %dma_start3A_330 = tpu.memref_slice %arg7[%dma_start3A_326, %dma_start3A_328, %dma_start3A_329] : memref<2x128x128xf32, #tpu.memory_space<vmem>> -> memref<1x128x128xf32, #tpu.memory_space<vmem>>
      %dma_start3A_331 = tpu.memref_squeeze %dma_start3A_330 : memref<1x128x128xf32, #tpu.memory_space<vmem>> -> memref<128x128xf32, #tpu.memory_space<vmem>>
      %dma_start3A_332 = arith.constant 0 : i32
      %dma_start3A_333 = tpu.memref_slice %arg6[%dma_start3A_324, %dma_start3A_325, %dma_start3A_332] : memref<2x40x128xi32, #tpu.memory_space<vmem>> -> memref<1x1x128xi32, #tpu.memory_space<vmem>>
      %dma_start3A_334 = tpu.memref_squeeze %dma_start3A_333 : memref<1x1x128xi32, #tpu.memory_space<vmem>> -> memref<128xi32, #tpu.memory_space<vmem>>
      %dma_start3A_335 = arith.constant 0 : i32
      %dma_start3A_336 = arith.constant 0 : i32
      %dma_start3A_337 = tpu.memref_slice %arg2[%dma_start3A_335, %dma_start3A_336] : memref<10000x128xf32, #tpu.memory_space<hbm>> -> memref<10000x128xf32, #tpu.memory_space<hbm>>
      %dma_start3A_338 = tpu.memref_slice %arg9[%dma_start3A_327] : memref<2x!tpu.dma_semaphore, #tpu.memory_space<semaphore_mem>> -> memref<1x!tpu.dma_semaphore, #tpu.memory_space<semaphore_mem>>
      %dma_start3A_339 = tpu.memref_squeeze %dma_start3A_338 : memref<1x!tpu.dma_semaphore, #tpu.memory_space<semaphore_mem>> -> memref<!tpu.dma_semaphore, #tpu.memory_space<semaphore_mem>>
      tpu.enqueue_indirect_dma source(%dma_start3A_337 : memref<10000x128xf32, #tpu.memory_space<hbm>>) target(%dma_start3A_331 : memref<128x128xf32, #tpu.memory_space<vmem>>) offsets(%dma_start3A_334 : memref<128xi32, #tpu.memory_space<vmem>>) semaphore(%dma_start3A_339 : memref<!tpu.dma_semaphore, #tpu.memory_space<semaphore_mem>>)
      %dma_wait3A_340 = arith.constant 0 : i32
      %dma_wait3A_341 = arith.constant 5 : i32
      %dma_wait3A_342 = arith.constant 1 : i32
      %dma_wait3A_343 = arith.constant 1 : i32
      %dma_wait3A_344 = arith.constant 0 : i32
      %dma_wait3A_345 = arith.constant 0 : i32
      %dma_wait3A_346 = tpu.memref_slice %arg7[%dma_wait3A_342, %dma_wait3A_344, %dma_wait3A_345] : memref<2x128x128xf32, #tpu.memory_space<vmem>> -> memref<1x128x128xf32, #tpu.memory_space<vmem>>
      %dma_wait3A_347 = tpu.memref_squeeze %dma_wait3A_346 : memref<1x128x128xf32, #tpu.memory_space<vmem>> -> memref<128x128xf32, #tpu.memory_space<vmem>>
      %dma_wait3A_348 = arith.constant 0 : i32
      %dma_wait3A_349 = tpu.memref_slice %arg6[%dma_wait3A_340, %dma_wait3A_341, %dma_wait3A_348] : memref<2x40x128xi32, #tpu.memory_space<vmem>> -> memref<1x1x128xi32, #tpu.memory_space<vmem>>
      %dma_wait3A_350 = tpu.memref_squeeze %dma_wait3A_349 : memref<1x1x128xi32, #tpu.memory_space<vmem>> -> memref<128xi32, #tpu.memory_space<vmem>>
      %dma_wait3A_351 = arith.constant 0 : i32
      %dma_wait3A_352 = arith.constant 0 : i32
      %dma_wait3A_353 = tpu.memref_slice %arg2[%dma_wait3A_351, %dma_wait3A_352] : memref<10000x128xf32, #tpu.memory_space<hbm>> -> memref<10000x128xf32, #tpu.memory_space<hbm>>
      %dma_wait3A_354 = tpu.memref_slice %arg9[%dma_wait3A_343] : memref<2x!tpu.dma_semaphore, #tpu.memory_space<semaphore_mem>> -> memref<1x!tpu.dma_semaphore, #tpu.memory_space<semaphore_mem>>
      %dma_wait3A_355 = tpu.memref_squeeze %dma_wait3A_354 : memref<1x!tpu.dma_semaphore, #tpu.memory_space<semaphore_mem>> -> memref<!tpu.dma_semaphore, #tpu.memory_space<semaphore_mem>>
      tpu.wait_indirect_dma semaphore(%dma_wait3A_355 : memref<!tpu.dma_semaphore, #tpu.memory_space<semaphore_mem>>) src(%dma_wait3A_353 : memref<10000x128xf32, #tpu.memory_space<hbm>>) dst(%dma_wait3A_347 : memref<128x128xf32, #tpu.memory_space<vmem>>)
      %dma_start3A_356 = arith.constant 1 : i32
      %dma_start3A_357 = arith.constant 1 : i32
      %dma_start3A_358 = arith.constant 5 : i32
      %dma_start3A_359 = arith.constant 1 : i32
      %dma_start3A_360 = arith.constant 0 : i32
      %dma_start3A_361 = arith.constant 0 : i32
      %dma_start3A_362 = tpu.memref_slice %arg7[%dma_start3A_356, %dma_start3A_360, %dma_start3A_361] : memref<2x128x128xf32, #tpu.memory_space<vmem>> -> memref<1x128x128xf32, #tpu.memory_space<vmem>>
      %dma_start3A_363 = tpu.memref_squeeze %dma_start3A_362 : memref<1x128x128xf32, #tpu.memory_space<vmem>> -> memref<128x128xf32, #tpu.memory_space<vmem>>
      %dma_start3A_364 = arith.constant 0 : i32
      %dma_start3A_365 = tpu.memref_slice %arg6[%dma_start3A_357, %dma_start3A_358, %dma_start3A_364] : memref<2x40x128xi32, #tpu.memory_space<vmem>> -> memref<1x1x128xi32, #tpu.memory_space<vmem>>
      %dma_start3A_366 = tpu.memref_squeeze %dma_start3A_365 : memref<1x1x128xi32, #tpu.memory_space<vmem>> -> memref<128xi32, #tpu.memory_space<vmem>>
      %dma_start3A_367 = arith.constant 0 : i32
      %dma_start3A_368 = arith.constant 0 : i32
      %dma_start3A_369 = tpu.memref_slice %arg8[%dma_start3A_367, %dma_start3A_368] : memref<10112x128xf32, #tpu.memory_space<vmem_shared>> -> memref<10112x128xf32, #tpu.memory_space<vmem_shared>>
      %dma_start3A_370 = tpu.memref_slice %arg10[%dma_start3A_359] : memref<2x!tpu.dma_semaphore, #tpu.memory_space<semaphore_mem>> -> memref<1x!tpu.dma_semaphore, #tpu.memory_space<semaphore_mem>>
      %dma_start3A_371 = tpu.memref_squeeze %dma_start3A_370 : memref<1x!tpu.dma_semaphore, #tpu.memory_space<semaphore_mem>> -> memref<!tpu.dma_semaphore, #tpu.memory_space<semaphore_mem>>
      tpu.enqueue_indirect_dma source(%dma_start3A_363 : memref<128x128xf32, #tpu.memory_space<vmem>>) target(%dma_start3A_369 : memref<10112x128xf32, #tpu.memory_space<vmem_shared>>) offsets(%dma_start3A_366 : memref<128xi32, #tpu.memory_space<vmem>>) semaphore(%dma_start3A_371 : memref<!tpu.dma_semaphore, #tpu.memory_space<semaphore_mem>>) {add = true}
      %dma_wait3A_372 = arith.constant 0 : i32
      %dma_wait3A_373 = arith.constant 1 : i32
      %dma_wait3A_374 = arith.constant 4 : i32
      %dma_wait3A_375 = arith.constant 0 : i32
      %dma_wait3A_376 = arith.constant 0 : i32
      %dma_wait3A_377 = arith.constant 0 : i32
      %dma_wait3A_378 = tpu.memref_slice %arg7[%dma_wait3A_372, %dma_wait3A_376, %dma_wait3A_377] : memref<2x128x128xf32, #tpu.memory_space<vmem>> -> memref<1x128x128xf32, #tpu.memory_space<vmem>>
      %dma_wait3A_379 = tpu.memref_squeeze %dma_wait3A_378 : memref<1x128x128xf32, #tpu.memory_space<vmem>> -> memref<128x128xf32, #tpu.memory_space<vmem>>
      %dma_wait3A_380 = arith.constant 0 : i32
      %dma_wait3A_381 = tpu.memref_slice %arg6[%dma_wait3A_373, %dma_wait3A_374, %dma_wait3A_380] : memref<2x40x128xi32, #tpu.memory_space<vmem>> -> memref<1x1x128xi32, #tpu.memory_space<vmem>>
      %dma_wait3A_382 = tpu.memref_squeeze %dma_wait3A_381 : memref<1x1x128xi32, #tpu.memory_space<vmem>> -> memref<128xi32, #tpu.memory_space<vmem>>
      %dma_wait3A_383 = arith.constant 0 : i32
      %dma_wait3A_384 = arith.constant 0 : i32
      %dma_wait3A_385 = tpu.memref_slice %arg8[%dma_wait3A_383, %dma_wait3A_384] : memref<10112x128xf32, #tpu.memory_space<vmem_shared>> -> memref<10112x128xf32, #tpu.memory_space<vmem_shared>>
      %dma_wait3A_386 = tpu.memref_slice %arg10[%dma_wait3A_375] : memref<2x!tpu.dma_semaphore, #tpu.memory_space<semaphore_mem>> -> memref<1x!tpu.dma_semaphore, #tpu.memory_space<semaphore_mem>>
      %dma_wait3A_387 = tpu.memref_squeeze %dma_wait3A_386 : memref<1x!tpu.dma_semaphore, #tpu.memory_space<semaphore_mem>> -> memref<!tpu.dma_semaphore, #tpu.memory_space<semaphore_mem>>
      tpu.wait_indirect_dma semaphore(%dma_wait3A_387 : memref<!tpu.dma_semaphore, #tpu.memory_space<semaphore_mem>>) src(%dma_wait3A_379 : memref<128x128xf32, #tpu.memory_space<vmem>>) dst(%dma_wait3A_385 : memref<10112x128xf32, #tpu.memory_space<vmem_shared>>)
      %dma_start3A_388 = arith.constant 0 : i32
      %dma_start3A_389 = arith.constant 6 : i32
      %dma_start3A_390 = arith.constant 0 : i32
      %dma_start3A_391 = arith.constant 0 : i32
      %dma_start3A_392 = arith.constant 0 : i32
      %dma_start3A_393 = arith.constant 0 : i32
      %dma_start3A_394 = tpu.memref_slice %arg7[%dma_start3A_390, %dma_start3A_392, %dma_start3A_393] : memref<2x128x128xf32, #tpu.memory_space<vmem>> -> memref<1x128x128xf32, #tpu.memory_space<vmem>>
      %dma_start3A_395 = tpu.memref_squeeze %dma_start3A_394 : memref<1x128x128xf32, #tpu.memory_space<vmem>> -> memref<128x128xf32, #tpu.memory_space<vmem>>
      %dma_start3A_396 = arith.constant 0 : i32
      %dma_start3A_397 = tpu.memref_slice %arg6[%dma_start3A_388, %dma_start3A_389, %dma_start3A_396] : memref<2x40x128xi32, #tpu.memory_space<vmem>> -> memref<1x1x128xi32, #tpu.memory_space<vmem>>
      %dma_start3A_398 = tpu.memref_squeeze %dma_start3A_397 : memref<1x1x128xi32, #tpu.memory_space<vmem>> -> memref<128xi32, #tpu.memory_space<vmem>>
      %dma_start3A_399 = arith.constant 0 : i32
      %dma_start3A_400 = arith.constant 0 : i32
      %dma_start3A_401 = tpu.memref_slice %arg2[%dma_start3A_399, %dma_start3A_400] : memref<10000x128xf32, #tpu.memory_space<hbm>> -> memref<10000x128xf32, #tpu.memory_space<hbm>>
      %dma_start3A_402 = tpu.memref_slice %arg9[%dma_start3A_391] : memref<2x!tpu.dma_semaphore, #tpu.memory_space<semaphore_mem>> -> memref<1x!tpu.dma_semaphore, #tpu.memory_space<semaphore_mem>>
      %dma_start3A_403 = tpu.memref_squeeze %dma_start3A_402 : memref<1x!tpu.dma_semaphore, #tpu.memory_space<semaphore_mem>> -> memref<!tpu.dma_semaphore, #tpu.memory_space<semaphore_mem>>
      tpu.enqueue_indirect_dma source(%dma_start3A_401 : memref<10000x128xf32, #tpu.memory_space<hbm>>) target(%dma_start3A_395 : memref<128x128xf32, #tpu.memory_space<vmem>>) offsets(%dma_start3A_398 : memref<128xi32, #tpu.memory_space<vmem>>) semaphore(%dma_start3A_403 : memref<!tpu.dma_semaphore, #tpu.memory_space<semaphore_mem>>)
      %dma_wait3A_404 = arith.constant 0 : i32
      %dma_wait3A_405 = arith.constant 6 : i32
      %dma_wait3A_406 = arith.constant 0 : i32
      %dma_wait3A_407 = arith.constant 0 : i32
      %dma_wait3A_408 = arith.constant 0 : i32
      %dma_wait3A_409 = arith.constant 0 : i32
      %dma_wait3A_410 = tpu.memref_slice %arg7[%dma_wait3A_406, %dma_wait3A_408, %dma_wait3A_409] : memref<2x128x128xf32, #tpu.memory_space<vmem>> -> memref<1x128x128xf32, #tpu.memory_space<vmem>>
      %dma_wait3A_411 = tpu.memref_squeeze %dma_wait3A_410 : memref<1x128x128xf32, #tpu.memory_space<vmem>> -> memref<128x128xf32, #tpu.memory_space<vmem>>
      %dma_wait3A_412 = arith.constant 0 : i32
      %dma_wait3A_413 = tpu.memref_slice %arg6[%dma_wait3A_404, %dma_wait3A_405, %dma_wait3A_412] : memref<2x40x128xi32, #tpu.memory_space<vmem>> -> memref<1x1x128xi32, #tpu.memory_space<vmem>>
      %dma_wait3A_414 = tpu.memref_squeeze %dma_wait3A_413 : memref<1x1x128xi32, #tpu.memory_space<vmem>> -> memref<128xi32, #tpu.memory_space<vmem>>
      %dma_wait3A_415 = arith.constant 0 : i32
      %dma_wait3A_416 = arith.constant 0 : i32
      %dma_wait3A_417 = tpu.memref_slice %arg2[%dma_wait3A_415, %dma_wait3A_416] : memref<10000x128xf32, #tpu.memory_space<hbm>> -> memref<10000x128xf32, #tpu.memory_space<hbm>>
      %dma_wait3A_418 = tpu.memref_slice %arg9[%dma_wait3A_407] : memref<2x!tpu.dma_semaphore, #tpu.memory_space<semaphore_mem>> -> memref<1x!tpu.dma_semaphore, #tpu.memory_space<semaphore_mem>>
      %dma_wait3A_419 = tpu.memref_squeeze %dma_wait3A_418 : memref<1x!tpu.dma_semaphore, #tpu.memory_space<semaphore_mem>> -> memref<!tpu.dma_semaphore, #tpu.memory_space<semaphore_mem>>
      tpu.wait_indirect_dma semaphore(%dma_wait3A_419 : memref<!tpu.dma_semaphore, #tpu.memory_space<semaphore_mem>>) src(%dma_wait3A_417 : memref<10000x128xf32, #tpu.memory_space<hbm>>) dst(%dma_wait3A_411 : memref<128x128xf32, #tpu.memory_space<vmem>>)
      %dma_start3A_420 = arith.constant 0 : i32
      %dma_start3A_421 = arith.constant 1 : i32
      %dma_start3A_422 = arith.constant 6 : i32
      %dma_start3A_423 = arith.constant 0 : i32
      %dma_start3A_424 = arith.constant 0 : i32
      %dma_start3A_425 = arith.constant 0 : i32
      %dma_start3A_426 = tpu.memref_slice %arg7[%dma_start3A_420, %dma_start3A_424, %dma_start3A_425] : memref<2x128x128xf32, #tpu.memory_space<vmem>> -> memref<1x128x128xf32, #tpu.memory_space<vmem>>
      %dma_start3A_427 = tpu.memref_squeeze %dma_start3A_426 : memref<1x128x128xf32, #tpu.memory_space<vmem>> -> memref<128x128xf32, #tpu.memory_space<vmem>>
      %dma_start3A_428 = arith.constant 0 : i32
      %dma_start3A_429 = tpu.memref_slice %arg6[%dma_start3A_421, %dma_start3A_422, %dma_start3A_428] : memref<2x40x128xi32, #tpu.memory_space<vmem>> -> memref<1x1x128xi32, #tpu.memory_space<vmem>>
      %dma_start3A_430 = tpu.memref_squeeze %dma_start3A_429 : memref<1x1x128xi32, #tpu.memory_space<vmem>> -> memref<128xi32, #tpu.memory_space<vmem>>
      %dma_start3A_431 = arith.constant 0 : i32
      %dma_start3A_432 = arith.constant 0 : i32
      %dma_start3A_433 = tpu.memref_slice %arg8[%dma_start3A_431, %dma_start3A_432] : memref<10112x128xf32, #tpu.memory_space<vmem_shared>> -> memref<10112x128xf32, #tpu.memory_space<vmem_shared>>
      %dma_start3A_434 = tpu.memref_slice %arg10[%dma_start3A_423] : memref<2x!tpu.dma_semaphore, #tpu.memory_space<semaphore_mem>> -> memref<1x!tpu.dma_semaphore, #tpu.memory_space<semaphore_mem>>
      %dma_start3A_435 = tpu.memref_squeeze %dma_start3A_434 : memref<1x!tpu.dma_semaphore, #tpu.memory_space<semaphore_mem>> -> memref<!tpu.dma_semaphore, #tpu.memory_space<semaphore_mem>>
      tpu.enqueue_indirect_dma source(%dma_start3A_427 : memref<128x128xf32, #tpu.memory_space<vmem>>) target(%dma_start3A_433 : memref<10112x128xf32, #tpu.memory_space<vmem_shared>>) offsets(%dma_start3A_430 : memref<128xi32, #tpu.memory_space<vmem>>) semaphore(%dma_start3A_435 : memref<!tpu.dma_semaphore, #tpu.memory_space<semaphore_mem>>) {add = true}
      %dma_wait3A_436 = arith.constant 1 : i32
      %dma_wait3A_437 = arith.constant 1 : i32
      %dma_wait3A_438 = arith.constant 5 : i32
      %dma_wait3A_439 = arith.constant 1 : i32
      %dma_wait3A_440 = arith.constant 0 : i32
      %dma_wait3A_441 = arith.constant 0 : i32
      %dma_wait3A_442 = tpu.memref_slice %arg7[%dma_wait3A_436, %dma_wait3A_440, %dma_wait3A_441] : memref<2x128x128xf32, #tpu.memory_space<vmem>> -> memref<1x128x128xf32, #tpu.memory_space<vmem>>
      %dma_wait3A_443 = tpu.memref_squeeze %dma_wait3A_442 : memref<1x128x128xf32, #tpu.memory_space<vmem>> -> memref<128x128xf32, #tpu.memory_space<vmem>>
      %dma_wait3A_444 = arith.constant 0 : i32
      %dma_wait3A_445 = tpu.memref_slice %arg6[%dma_wait3A_437, %dma_wait3A_438, %dma_wait3A_444] : memref<2x40x128xi32, #tpu.memory_space<vmem>> -> memref<1x1x128xi32, #tpu.memory_space<vmem>>
      %dma_wait3A_446 = tpu.memref_squeeze %dma_wait3A_445 : memref<1x1x128xi32, #tpu.memory_space<vmem>> -> memref<128xi32, #tpu.memory_space<vmem>>
      %dma_wait3A_447 = arith.constant 0 : i32
      %dma_wait3A_448 = arith.constant 0 : i32
      %dma_wait3A_449 = tpu.memref_slice %arg8[%dma_wait3A_447, %dma_wait3A_448] : memref<10112x128xf32, #tpu.memory_space<vmem_shared>> -> memref<10112x128xf32, #tpu.memory_space<vmem_shared>>
      %dma_wait3A_450 = tpu.memref_slice %arg10[%dma_wait3A_439] : memref<2x!tpu.dma_semaphore, #tpu.memory_space<semaphore_mem>> -> memref<1x!tpu.dma_semaphore, #tpu.memory_space<semaphore_mem>>
      %dma_wait3A_451 = tpu.memref_squeeze %dma_wait3A_450 : memref<1x!tpu.dma_semaphore, #tpu.memory_space<semaphore_mem>> -> memref<!tpu.dma_semaphore, #tpu.memory_space<semaphore_mem>>
      tpu.wait_indirect_dma semaphore(%dma_wait3A_451 : memref<!tpu.dma_semaphore, #tpu.memory_space<semaphore_mem>>) src(%dma_wait3A_443 : memref<128x128xf32, #tpu.memory_space<vmem>>) dst(%dma_wait3A_449 : memref<10112x128xf32, #tpu.memory_space<vmem_shared>>)
      %dma_start3A_452 = arith.constant 0 : i32
      %dma_start3A_453 = arith.constant 7 : i32
      %dma_start3A_454 = arith.constant 1 : i32
      %dma_start3A_455 = arith.constant 1 : i32
      %dma_start3A_456 = arith.constant 0 : i32
      %dma_start3A_457 = arith.constant 0 : i32
      %dma_start3A_458 = tpu.memref_slice %arg7[%dma_start3A_454, %dma_start3A_456, %dma_start3A_457] : memref<2x128x128xf32, #tpu.memory_space<vmem>> -> memref<1x128x128xf32, #tpu.memory_space<vmem>>
      %dma_start3A_459 = tpu.memref_squeeze %dma_start3A_458 : memref<1x128x128xf32, #tpu.memory_space<vmem>> -> memref<128x128xf32, #tpu.memory_space<vmem>>
      %dma_start3A_460 = arith.constant 0 : i32
      %dma_start3A_461 = tpu.memref_slice %arg6[%dma_start3A_452, %dma_start3A_453, %dma_start3A_460] : memref<2x40x128xi32, #tpu.memory_space<vmem>> -> memref<1x1x128xi32, #tpu.memory_space<vmem>>
      %dma_start3A_462 = tpu.memref_squeeze %dma_start3A_461 : memref<1x1x128xi32, #tpu.memory_space<vmem>> -> memref<128xi32, #tpu.memory_space<vmem>>
      %dma_start3A_463 = arith.constant 0 : i32
      %dma_start3A_464 = arith.constant 0 : i32
      %dma_start3A_465 = tpu.memref_slice %arg2[%dma_start3A_463, %dma_start3A_464] : memref<10000x128xf32, #tpu.memory_space<hbm>> -> memref<10000x128xf32, #tpu.memory_space<hbm>>
      %dma_start3A_466 = tpu.memref_slice %arg9[%dma_start3A_455] : memref<2x!tpu.dma_semaphore, #tpu.memory_space<semaphore_mem>> -> memref<1x!tpu.dma_semaphore, #tpu.memory_space<semaphore_mem>>
      %dma_start3A_467 = tpu.memref_squeeze %dma_start3A_466 : memref<1x!tpu.dma_semaphore, #tpu.memory_space<semaphore_mem>> -> memref<!tpu.dma_semaphore, #tpu.memory_space<semaphore_mem>>
      tpu.enqueue_indirect_dma source(%dma_start3A_465 : memref<10000x128xf32, #tpu.memory_space<hbm>>) target(%dma_start3A_459 : memref<128x128xf32, #tpu.memory_space<vmem>>) offsets(%dma_start3A_462 : memref<128xi32, #tpu.memory_space<vmem>>) semaphore(%dma_start3A_467 : memref<!tpu.dma_semaphore, #tpu.memory_space<semaphore_mem>>)
      %dma_wait3A_468 = arith.constant 0 : i32
      %dma_wait3A_469 = arith.constant 7 : i32
      %dma_wait3A_470 = arith.constant 1 : i32
      %dma_wait3A_471 = arith.constant 1 : i32
      %dma_wait3A_472 = arith.constant 0 : i32
      %dma_wait3A_473 = arith.constant 0 : i32
      %dma_wait3A_474 = tpu.memref_slice %arg7[%dma_wait3A_470, %dma_wait3A_472, %dma_wait3A_473] : memref<2x128x128xf32, #tpu.memory_space<vmem>> -> memref<1x128x128xf32, #tpu.memory_space<vmem>>
      %dma_wait3A_475 = tpu.memref_squeeze %dma_wait3A_474 : memref<1x128x128xf32, #tpu.memory_space<vmem>> -> memref<128x128xf32, #tpu.memory_space<vmem>>
      %dma_wait3A_476 = arith.constant 0 : i32
      %dma_wait3A_477 = tpu.memref_slice %arg6[%dma_wait3A_468, %dma_wait3A_469, %dma_wait3A_476] : memref<2x40x128xi32, #tpu.memory_space<vmem>> -> memref<1x1x128xi32, #tpu.memory_space<vmem>>
      %dma_wait3A_478 = tpu.memref_squeeze %dma_wait3A_477 : memref<1x1x128xi32, #tpu.memory_space<vmem>> -> memref<128xi32, #tpu.memory_space<vmem>>
      %dma_wait3A_479 = arith.constant 0 : i32
      %dma_wait3A_480 = arith.constant 0 : i32
      %dma_wait3A_481 = tpu.memref_slice %arg2[%dma_wait3A_479, %dma_wait3A_480] : memref<10000x128xf32, #tpu.memory_space<hbm>> -> memref<10000x128xf32, #tpu.memory_space<hbm>>
      %dma_wait3A_482 = tpu.memref_slice %arg9[%dma_wait3A_471] : memref<2x!tpu.dma_semaphore, #tpu.memory_space<semaphore_mem>> -> memref<1x!tpu.dma_semaphore, #tpu.memory_space<semaphore_mem>>
      %dma_wait3A_483 = tpu.memref_squeeze %dma_wait3A_482 : memref<1x!tpu.dma_semaphore, #tpu.memory_space<semaphore_mem>> -> memref<!tpu.dma_semaphore, #tpu.memory_space<semaphore_mem>>
      tpu.wait_indirect_dma semaphore(%dma_wait3A_483 : memref<!tpu.dma_semaphore, #tpu.memory_space<semaphore_mem>>) src(%dma_wait3A_481 : memref<10000x128xf32, #tpu.memory_space<hbm>>) dst(%dma_wait3A_475 : memref<128x128xf32, #tpu.memory_space<vmem>>)
      %dma_start3A_484 = arith.constant 1 : i32
      %dma_start3A_485 = arith.constant 1 : i32
      %dma_start3A_486 = arith.constant 7 : i32
      %dma_start3A_487 = arith.constant 1 : i32
      %dma_start3A_488 = arith.constant 0 : i32
      %dma_start3A_489 = arith.constant 0 : i32
      %dma_start3A_490 = tpu.memref_slice %arg7[%dma_start3A_484, %dma_start3A_488, %dma_start3A_489] : memref<2x128x128xf32, #tpu.memory_space<vmem>> -> memref<1x128x128xf32, #tpu.memory_space<vmem>>
      %dma_start3A_491 = tpu.memref_squeeze %dma_start3A_490 : memref<1x128x128xf32, #tpu.memory_space<vmem>> -> memref<128x128xf32, #tpu.memory_space<vmem>>
      %dma_start3A_492 = arith.constant 0 : i32
      %dma_start3A_493 = tpu.memref_slice %arg6[%dma_start3A_485, %dma_start3A_486, %dma_start3A_492] : memref<2x40x128xi32, #tpu.memory_space<vmem>> -> memref<1x1x128xi32, #tpu.memory_space<vmem>>
      %dma_start3A_494 = tpu.memref_squeeze %dma_start3A_493 : memref<1x1x128xi32, #tpu.memory_space<vmem>> -> memref<128xi32, #tpu.memory_space<vmem>>
      %dma_start3A_495 = arith.constant 0 : i32
      %dma_start3A_496 = arith.constant 0 : i32
      %dma_start3A_497 = tpu.memref_slice %arg8[%dma_start3A_495, %dma_start3A_496] : memref<10112x128xf32, #tpu.memory_space<vmem_shared>> -> memref<10112x128xf32, #tpu.memory_space<vmem_shared>>
      %dma_start3A_498 = tpu.memref_slice %arg10[%dma_start3A_487] : memref<2x!tpu.dma_semaphore, #tpu.memory_space<semaphore_mem>> -> memref<1x!tpu.dma_semaphore, #tpu.memory_space<semaphore_mem>>
      %dma_start3A_499 = tpu.memref_squeeze %dma_start3A_498 : memref<1x!tpu.dma_semaphore, #tpu.memory_space<semaphore_mem>> -> memref<!tpu.dma_semaphore, #tpu.memory_space<semaphore_mem>>
      tpu.enqueue_indirect_dma source(%dma_start3A_491 : memref<128x128xf32, #tpu.memory_space<vmem>>) target(%dma_start3A_497 : memref<10112x128xf32, #tpu.memory_space<vmem_shared>>) offsets(%dma_start3A_494 : memref<128xi32, #tpu.memory_space<vmem>>) semaphore(%dma_start3A_499 : memref<!tpu.dma_semaphore, #tpu.memory_space<semaphore_mem>>) {add = true}
      %dma_wait3A_500 = arith.constant 0 : i32
      %dma_wait3A_501 = arith.constant 1 : i32
      %dma_wait3A_502 = arith.constant 6 : i32
      %dma_wait3A_503 = arith.constant 0 : i32
      %dma_wait3A_504 = arith.constant 0 : i32
      %dma_wait3A_505 = arith.constant 0 : i32
      %dma_wait3A_506 = tpu.memref_slice %arg7[%dma_wait3A_500, %dma_wait3A_504, %dma_wait3A_505] : memref<2x128x128xf32, #tpu.memory_space<vmem>> -> memref<1x128x128xf32, #tpu.memory_space<vmem>>
      %dma_wait3A_507 = tpu.memref_squeeze %dma_wait3A_506 : memref<1x128x128xf32, #tpu.memory_space<vmem>> -> memref<128x128xf32, #tpu.memory_space<vmem>>
      %dma_wait3A_508 = arith.constant 0 : i32
      %dma_wait3A_509 = tpu.memref_slice %arg6[%dma_wait3A_501, %dma_wait3A_502, %dma_wait3A_508] : memref<2x40x128xi32, #tpu.memory_space<vmem>> -> memref<1x1x128xi32, #tpu.memory_space<vmem>>
      %dma_wait3A_510 = tpu.memref_squeeze %dma_wait3A_509 : memref<1x1x128xi32, #tpu.memory_space<vmem>> -> memref<128xi32, #tpu.memory_space<vmem>>
      %dma_wait3A_511 = arith.constant 0 : i32
      %dma_wait3A_512 = arith.constant 0 : i32
      %dma_wait3A_513 = tpu.memref_slice %arg8[%dma_wait3A_511, %dma_wait3A_512] : memref<10112x128xf32, #tpu.memory_space<vmem_shared>> -> memref<10112x128xf32, #tpu.memory_space<vmem_shared>>
      %dma_wait3A_514 = tpu.memref_slice %arg10[%dma_wait3A_503] : memref<2x!tpu.dma_semaphore, #tpu.memory_space<semaphore_mem>> -> memref<1x!tpu.dma_semaphore, #tpu.memory_space<semaphore_mem>>
      %dma_wait3A_515 = tpu.memref_squeeze %dma_wait3A_514 : memref<1x!tpu.dma_semaphore, #tpu.memory_space<semaphore_mem>> -> memref<!tpu.dma_semaphore, #tpu.memory_space<semaphore_mem>>
      tpu.wait_indirect_dma semaphore(%dma_wait3A_515 : memref<!tpu.dma_semaphore, #tpu.memory_space<semaphore_mem>>) src(%dma_wait3A_507 : memref<128x128xf32, #tpu.memory_space<vmem>>) dst(%dma_wait3A_513 : memref<10112x128xf32, #tpu.memory_space<vmem_shared>>)
      %dma_start3A_516 = arith.constant 0 : i32
      %dma_start3A_517 = arith.constant 8 : i32
      %dma_start3A_518 = arith.constant 0 : i32
      %dma_start3A_519 = arith.constant 0 : i32
      %dma_start3A_520 = arith.constant 0 : i32
      %dma_start3A_521 = arith.constant 0 : i32
      %dma_start3A_522 = tpu.memref_slice %arg7[%dma_start3A_518, %dma_start3A_520, %dma_start3A_521] : memref<2x128x128xf32, #tpu.memory_space<vmem>> -> memref<1x128x128xf32, #tpu.memory_space<vmem>>
      %dma_start3A_523 = tpu.memref_squeeze %dma_start3A_522 : memref<1x128x128xf32, #tpu.memory_space<vmem>> -> memref<128x128xf32, #tpu.memory_space<vmem>>
      %dma_start3A_524 = arith.constant 0 : i32
      %dma_start3A_525 = tpu.memref_slice %arg6[%dma_start3A_516, %dma_start3A_517, %dma_start3A_524] : memref<2x40x128xi32, #tpu.memory_space<vmem>> -> memref<1x1x128xi32, #tpu.memory_space<vmem>>
      %dma_start3A_526 = tpu.memref_squeeze %dma_start3A_525 : memref<1x1x128xi32, #tpu.memory_space<vmem>> -> memref<128xi32, #tpu.memory_space<vmem>>
      %dma_start3A_527 = arith.constant 0 : i32
      %dma_start3A_528 = arith.constant 0 : i32
      %dma_start3A_529 = tpu.memref_slice %arg2[%dma_start3A_527, %dma_start3A_528] : memref<10000x128xf32, #tpu.memory_space<hbm>> -> memref<10000x128xf32, #tpu.memory_space<hbm>>
      %dma_start3A_530 = tpu.memref_slice %arg9[%dma_start3A_519] : memref<2x!tpu.dma_semaphore, #tpu.memory_space<semaphore_mem>> -> memref<1x!tpu.dma_semaphore, #tpu.memory_space<semaphore_mem>>
      %dma_start3A_531 = tpu.memref_squeeze %dma_start3A_530 : memref<1x!tpu.dma_semaphore, #tpu.memory_space<semaphore_mem>> -> memref<!tpu.dma_semaphore, #tpu.memory_space<semaphore_mem>>
      tpu.enqueue_indirect_dma source(%dma_start3A_529 : memref<10000x128xf32, #tpu.memory_space<hbm>>) target(%dma_start3A_523 : memref<128x128xf32, #tpu.memory_space<vmem>>) offsets(%dma_start3A_526 : memref<128xi32, #tpu.memory_space<vmem>>) semaphore(%dma_start3A_531 : memref<!tpu.dma_semaphore, #tpu.memory_space<semaphore_mem>>)
      %dma_wait3A_532 = arith.constant 0 : i32
      %dma_wait3A_533 = arith.constant 8 : i32
      %dma_wait3A_534 = arith.constant 0 : i32
      %dma_wait3A_535 = arith.constant 0 : i32
      %dma_wait3A_536 = arith.constant 0 : i32
      %dma_wait3A_537 = arith.constant 0 : i32
      %dma_wait3A_538 = tpu.memref_slice %arg7[%dma_wait3A_534, %dma_wait3A_536, %dma_wait3A_537] : memref<2x128x128xf32, #tpu.memory_space<vmem>> -> memref<1x128x128xf32, #tpu.memory_space<vmem>>
      %dma_wait3A_539 = tpu.memref_squeeze %dma_wait3A_538 : memref<1x128x128xf32, #tpu.memory_space<vmem>> -> memref<128x128xf32, #tpu.memory_space<vmem>>
      %dma_wait3A_540 = arith.constant 0 : i32
      %dma_wait3A_541 = tpu.memref_slice %arg6[%dma_wait3A_532, %dma_wait3A_533, %dma_wait3A_540] : memref<2x40x128xi32, #tpu.memory_space<vmem>> -> memref<1x1x128xi32, #tpu.memory_space<vmem>>
      %dma_wait3A_542 = tpu.memref_squeeze %dma_wait3A_541 : memref<1x1x128xi32, #tpu.memory_space<vmem>> -> memref<128xi32, #tpu.memory_space<vmem>>
      %dma_wait3A_543 = arith.constant 0 : i32
      %dma_wait3A_544 = arith.constant 0 : i32
      %dma_wait3A_545 = tpu.memref_slice %arg2[%dma_wait3A_543, %dma_wait3A_544] : memref<10000x128xf32, #tpu.memory_space<hbm>> -> memref<10000x128xf32, #tpu.memory_space<hbm>>
      %dma_wait3A_546 = tpu.memref_slice %arg9[%dma_wait3A_535] : memref<2x!tpu.dma_semaphore, #tpu.memory_space<semaphore_mem>> -> memref<1x!tpu.dma_semaphore, #tpu.memory_space<semaphore_mem>>
      %dma_wait3A_547 = tpu.memref_squeeze %dma_wait3A_546 : memref<1x!tpu.dma_semaphore, #tpu.memory_space<semaphore_mem>> -> memref<!tpu.dma_semaphore, #tpu.memory_space<semaphore_mem>>
      tpu.wait_indirect_dma semaphore(%dma_wait3A_547 : memref<!tpu.dma_semaphore, #tpu.memory_space<semaphore_mem>>) src(%dma_wait3A_545 : memref<10000x128xf32, #tpu.memory_space<hbm>>) dst(%dma_wait3A_539 : memref<128x128xf32, #tpu.memory_space<vmem>>)
      %dma_start3A_548 = arith.constant 0 : i32
      %dma_start3A_549 = arith.constant 1 : i32
      %dma_start3A_550 = arith.constant 8 : i32
      %dma_start3A_551 = arith.constant 0 : i32
      %dma_start3A_552 = arith.constant 0 : i32
      %dma_start3A_553 = arith.constant 0 : i32
      %dma_start3A_554 = tpu.memref_slice %arg7[%dma_start3A_548, %dma_start3A_552, %dma_start3A_553] : memref<2x128x128xf32, #tpu.memory_space<vmem>> -> memref<1x128x128xf32, #tpu.memory_space<vmem>>
      %dma_start3A_555 = tpu.memref_squeeze %dma_start3A_554 : memref<1x128x128xf32, #tpu.memory_space<vmem>> -> memref<128x128xf32, #tpu.memory_space<vmem>>
      %dma_start3A_556 = arith.constant 0 : i32
      %dma_start3A_557 = tpu.memref_slice %arg6[%dma_start3A_549, %dma_start3A_550, %dma_start3A_556] : memref<2x40x128xi32, #tpu.memory_space<vmem>> -> memref<1x1x128xi32, #tpu.memory_space<vmem>>
      %dma_start3A_558 = tpu.memref_squeeze %dma_start3A_557 : memref<1x1x128xi32, #tpu.memory_space<vmem>> -> memref<128xi32, #tpu.memory_space<vmem>>
      %dma_start3A_559 = arith.constant 0 : i32
      %dma_start3A_560 = arith.constant 0 : i32
      %dma_start3A_561 = tpu.memref_slice %arg8[%dma_start3A_559, %dma_start3A_560] : memref<10112x128xf32, #tpu.memory_space<vmem_shared>> -> memref<10112x128xf32, #tpu.memory_space<vmem_shared>>
      %dma_start3A_562 = tpu.memref_slice %arg10[%dma_start3A_551] : memref<2x!tpu.dma_semaphore, #tpu.memory_space<semaphore_mem>> -> memref<1x!tpu.dma_semaphore, #tpu.memory_space<semaphore_mem>>
      %dma_start3A_563 = tpu.memref_squeeze %dma_start3A_562 : memref<1x!tpu.dma_semaphore, #tpu.memory_space<semaphore_mem>> -> memref<!tpu.dma_semaphore, #tpu.memory_space<semaphore_mem>>
      tpu.enqueue_indirect_dma source(%dma_start3A_555 : memref<128x128xf32, #tpu.memory_space<vmem>>) target(%dma_start3A_561 : memref<10112x128xf32, #tpu.memory_space<vmem_shared>>) offsets(%dma_start3A_558 : memref<128xi32, #tpu.memory_space<vmem>>) semaphore(%dma_start3A_563 : memref<!tpu.dma_semaphore, #tpu.memory_space<semaphore_mem>>) {add = true}
      %dma_wait3A_564 = arith.constant 1 : i32
      %dma_wait3A_565 = arith.constant 1 : i32
      %dma_wait3A_566 = arith.constant 7 : i32
      %dma_wait3A_567 = arith.constant 1 : i32
      %dma_wait3A_568 = arith.constant 0 : i32
      %dma_wait3A_569 = arith.constant 0 : i32
      %dma_wait3A_570 = tpu.memref_slice %arg7[%dma_wait3A_564, %dma_wait3A_568, %dma_wait3A_569] : memref<2x128x128xf32, #tpu.memory_space<vmem>> -> memref<1x128x128xf32, #tpu.memory_space<vmem>>
      %dma_wait3A_571 = tpu.memref_squeeze %dma_wait3A_570 : memref<1x128x128xf32, #tpu.memory_space<vmem>> -> memref<128x128xf32, #tpu.memory_space<vmem>>
      %dma_wait3A_572 = arith.constant 0 : i32
      %dma_wait3A_573 = tpu.memref_slice %arg6[%dma_wait3A_565, %dma_wait3A_566, %dma_wait3A_572] : memref<2x40x128xi32, #tpu.memory_space<vmem>> -> memref<1x1x128xi32, #tpu.memory_space<vmem>>
      %dma_wait3A_574 = tpu.memref_squeeze %dma_wait3A_573 : memref<1x1x128xi32, #tpu.memory_space<vmem>> -> memref<128xi32, #tpu.memory_space<vmem>>
      %dma_wait3A_575 = arith.constant 0 : i32
      %dma_wait3A_576 = arith.constant 0 : i32
      %dma_wait3A_577 = tpu.memref_slice %arg8[%dma_wait3A_575, %dma_wait3A_576] : memref<10112x128xf32, #tpu.memory_space<vmem_shared>> -> memref<10112x128xf32, #tpu.memory_space<vmem_shared>>
      %dma_wait3A_578 = tpu.memref_slice %arg10[%dma_wait3A_567] : memref<2x!tpu.dma_semaphore, #tpu.memory_space<semaphore_mem>> -> memref<1x!tpu.dma_semaphore, #tpu.memory_space<semaphore_mem>>
      %dma_wait3A_579 = tpu.memref_squeeze %dma_wait3A_578 : memref<1x!tpu.dma_semaphore, #tpu.memory_space<semaphore_mem>> -> memref<!tpu.dma_semaphore, #tpu.memory_space<semaphore_mem>>
      tpu.wait_indirect_dma semaphore(%dma_wait3A_579 : memref<!tpu.dma_semaphore, #tpu.memory_space<semaphore_mem>>) src(%dma_wait3A_571 : memref<128x128xf32, #tpu.memory_space<vmem>>) dst(%dma_wait3A_577 : memref<10112x128xf32, #tpu.memory_space<vmem_shared>>)
      %dma_start3A_580 = arith.constant 0 : i32
      %dma_start3A_581 = arith.constant 9 : i32
      %dma_start3A_582 = arith.constant 1 : i32
      %dma_start3A_583 = arith.constant 1 : i32
      %dma_start3A_584 = arith.constant 0 : i32
      %dma_start3A_585 = arith.constant 0 : i32
      %dma_start3A_586 = tpu.memref_slice %arg7[%dma_start3A_582, %dma_start3A_584, %dma_start3A_585] : memref<2x128x128xf32, #tpu.memory_space<vmem>> -> memref<1x128x128xf32, #tpu.memory_space<vmem>>
      %dma_start3A_587 = tpu.memref_squeeze %dma_start3A_586 : memref<1x128x128xf32, #tpu.memory_space<vmem>> -> memref<128x128xf32, #tpu.memory_space<vmem>>
      %dma_start3A_588 = arith.constant 0 : i32
      %dma_start3A_589 = tpu.memref_slice %arg6[%dma_start3A_580, %dma_start3A_581, %dma_start3A_588] : memref<2x40x128xi32, #tpu.memory_space<vmem>> -> memref<1x1x128xi32, #tpu.memory_space<vmem>>
      %dma_start3A_590 = tpu.memref_squeeze %dma_start3A_589 : memref<1x1x128xi32, #tpu.memory_space<vmem>> -> memref<128xi32, #tpu.memory_space<vmem>>
      %dma_start3A_591 = arith.constant 0 : i32
      %dma_start3A_592 = arith.constant 0 : i32
      %dma_start3A_593 = tpu.memref_slice %arg2[%dma_start3A_591, %dma_start3A_592] : memref<10000x128xf32, #tpu.memory_space<hbm>> -> memref<10000x128xf32, #tpu.memory_space<hbm>>
      %dma_start3A_594 = tpu.memref_slice %arg9[%dma_start3A_583] : memref<2x!tpu.dma_semaphore, #tpu.memory_space<semaphore_mem>> -> memref<1x!tpu.dma_semaphore, #tpu.memory_space<semaphore_mem>>
      %dma_start3A_595 = tpu.memref_squeeze %dma_start3A_594 : memref<1x!tpu.dma_semaphore, #tpu.memory_space<semaphore_mem>> -> memref<!tpu.dma_semaphore, #tpu.memory_space<semaphore_mem>>
      tpu.enqueue_indirect_dma source(%dma_start3A_593 : memref<10000x128xf32, #tpu.memory_space<hbm>>) target(%dma_start3A_587 : memref<128x128xf32, #tpu.memory_space<vmem>>) offsets(%dma_start3A_590 : memref<128xi32, #tpu.memory_space<vmem>>) semaphore(%dma_start3A_595 : memref<!tpu.dma_semaphore, #tpu.memory_space<semaphore_mem>>)
      %dma_wait3A_596 = arith.constant 0 : i32
      %dma_wait3A_597 = arith.constant 9 : i32
      %dma_wait3A_598 = arith.constant 1 : i32
      %dma_wait3A_599 = arith.constant 1 : i32
      %dma_wait3A_600 = arith.constant 0 : i32
      %dma_wait3A_601 = arith.constant 0 : i32
      %dma_wait3A_602 = tpu.memref_slice %arg7[%dma_wait3A_598, %dma_wait3A_600, %dma_wait3A_601] : memref<2x128x128xf32, #tpu.memory_space<vmem>> -> memref<1x128x128xf32, #tpu.memory_space<vmem>>
      %dma_wait3A_603 = tpu.memref_squeeze %dma_wait3A_602 : memref<1x128x128xf32, #tpu.memory_space<vmem>> -> memref<128x128xf32, #tpu.memory_space<vmem>>
      %dma_wait3A_604 = arith.constant 0 : i32
      %dma_wait3A_605 = tpu.memref_slice %arg6[%dma_wait3A_596, %dma_wait3A_597, %dma_wait3A_604] : memref<2x40x128xi32, #tpu.memory_space<vmem>> -> memref<1x1x128xi32, #tpu.memory_space<vmem>>
      %dma_wait3A_606 = tpu.memref_squeeze %dma_wait3A_605 : memref<1x1x128xi32, #tpu.memory_space<vmem>> -> memref<128xi32, #tpu.memory_space<vmem>>
      %dma_wait3A_607 = arith.constant 0 : i32
      %dma_wait3A_608 = arith.constant 0 : i32
      %dma_wait3A_609 = tpu.memref_slice %arg2[%dma_wait3A_607, %dma_wait3A_608] : memref<10000x128xf32, #tpu.memory_space<hbm>> -> memref<10000x128xf32, #tpu.memory_space<hbm>>
      %dma_wait3A_610 = tpu.memref_slice %arg9[%dma_wait3A_599] : memref<2x!tpu.dma_semaphore, #tpu.memory_space<semaphore_mem>> -> memref<1x!tpu.dma_semaphore, #tpu.memory_space<semaphore_mem>>
      %dma_wait3A_611 = tpu.memref_squeeze %dma_wait3A_610 : memref<1x!tpu.dma_semaphore, #tpu.memory_space<semaphore_mem>> -> memref<!tpu.dma_semaphore, #tpu.memory_space<semaphore_mem>>
      tpu.wait_indirect_dma semaphore(%dma_wait3A_611 : memref<!tpu.dma_semaphore, #tpu.memory_space<semaphore_mem>>) src(%dma_wait3A_609 : memref<10000x128xf32, #tpu.memory_space<hbm>>) dst(%dma_wait3A_603 : memref<128x128xf32, #tpu.memory_space<vmem>>)
      %dma_start3A_612 = arith.constant 1 : i32
      %dma_start3A_613 = arith.constant 1 : i32
      %dma_start3A_614 = arith.constant 9 : i32
      %dma_start3A_615 = arith.constant 1 : i32
      %dma_start3A_616 = arith.constant 0 : i32
      %dma_start3A_617 = arith.constant 0 : i32
      %dma_start3A_618 = tpu.memref_slice %arg7[%dma_start3A_612, %dma_start3A_616, %dma_start3A_617] : memref<2x128x128xf32, #tpu.memory_space<vmem>> -> memref<1x128x128xf32, #tpu.memory_space<vmem>>
      %dma_start3A_619 = tpu.memref_squeeze %dma_start3A_618 : memref<1x128x128xf32, #tpu.memory_space<vmem>> -> memref<128x128xf32, #tpu.memory_space<vmem>>
      %dma_start3A_620 = arith.constant 0 : i32
      %dma_start3A_621 = tpu.memref_slice %arg6[%dma_start3A_613, %dma_start3A_614, %dma_start3A_620] : memref<2x40x128xi32, #tpu.memory_space<vmem>> -> memref<1x1x128xi32, #tpu.memory_space<vmem>>
      %dma_start3A_622 = tpu.memref_squeeze %dma_start3A_621 : memref<1x1x128xi32, #tpu.memory_space<vmem>> -> memref<128xi32, #tpu.memory_space<vmem>>
      %dma_start3A_623 = arith.constant 0 : i32
      %dma_start3A_624 = arith.constant 0 : i32
      %dma_start3A_625 = tpu.memref_slice %arg8[%dma_start3A_623, %dma_start3A_624] : memref<10112x128xf32, #tpu.memory_space<vmem_shared>> -> memref<10112x128xf32, #tpu.memory_space<vmem_shared>>
      %dma_start3A_626 = tpu.memref_slice %arg10[%dma_start3A_615] : memref<2x!tpu.dma_semaphore, #tpu.memory_space<semaphore_mem>> -> memref<1x!tpu.dma_semaphore, #tpu.memory_space<semaphore_mem>>
      %dma_start3A_627 = tpu.memref_squeeze %dma_start3A_626 : memref<1x!tpu.dma_semaphore, #tpu.memory_space<semaphore_mem>> -> memref<!tpu.dma_semaphore, #tpu.memory_space<semaphore_mem>>
      tpu.enqueue_indirect_dma source(%dma_start3A_619 : memref<128x128xf32, #tpu.memory_space<vmem>>) target(%dma_start3A_625 : memref<10112x128xf32, #tpu.memory_space<vmem_shared>>) offsets(%dma_start3A_622 : memref<128xi32, #tpu.memory_space<vmem>>) semaphore(%dma_start3A_627 : memref<!tpu.dma_semaphore, #tpu.memory_space<semaphore_mem>>) {add = true}
      %dma_wait3A_628 = arith.constant 0 : i32
      %dma_wait3A_629 = arith.constant 1 : i32
      %dma_wait3A_630 = arith.constant 8 : i32
      %dma_wait3A_631 = arith.constant 0 : i32
      %dma_wait3A_632 = arith.constant 0 : i32
      %dma_wait3A_633 = arith.constant 0 : i32
      %dma_wait3A_634 = tpu.memref_slice %arg7[%dma_wait3A_628, %dma_wait3A_632, %dma_wait3A_633] : memref<2x128x128xf32, #tpu.memory_space<vmem>> -> memref<1x128x128xf32, #tpu.memory_space<vmem>>
      %dma_wait3A_635 = tpu.memref_squeeze %dma_wait3A_634 : memref<1x128x128xf32, #tpu.memory_space<vmem>> -> memref<128x128xf32, #tpu.memory_space<vmem>>
      %dma_wait3A_636 = arith.constant 0 : i32
      %dma_wait3A_637 = tpu.memref_slice %arg6[%dma_wait3A_629, %dma_wait3A_630, %dma_wait3A_636] : memref<2x40x128xi32, #tpu.memory_space<vmem>> -> memref<1x1x128xi32, #tpu.memory_space<vmem>>
      %dma_wait3A_638 = tpu.memref_squeeze %dma_wait3A_637 : memref<1x1x128xi32, #tpu.memory_space<vmem>> -> memref<128xi32, #tpu.memory_space<vmem>>
      %dma_wait3A_639 = arith.constant 0 : i32
      %dma_wait3A_640 = arith.constant 0 : i32
      %dma_wait3A_641 = tpu.memref_slice %arg8[%dma_wait3A_639, %dma_wait3A_640] : memref<10112x128xf32, #tpu.memory_space<vmem_shared>> -> memref<10112x128xf32, #tpu.memory_space<vmem_shared>>
      %dma_wait3A_642 = tpu.memref_slice %arg10[%dma_wait3A_631] : memref<2x!tpu.dma_semaphore, #tpu.memory_space<semaphore_mem>> -> memref<1x!tpu.dma_semaphore, #tpu.memory_space<semaphore_mem>>
      %dma_wait3A_643 = tpu.memref_squeeze %dma_wait3A_642 : memref<1x!tpu.dma_semaphore, #tpu.memory_space<semaphore_mem>> -> memref<!tpu.dma_semaphore, #tpu.memory_space<semaphore_mem>>
      tpu.wait_indirect_dma semaphore(%dma_wait3A_643 : memref<!tpu.dma_semaphore, #tpu.memory_space<semaphore_mem>>) src(%dma_wait3A_635 : memref<128x128xf32, #tpu.memory_space<vmem>>) dst(%dma_wait3A_641 : memref<10112x128xf32, #tpu.memory_space<vmem_shared>>)
      %dma_start3A_644 = arith.constant 0 : i32
      %dma_start3A_645 = arith.constant 10 : i32
      %dma_start3A_646 = arith.constant 0 : i32
      %dma_start3A_647 = arith.constant 0 : i32
      %dma_start3A_648 = arith.constant 0 : i32
      %dma_start3A_649 = arith.constant 0 : i32
      %dma_start3A_650 = tpu.memref_slice %arg7[%dma_start3A_646, %dma_start3A_648, %dma_start3A_649] : memref<2x128x128xf32, #tpu.memory_space<vmem>> -> memref<1x128x128xf32, #tpu.memory_space<vmem>>
      %dma_start3A_651 = tpu.memref_squeeze %dma_start3A_650 : memref<1x128x128xf32, #tpu.memory_space<vmem>> -> memref<128x128xf32, #tpu.memory_space<vmem>>
      %dma_start3A_652 = arith.constant 0 : i32
      %dma_start3A_653 = tpu.memref_slice %arg6[%dma_start3A_644, %dma_start3A_645, %dma_start3A_652] : memref<2x40x128xi32, #tpu.memory_space<vmem>> -> memref<1x1x128xi32, #tpu.memory_space<vmem>>
      %dma_start3A_654 = tpu.memref_squeeze %dma_start3A_653 : memref<1x1x128xi32, #tpu.memory_space<vmem>> -> memref<128xi32, #tpu.memory_space<vmem>>
      %dma_start3A_655 = arith.constant 0 : i32
      %dma_start3A_656 = arith.constant 0 : i32
      %dma_start3A_657 = tpu.memref_slice %arg2[%dma_start3A_655, %dma_start3A_656] : memref<10000x128xf32, #tpu.memory_space<hbm>> -> memref<10000x128xf32, #tpu.memory_space<hbm>>
      %dma_start3A_658 = tpu.memref_slice %arg9[%dma_start3A_647] : memref<2x!tpu.dma_semaphore, #tpu.memory_space<semaphore_mem>> -> memref<1x!tpu.dma_semaphore, #tpu.memory_space<semaphore_mem>>
      %dma_start3A_659 = tpu.memref_squeeze %dma_start3A_658 : memref<1x!tpu.dma_semaphore, #tpu.memory_space<semaphore_mem>> -> memref<!tpu.dma_semaphore, #tpu.memory_space<semaphore_mem>>
      tpu.enqueue_indirect_dma source(%dma_start3A_657 : memref<10000x128xf32, #tpu.memory_space<hbm>>) target(%dma_start3A_651 : memref<128x128xf32, #tpu.memory_space<vmem>>) offsets(%dma_start3A_654 : memref<128xi32, #tpu.memory_space<vmem>>) semaphore(%dma_start3A_659 : memref<!tpu.dma_semaphore, #tpu.memory_space<semaphore_mem>>)
      %dma_wait3A_660 = arith.constant 0 : i32
      %dma_wait3A_661 = arith.constant 10 : i32
      %dma_wait3A_662 = arith.constant 0 : i32
      %dma_wait3A_663 = arith.constant 0 : i32
      %dma_wait3A_664 = arith.constant 0 : i32
      %dma_wait3A_665 = arith.constant 0 : i32
      %dma_wait3A_666 = tpu.memref_slice %arg7[%dma_wait3A_662, %dma_wait3A_664, %dma_wait3A_665] : memref<2x128x128xf32, #tpu.memory_space<vmem>> -> memref<1x128x128xf32, #tpu.memory_space<vmem>>
      %dma_wait3A_667 = tpu.memref_squeeze %dma_wait3A_666 : memref<1x128x128xf32, #tpu.memory_space<vmem>> -> memref<128x128xf32, #tpu.memory_space<vmem>>
      %dma_wait3A_668 = arith.constant 0 : i32
      %dma_wait3A_669 = tpu.memref_slice %arg6[%dma_wait3A_660, %dma_wait3A_661, %dma_wait3A_668] : memref<2x40x128xi32, #tpu.memory_space<vmem>> -> memref<1x1x128xi32, #tpu.memory_space<vmem>>
      %dma_wait3A_670 = tpu.memref_squeeze %dma_wait3A_669 : memref<1x1x128xi32, #tpu.memory_space<vmem>> -> memref<128xi32, #tpu.memory_space<vmem>>
      %dma_wait3A_671 = arith.constant 0 : i32
      %dma_wait3A_672 = arith.constant 0 : i32
      %dma_wait3A_673 = tpu.memref_slice %arg2[%dma_wait3A_671, %dma_wait3A_672] : memref<10000x128xf32, #tpu.memory_space<hbm>> -> memref<10000x128xf32, #tpu.memory_space<hbm>>
      %dma_wait3A_674 = tpu.memref_slice %arg9[%dma_wait3A_663] : memref<2x!tpu.dma_semaphore, #tpu.memory_space<semaphore_mem>> -> memref<1x!tpu.dma_semaphore, #tpu.memory_space<semaphore_mem>>
      %dma_wait3A_675 = tpu.memref_squeeze %dma_wait3A_674 : memref<1x!tpu.dma_semaphore, #tpu.memory_space<semaphore_mem>> -> memref<!tpu.dma_semaphore, #tpu.memory_space<semaphore_mem>>
      tpu.wait_indirect_dma semaphore(%dma_wait3A_675 : memref<!tpu.dma_semaphore, #tpu.memory_space<semaphore_mem>>) src(%dma_wait3A_673 : memref<10000x128xf32, #tpu.memory_space<hbm>>) dst(%dma_wait3A_667 : memref<128x128xf32, #tpu.memory_space<vmem>>)
      %dma_start3A_676 = arith.constant 0 : i32
      %dma_start3A_677 = arith.constant 1 : i32
      %dma_start3A_678 = arith.constant 10 : i32
      %dma_start3A_679 = arith.constant 0 : i32
      %dma_start3A_680 = arith.constant 0 : i32
      %dma_start3A_681 = arith.constant 0 : i32
      %dma_start3A_682 = tpu.memref_slice %arg7[%dma_start3A_676, %dma_start3A_680, %dma_start3A_681] : memref<2x128x128xf32, #tpu.memory_space<vmem>> -> memref<1x128x128xf32, #tpu.memory_space<vmem>>
      %dma_start3A_683 = tpu.memref_squeeze %dma_start3A_682 : memref<1x128x128xf32, #tpu.memory_space<vmem>> -> memref<128x128xf32, #tpu.memory_space<vmem>>
      %dma_start3A_684 = arith.constant 0 : i32
      %dma_start3A_685 = tpu.memref_slice %arg6[%dma_start3A_677, %dma_start3A_678, %dma_start3A_684] : memref<2x40x128xi32, #tpu.memory_space<vmem>> -> memref<1x1x128xi32, #tpu.memory_space<vmem>>
      %dma_start3A_686 = tpu.memref_squeeze %dma_start3A_685 : memref<1x1x128xi32, #tpu.memory_space<vmem>> -> memref<128xi32, #tpu.memory_space<vmem>>
      %dma_start3A_687 = arith.constant 0 : i32
      %dma_start3A_688 = arith.constant 0 : i32
      %dma_start3A_689 = tpu.memref_slice %arg8[%dma_start3A_687, %dma_start3A_688] : memref<10112x128xf32, #tpu.memory_space<vmem_shared>> -> memref<10112x128xf32, #tpu.memory_space<vmem_shared>>
      %dma_start3A_690 = tpu.memref_slice %arg10[%dma_start3A_679] : memref<2x!tpu.dma_semaphore, #tpu.memory_space<semaphore_mem>> -> memref<1x!tpu.dma_semaphore, #tpu.memory_space<semaphore_mem>>
      %dma_start3A_691 = tpu.memref_squeeze %dma_start3A_690 : memref<1x!tpu.dma_semaphore, #tpu.memory_space<semaphore_mem>> -> memref<!tpu.dma_semaphore, #tpu.memory_space<semaphore_mem>>
      tpu.enqueue_indirect_dma source(%dma_start3A_683 : memref<128x128xf32, #tpu.memory_space<vmem>>) target(%dma_start3A_689 : memref<10112x128xf32, #tpu.memory_space<vmem_shared>>) offsets(%dma_start3A_686 : memref<128xi32, #tpu.memory_space<vmem>>) semaphore(%dma_start3A_691 : memref<!tpu.dma_semaphore, #tpu.memory_space<semaphore_mem>>) {add = true}
      %dma_wait3A_692 = arith.constant 1 : i32
      %dma_wait3A_693 = arith.constant 1 : i32
      %dma_wait3A_694 = arith.constant 9 : i32
      %dma_wait3A_695 = arith.constant 1 : i32
      %dma_wait3A_696 = arith.constant 0 : i32
      %dma_wait3A_697 = arith.constant 0 : i32
      %dma_wait3A_698 = tpu.memref_slice %arg7[%dma_wait3A_692, %dma_wait3A_696, %dma_wait3A_697] : memref<2x128x128xf32, #tpu.memory_space<vmem>> -> memref<1x128x128xf32, #tpu.memory_space<vmem>>
      %dma_wait3A_699 = tpu.memref_squeeze %dma_wait3A_698 : memref<1x128x128xf32, #tpu.memory_space<vmem>> -> memref<128x128xf32, #tpu.memory_space<vmem>>
      %dma_wait3A_700 = arith.constant 0 : i32
      %dma_wait3A_701 = tpu.memref_slice %arg6[%dma_wait3A_693, %dma_wait3A_694, %dma_wait3A_700] : memref<2x40x128xi32, #tpu.memory_space<vmem>> -> memref<1x1x128xi32, #tpu.memory_space<vmem>>
      %dma_wait3A_702 = tpu.memref_squeeze %dma_wait3A_701 : memref<1x1x128xi32, #tpu.memory_space<vmem>> -> memref<128xi32, #tpu.memory_space<vmem>>
      %dma_wait3A_703 = arith.constant 0 : i32
      %dma_wait3A_704 = arith.constant 0 : i32
      %dma_wait3A_705 = tpu.memref_slice %arg8[%dma_wait3A_703, %dma_wait3A_704] : memref<10112x128xf32, #tpu.memory_space<vmem_shared>> -> memref<10112x128xf32, #tpu.memory_space<vmem_shared>>
      %dma_wait3A_706 = tpu.memref_slice %arg10[%dma_wait3A_695] : memref<2x!tpu.dma_semaphore, #tpu.memory_space<semaphore_mem>> -> memref<1x!tpu.dma_semaphore, #tpu.memory_space<semaphore_mem>>
      %dma_wait3A_707 = tpu.memref_squeeze %dma_wait3A_706 : memref<1x!tpu.dma_semaphore, #tpu.memory_space<semaphore_mem>> -> memref<!tpu.dma_semaphore, #tpu.memory_space<semaphore_mem>>
      tpu.wait_indirect_dma semaphore(%dma_wait3A_707 : memref<!tpu.dma_semaphore, #tpu.memory_space<semaphore_mem>>) src(%dma_wait3A_699 : memref<128x128xf32, #tpu.memory_space<vmem>>) dst(%dma_wait3A_705 : memref<10112x128xf32, #tpu.memory_space<vmem_shared>>)
      %dma_start3A_708 = arith.constant 0 : i32
      %dma_start3A_709 = arith.constant 11 : i32
      %dma_start3A_710 = arith.constant 1 : i32
      %dma_start3A_711 = arith.constant 1 : i32
      %dma_start3A_712 = arith.constant 0 : i32
      %dma_start3A_713 = arith.constant 0 : i32
      %dma_start3A_714 = tpu.memref_slice %arg7[%dma_start3A_710, %dma_start3A_712, %dma_start3A_713] : memref<2x128x128xf32, #tpu.memory_space<vmem>> -> memref<1x128x128xf32, #tpu.memory_space<vmem>>
      %dma_start3A_715 = tpu.memref_squeeze %dma_start3A_714 : memref<1x128x128xf32, #tpu.memory_space<vmem>> -> memref<128x128xf32, #tpu.memory_space<vmem>>
      %dma_start3A_716 = arith.constant 0 : i32
      %dma_start3A_717 = tpu.memref_slice %arg6[%dma_start3A_708, %dma_start3A_709, %dma_start3A_716] : memref<2x40x128xi32, #tpu.memory_space<vmem>> -> memref<1x1x128xi32, #tpu.memory_space<vmem>>
      %dma_start3A_718 = tpu.memref_squeeze %dma_start3A_717 : memref<1x1x128xi32, #tpu.memory_space<vmem>> -> memref<128xi32, #tpu.memory_space<vmem>>
      %dma_start3A_719 = arith.constant 0 : i32
      %dma_start3A_720 = arith.constant 0 : i32
      %dma_start3A_721 = tpu.memref_slice %arg2[%dma_start3A_719, %dma_start3A_720] : memref<10000x128xf32, #tpu.memory_space<hbm>> -> memref<10000x128xf32, #tpu.memory_space<hbm>>
      %dma_start3A_722 = tpu.memref_slice %arg9[%dma_start3A_711] : memref<2x!tpu.dma_semaphore, #tpu.memory_space<semaphore_mem>> -> memref<1x!tpu.dma_semaphore, #tpu.memory_space<semaphore_mem>>
      %dma_start3A_723 = tpu.memref_squeeze %dma_start3A_722 : memref<1x!tpu.dma_semaphore, #tpu.memory_space<semaphore_mem>> -> memref<!tpu.dma_semaphore, #tpu.memory_space<semaphore_mem>>
      tpu.enqueue_indirect_dma source(%dma_start3A_721 : memref<10000x128xf32, #tpu.memory_space<hbm>>) target(%dma_start3A_715 : memref<128x128xf32, #tpu.memory_space<vmem>>) offsets(%dma_start3A_718 : memref<128xi32, #tpu.memory_space<vmem>>) semaphore(%dma_start3A_723 : memref<!tpu.dma_semaphore, #tpu.memory_space<semaphore_mem>>)
      %dma_wait3A_724 = arith.constant 0 : i32
      %dma_wait3A_725 = arith.constant 11 : i32
      %dma_wait3A_726 = arith.constant 1 : i32
      %dma_wait3A_727 = arith.constant 1 : i32
      %dma_wait3A_728 = arith.constant 0 : i32
      %dma_wait3A_729 = arith.constant 0 : i32
      %dma_wait3A_730 = tpu.memref_slice %arg7[%dma_wait3A_726, %dma_wait3A_728, %dma_wait3A_729] : memref<2x128x128xf32, #tpu.memory_space<vmem>> -> memref<1x128x128xf32, #tpu.memory_space<vmem>>
      %dma_wait3A_731 = tpu.memref_squeeze %dma_wait3A_730 : memref<1x128x128xf32, #tpu.memory_space<vmem>> -> memref<128x128xf32, #tpu.memory_space<vmem>>
      %dma_wait3A_732 = arith.constant 0 : i32
      %dma_wait3A_733 = tpu.memref_slice %arg6[%dma_wait3A_724, %dma_wait3A_725, %dma_wait3A_732] : memref<2x40x128xi32, #tpu.memory_space<vmem>> -> memref<1x1x128xi32, #tpu.memory_space<vmem>>
      %dma_wait3A_734 = tpu.memref_squeeze %dma_wait3A_733 : memref<1x1x128xi32, #tpu.memory_space<vmem>> -> memref<128xi32, #tpu.memory_space<vmem>>
      %dma_wait3A_735 = arith.constant 0 : i32
      %dma_wait3A_736 = arith.constant 0 : i32
      %dma_wait3A_737 = tpu.memref_slice %arg2[%dma_wait3A_735, %dma_wait3A_736] : memref<10000x128xf32, #tpu.memory_space<hbm>> -> memref<10000x128xf32, #tpu.memory_space<hbm>>
      %dma_wait3A_738 = tpu.memref_slice %arg9[%dma_wait3A_727] : memref<2x!tpu.dma_semaphore, #tpu.memory_space<semaphore_mem>> -> memref<1x!tpu.dma_semaphore, #tpu.memory_space<semaphore_mem>>
      %dma_wait3A_739 = tpu.memref_squeeze %dma_wait3A_738 : memref<1x!tpu.dma_semaphore, #tpu.memory_space<semaphore_mem>> -> memref<!tpu.dma_semaphore, #tpu.memory_space<semaphore_mem>>
      tpu.wait_indirect_dma semaphore(%dma_wait3A_739 : memref<!tpu.dma_semaphore, #tpu.memory_space<semaphore_mem>>) src(%dma_wait3A_737 : memref<10000x128xf32, #tpu.memory_space<hbm>>) dst(%dma_wait3A_731 : memref<128x128xf32, #tpu.memory_space<vmem>>)
      %dma_start3A_740 = arith.constant 1 : i32
      %dma_start3A_741 = arith.constant 1 : i32
      %dma_start3A_742 = arith.constant 11 : i32
      %dma_start3A_743 = arith.constant 1 : i32
      %dma_start3A_744 = arith.constant 0 : i32
      %dma_start3A_745 = arith.constant 0 : i32
      %dma_start3A_746 = tpu.memref_slice %arg7[%dma_start3A_740, %dma_start3A_744, %dma_start3A_745] : memref<2x128x128xf32, #tpu.memory_space<vmem>> -> memref<1x128x128xf32, #tpu.memory_space<vmem>>
      %dma_start3A_747 = tpu.memref_squeeze %dma_start3A_746 : memref<1x128x128xf32, #tpu.memory_space<vmem>> -> memref<128x128xf32, #tpu.memory_space<vmem>>
      %dma_start3A_748 = arith.constant 0 : i32
      %dma_start3A_749 = tpu.memref_slice %arg6[%dma_start3A_741, %dma_start3A_742, %dma_start3A_748] : memref<2x40x128xi32, #tpu.memory_space<vmem>> -> memref<1x1x128xi32, #tpu.memory_space<vmem>>
      %dma_start3A_750 = tpu.memref_squeeze %dma_start3A_749 : memref<1x1x128xi32, #tpu.memory_space<vmem>> -> memref<128xi32, #tpu.memory_space<vmem>>
      %dma_start3A_751 = arith.constant 0 : i32
      %dma_start3A_752 = arith.constant 0 : i32
      %dma_start3A_753 = tpu.memref_slice %arg8[%dma_start3A_751, %dma_start3A_752] : memref<10112x128xf32, #tpu.memory_space<vmem_shared>> -> memref<10112x128xf32, #tpu.memory_space<vmem_shared>>
      %dma_start3A_754 = tpu.memref_slice %arg10[%dma_start3A_743] : memref<2x!tpu.dma_semaphore, #tpu.memory_space<semaphore_mem>> -> memref<1x!tpu.dma_semaphore, #tpu.memory_space<semaphore_mem>>
      %dma_start3A_755 = tpu.memref_squeeze %dma_start3A_754 : memref<1x!tpu.dma_semaphore, #tpu.memory_space<semaphore_mem>> -> memref<!tpu.dma_semaphore, #tpu.memory_space<semaphore_mem>>
      tpu.enqueue_indirect_dma source(%dma_start3A_747 : memref<128x128xf32, #tpu.memory_space<vmem>>) target(%dma_start3A_753 : memref<10112x128xf32, #tpu.memory_space<vmem_shared>>) offsets(%dma_start3A_750 : memref<128xi32, #tpu.memory_space<vmem>>) semaphore(%dma_start3A_755 : memref<!tpu.dma_semaphore, #tpu.memory_space<semaphore_mem>>) {add = true}
      %dma_wait3A_756 = arith.constant 0 : i32
      %dma_wait3A_757 = arith.constant 1 : i32
      %dma_wait3A_758 = arith.constant 10 : i32
      %dma_wait3A_759 = arith.constant 0 : i32
      %dma_wait3A_760 = arith.constant 0 : i32
      %dma_wait3A_761 = arith.constant 0 : i32
      %dma_wait3A_762 = tpu.memref_slice %arg7[%dma_wait3A_756, %dma_wait3A_760, %dma_wait3A_761] : memref<2x128x128xf32, #tpu.memory_space<vmem>> -> memref<1x128x128xf32, #tpu.memory_space<vmem>>
      %dma_wait3A_763 = tpu.memref_squeeze %dma_wait3A_762 : memref<1x128x128xf32, #tpu.memory_space<vmem>> -> memref<128x128xf32, #tpu.memory_space<vmem>>
      %dma_wait3A_764 = arith.constant 0 : i32
      %dma_wait3A_765 = tpu.memref_slice %arg6[%dma_wait3A_757, %dma_wait3A_758, %dma_wait3A_764] : memref<2x40x128xi32, #tpu.memory_space<vmem>> -> memref<1x1x128xi32, #tpu.memory_space<vmem>>
      %dma_wait3A_766 = tpu.memref_squeeze %dma_wait3A_765 : memref<1x1x128xi32, #tpu.memory_space<vmem>> -> memref<128xi32, #tpu.memory_space<vmem>>
      %dma_wait3A_767 = arith.constant 0 : i32
      %dma_wait3A_768 = arith.constant 0 : i32
      %dma_wait3A_769 = tpu.memref_slice %arg8[%dma_wait3A_767, %dma_wait3A_768] : memref<10112x128xf32, #tpu.memory_space<vmem_shared>> -> memref<10112x128xf32, #tpu.memory_space<vmem_shared>>
      %dma_wait3A_770 = tpu.memref_slice %arg10[%dma_wait3A_759] : memref<2x!tpu.dma_semaphore, #tpu.memory_space<semaphore_mem>> -> memref<1x!tpu.dma_semaphore, #tpu.memory_space<semaphore_mem>>
      %dma_wait3A_771 = tpu.memref_squeeze %dma_wait3A_770 : memref<1x!tpu.dma_semaphore, #tpu.memory_space<semaphore_mem>> -> memref<!tpu.dma_semaphore, #tpu.memory_space<semaphore_mem>>
      tpu.wait_indirect_dma semaphore(%dma_wait3A_771 : memref<!tpu.dma_semaphore, #tpu.memory_space<semaphore_mem>>) src(%dma_wait3A_763 : memref<128x128xf32, #tpu.memory_space<vmem>>) dst(%dma_wait3A_769 : memref<10112x128xf32, #tpu.memory_space<vmem_shared>>)
      %dma_start3A_772 = arith.constant 0 : i32
      %dma_start3A_773 = arith.constant 12 : i32
      %dma_start3A_774 = arith.constant 0 : i32
      %dma_start3A_775 = arith.constant 0 : i32
      %dma_start3A_776 = arith.constant 0 : i32
      %dma_start3A_777 = arith.constant 0 : i32
      %dma_start3A_778 = tpu.memref_slice %arg7[%dma_start3A_774, %dma_start3A_776, %dma_start3A_777] : memref<2x128x128xf32, #tpu.memory_space<vmem>> -> memref<1x128x128xf32, #tpu.memory_space<vmem>>
      %dma_start3A_779 = tpu.memref_squeeze %dma_start3A_778 : memref<1x128x128xf32, #tpu.memory_space<vmem>> -> memref<128x128xf32, #tpu.memory_space<vmem>>
      %dma_start3A_780 = arith.constant 0 : i32
      %dma_start3A_781 = tpu.memref_slice %arg6[%dma_start3A_772, %dma_start3A_773, %dma_start3A_780] : memref<2x40x128xi32, #tpu.memory_space<vmem>> -> memref<1x1x128xi32, #tpu.memory_space<vmem>>
      %dma_start3A_782 = tpu.memref_squeeze %dma_start3A_781 : memref<1x1x128xi32, #tpu.memory_space<vmem>> -> memref<128xi32, #tpu.memory_space<vmem>>
      %dma_start3A_783 = arith.constant 0 : i32
      %dma_start3A_784 = arith.constant 0 : i32
      %dma_start3A_785 = tpu.memref_slice %arg2[%dma_start3A_783, %dma_start3A_784] : memref<10000x128xf32, #tpu.memory_space<hbm>> -> memref<10000x128xf32, #tpu.memory_space<hbm>>
      %dma_start3A_786 = tpu.memref_slice %arg9[%dma_start3A_775] : memref<2x!tpu.dma_semaphore, #tpu.memory_space<semaphore_mem>> -> memref<1x!tpu.dma_semaphore, #tpu.memory_space<semaphore_mem>>
      %dma_start3A_787 = tpu.memref_squeeze %dma_start3A_786 : memref<1x!tpu.dma_semaphore, #tpu.memory_space<semaphore_mem>> -> memref<!tpu.dma_semaphore, #tpu.memory_space<semaphore_mem>>
      tpu.enqueue_indirect_dma source(%dma_start3A_785 : memref<10000x128xf32, #tpu.memory_space<hbm>>) target(%dma_start3A_779 : memref<128x128xf32, #tpu.memory_space<vmem>>) offsets(%dma_start3A_782 : memref<128xi32, #tpu.memory_space<vmem>>) semaphore(%dma_start3A_787 : memref<!tpu.dma_semaphore, #tpu.memory_space<semaphore_mem>>)
      %dma_wait3A_788 = arith.constant 0 : i32
      %dma_wait3A_789 = arith.constant 12 : i32
      %dma_wait3A_790 = arith.constant 0 : i32
      %dma_wait3A_791 = arith.constant 0 : i32
      %dma_wait3A_792 = arith.constant 0 : i32
      %dma_wait3A_793 = arith.constant 0 : i32
      %dma_wait3A_794 = tpu.memref_slice %arg7[%dma_wait3A_790, %dma_wait3A_792, %dma_wait3A_793] : memref<2x128x128xf32, #tpu.memory_space<vmem>> -> memref<1x128x128xf32, #tpu.memory_space<vmem>>
      %dma_wait3A_795 = tpu.memref_squeeze %dma_wait3A_794 : memref<1x128x128xf32, #tpu.memory_space<vmem>> -> memref<128x128xf32, #tpu.memory_space<vmem>>
      %dma_wait3A_796 = arith.constant 0 : i32
      %dma_wait3A_797 = tpu.memref_slice %arg6[%dma_wait3A_788, %dma_wait3A_789, %dma_wait3A_796] : memref<2x40x128xi32, #tpu.memory_space<vmem>> -> memref<1x1x128xi32, #tpu.memory_space<vmem>>
      %dma_wait3A_798 = tpu.memref_squeeze %dma_wait3A_797 : memref<1x1x128xi32, #tpu.memory_space<vmem>> -> memref<128xi32, #tpu.memory_space<vmem>>
      %dma_wait3A_799 = arith.constant 0 : i32
      %dma_wait3A_800 = arith.constant 0 : i32
      %dma_wait3A_801 = tpu.memref_slice %arg2[%dma_wait3A_799, %dma_wait3A_800] : memref<10000x128xf32, #tpu.memory_space<hbm>> -> memref<10000x128xf32, #tpu.memory_space<hbm>>
      %dma_wait3A_802 = tpu.memref_slice %arg9[%dma_wait3A_791] : memref<2x!tpu.dma_semaphore, #tpu.memory_space<semaphore_mem>> -> memref<1x!tpu.dma_semaphore, #tpu.memory_space<semaphore_mem>>
      %dma_wait3A_803 = tpu.memref_squeeze %dma_wait3A_802 : memref<1x!tpu.dma_semaphore, #tpu.memory_space<semaphore_mem>> -> memref<!tpu.dma_semaphore, #tpu.memory_space<semaphore_mem>>
      tpu.wait_indirect_dma semaphore(%dma_wait3A_803 : memref<!tpu.dma_semaphore, #tpu.memory_space<semaphore_mem>>) src(%dma_wait3A_801 : memref<10000x128xf32, #tpu.memory_space<hbm>>) dst(%dma_wait3A_795 : memref<128x128xf32, #tpu.memory_space<vmem>>)
      %dma_start3A_804 = arith.constant 0 : i32
      %dma_start3A_805 = arith.constant 1 : i32
      %dma_start3A_806 = arith.constant 12 : i32
      %dma_start3A_807 = arith.constant 0 : i32
      %dma_start3A_808 = arith.constant 0 : i32
      %dma_start3A_809 = arith.constant 0 : i32
      %dma_start3A_810 = tpu.memref_slice %arg7[%dma_start3A_804, %dma_start3A_808, %dma_start3A_809] : memref<2x128x128xf32, #tpu.memory_space<vmem>> -> memref<1x128x128xf32, #tpu.memory_space<vmem>>
      %dma_start3A_811 = tpu.memref_squeeze %dma_start3A_810 : memref<1x128x128xf32, #tpu.memory_space<vmem>> -> memref<128x128xf32, #tpu.memory_space<vmem>>
      %dma_start3A_812 = arith.constant 0 : i32
      %dma_start3A_813 = tpu.memref_slice %arg6[%dma_start3A_805, %dma_start3A_806, %dma_start3A_812] : memref<2x40x128xi32, #tpu.memory_space<vmem>> -> memref<1x1x128xi32, #tpu.memory_space<vmem>>
      %dma_start3A_814 = tpu.memref_squeeze %dma_start3A_813 : memref<1x1x128xi32, #tpu.memory_space<vmem>> -> memref<128xi32, #tpu.memory_space<vmem>>
      %dma_start3A_815 = arith.constant 0 : i32
      %dma_start3A_816 = arith.constant 0 : i32
      %dma_start3A_817 = tpu.memref_slice %arg8[%dma_start3A_815, %dma_start3A_816] : memref<10112x128xf32, #tpu.memory_space<vmem_shared>> -> memref<10112x128xf32, #tpu.memory_space<vmem_shared>>
      %dma_start3A_818 = tpu.memref_slice %arg10[%dma_start3A_807] : memref<2x!tpu.dma_semaphore, #tpu.memory_space<semaphore_mem>> -> memref<1x!tpu.dma_semaphore, #tpu.memory_space<semaphore_mem>>
      %dma_start3A_819 = tpu.memref_squeeze %dma_start3A_818 : memref<1x!tpu.dma_semaphore, #tpu.memory_space<semaphore_mem>> -> memref<!tpu.dma_semaphore, #tpu.memory_space<semaphore_mem>>
      tpu.enqueue_indirect_dma source(%dma_start3A_811 : memref<128x128xf32, #tpu.memory_space<vmem>>) target(%dma_start3A_817 : memref<10112x128xf32, #tpu.memory_space<vmem_shared>>) offsets(%dma_start3A_814 : memref<128xi32, #tpu.memory_space<vmem>>) semaphore(%dma_start3A_819 : memref<!tpu.dma_semaphore, #tpu.memory_space<semaphore_mem>>) {add = true}
      %dma_wait3A_820 = arith.constant 1 : i32
      %dma_wait3A_821 = arith.constant 1 : i32
      %dma_wait3A_822 = arith.constant 11 : i32
      %dma_wait3A_823 = arith.constant 1 : i32
      %dma_wait3A_824 = arith.constant 0 : i32
      %dma_wait3A_825 = arith.constant 0 : i32
      %dma_wait3A_826 = tpu.memref_slice %arg7[%dma_wait3A_820, %dma_wait3A_824, %dma_wait3A_825] : memref<2x128x128xf32, #tpu.memory_space<vmem>> -> memref<1x128x128xf32, #tpu.memory_space<vmem>>
      %dma_wait3A_827 = tpu.memref_squeeze %dma_wait3A_826 : memref<1x128x128xf32, #tpu.memory_space<vmem>> -> memref<128x128xf32, #tpu.memory_space<vmem>>
      %dma_wait3A_828 = arith.constant 0 : i32
      %dma_wait3A_829 = tpu.memref_slice %arg6[%dma_wait3A_821, %dma_wait3A_822, %dma_wait3A_828] : memref<2x40x128xi32, #tpu.memory_space<vmem>> -> memref<1x1x128xi32, #tpu.memory_space<vmem>>
      %dma_wait3A_830 = tpu.memref_squeeze %dma_wait3A_829 : memref<1x1x128xi32, #tpu.memory_space<vmem>> -> memref<128xi32, #tpu.memory_space<vmem>>
      %dma_wait3A_831 = arith.constant 0 : i32
      %dma_wait3A_832 = arith.constant 0 : i32
      %dma_wait3A_833 = tpu.memref_slice %arg8[%dma_wait3A_831, %dma_wait3A_832] : memref<10112x128xf32, #tpu.memory_space<vmem_shared>> -> memref<10112x128xf32, #tpu.memory_space<vmem_shared>>
      %dma_wait3A_834 = tpu.memref_slice %arg10[%dma_wait3A_823] : memref<2x!tpu.dma_semaphore, #tpu.memory_space<semaphore_mem>> -> memref<1x!tpu.dma_semaphore, #tpu.memory_space<semaphore_mem>>
      %dma_wait3A_835 = tpu.memref_squeeze %dma_wait3A_834 : memref<1x!tpu.dma_semaphore, #tpu.memory_space<semaphore_mem>> -> memref<!tpu.dma_semaphore, #tpu.memory_space<semaphore_mem>>
      tpu.wait_indirect_dma semaphore(%dma_wait3A_835 : memref<!tpu.dma_semaphore, #tpu.memory_space<semaphore_mem>>) src(%dma_wait3A_827 : memref<128x128xf32, #tpu.memory_space<vmem>>) dst(%dma_wait3A_833 : memref<10112x128xf32, #tpu.memory_space<vmem_shared>>)
      %dma_start3A_836 = arith.constant 0 : i32
      %dma_start3A_837 = arith.constant 13 : i32
      %dma_start3A_838 = arith.constant 1 : i32
      %dma_start3A_839 = arith.constant 1 : i32
      %dma_start3A_840 = arith.constant 0 : i32
      %dma_start3A_841 = arith.constant 0 : i32
      %dma_start3A_842 = tpu.memref_slice %arg7[%dma_start3A_838, %dma_start3A_840, %dma_start3A_841] : memref<2x128x128xf32, #tpu.memory_space<vmem>> -> memref<1x128x128xf32, #tpu.memory_space<vmem>>
      %dma_start3A_843 = tpu.memref_squeeze %dma_start3A_842 : memref<1x128x128xf32, #tpu.memory_space<vmem>> -> memref<128x128xf32, #tpu.memory_space<vmem>>
      %dma_start3A_844 = arith.constant 0 : i32
      %dma_start3A_845 = tpu.memref_slice %arg6[%dma_start3A_836, %dma_start3A_837, %dma_start3A_844] : memref<2x40x128xi32, #tpu.memory_space<vmem>> -> memref<1x1x128xi32, #tpu.memory_space<vmem>>
      %dma_start3A_846 = tpu.memref_squeeze %dma_start3A_845 : memref<1x1x128xi32, #tpu.memory_space<vmem>> -> memref<128xi32, #tpu.memory_space<vmem>>
      %dma_start3A_847 = arith.constant 0 : i32
      %dma_start3A_848 = arith.constant 0 : i32
      %dma_start3A_849 = tpu.memref_slice %arg2[%dma_start3A_847, %dma_start3A_848] : memref<10000x128xf32, #tpu.memory_space<hbm>> -> memref<10000x128xf32, #tpu.memory_space<hbm>>
      %dma_start3A_850 = tpu.memref_slice %arg9[%dma_start3A_839] : memref<2x!tpu.dma_semaphore, #tpu.memory_space<semaphore_mem>> -> memref<1x!tpu.dma_semaphore, #tpu.memory_space<semaphore_mem>>
      %dma_start3A_851 = tpu.memref_squeeze %dma_start3A_850 : memref<1x!tpu.dma_semaphore, #tpu.memory_space<semaphore_mem>> -> memref<!tpu.dma_semaphore, #tpu.memory_space<semaphore_mem>>
      tpu.enqueue_indirect_dma source(%dma_start3A_849 : memref<10000x128xf32, #tpu.memory_space<hbm>>) target(%dma_start3A_843 : memref<128x128xf32, #tpu.memory_space<vmem>>) offsets(%dma_start3A_846 : memref<128xi32, #tpu.memory_space<vmem>>) semaphore(%dma_start3A_851 : memref<!tpu.dma_semaphore, #tpu.memory_space<semaphore_mem>>)
      %dma_wait3A_852 = arith.constant 0 : i32
      %dma_wait3A_853 = arith.constant 13 : i32
      %dma_wait3A_854 = arith.constant 1 : i32
      %dma_wait3A_855 = arith.constant 1 : i32
      %dma_wait3A_856 = arith.constant 0 : i32
      %dma_wait3A_857 = arith.constant 0 : i32
      %dma_wait3A_858 = tpu.memref_slice %arg7[%dma_wait3A_854, %dma_wait3A_856, %dma_wait3A_857] : memref<2x128x128xf32, #tpu.memory_space<vmem>> -> memref<1x128x128xf32, #tpu.memory_space<vmem>>
      %dma_wait3A_859 = tpu.memref_squeeze %dma_wait3A_858 : memref<1x128x128xf32, #tpu.memory_space<vmem>> -> memref<128x128xf32, #tpu.memory_space<vmem>>
      %dma_wait3A_860 = arith.constant 0 : i32
      %dma_wait3A_861 = tpu.memref_slice %arg6[%dma_wait3A_852, %dma_wait3A_853, %dma_wait3A_860] : memref<2x40x128xi32, #tpu.memory_space<vmem>> -> memref<1x1x128xi32, #tpu.memory_space<vmem>>
      %dma_wait3A_862 = tpu.memref_squeeze %dma_wait3A_861 : memref<1x1x128xi32, #tpu.memory_space<vmem>> -> memref<128xi32, #tpu.memory_space<vmem>>
      %dma_wait3A_863 = arith.constant 0 : i32
      %dma_wait3A_864 = arith.constant 0 : i32
      %dma_wait3A_865 = tpu.memref_slice %arg2[%dma_wait3A_863, %dma_wait3A_864] : memref<10000x128xf32, #tpu.memory_space<hbm>> -> memref<10000x128xf32, #tpu.memory_space<hbm>>
      %dma_wait3A_866 = tpu.memref_slice %arg9[%dma_wait3A_855] : memref<2x!tpu.dma_semaphore, #tpu.memory_space<semaphore_mem>> -> memref<1x!tpu.dma_semaphore, #tpu.memory_space<semaphore_mem>>
      %dma_wait3A_867 = tpu.memref_squeeze %dma_wait3A_866 : memref<1x!tpu.dma_semaphore, #tpu.memory_space<semaphore_mem>> -> memref<!tpu.dma_semaphore, #tpu.memory_space<semaphore_mem>>
      tpu.wait_indirect_dma semaphore(%dma_wait3A_867 : memref<!tpu.dma_semaphore, #tpu.memory_space<semaphore_mem>>) src(%dma_wait3A_865 : memref<10000x128xf32, #tpu.memory_space<hbm>>) dst(%dma_wait3A_859 : memref<128x128xf32, #tpu.memory_space<vmem>>)
      %dma_start3A_868 = arith.constant 1 : i32
      %dma_start3A_869 = arith.constant 1 : i32
      %dma_start3A_870 = arith.constant 13 : i32
      %dma_start3A_871 = arith.constant 1 : i32
      %dma_start3A_872 = arith.constant 0 : i32
      %dma_start3A_873 = arith.constant 0 : i32
      %dma_start3A_874 = tpu.memref_slice %arg7[%dma_start3A_868, %dma_start3A_872, %dma_start3A_873] : memref<2x128x128xf32, #tpu.memory_space<vmem>> -> memref<1x128x128xf32, #tpu.memory_space<vmem>>
      %dma_start3A_875 = tpu.memref_squeeze %dma_start3A_874 : memref<1x128x128xf32, #tpu.memory_space<vmem>> -> memref<128x128xf32, #tpu.memory_space<vmem>>
      %dma_start3A_876 = arith.constant 0 : i32
      %dma_start3A_877 = tpu.memref_slice %arg6[%dma_start3A_869, %dma_start3A_870, %dma_start3A_876] : memref<2x40x128xi32, #tpu.memory_space<vmem>> -> memref<1x1x128xi32, #tpu.memory_space<vmem>>
      %dma_start3A_878 = tpu.memref_squeeze %dma_start3A_877 : memref<1x1x128xi32, #tpu.memory_space<vmem>> -> memref<128xi32, #tpu.memory_space<vmem>>
      %dma_start3A_879 = arith.constant 0 : i32
      %dma_start3A_880 = arith.constant 0 : i32
      %dma_start3A_881 = tpu.memref_slice %arg8[%dma_start3A_879, %dma_start3A_880] : memref<10112x128xf32, #tpu.memory_space<vmem_shared>> -> memref<10112x128xf32, #tpu.memory_space<vmem_shared>>
      %dma_start3A_882 = tpu.memref_slice %arg10[%dma_start3A_871] : memref<2x!tpu.dma_semaphore, #tpu.memory_space<semaphore_mem>> -> memref<1x!tpu.dma_semaphore, #tpu.memory_space<semaphore_mem>>
      %dma_start3A_883 = tpu.memref_squeeze %dma_start3A_882 : memref<1x!tpu.dma_semaphore, #tpu.memory_space<semaphore_mem>> -> memref<!tpu.dma_semaphore, #tpu.memory_space<semaphore_mem>>
      tpu.enqueue_indirect_dma source(%dma_start3A_875 : memref<128x128xf32, #tpu.memory_space<vmem>>) target(%dma_start3A_881 : memref<10112x128xf32, #tpu.memory_space<vmem_shared>>) offsets(%dma_start3A_878 : memref<128xi32, #tpu.memory_space<vmem>>) semaphore(%dma_start3A_883 : memref<!tpu.dma_semaphore, #tpu.memory_space<semaphore_mem>>) {add = true}
      %dma_wait3A_884 = arith.constant 0 : i32
      %dma_wait3A_885 = arith.constant 1 : i32
      %dma_wait3A_886 = arith.constant 12 : i32
      %dma_wait3A_887 = arith.constant 0 : i32
      %dma_wait3A_888 = arith.constant 0 : i32
      %dma_wait3A_889 = arith.constant 0 : i32
      %dma_wait3A_890 = tpu.memref_slice %arg7[%dma_wait3A_884, %dma_wait3A_888, %dma_wait3A_889] : memref<2x128x128xf32, #tpu.memory_space<vmem>> -> memref<1x128x128xf32, #tpu.memory_space<vmem>>
      %dma_wait3A_891 = tpu.memref_squeeze %dma_wait3A_890 : memref<1x128x128xf32, #tpu.memory_space<vmem>> -> memref<128x128xf32, #tpu.memory_space<vmem>>
      %dma_wait3A_892 = arith.constant 0 : i32
      %dma_wait3A_893 = tpu.memref_slice %arg6[%dma_wait3A_885, %dma_wait3A_886, %dma_wait3A_892] : memref<2x40x128xi32, #tpu.memory_space<vmem>> -> memref<1x1x128xi32, #tpu.memory_space<vmem>>
      %dma_wait3A_894 = tpu.memref_squeeze %dma_wait3A_893 : memref<1x1x128xi32, #tpu.memory_space<vmem>> -> memref<128xi32, #tpu.memory_space<vmem>>
      %dma_wait3A_895 = arith.constant 0 : i32
      %dma_wait3A_896 = arith.constant 0 : i32
      %dma_wait3A_897 = tpu.memref_slice %arg8[%dma_wait3A_895, %dma_wait3A_896] : memref<10112x128xf32, #tpu.memory_space<vmem_shared>> -> memref<10112x128xf32, #tpu.memory_space<vmem_shared>>
      %dma_wait3A_898 = tpu.memref_slice %arg10[%dma_wait3A_887] : memref<2x!tpu.dma_semaphore, #tpu.memory_space<semaphore_mem>> -> memref<1x!tpu.dma_semaphore, #tpu.memory_space<semaphore_mem>>
      %dma_wait3A_899 = tpu.memref_squeeze %dma_wait3A_898 : memref<1x!tpu.dma_semaphore, #tpu.memory_space<semaphore_mem>> -> memref<!tpu.dma_semaphore, #tpu.memory_space<semaphore_mem>>
      tpu.wait_indirect_dma semaphore(%dma_wait3A_899 : memref<!tpu.dma_semaphore, #tpu.memory_space<semaphore_mem>>) src(%dma_wait3A_891 : memref<128x128xf32, #tpu.memory_space<vmem>>) dst(%dma_wait3A_897 : memref<10112x128xf32, #tpu.memory_space<vmem_shared>>)
      %dma_start3A_900 = arith.constant 0 : i32
      %dma_start3A_901 = arith.constant 14 : i32
      %dma_start3A_902 = arith.constant 0 : i32
      %dma_start3A_903 = arith.constant 0 : i32
      %dma_start3A_904 = arith.constant 0 : i32
      %dma_start3A_905 = arith.constant 0 : i32
      %dma_start3A_906 = tpu.memref_slice %arg7[%dma_start3A_902, %dma_start3A_904, %dma_start3A_905] : memref<2x128x128xf32, #tpu.memory_space<vmem>> -> memref<1x128x128xf32, #tpu.memory_space<vmem>>
      %dma_start3A_907 = tpu.memref_squeeze %dma_start3A_906 : memref<1x128x128xf32, #tpu.memory_space<vmem>> -> memref<128x128xf32, #tpu.memory_space<vmem>>
      %dma_start3A_908 = arith.constant 0 : i32
      %dma_start3A_909 = tpu.memref_slice %arg6[%dma_start3A_900, %dma_start3A_901, %dma_start3A_908] : memref<2x40x128xi32, #tpu.memory_space<vmem>> -> memref<1x1x128xi32, #tpu.memory_space<vmem>>
      %dma_start3A_910 = tpu.memref_squeeze %dma_start3A_909 : memref<1x1x128xi32, #tpu.memory_space<vmem>> -> memref<128xi32, #tpu.memory_space<vmem>>
      %dma_start3A_911 = arith.constant 0 : i32
      %dma_start3A_912 = arith.constant 0 : i32
      %dma_start3A_913 = tpu.memref_slice %arg2[%dma_start3A_911, %dma_start3A_912] : memref<10000x128xf32, #tpu.memory_space<hbm>> -> memref<10000x128xf32, #tpu.memory_space<hbm>>
      %dma_start3A_914 = tpu.memref_slice %arg9[%dma_start3A_903] : memref<2x!tpu.dma_semaphore, #tpu.memory_space<semaphore_mem>> -> memref<1x!tpu.dma_semaphore, #tpu.memory_space<semaphore_mem>>
      %dma_start3A_915 = tpu.memref_squeeze %dma_start3A_914 : memref<1x!tpu.dma_semaphore, #tpu.memory_space<semaphore_mem>> -> memref<!tpu.dma_semaphore, #tpu.memory_space<semaphore_mem>>
      tpu.enqueue_indirect_dma source(%dma_start3A_913 : memref<10000x128xf32, #tpu.memory_space<hbm>>) target(%dma_start3A_907 : memref<128x128xf32, #tpu.memory_space<vmem>>) offsets(%dma_start3A_910 : memref<128xi32, #tpu.memory_space<vmem>>) semaphore(%dma_start3A_915 : memref<!tpu.dma_semaphore, #tpu.memory_space<semaphore_mem>>)
      %dma_wait3A_916 = arith.constant 0 : i32
      %dma_wait3A_917 = arith.constant 14 : i32
      %dma_wait3A_918 = arith.constant 0 : i32
      %dma_wait3A_919 = arith.constant 0 : i32
      %dma_wait3A_920 = arith.constant 0 : i32
      %dma_wait3A_921 = arith.constant 0 : i32
      %dma_wait3A_922 = tpu.memref_slice %arg7[%dma_wait3A_918, %dma_wait3A_920, %dma_wait3A_921] : memref<2x128x128xf32, #tpu.memory_space<vmem>> -> memref<1x128x128xf32, #tpu.memory_space<vmem>>
      %dma_wait3A_923 = tpu.memref_squeeze %dma_wait3A_922 : memref<1x128x128xf32, #tpu.memory_space<vmem>> -> memref<128x128xf32, #tpu.memory_space<vmem>>
      %dma_wait3A_924 = arith.constant 0 : i32
      %dma_wait3A_925 = tpu.memref_slice %arg6[%dma_wait3A_916, %dma_wait3A_917, %dma_wait3A_924] : memref<2x40x128xi32, #tpu.memory_space<vmem>> -> memref<1x1x128xi32, #tpu.memory_space<vmem>>
      %dma_wait3A_926 = tpu.memref_squeeze %dma_wait3A_925 : memref<1x1x128xi32, #tpu.memory_space<vmem>> -> memref<128xi32, #tpu.memory_space<vmem>>
      %dma_wait3A_927 = arith.constant 0 : i32
      %dma_wait3A_928 = arith.constant 0 : i32
      %dma_wait3A_929 = tpu.memref_slice %arg2[%dma_wait3A_927, %dma_wait3A_928] : memref<10000x128xf32, #tpu.memory_space<hbm>> -> memref<10000x128xf32, #tpu.memory_space<hbm>>
      %dma_wait3A_930 = tpu.memref_slice %arg9[%dma_wait3A_919] : memref<2x!tpu.dma_semaphore, #tpu.memory_space<semaphore_mem>> -> memref<1x!tpu.dma_semaphore, #tpu.memory_space<semaphore_mem>>
      %dma_wait3A_931 = tpu.memref_squeeze %dma_wait3A_930 : memref<1x!tpu.dma_semaphore, #tpu.memory_space<semaphore_mem>> -> memref<!tpu.dma_semaphore, #tpu.memory_space<semaphore_mem>>
      tpu.wait_indirect_dma semaphore(%dma_wait3A_931 : memref<!tpu.dma_semaphore, #tpu.memory_space<semaphore_mem>>) src(%dma_wait3A_929 : memref<10000x128xf32, #tpu.memory_space<hbm>>) dst(%dma_wait3A_923 : memref<128x128xf32, #tpu.memory_space<vmem>>)
      %dma_start3A_932 = arith.constant 0 : i32
      %dma_start3A_933 = arith.constant 1 : i32
      %dma_start3A_934 = arith.constant 14 : i32
      %dma_start3A_935 = arith.constant 0 : i32
      %dma_start3A_936 = arith.constant 0 : i32
      %dma_start3A_937 = arith.constant 0 : i32
      %dma_start3A_938 = tpu.memref_slice %arg7[%dma_start3A_932, %dma_start3A_936, %dma_start3A_937] : memref<2x128x128xf32, #tpu.memory_space<vmem>> -> memref<1x128x128xf32, #tpu.memory_space<vmem>>
      %dma_start3A_939 = tpu.memref_squeeze %dma_start3A_938 : memref<1x128x128xf32, #tpu.memory_space<vmem>> -> memref<128x128xf32, #tpu.memory_space<vmem>>
      %dma_start3A_940 = arith.constant 0 : i32
      %dma_start3A_941 = tpu.memref_slice %arg6[%dma_start3A_933, %dma_start3A_934, %dma_start3A_940] : memref<2x40x128xi32, #tpu.memory_space<vmem>> -> memref<1x1x128xi32, #tpu.memory_space<vmem>>
      %dma_start3A_942 = tpu.memref_squeeze %dma_start3A_941 : memref<1x1x128xi32, #tpu.memory_space<vmem>> -> memref<128xi32, #tpu.memory_space<vmem>>
      %dma_start3A_943 = arith.constant 0 : i32
      %dma_start3A_944 = arith.constant 0 : i32
      %dma_start3A_945 = tpu.memref_slice %arg8[%dma_start3A_943, %dma_start3A_944] : memref<10112x128xf32, #tpu.memory_space<vmem_shared>> -> memref<10112x128xf32, #tpu.memory_space<vmem_shared>>
      %dma_start3A_946 = tpu.memref_slice %arg10[%dma_start3A_935] : memref<2x!tpu.dma_semaphore, #tpu.memory_space<semaphore_mem>> -> memref<1x!tpu.dma_semaphore, #tpu.memory_space<semaphore_mem>>
      %dma_start3A_947 = tpu.memref_squeeze %dma_start3A_946 : memref<1x!tpu.dma_semaphore, #tpu.memory_space<semaphore_mem>> -> memref<!tpu.dma_semaphore, #tpu.memory_space<semaphore_mem>>
      tpu.enqueue_indirect_dma source(%dma_start3A_939 : memref<128x128xf32, #tpu.memory_space<vmem>>) target(%dma_start3A_945 : memref<10112x128xf32, #tpu.memory_space<vmem_shared>>) offsets(%dma_start3A_942 : memref<128xi32, #tpu.memory_space<vmem>>) semaphore(%dma_start3A_947 : memref<!tpu.dma_semaphore, #tpu.memory_space<semaphore_mem>>) {add = true}
      %dma_wait3A_948 = arith.constant 1 : i32
      %dma_wait3A_949 = arith.constant 1 : i32
      %dma_wait3A_950 = arith.constant 13 : i32
      %dma_wait3A_951 = arith.constant 1 : i32
      %dma_wait3A_952 = arith.constant 0 : i32
      %dma_wait3A_953 = arith.constant 0 : i32
      %dma_wait3A_954 = tpu.memref_slice %arg7[%dma_wait3A_948, %dma_wait3A_952, %dma_wait3A_953] : memref<2x128x128xf32, #tpu.memory_space<vmem>> -> memref<1x128x128xf32, #tpu.memory_space<vmem>>
      %dma_wait3A_955 = tpu.memref_squeeze %dma_wait3A_954 : memref<1x128x128xf32, #tpu.memory_space<vmem>> -> memref<128x128xf32, #tpu.memory_space<vmem>>
      %dma_wait3A_956 = arith.constant 0 : i32
      %dma_wait3A_957 = tpu.memref_slice %arg6[%dma_wait3A_949, %dma_wait3A_950, %dma_wait3A_956] : memref<2x40x128xi32, #tpu.memory_space<vmem>> -> memref<1x1x128xi32, #tpu.memory_space<vmem>>
      %dma_wait3A_958 = tpu.memref_squeeze %dma_wait3A_957 : memref<1x1x128xi32, #tpu.memory_space<vmem>> -> memref<128xi32, #tpu.memory_space<vmem>>
      %dma_wait3A_959 = arith.constant 0 : i32
      %dma_wait3A_960 = arith.constant 0 : i32
      %dma_wait3A_961 = tpu.memref_slice %arg8[%dma_wait3A_959, %dma_wait3A_960] : memref<10112x128xf32, #tpu.memory_space<vmem_shared>> -> memref<10112x128xf32, #tpu.memory_space<vmem_shared>>
      %dma_wait3A_962 = tpu.memref_slice %arg10[%dma_wait3A_951] : memref<2x!tpu.dma_semaphore, #tpu.memory_space<semaphore_mem>> -> memref<1x!tpu.dma_semaphore, #tpu.memory_space<semaphore_mem>>
      %dma_wait3A_963 = tpu.memref_squeeze %dma_wait3A_962 : memref<1x!tpu.dma_semaphore, #tpu.memory_space<semaphore_mem>> -> memref<!tpu.dma_semaphore, #tpu.memory_space<semaphore_mem>>
      tpu.wait_indirect_dma semaphore(%dma_wait3A_963 : memref<!tpu.dma_semaphore, #tpu.memory_space<semaphore_mem>>) src(%dma_wait3A_955 : memref<128x128xf32, #tpu.memory_space<vmem>>) dst(%dma_wait3A_961 : memref<10112x128xf32, #tpu.memory_space<vmem_shared>>)
      %dma_start3A_964 = arith.constant 0 : i32
      %dma_start3A_965 = arith.constant 15 : i32
      %dma_start3A_966 = arith.constant 1 : i32
      %dma_start3A_967 = arith.constant 1 : i32
      %dma_start3A_968 = arith.constant 0 : i32
      %dma_start3A_969 = arith.constant 0 : i32
      %dma_start3A_970 = tpu.memref_slice %arg7[%dma_start3A_966, %dma_start3A_968, %dma_start3A_969] : memref<2x128x128xf32, #tpu.memory_space<vmem>> -> memref<1x128x128xf32, #tpu.memory_space<vmem>>
      %dma_start3A_971 = tpu.memref_squeeze %dma_start3A_970 : memref<1x128x128xf32, #tpu.memory_space<vmem>> -> memref<128x128xf32, #tpu.memory_space<vmem>>
      %dma_start3A_972 = arith.constant 0 : i32
      %dma_start3A_973 = tpu.memref_slice %arg6[%dma_start3A_964, %dma_start3A_965, %dma_start3A_972] : memref<2x40x128xi32, #tpu.memory_space<vmem>> -> memref<1x1x128xi32, #tpu.memory_space<vmem>>
      %dma_start3A_974 = tpu.memref_squeeze %dma_start3A_973 : memref<1x1x128xi32, #tpu.memory_space<vmem>> -> memref<128xi32, #tpu.memory_space<vmem>>
      %dma_start3A_975 = arith.constant 0 : i32
      %dma_start3A_976 = arith.constant 0 : i32
      %dma_start3A_977 = tpu.memref_slice %arg2[%dma_start3A_975, %dma_start3A_976] : memref<10000x128xf32, #tpu.memory_space<hbm>> -> memref<10000x128xf32, #tpu.memory_space<hbm>>
      %dma_start3A_978 = tpu.memref_slice %arg9[%dma_start3A_967] : memref<2x!tpu.dma_semaphore, #tpu.memory_space<semaphore_mem>> -> memref<1x!tpu.dma_semaphore, #tpu.memory_space<semaphore_mem>>
      %dma_start3A_979 = tpu.memref_squeeze %dma_start3A_978 : memref<1x!tpu.dma_semaphore, #tpu.memory_space<semaphore_mem>> -> memref<!tpu.dma_semaphore, #tpu.memory_space<semaphore_mem>>
      tpu.enqueue_indirect_dma source(%dma_start3A_977 : memref<10000x128xf32, #tpu.memory_space<hbm>>) target(%dma_start3A_971 : memref<128x128xf32, #tpu.memory_space<vmem>>) offsets(%dma_start3A_974 : memref<128xi32, #tpu.memory_space<vmem>>) semaphore(%dma_start3A_979 : memref<!tpu.dma_semaphore, #tpu.memory_space<semaphore_mem>>)
      %dma_wait3A_980 = arith.constant 0 : i32
      %dma_wait3A_981 = arith.constant 15 : i32
      %dma_wait3A_982 = arith.constant 1 : i32
      %dma_wait3A_983 = arith.constant 1 : i32
      %dma_wait3A_984 = arith.constant 0 : i32
      %dma_wait3A_985 = arith.constant 0 : i32
      %dma_wait3A_986 = tpu.memref_slice %arg7[%dma_wait3A_982, %dma_wait3A_984, %dma_wait3A_985] : memref<2x128x128xf32, #tpu.memory_space<vmem>> -> memref<1x128x128xf32, #tpu.memory_space<vmem>>
      %dma_wait3A_987 = tpu.memref_squeeze %dma_wait3A_986 : memref<1x128x128xf32, #tpu.memory_space<vmem>> -> memref<128x128xf32, #tpu.memory_space<vmem>>
      %dma_wait3A_988 = arith.constant 0 : i32
      %dma_wait3A_989 = tpu.memref_slice %arg6[%dma_wait3A_980, %dma_wait3A_981, %dma_wait3A_988] : memref<2x40x128xi32, #tpu.memory_space<vmem>> -> memref<1x1x128xi32, #tpu.memory_space<vmem>>
      %dma_wait3A_990 = tpu.memref_squeeze %dma_wait3A_989 : memref<1x1x128xi32, #tpu.memory_space<vmem>> -> memref<128xi32, #tpu.memory_space<vmem>>
      %dma_wait3A_991 = arith.constant 0 : i32
      %dma_wait3A_992 = arith.constant 0 : i32
      %dma_wait3A_993 = tpu.memref_slice %arg2[%dma_wait3A_991, %dma_wait3A_992] : memref<10000x128xf32, #tpu.memory_space<hbm>> -> memref<10000x128xf32, #tpu.memory_space<hbm>>
      %dma_wait3A_994 = tpu.memref_slice %arg9[%dma_wait3A_983] : memref<2x!tpu.dma_semaphore, #tpu.memory_space<semaphore_mem>> -> memref<1x!tpu.dma_semaphore, #tpu.memory_space<semaphore_mem>>
      %dma_wait3A_995 = tpu.memref_squeeze %dma_wait3A_994 : memref<1x!tpu.dma_semaphore, #tpu.memory_space<semaphore_mem>> -> memref<!tpu.dma_semaphore, #tpu.memory_space<semaphore_mem>>
      tpu.wait_indirect_dma semaphore(%dma_wait3A_995 : memref<!tpu.dma_semaphore, #tpu.memory_space<semaphore_mem>>) src(%dma_wait3A_993 : memref<10000x128xf32, #tpu.memory_space<hbm>>) dst(%dma_wait3A_987 : memref<128x128xf32, #tpu.memory_space<vmem>>)
      %dma_start3A_996 = arith.constant 1 : i32
      %dma_start3A_997 = arith.constant 1 : i32
      %dma_start3A_998 = arith.constant 15 : i32
      %dma_start3A_999 = arith.constant 1 : i32
      %dma_start3A_1000 = arith.constant 0 : i32
      %dma_start3A_1001 = arith.constant 0 : i32
      %dma_start3A_1002 = tpu.memref_slice %arg7[%dma_start3A_996, %dma_start3A_1000, %dma_start3A_1001] : memref<2x128x128xf32, #tpu.memory_space<vmem>> -> memref<1x128x128xf32, #tpu.memory_space<vmem>>
      %dma_start3A_1003 = tpu.memref_squeeze %dma_start3A_1002 : memref<1x128x128xf32, #tpu.memory_space<vmem>> -> memref<128x128xf32, #tpu.memory_space<vmem>>
      %dma_start3A_1004 = arith.constant 0 : i32
      %dma_start3A_1005 = tpu.memref_slice %arg6[%dma_start3A_997, %dma_start3A_998, %dma_start3A_1004] : memref<2x40x128xi32, #tpu.memory_space<vmem>> -> memref<1x1x128xi32, #tpu.memory_space<vmem>>
      %dma_start3A_1006 = tpu.memref_squeeze %dma_start3A_1005 : memref<1x1x128xi32, #tpu.memory_space<vmem>> -> memref<128xi32, #tpu.memory_space<vmem>>
      %dma_start3A_1007 = arith.constant 0 : i32
      %dma_start3A_1008 = arith.constant 0 : i32
      %dma_start3A_1009 = tpu.memref_slice %arg8[%dma_start3A_1007, %dma_start3A_1008] : memref<10112x128xf32, #tpu.memory_space<vmem_shared>> -> memref<10112x128xf32, #tpu.memory_space<vmem_shared>>
      %dma_start3A_1010 = tpu.memref_slice %arg10[%dma_start3A_999] : memref<2x!tpu.dma_semaphore, #tpu.memory_space<semaphore_mem>> -> memref<1x!tpu.dma_semaphore, #tpu.memory_space<semaphore_mem>>
      %dma_start3A_1011 = tpu.memref_squeeze %dma_start3A_1010 : memref<1x!tpu.dma_semaphore, #tpu.memory_space<semaphore_mem>> -> memref<!tpu.dma_semaphore, #tpu.memory_space<semaphore_mem>>
      tpu.enqueue_indirect_dma source(%dma_start3A_1003 : memref<128x128xf32, #tpu.memory_space<vmem>>) target(%dma_start3A_1009 : memref<10112x128xf32, #tpu.memory_space<vmem_shared>>) offsets(%dma_start3A_1006 : memref<128xi32, #tpu.memory_space<vmem>>) semaphore(%dma_start3A_1011 : memref<!tpu.dma_semaphore, #tpu.memory_space<semaphore_mem>>) {add = true}
      %dma_wait3A_1012 = arith.constant 0 : i32
      %dma_wait3A_1013 = arith.constant 1 : i32
      %dma_wait3A_1014 = arith.constant 14 : i32
      %dma_wait3A_1015 = arith.constant 0 : i32
      %dma_wait3A_1016 = arith.constant 0 : i32
      %dma_wait3A_1017 = arith.constant 0 : i32
      %dma_wait3A_1018 = tpu.memref_slice %arg7[%dma_wait3A_1012, %dma_wait3A_1016, %dma_wait3A_1017] : memref<2x128x128xf32, #tpu.memory_space<vmem>> -> memref<1x128x128xf32, #tpu.memory_space<vmem>>
      %dma_wait3A_1019 = tpu.memref_squeeze %dma_wait3A_1018 : memref<1x128x128xf32, #tpu.memory_space<vmem>> -> memref<128x128xf32, #tpu.memory_space<vmem>>
      %dma_wait3A_1020 = arith.constant 0 : i32
      %dma_wait3A_1021 = tpu.memref_slice %arg6[%dma_wait3A_1013, %dma_wait3A_1014, %dma_wait3A_1020] : memref<2x40x128xi32, #tpu.memory_space<vmem>> -> memref<1x1x128xi32, #tpu.memory_space<vmem>>
      %dma_wait3A_1022 = tpu.memref_squeeze %dma_wait3A_1021 : memref<1x1x128xi32, #tpu.memory_space<vmem>> -> memref<128xi32, #tpu.memory_space<vmem>>
      %dma_wait3A_1023 = arith.constant 0 : i32
      %dma_wait3A_1024 = arith.constant 0 : i32
      %dma_wait3A_1025 = tpu.memref_slice %arg8[%dma_wait3A_1023, %dma_wait3A_1024] : memref<10112x128xf32, #tpu.memory_space<vmem_shared>> -> memref<10112x128xf32, #tpu.memory_space<vmem_shared>>
      %dma_wait3A_1026 = tpu.memref_slice %arg10[%dma_wait3A_1015] : memref<2x!tpu.dma_semaphore, #tpu.memory_space<semaphore_mem>> -> memref<1x!tpu.dma_semaphore, #tpu.memory_space<semaphore_mem>>
      %dma_wait3A_1027 = tpu.memref_squeeze %dma_wait3A_1026 : memref<1x!tpu.dma_semaphore, #tpu.memory_space<semaphore_mem>> -> memref<!tpu.dma_semaphore, #tpu.memory_space<semaphore_mem>>
      tpu.wait_indirect_dma semaphore(%dma_wait3A_1027 : memref<!tpu.dma_semaphore, #tpu.memory_space<semaphore_mem>>) src(%dma_wait3A_1019 : memref<128x128xf32, #tpu.memory_space<vmem>>) dst(%dma_wait3A_1025 : memref<10112x128xf32, #tpu.memory_space<vmem_shared>>)
      %dma_start3A_1028 = arith.constant 0 : i32
      %dma_start3A_1029 = arith.constant 16 : i32
      %dma_start3A_1030 = arith.constant 0 : i32
      %dma_start3A_1031 = arith.constant 0 : i32
      %dma_start3A_1032 = arith.constant 0 : i32
      %dma_start3A_1033 = arith.constant 0 : i32
      %dma_start3A_1034 = tpu.memref_slice %arg7[%dma_start3A_1030, %dma_start3A_1032, %dma_start3A_1033] : memref<2x128x128xf32, #tpu.memory_space<vmem>> -> memref<1x128x128xf32, #tpu.memory_space<vmem>>
      %dma_start3A_1035 = tpu.memref_squeeze %dma_start3A_1034 : memref<1x128x128xf32, #tpu.memory_space<vmem>> -> memref<128x128xf32, #tpu.memory_space<vmem>>
      %dma_start3A_1036 = arith.constant 0 : i32
      %dma_start3A_1037 = tpu.memref_slice %arg6[%dma_start3A_1028, %dma_start3A_1029, %dma_start3A_1036] : memref<2x40x128xi32, #tpu.memory_space<vmem>> -> memref<1x1x128xi32, #tpu.memory_space<vmem>>
      %dma_start3A_1038 = tpu.memref_squeeze %dma_start3A_1037 : memref<1x1x128xi32, #tpu.memory_space<vmem>> -> memref<128xi32, #tpu.memory_space<vmem>>
      %dma_start3A_1039 = arith.constant 0 : i32
      %dma_start3A_1040 = arith.constant 0 : i32
      %dma_start3A_1041 = tpu.memref_slice %arg2[%dma_start3A_1039, %dma_start3A_1040] : memref<10000x128xf32, #tpu.memory_space<hbm>> -> memref<10000x128xf32, #tpu.memory_space<hbm>>
      %dma_start3A_1042 = tpu.memref_slice %arg9[%dma_start3A_1031] : memref<2x!tpu.dma_semaphore, #tpu.memory_space<semaphore_mem>> -> memref<1x!tpu.dma_semaphore, #tpu.memory_space<semaphore_mem>>
      %dma_start3A_1043 = tpu.memref_squeeze %dma_start3A_1042 : memref<1x!tpu.dma_semaphore, #tpu.memory_space<semaphore_mem>> -> memref<!tpu.dma_semaphore, #tpu.memory_space<semaphore_mem>>
      tpu.enqueue_indirect_dma source(%dma_start3A_1041 : memref<10000x128xf32, #tpu.memory_space<hbm>>) target(%dma_start3A_1035 : memref<128x128xf32, #tpu.memory_space<vmem>>) offsets(%dma_start3A_1038 : memref<128xi32, #tpu.memory_space<vmem>>) semaphore(%dma_start3A_1043 : memref<!tpu.dma_semaphore, #tpu.memory_space<semaphore_mem>>)
      %dma_wait3A_1044 = arith.constant 0 : i32
      %dma_wait3A_1045 = arith.constant 16 : i32
      %dma_wait3A_1046 = arith.constant 0 : i32
      %dma_wait3A_1047 = arith.constant 0 : i32
      %dma_wait3A_1048 = arith.constant 0 : i32
      %dma_wait3A_1049 = arith.constant 0 : i32
      %dma_wait3A_1050 = tpu.memref_slice %arg7[%dma_wait3A_1046, %dma_wait3A_1048, %dma_wait3A_1049] : memref<2x128x128xf32, #tpu.memory_space<vmem>> -> memref<1x128x128xf32, #tpu.memory_space<vmem>>
      %dma_wait3A_1051 = tpu.memref_squeeze %dma_wait3A_1050 : memref<1x128x128xf32, #tpu.memory_space<vmem>> -> memref<128x128xf32, #tpu.memory_space<vmem>>
      %dma_wait3A_1052 = arith.constant 0 : i32
      %dma_wait3A_1053 = tpu.memref_slice %arg6[%dma_wait3A_1044, %dma_wait3A_1045, %dma_wait3A_1052] : memref<2x40x128xi32, #tpu.memory_space<vmem>> -> memref<1x1x128xi32, #tpu.memory_space<vmem>>
      %dma_wait3A_1054 = tpu.memref_squeeze %dma_wait3A_1053 : memref<1x1x128xi32, #tpu.memory_space<vmem>> -> memref<128xi32, #tpu.memory_space<vmem>>
      %dma_wait3A_1055 = arith.constant 0 : i32
      %dma_wait3A_1056 = arith.constant 0 : i32
      %dma_wait3A_1057 = tpu.memref_slice %arg2[%dma_wait3A_1055, %dma_wait3A_1056] : memref<10000x128xf32, #tpu.memory_space<hbm>> -> memref<10000x128xf32, #tpu.memory_space<hbm>>
      %dma_wait3A_1058 = tpu.memref_slice %arg9[%dma_wait3A_1047] : memref<2x!tpu.dma_semaphore, #tpu.memory_space<semaphore_mem>> -> memref<1x!tpu.dma_semaphore, #tpu.memory_space<semaphore_mem>>
      %dma_wait3A_1059 = tpu.memref_squeeze %dma_wait3A_1058 : memref<1x!tpu.dma_semaphore, #tpu.memory_space<semaphore_mem>> -> memref<!tpu.dma_semaphore, #tpu.memory_space<semaphore_mem>>
      tpu.wait_indirect_dma semaphore(%dma_wait3A_1059 : memref<!tpu.dma_semaphore, #tpu.memory_space<semaphore_mem>>) src(%dma_wait3A_1057 : memref<10000x128xf32, #tpu.memory_space<hbm>>) dst(%dma_wait3A_1051 : memref<128x128xf32, #tpu.memory_space<vmem>>)
      %dma_start3A_1060 = arith.constant 0 : i32
      %dma_start3A_1061 = arith.constant 1 : i32
      %dma_start3A_1062 = arith.constant 16 : i32
      %dma_start3A_1063 = arith.constant 0 : i32
      %dma_start3A_1064 = arith.constant 0 : i32
      %dma_start3A_1065 = arith.constant 0 : i32
      %dma_start3A_1066 = tpu.memref_slice %arg7[%dma_start3A_1060, %dma_start3A_1064, %dma_start3A_1065] : memref<2x128x128xf32, #tpu.memory_space<vmem>> -> memref<1x128x128xf32, #tpu.memory_space<vmem>>
      %dma_start3A_1067 = tpu.memref_squeeze %dma_start3A_1066 : memref<1x128x128xf32, #tpu.memory_space<vmem>> -> memref<128x128xf32, #tpu.memory_space<vmem>>
      %dma_start3A_1068 = arith.constant 0 : i32
      %dma_start3A_1069 = tpu.memref_slice %arg6[%dma_start3A_1061, %dma_start3A_1062, %dma_start3A_1068] : memref<2x40x128xi32, #tpu.memory_space<vmem>> -> memref<1x1x128xi32, #tpu.memory_space<vmem>>
      %dma_start3A_1070 = tpu.memref_squeeze %dma_start3A_1069 : memref<1x1x128xi32, #tpu.memory_space<vmem>> -> memref<128xi32, #tpu.memory_space<vmem>>
      %dma_start3A_1071 = arith.constant 0 : i32
      %dma_start3A_1072 = arith.constant 0 : i32
      %dma_start3A_1073 = tpu.memref_slice %arg8[%dma_start3A_1071, %dma_start3A_1072] : memref<10112x128xf32, #tpu.memory_space<vmem_shared>> -> memref<10112x128xf32, #tpu.memory_space<vmem_shared>>
      %dma_start3A_1074 = tpu.memref_slice %arg10[%dma_start3A_1063] : memref<2x!tpu.dma_semaphore, #tpu.memory_space<semaphore_mem>> -> memref<1x!tpu.dma_semaphore, #tpu.memory_space<semaphore_mem>>
      %dma_start3A_1075 = tpu.memref_squeeze %dma_start3A_1074 : memref<1x!tpu.dma_semaphore, #tpu.memory_space<semaphore_mem>> -> memref<!tpu.dma_semaphore, #tpu.memory_space<semaphore_mem>>
      tpu.enqueue_indirect_dma source(%dma_start3A_1067 : memref<128x128xf32, #tpu.memory_space<vmem>>) target(%dma_start3A_1073 : memref<10112x128xf32, #tpu.memory_space<vmem_shared>>) offsets(%dma_start3A_1070 : memref<128xi32, #tpu.memory_space<vmem>>) semaphore(%dma_start3A_1075 : memref<!tpu.dma_semaphore, #tpu.memory_space<semaphore_mem>>) {add = true}
      %dma_wait3A_1076 = arith.constant 1 : i32
      %dma_wait3A_1077 = arith.constant 1 : i32
      %dma_wait3A_1078 = arith.constant 15 : i32
      %dma_wait3A_1079 = arith.constant 1 : i32
      %dma_wait3A_1080 = arith.constant 0 : i32
      %dma_wait3A_1081 = arith.constant 0 : i32
      %dma_wait3A_1082 = tpu.memref_slice %arg7[%dma_wait3A_1076, %dma_wait3A_1080, %dma_wait3A_1081] : memref<2x128x128xf32, #tpu.memory_space<vmem>> -> memref<1x128x128xf32, #tpu.memory_space<vmem>>
      %dma_wait3A_1083 = tpu.memref_squeeze %dma_wait3A_1082 : memref<1x128x128xf32, #tpu.memory_space<vmem>> -> memref<128x128xf32, #tpu.memory_space<vmem>>
      %dma_wait3A_1084 = arith.constant 0 : i32
      %dma_wait3A_1085 = tpu.memref_slice %arg6[%dma_wait3A_1077, %dma_wait3A_1078, %dma_wait3A_1084] : memref<2x40x128xi32, #tpu.memory_space<vmem>> -> memref<1x1x128xi32, #tpu.memory_space<vmem>>
      %dma_wait3A_1086 = tpu.memref_squeeze %dma_wait3A_1085 : memref<1x1x128xi32, #tpu.memory_space<vmem>> -> memref<128xi32, #tpu.memory_space<vmem>>
      %dma_wait3A_1087 = arith.constant 0 : i32
      %dma_wait3A_1088 = arith.constant 0 : i32
      %dma_wait3A_1089 = tpu.memref_slice %arg8[%dma_wait3A_1087, %dma_wait3A_1088] : memref<10112x128xf32, #tpu.memory_space<vmem_shared>> -> memref<10112x128xf32, #tpu.memory_space<vmem_shared>>
      %dma_wait3A_1090 = tpu.memref_slice %arg10[%dma_wait3A_1079] : memref<2x!tpu.dma_semaphore, #tpu.memory_space<semaphore_mem>> -> memref<1x!tpu.dma_semaphore, #tpu.memory_space<semaphore_mem>>
      %dma_wait3A_1091 = tpu.memref_squeeze %dma_wait3A_1090 : memref<1x!tpu.dma_semaphore, #tpu.memory_space<semaphore_mem>> -> memref<!tpu.dma_semaphore, #tpu.memory_space<semaphore_mem>>
      tpu.wait_indirect_dma semaphore(%dma_wait3A_1091 : memref<!tpu.dma_semaphore, #tpu.memory_space<semaphore_mem>>) src(%dma_wait3A_1083 : memref<128x128xf32, #tpu.memory_space<vmem>>) dst(%dma_wait3A_1089 : memref<10112x128xf32, #tpu.memory_space<vmem_shared>>)
      %dma_start3A_1092 = arith.constant 0 : i32
      %dma_start3A_1093 = arith.constant 17 : i32
      %dma_start3A_1094 = arith.constant 1 : i32
      %dma_start3A_1095 = arith.constant 1 : i32
      %dma_start3A_1096 = arith.constant 0 : i32
      %dma_start3A_1097 = arith.constant 0 : i32
      %dma_start3A_1098 = tpu.memref_slice %arg7[%dma_start3A_1094, %dma_start3A_1096, %dma_start3A_1097] : memref<2x128x128xf32, #tpu.memory_space<vmem>> -> memref<1x128x128xf32, #tpu.memory_space<vmem>>
      %dma_start3A_1099 = tpu.memref_squeeze %dma_start3A_1098 : memref<1x128x128xf32, #tpu.memory_space<vmem>> -> memref<128x128xf32, #tpu.memory_space<vmem>>
      %dma_start3A_1100 = arith.constant 0 : i32
      %dma_start3A_1101 = tpu.memref_slice %arg6[%dma_start3A_1092, %dma_start3A_1093, %dma_start3A_1100] : memref<2x40x128xi32, #tpu.memory_space<vmem>> -> memref<1x1x128xi32, #tpu.memory_space<vmem>>
      %dma_start3A_1102 = tpu.memref_squeeze %dma_start3A_1101 : memref<1x1x128xi32, #tpu.memory_space<vmem>> -> memref<128xi32, #tpu.memory_space<vmem>>
      %dma_start3A_1103 = arith.constant 0 : i32
      %dma_start3A_1104 = arith.constant 0 : i32
      %dma_start3A_1105 = tpu.memref_slice %arg2[%dma_start3A_1103, %dma_start3A_1104] : memref<10000x128xf32, #tpu.memory_space<hbm>> -> memref<10000x128xf32, #tpu.memory_space<hbm>>
      %dma_start3A_1106 = tpu.memref_slice %arg9[%dma_start3A_1095] : memref<2x!tpu.dma_semaphore, #tpu.memory_space<semaphore_mem>> -> memref<1x!tpu.dma_semaphore, #tpu.memory_space<semaphore_mem>>
      %dma_start3A_1107 = tpu.memref_squeeze %dma_start3A_1106 : memref<1x!tpu.dma_semaphore, #tpu.memory_space<semaphore_mem>> -> memref<!tpu.dma_semaphore, #tpu.memory_space<semaphore_mem>>
      tpu.enqueue_indirect_dma source(%dma_start3A_1105 : memref<10000x128xf32, #tpu.memory_space<hbm>>) target(%dma_start3A_1099 : memref<128x128xf32, #tpu.memory_space<vmem>>) offsets(%dma_start3A_1102 : memref<128xi32, #tpu.memory_space<vmem>>) semaphore(%dma_start3A_1107 : memref<!tpu.dma_semaphore, #tpu.memory_space<semaphore_mem>>)
      %dma_wait3A_1108 = arith.constant 0 : i32
      %dma_wait3A_1109 = arith.constant 17 : i32
      %dma_wait3A_1110 = arith.constant 1 : i32
      %dma_wait3A_1111 = arith.constant 1 : i32
      %dma_wait3A_1112 = arith.constant 0 : i32
      %dma_wait3A_1113 = arith.constant 0 : i32
      %dma_wait3A_1114 = tpu.memref_slice %arg7[%dma_wait3A_1110, %dma_wait3A_1112, %dma_wait3A_1113] : memref<2x128x128xf32, #tpu.memory_space<vmem>> -> memref<1x128x128xf32, #tpu.memory_space<vmem>>
      %dma_wait3A_1115 = tpu.memref_squeeze %dma_wait3A_1114 : memref<1x128x128xf32, #tpu.memory_space<vmem>> -> memref<128x128xf32, #tpu.memory_space<vmem>>
      %dma_wait3A_1116 = arith.constant 0 : i32
      %dma_wait3A_1117 = tpu.memref_slice %arg6[%dma_wait3A_1108, %dma_wait3A_1109, %dma_wait3A_1116] : memref<2x40x128xi32, #tpu.memory_space<vmem>> -> memref<1x1x128xi32, #tpu.memory_space<vmem>>
      %dma_wait3A_1118 = tpu.memref_squeeze %dma_wait3A_1117 : memref<1x1x128xi32, #tpu.memory_space<vmem>> -> memref<128xi32, #tpu.memory_space<vmem>>
      %dma_wait3A_1119 = arith.constant 0 : i32
      %dma_wait3A_1120 = arith.constant 0 : i32
      %dma_wait3A_1121 = tpu.memref_slice %arg2[%dma_wait3A_1119, %dma_wait3A_1120] : memref<10000x128xf32, #tpu.memory_space<hbm>> -> memref<10000x128xf32, #tpu.memory_space<hbm>>
      %dma_wait3A_1122 = tpu.memref_slice %arg9[%dma_wait3A_1111] : memref<2x!tpu.dma_semaphore, #tpu.memory_space<semaphore_mem>> -> memref<1x!tpu.dma_semaphore, #tpu.memory_space<semaphore_mem>>
      %dma_wait3A_1123 = tpu.memref_squeeze %dma_wait3A_1122 : memref<1x!tpu.dma_semaphore, #tpu.memory_space<semaphore_mem>> -> memref<!tpu.dma_semaphore, #tpu.memory_space<semaphore_mem>>
      tpu.wait_indirect_dma semaphore(%dma_wait3A_1123 : memref<!tpu.dma_semaphore, #tpu.memory_space<semaphore_mem>>) src(%dma_wait3A_1121 : memref<10000x128xf32, #tpu.memory_space<hbm>>) dst(%dma_wait3A_1115 : memref<128x128xf32, #tpu.memory_space<vmem>>)
      %dma_start3A_1124 = arith.constant 1 : i32
      %dma_start3A_1125 = arith.constant 1 : i32
      %dma_start3A_1126 = arith.constant 17 : i32
      %dma_start3A_1127 = arith.constant 1 : i32
      %dma_start3A_1128 = arith.constant 0 : i32
      %dma_start3A_1129 = arith.constant 0 : i32
      %dma_start3A_1130 = tpu.memref_slice %arg7[%dma_start3A_1124, %dma_start3A_1128, %dma_start3A_1129] : memref<2x128x128xf32, #tpu.memory_space<vmem>> -> memref<1x128x128xf32, #tpu.memory_space<vmem>>
      %dma_start3A_1131 = tpu.memref_squeeze %dma_start3A_1130 : memref<1x128x128xf32, #tpu.memory_space<vmem>> -> memref<128x128xf32, #tpu.memory_space<vmem>>
      %dma_start3A_1132 = arith.constant 0 : i32
      %dma_start3A_1133 = tpu.memref_slice %arg6[%dma_start3A_1125, %dma_start3A_1126, %dma_start3A_1132] : memref<2x40x128xi32, #tpu.memory_space<vmem>> -> memref<1x1x128xi32, #tpu.memory_space<vmem>>
      %dma_start3A_1134 = tpu.memref_squeeze %dma_start3A_1133 : memref<1x1x128xi32, #tpu.memory_space<vmem>> -> memref<128xi32, #tpu.memory_space<vmem>>
      %dma_start3A_1135 = arith.constant 0 : i32
      %dma_start3A_1136 = arith.constant 0 : i32
      %dma_start3A_1137 = tpu.memref_slice %arg8[%dma_start3A_1135, %dma_start3A_1136] : memref<10112x128xf32, #tpu.memory_space<vmem_shared>> -> memref<10112x128xf32, #tpu.memory_space<vmem_shared>>
      %dma_start3A_1138 = tpu.memref_slice %arg10[%dma_start3A_1127] : memref<2x!tpu.dma_semaphore, #tpu.memory_space<semaphore_mem>> -> memref<1x!tpu.dma_semaphore, #tpu.memory_space<semaphore_mem>>
      %dma_start3A_1139 = tpu.memref_squeeze %dma_start3A_1138 : memref<1x!tpu.dma_semaphore, #tpu.memory_space<semaphore_mem>> -> memref<!tpu.dma_semaphore, #tpu.memory_space<semaphore_mem>>
      tpu.enqueue_indirect_dma source(%dma_start3A_1131 : memref<128x128xf32, #tpu.memory_space<vmem>>) target(%dma_start3A_1137 : memref<10112x128xf32, #tpu.memory_space<vmem_shared>>) offsets(%dma_start3A_1134 : memref<128xi32, #tpu.memory_space<vmem>>) semaphore(%dma_start3A_1139 : memref<!tpu.dma_semaphore, #tpu.memory_space<semaphore_mem>>) {add = true}
      %dma_wait3A_1140 = arith.constant 0 : i32
      %dma_wait3A_1141 = arith.constant 1 : i32
      %dma_wait3A_1142 = arith.constant 16 : i32
      %dma_wait3A_1143 = arith.constant 0 : i32
      %dma_wait3A_1144 = arith.constant 0 : i32
      %dma_wait3A_1145 = arith.constant 0 : i32
      %dma_wait3A_1146 = tpu.memref_slice %arg7[%dma_wait3A_1140, %dma_wait3A_1144, %dma_wait3A_1145] : memref<2x128x128xf32, #tpu.memory_space<vmem>> -> memref<1x128x128xf32, #tpu.memory_space<vmem>>
      %dma_wait3A_1147 = tpu.memref_squeeze %dma_wait3A_1146 : memref<1x128x128xf32, #tpu.memory_space<vmem>> -> memref<128x128xf32, #tpu.memory_space<vmem>>
      %dma_wait3A_1148 = arith.constant 0 : i32
      %dma_wait3A_1149 = tpu.memref_slice %arg6[%dma_wait3A_1141, %dma_wait3A_1142, %dma_wait3A_1148] : memref<2x40x128xi32, #tpu.memory_space<vmem>> -> memref<1x1x128xi32, #tpu.memory_space<vmem>>
      %dma_wait3A_1150 = tpu.memref_squeeze %dma_wait3A_1149 : memref<1x1x128xi32, #tpu.memory_space<vmem>> -> memref<128xi32, #tpu.memory_space<vmem>>
      %dma_wait3A_1151 = arith.constant 0 : i32
      %dma_wait3A_1152 = arith.constant 0 : i32
      %dma_wait3A_1153 = tpu.memref_slice %arg8[%dma_wait3A_1151, %dma_wait3A_1152] : memref<10112x128xf32, #tpu.memory_space<vmem_shared>> -> memref<10112x128xf32, #tpu.memory_space<vmem_shared>>
      %dma_wait3A_1154 = tpu.memref_slice %arg10[%dma_wait3A_1143] : memref<2x!tpu.dma_semaphore, #tpu.memory_space<semaphore_mem>> -> memref<1x!tpu.dma_semaphore, #tpu.memory_space<semaphore_mem>>
      %dma_wait3A_1155 = tpu.memref_squeeze %dma_wait3A_1154 : memref<1x!tpu.dma_semaphore, #tpu.memory_space<semaphore_mem>> -> memref<!tpu.dma_semaphore, #tpu.memory_space<semaphore_mem>>
      tpu.wait_indirect_dma semaphore(%dma_wait3A_1155 : memref<!tpu.dma_semaphore, #tpu.memory_space<semaphore_mem>>) src(%dma_wait3A_1147 : memref<128x128xf32, #tpu.memory_space<vmem>>) dst(%dma_wait3A_1153 : memref<10112x128xf32, #tpu.memory_space<vmem_shared>>)
      %dma_start3A_1156 = arith.constant 0 : i32
      %dma_start3A_1157 = arith.constant 18 : i32
      %dma_start3A_1158 = arith.constant 0 : i32
      %dma_start3A_1159 = arith.constant 0 : i32
      %dma_start3A_1160 = arith.constant 0 : i32
      %dma_start3A_1161 = arith.constant 0 : i32
      %dma_start3A_1162 = tpu.memref_slice %arg7[%dma_start3A_1158, %dma_start3A_1160, %dma_start3A_1161] : memref<2x128x128xf32, #tpu.memory_space<vmem>> -> memref<1x128x128xf32, #tpu.memory_space<vmem>>
      %dma_start3A_1163 = tpu.memref_squeeze %dma_start3A_1162 : memref<1x128x128xf32, #tpu.memory_space<vmem>> -> memref<128x128xf32, #tpu.memory_space<vmem>>
      %dma_start3A_1164 = arith.constant 0 : i32
      %dma_start3A_1165 = tpu.memref_slice %arg6[%dma_start3A_1156, %dma_start3A_1157, %dma_start3A_1164] : memref<2x40x128xi32, #tpu.memory_space<vmem>> -> memref<1x1x128xi32, #tpu.memory_space<vmem>>
      %dma_start3A_1166 = tpu.memref_squeeze %dma_start3A_1165 : memref<1x1x128xi32, #tpu.memory_space<vmem>> -> memref<128xi32, #tpu.memory_space<vmem>>
      %dma_start3A_1167 = arith.constant 0 : i32
      %dma_start3A_1168 = arith.constant 0 : i32
      %dma_start3A_1169 = tpu.memref_slice %arg2[%dma_start3A_1167, %dma_start3A_1168] : memref<10000x128xf32, #tpu.memory_space<hbm>> -> memref<10000x128xf32, #tpu.memory_space<hbm>>
      %dma_start3A_1170 = tpu.memref_slice %arg9[%dma_start3A_1159] : memref<2x!tpu.dma_semaphore, #tpu.memory_space<semaphore_mem>> -> memref<1x!tpu.dma_semaphore, #tpu.memory_space<semaphore_mem>>
      %dma_start3A_1171 = tpu.memref_squeeze %dma_start3A_1170 : memref<1x!tpu.dma_semaphore, #tpu.memory_space<semaphore_mem>> -> memref<!tpu.dma_semaphore, #tpu.memory_space<semaphore_mem>>
      tpu.enqueue_indirect_dma source(%dma_start3A_1169 : memref<10000x128xf32, #tpu.memory_space<hbm>>) target(%dma_start3A_1163 : memref<128x128xf32, #tpu.memory_space<vmem>>) offsets(%dma_start3A_1166 : memref<128xi32, #tpu.memory_space<vmem>>) semaphore(%dma_start3A_1171 : memref<!tpu.dma_semaphore, #tpu.memory_space<semaphore_mem>>)
      %dma_wait3A_1172 = arith.constant 0 : i32
      %dma_wait3A_1173 = arith.constant 18 : i32
      %dma_wait3A_1174 = arith.constant 0 : i32
      %dma_wait3A_1175 = arith.constant 0 : i32
      %dma_wait3A_1176 = arith.constant 0 : i32
      %dma_wait3A_1177 = arith.constant 0 : i32
      %dma_wait3A_1178 = tpu.memref_slice %arg7[%dma_wait3A_1174, %dma_wait3A_1176, %dma_wait3A_1177] : memref<2x128x128xf32, #tpu.memory_space<vmem>> -> memref<1x128x128xf32, #tpu.memory_space<vmem>>
      %dma_wait3A_1179 = tpu.memref_squeeze %dma_wait3A_1178 : memref<1x128x128xf32, #tpu.memory_space<vmem>> -> memref<128x128xf32, #tpu.memory_space<vmem>>
      %dma_wait3A_1180 = arith.constant 0 : i32
      %dma_wait3A_1181 = tpu.memref_slice %arg6[%dma_wait3A_1172, %dma_wait3A_1173, %dma_wait3A_1180] : memref<2x40x128xi32, #tpu.memory_space<vmem>> -> memref<1x1x128xi32, #tpu.memory_space<vmem>>
      %dma_wait3A_1182 = tpu.memref_squeeze %dma_wait3A_1181 : memref<1x1x128xi32, #tpu.memory_space<vmem>> -> memref<128xi32, #tpu.memory_space<vmem>>
      %dma_wait3A_1183 = arith.constant 0 : i32
      %dma_wait3A_1184 = arith.constant 0 : i32
      %dma_wait3A_1185 = tpu.memref_slice %arg2[%dma_wait3A_1183, %dma_wait3A_1184] : memref<10000x128xf32, #tpu.memory_space<hbm>> -> memref<10000x128xf32, #tpu.memory_space<hbm>>
      %dma_wait3A_1186 = tpu.memref_slice %arg9[%dma_wait3A_1175] : memref<2x!tpu.dma_semaphore, #tpu.memory_space<semaphore_mem>> -> memref<1x!tpu.dma_semaphore, #tpu.memory_space<semaphore_mem>>
      %dma_wait3A_1187 = tpu.memref_squeeze %dma_wait3A_1186 : memref<1x!tpu.dma_semaphore, #tpu.memory_space<semaphore_mem>> -> memref<!tpu.dma_semaphore, #tpu.memory_space<semaphore_mem>>
      tpu.wait_indirect_dma semaphore(%dma_wait3A_1187 : memref<!tpu.dma_semaphore, #tpu.memory_space<semaphore_mem>>) src(%dma_wait3A_1185 : memref<10000x128xf32, #tpu.memory_space<hbm>>) dst(%dma_wait3A_1179 : memref<128x128xf32, #tpu.memory_space<vmem>>)
      %dma_start3A_1188 = arith.constant 0 : i32
      %dma_start3A_1189 = arith.constant 1 : i32
      %dma_start3A_1190 = arith.constant 18 : i32
      %dma_start3A_1191 = arith.constant 0 : i32
      %dma_start3A_1192 = arith.constant 0 : i32
      %dma_start3A_1193 = arith.constant 0 : i32
      %dma_start3A_1194 = tpu.memref_slice %arg7[%dma_start3A_1188, %dma_start3A_1192, %dma_start3A_1193] : memref<2x128x128xf32, #tpu.memory_space<vmem>> -> memref<1x128x128xf32, #tpu.memory_space<vmem>>
      %dma_start3A_1195 = tpu.memref_squeeze %dma_start3A_1194 : memref<1x128x128xf32, #tpu.memory_space<vmem>> -> memref<128x128xf32, #tpu.memory_space<vmem>>
      %dma_start3A_1196 = arith.constant 0 : i32
      %dma_start3A_1197 = tpu.memref_slice %arg6[%dma_start3A_1189, %dma_start3A_1190, %dma_start3A_1196] : memref<2x40x128xi32, #tpu.memory_space<vmem>> -> memref<1x1x128xi32, #tpu.memory_space<vmem>>
      %dma_start3A_1198 = tpu.memref_squeeze %dma_start3A_1197 : memref<1x1x128xi32, #tpu.memory_space<vmem>> -> memref<128xi32, #tpu.memory_space<vmem>>
      %dma_start3A_1199 = arith.constant 0 : i32
      %dma_start3A_1200 = arith.constant 0 : i32
      %dma_start3A_1201 = tpu.memref_slice %arg8[%dma_start3A_1199, %dma_start3A_1200] : memref<10112x128xf32, #tpu.memory_space<vmem_shared>> -> memref<10112x128xf32, #tpu.memory_space<vmem_shared>>
      %dma_start3A_1202 = tpu.memref_slice %arg10[%dma_start3A_1191] : memref<2x!tpu.dma_semaphore, #tpu.memory_space<semaphore_mem>> -> memref<1x!tpu.dma_semaphore, #tpu.memory_space<semaphore_mem>>
      %dma_start3A_1203 = tpu.memref_squeeze %dma_start3A_1202 : memref<1x!tpu.dma_semaphore, #tpu.memory_space<semaphore_mem>> -> memref<!tpu.dma_semaphore, #tpu.memory_space<semaphore_mem>>
      tpu.enqueue_indirect_dma source(%dma_start3A_1195 : memref<128x128xf32, #tpu.memory_space<vmem>>) target(%dma_start3A_1201 : memref<10112x128xf32, #tpu.memory_space<vmem_shared>>) offsets(%dma_start3A_1198 : memref<128xi32, #tpu.memory_space<vmem>>) semaphore(%dma_start3A_1203 : memref<!tpu.dma_semaphore, #tpu.memory_space<semaphore_mem>>) {add = true}
      %dma_wait3A_1204 = arith.constant 1 : i32
      %dma_wait3A_1205 = arith.constant 1 : i32
      %dma_wait3A_1206 = arith.constant 17 : i32
      %dma_wait3A_1207 = arith.constant 1 : i32
      %dma_wait3A_1208 = arith.constant 0 : i32
      %dma_wait3A_1209 = arith.constant 0 : i32
      %dma_wait3A_1210 = tpu.memref_slice %arg7[%dma_wait3A_1204, %dma_wait3A_1208, %dma_wait3A_1209] : memref<2x128x128xf32, #tpu.memory_space<vmem>> -> memref<1x128x128xf32, #tpu.memory_space<vmem>>
      %dma_wait3A_1211 = tpu.memref_squeeze %dma_wait3A_1210 : memref<1x128x128xf32, #tpu.memory_space<vmem>> -> memref<128x128xf32, #tpu.memory_space<vmem>>
      %dma_wait3A_1212 = arith.constant 0 : i32
      %dma_wait3A_1213 = tpu.memref_slice %arg6[%dma_wait3A_1205, %dma_wait3A_1206, %dma_wait3A_1212] : memref<2x40x128xi32, #tpu.memory_space<vmem>> -> memref<1x1x128xi32, #tpu.memory_space<vmem>>
      %dma_wait3A_1214 = tpu.memref_squeeze %dma_wait3A_1213 : memref<1x1x128xi32, #tpu.memory_space<vmem>> -> memref<128xi32, #tpu.memory_space<vmem>>
      %dma_wait3A_1215 = arith.constant 0 : i32
      %dma_wait3A_1216 = arith.constant 0 : i32
      %dma_wait3A_1217 = tpu.memref_slice %arg8[%dma_wait3A_1215, %dma_wait3A_1216] : memref<10112x128xf32, #tpu.memory_space<vmem_shared>> -> memref<10112x128xf32, #tpu.memory_space<vmem_shared>>
      %dma_wait3A_1218 = tpu.memref_slice %arg10[%dma_wait3A_1207] : memref<2x!tpu.dma_semaphore, #tpu.memory_space<semaphore_mem>> -> memref<1x!tpu.dma_semaphore, #tpu.memory_space<semaphore_mem>>
      %dma_wait3A_1219 = tpu.memref_squeeze %dma_wait3A_1218 : memref<1x!tpu.dma_semaphore, #tpu.memory_space<semaphore_mem>> -> memref<!tpu.dma_semaphore, #tpu.memory_space<semaphore_mem>>
      tpu.wait_indirect_dma semaphore(%dma_wait3A_1219 : memref<!tpu.dma_semaphore, #tpu.memory_space<semaphore_mem>>) src(%dma_wait3A_1211 : memref<128x128xf32, #tpu.memory_space<vmem>>) dst(%dma_wait3A_1217 : memref<10112x128xf32, #tpu.memory_space<vmem_shared>>)
      %dma_start3A_1220 = arith.constant 0 : i32
      %dma_start3A_1221 = arith.constant 19 : i32
      %dma_start3A_1222 = arith.constant 1 : i32
      %dma_start3A_1223 = arith.constant 1 : i32
      %dma_start3A_1224 = arith.constant 0 : i32
      %dma_start3A_1225 = arith.constant 0 : i32
      %dma_start3A_1226 = tpu.memref_slice %arg7[%dma_start3A_1222, %dma_start3A_1224, %dma_start3A_1225] : memref<2x128x128xf32, #tpu.memory_space<vmem>> -> memref<1x128x128xf32, #tpu.memory_space<vmem>>
      %dma_start3A_1227 = tpu.memref_squeeze %dma_start3A_1226 : memref<1x128x128xf32, #tpu.memory_space<vmem>> -> memref<128x128xf32, #tpu.memory_space<vmem>>
      %dma_start3A_1228 = arith.constant 0 : i32
      %dma_start3A_1229 = tpu.memref_slice %arg6[%dma_start3A_1220, %dma_start3A_1221, %dma_start3A_1228] : memref<2x40x128xi32, #tpu.memory_space<vmem>> -> memref<1x1x128xi32, #tpu.memory_space<vmem>>
      %dma_start3A_1230 = tpu.memref_squeeze %dma_start3A_1229 : memref<1x1x128xi32, #tpu.memory_space<vmem>> -> memref<128xi32, #tpu.memory_space<vmem>>
      %dma_start3A_1231 = arith.constant 0 : i32
      %dma_start3A_1232 = arith.constant 0 : i32
      %dma_start3A_1233 = tpu.memref_slice %arg2[%dma_start3A_1231, %dma_start3A_1232] : memref<10000x128xf32, #tpu.memory_space<hbm>> -> memref<10000x128xf32, #tpu.memory_space<hbm>>
      %dma_start3A_1234 = tpu.memref_slice %arg9[%dma_start3A_1223] : memref<2x!tpu.dma_semaphore, #tpu.memory_space<semaphore_mem>> -> memref<1x!tpu.dma_semaphore, #tpu.memory_space<semaphore_mem>>
      %dma_start3A_1235 = tpu.memref_squeeze %dma_start3A_1234 : memref<1x!tpu.dma_semaphore, #tpu.memory_space<semaphore_mem>> -> memref<!tpu.dma_semaphore, #tpu.memory_space<semaphore_mem>>
      tpu.enqueue_indirect_dma source(%dma_start3A_1233 : memref<10000x128xf32, #tpu.memory_space<hbm>>) target(%dma_start3A_1227 : memref<128x128xf32, #tpu.memory_space<vmem>>) offsets(%dma_start3A_1230 : memref<128xi32, #tpu.memory_space<vmem>>) semaphore(%dma_start3A_1235 : memref<!tpu.dma_semaphore, #tpu.memory_space<semaphore_mem>>)
      %dma_wait3A_1236 = arith.constant 0 : i32
      %dma_wait3A_1237 = arith.constant 19 : i32
      %dma_wait3A_1238 = arith.constant 1 : i32
      %dma_wait3A_1239 = arith.constant 1 : i32
      %dma_wait3A_1240 = arith.constant 0 : i32
      %dma_wait3A_1241 = arith.constant 0 : i32
      %dma_wait3A_1242 = tpu.memref_slice %arg7[%dma_wait3A_1238, %dma_wait3A_1240, %dma_wait3A_1241] : memref<2x128x128xf32, #tpu.memory_space<vmem>> -> memref<1x128x128xf32, #tpu.memory_space<vmem>>
      %dma_wait3A_1243 = tpu.memref_squeeze %dma_wait3A_1242 : memref<1x128x128xf32, #tpu.memory_space<vmem>> -> memref<128x128xf32, #tpu.memory_space<vmem>>
      %dma_wait3A_1244 = arith.constant 0 : i32
      %dma_wait3A_1245 = tpu.memref_slice %arg6[%dma_wait3A_1236, %dma_wait3A_1237, %dma_wait3A_1244] : memref<2x40x128xi32, #tpu.memory_space<vmem>> -> memref<1x1x128xi32, #tpu.memory_space<vmem>>
      %dma_wait3A_1246 = tpu.memref_squeeze %dma_wait3A_1245 : memref<1x1x128xi32, #tpu.memory_space<vmem>> -> memref<128xi32, #tpu.memory_space<vmem>>
      %dma_wait3A_1247 = arith.constant 0 : i32
      %dma_wait3A_1248 = arith.constant 0 : i32
      %dma_wait3A_1249 = tpu.memref_slice %arg2[%dma_wait3A_1247, %dma_wait3A_1248] : memref<10000x128xf32, #tpu.memory_space<hbm>> -> memref<10000x128xf32, #tpu.memory_space<hbm>>
      %dma_wait3A_1250 = tpu.memref_slice %arg9[%dma_wait3A_1239] : memref<2x!tpu.dma_semaphore, #tpu.memory_space<semaphore_mem>> -> memref<1x!tpu.dma_semaphore, #tpu.memory_space<semaphore_mem>>
      %dma_wait3A_1251 = tpu.memref_squeeze %dma_wait3A_1250 : memref<1x!tpu.dma_semaphore, #tpu.memory_space<semaphore_mem>> -> memref<!tpu.dma_semaphore, #tpu.memory_space<semaphore_mem>>
      tpu.wait_indirect_dma semaphore(%dma_wait3A_1251 : memref<!tpu.dma_semaphore, #tpu.memory_space<semaphore_mem>>) src(%dma_wait3A_1249 : memref<10000x128xf32, #tpu.memory_space<hbm>>) dst(%dma_wait3A_1243 : memref<128x128xf32, #tpu.memory_space<vmem>>)
      %dma_start3A_1252 = arith.constant 1 : i32
      %dma_start3A_1253 = arith.constant 1 : i32
      %dma_start3A_1254 = arith.constant 19 : i32
      %dma_start3A_1255 = arith.constant 1 : i32
      %dma_start3A_1256 = arith.constant 0 : i32
      %dma_start3A_1257 = arith.constant 0 : i32
      %dma_start3A_1258 = tpu.memref_slice %arg7[%dma_start3A_1252, %dma_start3A_1256, %dma_start3A_1257] : memref<2x128x128xf32, #tpu.memory_space<vmem>> -> memref<1x128x128xf32, #tpu.memory_space<vmem>>
      %dma_start3A_1259 = tpu.memref_squeeze %dma_start3A_1258 : memref<1x128x128xf32, #tpu.memory_space<vmem>> -> memref<128x128xf32, #tpu.memory_space<vmem>>
      %dma_start3A_1260 = arith.constant 0 : i32
      %dma_start3A_1261 = tpu.memref_slice %arg6[%dma_start3A_1253, %dma_start3A_1254, %dma_start3A_1260] : memref<2x40x128xi32, #tpu.memory_space<vmem>> -> memref<1x1x128xi32, #tpu.memory_space<vmem>>
      %dma_start3A_1262 = tpu.memref_squeeze %dma_start3A_1261 : memref<1x1x128xi32, #tpu.memory_space<vmem>> -> memref<128xi32, #tpu.memory_space<vmem>>
      %dma_start3A_1263 = arith.constant 0 : i32
      %dma_start3A_1264 = arith.constant 0 : i32
      %dma_start3A_1265 = tpu.memref_slice %arg8[%dma_start3A_1263, %dma_start3A_1264] : memref<10112x128xf32, #tpu.memory_space<vmem_shared>> -> memref<10112x128xf32, #tpu.memory_space<vmem_shared>>
      %dma_start3A_1266 = tpu.memref_slice %arg10[%dma_start3A_1255] : memref<2x!tpu.dma_semaphore, #tpu.memory_space<semaphore_mem>> -> memref<1x!tpu.dma_semaphore, #tpu.memory_space<semaphore_mem>>
      %dma_start3A_1267 = tpu.memref_squeeze %dma_start3A_1266 : memref<1x!tpu.dma_semaphore, #tpu.memory_space<semaphore_mem>> -> memref<!tpu.dma_semaphore, #tpu.memory_space<semaphore_mem>>
      tpu.enqueue_indirect_dma source(%dma_start3A_1259 : memref<128x128xf32, #tpu.memory_space<vmem>>) target(%dma_start3A_1265 : memref<10112x128xf32, #tpu.memory_space<vmem_shared>>) offsets(%dma_start3A_1262 : memref<128xi32, #tpu.memory_space<vmem>>) semaphore(%dma_start3A_1267 : memref<!tpu.dma_semaphore, #tpu.memory_space<semaphore_mem>>) {add = true}
      %dma_wait3A_1268 = arith.constant 0 : i32
      %dma_wait3A_1269 = arith.constant 1 : i32
      %dma_wait3A_1270 = arith.constant 18 : i32
      %dma_wait3A_1271 = arith.constant 0 : i32
      %dma_wait3A_1272 = arith.constant 0 : i32
      %dma_wait3A_1273 = arith.constant 0 : i32
      %dma_wait3A_1274 = tpu.memref_slice %arg7[%dma_wait3A_1268, %dma_wait3A_1272, %dma_wait3A_1273] : memref<2x128x128xf32, #tpu.memory_space<vmem>> -> memref<1x128x128xf32, #tpu.memory_space<vmem>>
      %dma_wait3A_1275 = tpu.memref_squeeze %dma_wait3A_1274 : memref<1x128x128xf32, #tpu.memory_space<vmem>> -> memref<128x128xf32, #tpu.memory_space<vmem>>
      %dma_wait3A_1276 = arith.constant 0 : i32
      %dma_wait3A_1277 = tpu.memref_slice %arg6[%dma_wait3A_1269, %dma_wait3A_1270, %dma_wait3A_1276] : memref<2x40x128xi32, #tpu.memory_space<vmem>> -> memref<1x1x128xi32, #tpu.memory_space<vmem>>
      %dma_wait3A_1278 = tpu.memref_squeeze %dma_wait3A_1277 : memref<1x1x128xi32, #tpu.memory_space<vmem>> -> memref<128xi32, #tpu.memory_space<vmem>>
      %dma_wait3A_1279 = arith.constant 0 : i32
      %dma_wait3A_1280 = arith.constant 0 : i32
      %dma_wait3A_1281 = tpu.memref_slice %arg8[%dma_wait3A_1279, %dma_wait3A_1280] : memref<10112x128xf32, #tpu.memory_space<vmem_shared>> -> memref<10112x128xf32, #tpu.memory_space<vmem_shared>>
      %dma_wait3A_1282 = tpu.memref_slice %arg10[%dma_wait3A_1271] : memref<2x!tpu.dma_semaphore, #tpu.memory_space<semaphore_mem>> -> memref<1x!tpu.dma_semaphore, #tpu.memory_space<semaphore_mem>>
      %dma_wait3A_1283 = tpu.memref_squeeze %dma_wait3A_1282 : memref<1x!tpu.dma_semaphore, #tpu.memory_space<semaphore_mem>> -> memref<!tpu.dma_semaphore, #tpu.memory_space<semaphore_mem>>
      tpu.wait_indirect_dma semaphore(%dma_wait3A_1283 : memref<!tpu.dma_semaphore, #tpu.memory_space<semaphore_mem>>) src(%dma_wait3A_1275 : memref<128x128xf32, #tpu.memory_space<vmem>>) dst(%dma_wait3A_1281 : memref<10112x128xf32, #tpu.memory_space<vmem_shared>>)
      %dma_start3A_1284 = arith.constant 0 : i32
      %dma_start3A_1285 = arith.constant 20 : i32
      %dma_start3A_1286 = arith.constant 0 : i32
      %dma_start3A_1287 = arith.constant 0 : i32
      %dma_start3A_1288 = arith.constant 0 : i32
      %dma_start3A_1289 = arith.constant 0 : i32
      %dma_start3A_1290 = tpu.memref_slice %arg7[%dma_start3A_1286, %dma_start3A_1288, %dma_start3A_1289] : memref<2x128x128xf32, #tpu.memory_space<vmem>> -> memref<1x128x128xf32, #tpu.memory_space<vmem>>
      %dma_start3A_1291 = tpu.memref_squeeze %dma_start3A_1290 : memref<1x128x128xf32, #tpu.memory_space<vmem>> -> memref<128x128xf32, #tpu.memory_space<vmem>>
      %dma_start3A_1292 = arith.constant 0 : i32
      %dma_start3A_1293 = tpu.memref_slice %arg6[%dma_start3A_1284, %dma_start3A_1285, %dma_start3A_1292] : memref<2x40x128xi32, #tpu.memory_space<vmem>> -> memref<1x1x128xi32, #tpu.memory_space<vmem>>
      %dma_start3A_1294 = tpu.memref_squeeze %dma_start3A_1293 : memref<1x1x128xi32, #tpu.memory_space<vmem>> -> memref<128xi32, #tpu.memory_space<vmem>>
      %dma_start3A_1295 = arith.constant 0 : i32
      %dma_start3A_1296 = arith.constant 0 : i32
      %dma_start3A_1297 = tpu.memref_slice %arg2[%dma_start3A_1295, %dma_start3A_1296] : memref<10000x128xf32, #tpu.memory_space<hbm>> -> memref<10000x128xf32, #tpu.memory_space<hbm>>
      %dma_start3A_1298 = tpu.memref_slice %arg9[%dma_start3A_1287] : memref<2x!tpu.dma_semaphore, #tpu.memory_space<semaphore_mem>> -> memref<1x!tpu.dma_semaphore, #tpu.memory_space<semaphore_mem>>
      %dma_start3A_1299 = tpu.memref_squeeze %dma_start3A_1298 : memref<1x!tpu.dma_semaphore, #tpu.memory_space<semaphore_mem>> -> memref<!tpu.dma_semaphore, #tpu.memory_space<semaphore_mem>>
      tpu.enqueue_indirect_dma source(%dma_start3A_1297 : memref<10000x128xf32, #tpu.memory_space<hbm>>) target(%dma_start3A_1291 : memref<128x128xf32, #tpu.memory_space<vmem>>) offsets(%dma_start3A_1294 : memref<128xi32, #tpu.memory_space<vmem>>) semaphore(%dma_start3A_1299 : memref<!tpu.dma_semaphore, #tpu.memory_space<semaphore_mem>>)
      %dma_wait3A_1300 = arith.constant 0 : i32
      %dma_wait3A_1301 = arith.constant 20 : i32
      %dma_wait3A_1302 = arith.constant 0 : i32
      %dma_wait3A_1303 = arith.constant 0 : i32
      %dma_wait3A_1304 = arith.constant 0 : i32
      %dma_wait3A_1305 = arith.constant 0 : i32
      %dma_wait3A_1306 = tpu.memref_slice %arg7[%dma_wait3A_1302, %dma_wait3A_1304, %dma_wait3A_1305] : memref<2x128x128xf32, #tpu.memory_space<vmem>> -> memref<1x128x128xf32, #tpu.memory_space<vmem>>
      %dma_wait3A_1307 = tpu.memref_squeeze %dma_wait3A_1306 : memref<1x128x128xf32, #tpu.memory_space<vmem>> -> memref<128x128xf32, #tpu.memory_space<vmem>>
      %dma_wait3A_1308 = arith.constant 0 : i32
      %dma_wait3A_1309 = tpu.memref_slice %arg6[%dma_wait3A_1300, %dma_wait3A_1301, %dma_wait3A_1308] : memref<2x40x128xi32, #tpu.memory_space<vmem>> -> memref<1x1x128xi32, #tpu.memory_space<vmem>>
      %dma_wait3A_1310 = tpu.memref_squeeze %dma_wait3A_1309 : memref<1x1x128xi32, #tpu.memory_space<vmem>> -> memref<128xi32, #tpu.memory_space<vmem>>
      %dma_wait3A_1311 = arith.constant 0 : i32
      %dma_wait3A_1312 = arith.constant 0 : i32
      %dma_wait3A_1313 = tpu.memref_slice %arg2[%dma_wait3A_1311, %dma_wait3A_1312] : memref<10000x128xf32, #tpu.memory_space<hbm>> -> memref<10000x128xf32, #tpu.memory_space<hbm>>
      %dma_wait3A_1314 = tpu.memref_slice %arg9[%dma_wait3A_1303] : memref<2x!tpu.dma_semaphore, #tpu.memory_space<semaphore_mem>> -> memref<1x!tpu.dma_semaphore, #tpu.memory_space<semaphore_mem>>
      %dma_wait3A_1315 = tpu.memref_squeeze %dma_wait3A_1314 : memref<1x!tpu.dma_semaphore, #tpu.memory_space<semaphore_mem>> -> memref<!tpu.dma_semaphore, #tpu.memory_space<semaphore_mem>>
      tpu.wait_indirect_dma semaphore(%dma_wait3A_1315 : memref<!tpu.dma_semaphore, #tpu.memory_space<semaphore_mem>>) src(%dma_wait3A_1313 : memref<10000x128xf32, #tpu.memory_space<hbm>>) dst(%dma_wait3A_1307 : memref<128x128xf32, #tpu.memory_space<vmem>>)
      %dma_start3A_1316 = arith.constant 0 : i32
      %dma_start3A_1317 = arith.constant 1 : i32
      %dma_start3A_1318 = arith.constant 20 : i32
      %dma_start3A_1319 = arith.constant 0 : i32
      %dma_start3A_1320 = arith.constant 0 : i32
      %dma_start3A_1321 = arith.constant 0 : i32
      %dma_start3A_1322 = tpu.memref_slice %arg7[%dma_start3A_1316, %dma_start3A_1320, %dma_start3A_1321] : memref<2x128x128xf32, #tpu.memory_space<vmem>> -> memref<1x128x128xf32, #tpu.memory_space<vmem>>
      %dma_start3A_1323 = tpu.memref_squeeze %dma_start3A_1322 : memref<1x128x128xf32, #tpu.memory_space<vmem>> -> memref<128x128xf32, #tpu.memory_space<vmem>>
      %dma_start3A_1324 = arith.constant 0 : i32
      %dma_start3A_1325 = tpu.memref_slice %arg6[%dma_start3A_1317, %dma_start3A_1318, %dma_start3A_1324] : memref<2x40x128xi32, #tpu.memory_space<vmem>> -> memref<1x1x128xi32, #tpu.memory_space<vmem>>
      %dma_start3A_1326 = tpu.memref_squeeze %dma_start3A_1325 : memref<1x1x128xi32, #tpu.memory_space<vmem>> -> memref<128xi32, #tpu.memory_space<vmem>>
      %dma_start3A_1327 = arith.constant 0 : i32
      %dma_start3A_1328 = arith.constant 0 : i32
      %dma_start3A_1329 = tpu.memref_slice %arg8[%dma_start3A_1327, %dma_start3A_1328] : memref<10112x128xf32, #tpu.memory_space<vmem_shared>> -> memref<10112x128xf32, #tpu.memory_space<vmem_shared>>
      %dma_start3A_1330 = tpu.memref_slice %arg10[%dma_start3A_1319] : memref<2x!tpu.dma_semaphore, #tpu.memory_space<semaphore_mem>> -> memref<1x!tpu.dma_semaphore, #tpu.memory_space<semaphore_mem>>
      %dma_start3A_1331 = tpu.memref_squeeze %dma_start3A_1330 : memref<1x!tpu.dma_semaphore, #tpu.memory_space<semaphore_mem>> -> memref<!tpu.dma_semaphore, #tpu.memory_space<semaphore_mem>>
      tpu.enqueue_indirect_dma source(%dma_start3A_1323 : memref<128x128xf32, #tpu.memory_space<vmem>>) target(%dma_start3A_1329 : memref<10112x128xf32, #tpu.memory_space<vmem_shared>>) offsets(%dma_start3A_1326 : memref<128xi32, #tpu.memory_space<vmem>>) semaphore(%dma_start3A_1331 : memref<!tpu.dma_semaphore, #tpu.memory_space<semaphore_mem>>) {add = true}
      %dma_wait3A_1332 = arith.constant 1 : i32
      %dma_wait3A_1333 = arith.constant 1 : i32
      %dma_wait3A_1334 = arith.constant 19 : i32
      %dma_wait3A_1335 = arith.constant 1 : i32
      %dma_wait3A_1336 = arith.constant 0 : i32
      %dma_wait3A_1337 = arith.constant 0 : i32
      %dma_wait3A_1338 = tpu.memref_slice %arg7[%dma_wait3A_1332, %dma_wait3A_1336, %dma_wait3A_1337] : memref<2x128x128xf32, #tpu.memory_space<vmem>> -> memref<1x128x128xf32, #tpu.memory_space<vmem>>
      %dma_wait3A_1339 = tpu.memref_squeeze %dma_wait3A_1338 : memref<1x128x128xf32, #tpu.memory_space<vmem>> -> memref<128x128xf32, #tpu.memory_space<vmem>>
      %dma_wait3A_1340 = arith.constant 0 : i32
      %dma_wait3A_1341 = tpu.memref_slice %arg6[%dma_wait3A_1333, %dma_wait3A_1334, %dma_wait3A_1340] : memref<2x40x128xi32, #tpu.memory_space<vmem>> -> memref<1x1x128xi32, #tpu.memory_space<vmem>>
      %dma_wait3A_1342 = tpu.memref_squeeze %dma_wait3A_1341 : memref<1x1x128xi32, #tpu.memory_space<vmem>> -> memref<128xi32, #tpu.memory_space<vmem>>
      %dma_wait3A_1343 = arith.constant 0 : i32
      %dma_wait3A_1344 = arith.constant 0 : i32
      %dma_wait3A_1345 = tpu.memref_slice %arg8[%dma_wait3A_1343, %dma_wait3A_1344] : memref<10112x128xf32, #tpu.memory_space<vmem_shared>> -> memref<10112x128xf32, #tpu.memory_space<vmem_shared>>
      %dma_wait3A_1346 = tpu.memref_slice %arg10[%dma_wait3A_1335] : memref<2x!tpu.dma_semaphore, #tpu.memory_space<semaphore_mem>> -> memref<1x!tpu.dma_semaphore, #tpu.memory_space<semaphore_mem>>
      %dma_wait3A_1347 = tpu.memref_squeeze %dma_wait3A_1346 : memref<1x!tpu.dma_semaphore, #tpu.memory_space<semaphore_mem>> -> memref<!tpu.dma_semaphore, #tpu.memory_space<semaphore_mem>>
      tpu.wait_indirect_dma semaphore(%dma_wait3A_1347 : memref<!tpu.dma_semaphore, #tpu.memory_space<semaphore_mem>>) src(%dma_wait3A_1339 : memref<128x128xf32, #tpu.memory_space<vmem>>) dst(%dma_wait3A_1345 : memref<10112x128xf32, #tpu.memory_space<vmem_shared>>)
      %dma_start3A_1348 = arith.constant 0 : i32
      %dma_start3A_1349 = arith.constant 21 : i32
      %dma_start3A_1350 = arith.constant 1 : i32
      %dma_start3A_1351 = arith.constant 1 : i32
      %dma_start3A_1352 = arith.constant 0 : i32
      %dma_start3A_1353 = arith.constant 0 : i32
      %dma_start3A_1354 = tpu.memref_slice %arg7[%dma_start3A_1350, %dma_start3A_1352, %dma_start3A_1353] : memref<2x128x128xf32, #tpu.memory_space<vmem>> -> memref<1x128x128xf32, #tpu.memory_space<vmem>>
      %dma_start3A_1355 = tpu.memref_squeeze %dma_start3A_1354 : memref<1x128x128xf32, #tpu.memory_space<vmem>> -> memref<128x128xf32, #tpu.memory_space<vmem>>
      %dma_start3A_1356 = arith.constant 0 : i32
      %dma_start3A_1357 = tpu.memref_slice %arg6[%dma_start3A_1348, %dma_start3A_1349, %dma_start3A_1356] : memref<2x40x128xi32, #tpu.memory_space<vmem>> -> memref<1x1x128xi32, #tpu.memory_space<vmem>>
      %dma_start3A_1358 = tpu.memref_squeeze %dma_start3A_1357 : memref<1x1x128xi32, #tpu.memory_space<vmem>> -> memref<128xi32, #tpu.memory_space<vmem>>
      %dma_start3A_1359 = arith.constant 0 : i32
      %dma_start3A_1360 = arith.constant 0 : i32
      %dma_start3A_1361 = tpu.memref_slice %arg2[%dma_start3A_1359, %dma_start3A_1360] : memref<10000x128xf32, #tpu.memory_space<hbm>> -> memref<10000x128xf32, #tpu.memory_space<hbm>>
      %dma_start3A_1362 = tpu.memref_slice %arg9[%dma_start3A_1351] : memref<2x!tpu.dma_semaphore, #tpu.memory_space<semaphore_mem>> -> memref<1x!tpu.dma_semaphore, #tpu.memory_space<semaphore_mem>>
      %dma_start3A_1363 = tpu.memref_squeeze %dma_start3A_1362 : memref<1x!tpu.dma_semaphore, #tpu.memory_space<semaphore_mem>> -> memref<!tpu.dma_semaphore, #tpu.memory_space<semaphore_mem>>
      tpu.enqueue_indirect_dma source(%dma_start3A_1361 : memref<10000x128xf32, #tpu.memory_space<hbm>>) target(%dma_start3A_1355 : memref<128x128xf32, #tpu.memory_space<vmem>>) offsets(%dma_start3A_1358 : memref<128xi32, #tpu.memory_space<vmem>>) semaphore(%dma_start3A_1363 : memref<!tpu.dma_semaphore, #tpu.memory_space<semaphore_mem>>)
      %dma_wait3A_1364 = arith.constant 0 : i32
      %dma_wait3A_1365 = arith.constant 21 : i32
      %dma_wait3A_1366 = arith.constant 1 : i32
      %dma_wait3A_1367 = arith.constant 1 : i32
      %dma_wait3A_1368 = arith.constant 0 : i32
      %dma_wait3A_1369 = arith.constant 0 : i32
      %dma_wait3A_1370 = tpu.memref_slice %arg7[%dma_wait3A_1366, %dma_wait3A_1368, %dma_wait3A_1369] : memref<2x128x128xf32, #tpu.memory_space<vmem>> -> memref<1x128x128xf32, #tpu.memory_space<vmem>>
      %dma_wait3A_1371 = tpu.memref_squeeze %dma_wait3A_1370 : memref<1x128x128xf32, #tpu.memory_space<vmem>> -> memref<128x128xf32, #tpu.memory_space<vmem>>
      %dma_wait3A_1372 = arith.constant 0 : i32
      %dma_wait3A_1373 = tpu.memref_slice %arg6[%dma_wait3A_1364, %dma_wait3A_1365, %dma_wait3A_1372] : memref<2x40x128xi32, #tpu.memory_space<vmem>> -> memref<1x1x128xi32, #tpu.memory_space<vmem>>
      %dma_wait3A_1374 = tpu.memref_squeeze %dma_wait3A_1373 : memref<1x1x128xi32, #tpu.memory_space<vmem>> -> memref<128xi32, #tpu.memory_space<vmem>>
      %dma_wait3A_1375 = arith.constant 0 : i32
      %dma_wait3A_1376 = arith.constant 0 : i32
      %dma_wait3A_1377 = tpu.memref_slice %arg2[%dma_wait3A_1375, %dma_wait3A_1376] : memref<10000x128xf32, #tpu.memory_space<hbm>> -> memref<10000x128xf32, #tpu.memory_space<hbm>>
      %dma_wait3A_1378 = tpu.memref_slice %arg9[%dma_wait3A_1367] : memref<2x!tpu.dma_semaphore, #tpu.memory_space<semaphore_mem>> -> memref<1x!tpu.dma_semaphore, #tpu.memory_space<semaphore_mem>>
      %dma_wait3A_1379 = tpu.memref_squeeze %dma_wait3A_1378 : memref<1x!tpu.dma_semaphore, #tpu.memory_space<semaphore_mem>> -> memref<!tpu.dma_semaphore, #tpu.memory_space<semaphore_mem>>
      tpu.wait_indirect_dma semaphore(%dma_wait3A_1379 : memref<!tpu.dma_semaphore, #tpu.memory_space<semaphore_mem>>) src(%dma_wait3A_1377 : memref<10000x128xf32, #tpu.memory_space<hbm>>) dst(%dma_wait3A_1371 : memref<128x128xf32, #tpu.memory_space<vmem>>)
      %dma_start3A_1380 = arith.constant 1 : i32
      %dma_start3A_1381 = arith.constant 1 : i32
      %dma_start3A_1382 = arith.constant 21 : i32
      %dma_start3A_1383 = arith.constant 1 : i32
      %dma_start3A_1384 = arith.constant 0 : i32
      %dma_start3A_1385 = arith.constant 0 : i32
      %dma_start3A_1386 = tpu.memref_slice %arg7[%dma_start3A_1380, %dma_start3A_1384, %dma_start3A_1385] : memref<2x128x128xf32, #tpu.memory_space<vmem>> -> memref<1x128x128xf32, #tpu.memory_space<vmem>>
      %dma_start3A_1387 = tpu.memref_squeeze %dma_start3A_1386 : memref<1x128x128xf32, #tpu.memory_space<vmem>> -> memref<128x128xf32, #tpu.memory_space<vmem>>
      %dma_start3A_1388 = arith.constant 0 : i32
      %dma_start3A_1389 = tpu.memref_slice %arg6[%dma_start3A_1381, %dma_start3A_1382, %dma_start3A_1388] : memref<2x40x128xi32, #tpu.memory_space<vmem>> -> memref<1x1x128xi32, #tpu.memory_space<vmem>>
      %dma_start3A_1390 = tpu.memref_squeeze %dma_start3A_1389 : memref<1x1x128xi32, #tpu.memory_space<vmem>> -> memref<128xi32, #tpu.memory_space<vmem>>
      %dma_start3A_1391 = arith.constant 0 : i32
      %dma_start3A_1392 = arith.constant 0 : i32
      %dma_start3A_1393 = tpu.memref_slice %arg8[%dma_start3A_1391, %dma_start3A_1392] : memref<10112x128xf32, #tpu.memory_space<vmem_shared>> -> memref<10112x128xf32, #tpu.memory_space<vmem_shared>>
      %dma_start3A_1394 = tpu.memref_slice %arg10[%dma_start3A_1383] : memref<2x!tpu.dma_semaphore, #tpu.memory_space<semaphore_mem>> -> memref<1x!tpu.dma_semaphore, #tpu.memory_space<semaphore_mem>>
      %dma_start3A_1395 = tpu.memref_squeeze %dma_start3A_1394 : memref<1x!tpu.dma_semaphore, #tpu.memory_space<semaphore_mem>> -> memref<!tpu.dma_semaphore, #tpu.memory_space<semaphore_mem>>
      tpu.enqueue_indirect_dma source(%dma_start3A_1387 : memref<128x128xf32, #tpu.memory_space<vmem>>) target(%dma_start3A_1393 : memref<10112x128xf32, #tpu.memory_space<vmem_shared>>) offsets(%dma_start3A_1390 : memref<128xi32, #tpu.memory_space<vmem>>) semaphore(%dma_start3A_1395 : memref<!tpu.dma_semaphore, #tpu.memory_space<semaphore_mem>>) {add = true}
      %dma_wait3A_1396 = arith.constant 0 : i32
      %dma_wait3A_1397 = arith.constant 1 : i32
      %dma_wait3A_1398 = arith.constant 20 : i32
      %dma_wait3A_1399 = arith.constant 0 : i32
      %dma_wait3A_1400 = arith.constant 0 : i32
      %dma_wait3A_1401 = arith.constant 0 : i32
      %dma_wait3A_1402 = tpu.memref_slice %arg7[%dma_wait3A_1396, %dma_wait3A_1400, %dma_wait3A_1401] : memref<2x128x128xf32, #tpu.memory_space<vmem>> -> memref<1x128x128xf32, #tpu.memory_space<vmem>>
      %dma_wait3A_1403 = tpu.memref_squeeze %dma_wait3A_1402 : memref<1x128x128xf32, #tpu.memory_space<vmem>> -> memref<128x128xf32, #tpu.memory_space<vmem>>
      %dma_wait3A_1404 = arith.constant 0 : i32
      %dma_wait3A_1405 = tpu.memref_slice %arg6[%dma_wait3A_1397, %dma_wait3A_1398, %dma_wait3A_1404] : memref<2x40x128xi32, #tpu.memory_space<vmem>> -> memref<1x1x128xi32, #tpu.memory_space<vmem>>
      %dma_wait3A_1406 = tpu.memref_squeeze %dma_wait3A_1405 : memref<1x1x128xi32, #tpu.memory_space<vmem>> -> memref<128xi32, #tpu.memory_space<vmem>>
      %dma_wait3A_1407 = arith.constant 0 : i32
      %dma_wait3A_1408 = arith.constant 0 : i32
      %dma_wait3A_1409 = tpu.memref_slice %arg8[%dma_wait3A_1407, %dma_wait3A_1408] : memref<10112x128xf32, #tpu.memory_space<vmem_shared>> -> memref<10112x128xf32, #tpu.memory_space<vmem_shared>>
      %dma_wait3A_1410 = tpu.memref_slice %arg10[%dma_wait3A_1399] : memref<2x!tpu.dma_semaphore, #tpu.memory_space<semaphore_mem>> -> memref<1x!tpu.dma_semaphore, #tpu.memory_space<semaphore_mem>>
      %dma_wait3A_1411 = tpu.memref_squeeze %dma_wait3A_1410 : memref<1x!tpu.dma_semaphore, #tpu.memory_space<semaphore_mem>> -> memref<!tpu.dma_semaphore, #tpu.memory_space<semaphore_mem>>
      tpu.wait_indirect_dma semaphore(%dma_wait3A_1411 : memref<!tpu.dma_semaphore, #tpu.memory_space<semaphore_mem>>) src(%dma_wait3A_1403 : memref<128x128xf32, #tpu.memory_space<vmem>>) dst(%dma_wait3A_1409 : memref<10112x128xf32, #tpu.memory_space<vmem_shared>>)
      %dma_start3A_1412 = arith.constant 0 : i32
      %dma_start3A_1413 = arith.constant 22 : i32
      %dma_start3A_1414 = arith.constant 0 : i32
      %dma_start3A_1415 = arith.constant 0 : i32
      %dma_start3A_1416 = arith.constant 0 : i32
      %dma_start3A_1417 = arith.constant 0 : i32
      %dma_start3A_1418 = tpu.memref_slice %arg7[%dma_start3A_1414, %dma_start3A_1416, %dma_start3A_1417] : memref<2x128x128xf32, #tpu.memory_space<vmem>> -> memref<1x128x128xf32, #tpu.memory_space<vmem>>
      %dma_start3A_1419 = tpu.memref_squeeze %dma_start3A_1418 : memref<1x128x128xf32, #tpu.memory_space<vmem>> -> memref<128x128xf32, #tpu.memory_space<vmem>>
      %dma_start3A_1420 = arith.constant 0 : i32
      %dma_start3A_1421 = tpu.memref_slice %arg6[%dma_start3A_1412, %dma_start3A_1413, %dma_start3A_1420] : memref<2x40x128xi32, #tpu.memory_space<vmem>> -> memref<1x1x128xi32, #tpu.memory_space<vmem>>
      %dma_start3A_1422 = tpu.memref_squeeze %dma_start3A_1421 : memref<1x1x128xi32, #tpu.memory_space<vmem>> -> memref<128xi32, #tpu.memory_space<vmem>>
      %dma_start3A_1423 = arith.constant 0 : i32
      %dma_start3A_1424 = arith.constant 0 : i32
      %dma_start3A_1425 = tpu.memref_slice %arg2[%dma_start3A_1423, %dma_start3A_1424] : memref<10000x128xf32, #tpu.memory_space<hbm>> -> memref<10000x128xf32, #tpu.memory_space<hbm>>
      %dma_start3A_1426 = tpu.memref_slice %arg9[%dma_start3A_1415] : memref<2x!tpu.dma_semaphore, #tpu.memory_space<semaphore_mem>> -> memref<1x!tpu.dma_semaphore, #tpu.memory_space<semaphore_mem>>
      %dma_start3A_1427 = tpu.memref_squeeze %dma_start3A_1426 : memref<1x!tpu.dma_semaphore, #tpu.memory_space<semaphore_mem>> -> memref<!tpu.dma_semaphore, #tpu.memory_space<semaphore_mem>>
      tpu.enqueue_indirect_dma source(%dma_start3A_1425 : memref<10000x128xf32, #tpu.memory_space<hbm>>) target(%dma_start3A_1419 : memref<128x128xf32, #tpu.memory_space<vmem>>) offsets(%dma_start3A_1422 : memref<128xi32, #tpu.memory_space<vmem>>) semaphore(%dma_start3A_1427 : memref<!tpu.dma_semaphore, #tpu.memory_space<semaphore_mem>>)
      %dma_wait3A_1428 = arith.constant 0 : i32
      %dma_wait3A_1429 = arith.constant 22 : i32
      %dma_wait3A_1430 = arith.constant 0 : i32
      %dma_wait3A_1431 = arith.constant 0 : i32
      %dma_wait3A_1432 = arith.constant 0 : i32
      %dma_wait3A_1433 = arith.constant 0 : i32
      %dma_wait3A_1434 = tpu.memref_slice %arg7[%dma_wait3A_1430, %dma_wait3A_1432, %dma_wait3A_1433] : memref<2x128x128xf32, #tpu.memory_space<vmem>> -> memref<1x128x128xf32, #tpu.memory_space<vmem>>
      %dma_wait3A_1435 = tpu.memref_squeeze %dma_wait3A_1434 : memref<1x128x128xf32, #tpu.memory_space<vmem>> -> memref<128x128xf32, #tpu.memory_space<vmem>>
      %dma_wait3A_1436 = arith.constant 0 : i32
      %dma_wait3A_1437 = tpu.memref_slice %arg6[%dma_wait3A_1428, %dma_wait3A_1429, %dma_wait3A_1436] : memref<2x40x128xi32, #tpu.memory_space<vmem>> -> memref<1x1x128xi32, #tpu.memory_space<vmem>>
      %dma_wait3A_1438 = tpu.memref_squeeze %dma_wait3A_1437 : memref<1x1x128xi32, #tpu.memory_space<vmem>> -> memref<128xi32, #tpu.memory_space<vmem>>
      %dma_wait3A_1439 = arith.constant 0 : i32
      %dma_wait3A_1440 = arith.constant 0 : i32
      %dma_wait3A_1441 = tpu.memref_slice %arg2[%dma_wait3A_1439, %dma_wait3A_1440] : memref<10000x128xf32, #tpu.memory_space<hbm>> -> memref<10000x128xf32, #tpu.memory_space<hbm>>
      %dma_wait3A_1442 = tpu.memref_slice %arg9[%dma_wait3A_1431] : memref<2x!tpu.dma_semaphore, #tpu.memory_space<semaphore_mem>> -> memref<1x!tpu.dma_semaphore, #tpu.memory_space<semaphore_mem>>
      %dma_wait3A_1443 = tpu.memref_squeeze %dma_wait3A_1442 : memref<1x!tpu.dma_semaphore, #tpu.memory_space<semaphore_mem>> -> memref<!tpu.dma_semaphore, #tpu.memory_space<semaphore_mem>>
      tpu.wait_indirect_dma semaphore(%dma_wait3A_1443 : memref<!tpu.dma_semaphore, #tpu.memory_space<semaphore_mem>>) src(%dma_wait3A_1441 : memref<10000x128xf32, #tpu.memory_space<hbm>>) dst(%dma_wait3A_1435 : memref<128x128xf32, #tpu.memory_space<vmem>>)
      %dma_start3A_1444 = arith.constant 0 : i32
      %dma_start3A_1445 = arith.constant 1 : i32
      %dma_start3A_1446 = arith.constant 22 : i32
      %dma_start3A_1447 = arith.constant 0 : i32
      %dma_start3A_1448 = arith.constant 0 : i32
      %dma_start3A_1449 = arith.constant 0 : i32
      %dma_start3A_1450 = tpu.memref_slice %arg7[%dma_start3A_1444, %dma_start3A_1448, %dma_start3A_1449] : memref<2x128x128xf32, #tpu.memory_space<vmem>> -> memref<1x128x128xf32, #tpu.memory_space<vmem>>
      %dma_start3A_1451 = tpu.memref_squeeze %dma_start3A_1450 : memref<1x128x128xf32, #tpu.memory_space<vmem>> -> memref<128x128xf32, #tpu.memory_space<vmem>>
      %dma_start3A_1452 = arith.constant 0 : i32
      %dma_start3A_1453 = tpu.memref_slice %arg6[%dma_start3A_1445, %dma_start3A_1446, %dma_start3A_1452] : memref<2x40x128xi32, #tpu.memory_space<vmem>> -> memref<1x1x128xi32, #tpu.memory_space<vmem>>
      %dma_start3A_1454 = tpu.memref_squeeze %dma_start3A_1453 : memref<1x1x128xi32, #tpu.memory_space<vmem>> -> memref<128xi32, #tpu.memory_space<vmem>>
      %dma_start3A_1455 = arith.constant 0 : i32
      %dma_start3A_1456 = arith.constant 0 : i32
      %dma_start3A_1457 = tpu.memref_slice %arg8[%dma_start3A_1455, %dma_start3A_1456] : memref<10112x128xf32, #tpu.memory_space<vmem_shared>> -> memref<10112x128xf32, #tpu.memory_space<vmem_shared>>
      %dma_start3A_1458 = tpu.memref_slice %arg10[%dma_start3A_1447] : memref<2x!tpu.dma_semaphore, #tpu.memory_space<semaphore_mem>> -> memref<1x!tpu.dma_semaphore, #tpu.memory_space<semaphore_mem>>
      %dma_start3A_1459 = tpu.memref_squeeze %dma_start3A_1458 : memref<1x!tpu.dma_semaphore, #tpu.memory_space<semaphore_mem>> -> memref<!tpu.dma_semaphore, #tpu.memory_space<semaphore_mem>>
      tpu.enqueue_indirect_dma source(%dma_start3A_1451 : memref<128x128xf32, #tpu.memory_space<vmem>>) target(%dma_start3A_1457 : memref<10112x128xf32, #tpu.memory_space<vmem_shared>>) offsets(%dma_start3A_1454 : memref<128xi32, #tpu.memory_space<vmem>>) semaphore(%dma_start3A_1459 : memref<!tpu.dma_semaphore, #tpu.memory_space<semaphore_mem>>) {add = true}
      %dma_wait3A_1460 = arith.constant 1 : i32
      %dma_wait3A_1461 = arith.constant 1 : i32
      %dma_wait3A_1462 = arith.constant 21 : i32
      %dma_wait3A_1463 = arith.constant 1 : i32
      %dma_wait3A_1464 = arith.constant 0 : i32
      %dma_wait3A_1465 = arith.constant 0 : i32
      %dma_wait3A_1466 = tpu.memref_slice %arg7[%dma_wait3A_1460, %dma_wait3A_1464, %dma_wait3A_1465] : memref<2x128x128xf32, #tpu.memory_space<vmem>> -> memref<1x128x128xf32, #tpu.memory_space<vmem>>
      %dma_wait3A_1467 = tpu.memref_squeeze %dma_wait3A_1466 : memref<1x128x128xf32, #tpu.memory_space<vmem>> -> memref<128x128xf32, #tpu.memory_space<vmem>>
      %dma_wait3A_1468 = arith.constant 0 : i32
      %dma_wait3A_1469 = tpu.memref_slice %arg6[%dma_wait3A_1461, %dma_wait3A_1462, %dma_wait3A_1468] : memref<2x40x128xi32, #tpu.memory_space<vmem>> -> memref<1x1x128xi32, #tpu.memory_space<vmem>>
      %dma_wait3A_1470 = tpu.memref_squeeze %dma_wait3A_1469 : memref<1x1x128xi32, #tpu.memory_space<vmem>> -> memref<128xi32, #tpu.memory_space<vmem>>
      %dma_wait3A_1471 = arith.constant 0 : i32
      %dma_wait3A_1472 = arith.constant 0 : i32
      %dma_wait3A_1473 = tpu.memref_slice %arg8[%dma_wait3A_1471, %dma_wait3A_1472] : memref<10112x128xf32, #tpu.memory_space<vmem_shared>> -> memref<10112x128xf32, #tpu.memory_space<vmem_shared>>
      %dma_wait3A_1474 = tpu.memref_slice %arg10[%dma_wait3A_1463] : memref<2x!tpu.dma_semaphore, #tpu.memory_space<semaphore_mem>> -> memref<1x!tpu.dma_semaphore, #tpu.memory_space<semaphore_mem>>
      %dma_wait3A_1475 = tpu.memref_squeeze %dma_wait3A_1474 : memref<1x!tpu.dma_semaphore, #tpu.memory_space<semaphore_mem>> -> memref<!tpu.dma_semaphore, #tpu.memory_space<semaphore_mem>>
      tpu.wait_indirect_dma semaphore(%dma_wait3A_1475 : memref<!tpu.dma_semaphore, #tpu.memory_space<semaphore_mem>>) src(%dma_wait3A_1467 : memref<128x128xf32, #tpu.memory_space<vmem>>) dst(%dma_wait3A_1473 : memref<10112x128xf32, #tpu.memory_space<vmem_shared>>)
      %dma_start3A_1476 = arith.constant 0 : i32
      %dma_start3A_1477 = arith.constant 23 : i32
      %dma_start3A_1478 = arith.constant 1 : i32
      %dma_start3A_1479 = arith.constant 1 : i32
      %dma_start3A_1480 = arith.constant 0 : i32
      %dma_start3A_1481 = arith.constant 0 : i32
      %dma_start3A_1482 = tpu.memref_slice %arg7[%dma_start3A_1478, %dma_start3A_1480, %dma_start3A_1481] : memref<2x128x128xf32, #tpu.memory_space<vmem>> -> memref<1x128x128xf32, #tpu.memory_space<vmem>>
      %dma_start3A_1483 = tpu.memref_squeeze %dma_start3A_1482 : memref<1x128x128xf32, #tpu.memory_space<vmem>> -> memref<128x128xf32, #tpu.memory_space<vmem>>
      %dma_start3A_1484 = arith.constant 0 : i32
      %dma_start3A_1485 = tpu.memref_slice %arg6[%dma_start3A_1476, %dma_start3A_1477, %dma_start3A_1484] : memref<2x40x128xi32, #tpu.memory_space<vmem>> -> memref<1x1x128xi32, #tpu.memory_space<vmem>>
      %dma_start3A_1486 = tpu.memref_squeeze %dma_start3A_1485 : memref<1x1x128xi32, #tpu.memory_space<vmem>> -> memref<128xi32, #tpu.memory_space<vmem>>
      %dma_start3A_1487 = arith.constant 0 : i32
      %dma_start3A_1488 = arith.constant 0 : i32
      %dma_start3A_1489 = tpu.memref_slice %arg2[%dma_start3A_1487, %dma_start3A_1488] : memref<10000x128xf32, #tpu.memory_space<hbm>> -> memref<10000x128xf32, #tpu.memory_space<hbm>>
      %dma_start3A_1490 = tpu.memref_slice %arg9[%dma_start3A_1479] : memref<2x!tpu.dma_semaphore, #tpu.memory_space<semaphore_mem>> -> memref<1x!tpu.dma_semaphore, #tpu.memory_space<semaphore_mem>>
      %dma_start3A_1491 = tpu.memref_squeeze %dma_start3A_1490 : memref<1x!tpu.dma_semaphore, #tpu.memory_space<semaphore_mem>> -> memref<!tpu.dma_semaphore, #tpu.memory_space<semaphore_mem>>
      tpu.enqueue_indirect_dma source(%dma_start3A_1489 : memref<10000x128xf32, #tpu.memory_space<hbm>>) target(%dma_start3A_1483 : memref<128x128xf32, #tpu.memory_space<vmem>>) offsets(%dma_start3A_1486 : memref<128xi32, #tpu.memory_space<vmem>>) semaphore(%dma_start3A_1491 : memref<!tpu.dma_semaphore, #tpu.memory_space<semaphore_mem>>)
      %dma_wait3A_1492 = arith.constant 0 : i32
      %dma_wait3A_1493 = arith.constant 23 : i32
      %dma_wait3A_1494 = arith.constant 1 : i32
      %dma_wait3A_1495 = arith.constant 1 : i32
      %dma_wait3A_1496 = arith.constant 0 : i32
      %dma_wait3A_1497 = arith.constant 0 : i32
      %dma_wait3A_1498 = tpu.memref_slice %arg7[%dma_wait3A_1494, %dma_wait3A_1496, %dma_wait3A_1497] : memref<2x128x128xf32, #tpu.memory_space<vmem>> -> memref<1x128x128xf32, #tpu.memory_space<vmem>>
      %dma_wait3A_1499 = tpu.memref_squeeze %dma_wait3A_1498 : memref<1x128x128xf32, #tpu.memory_space<vmem>> -> memref<128x128xf32, #tpu.memory_space<vmem>>
      %dma_wait3A_1500 = arith.constant 0 : i32
      %dma_wait3A_1501 = tpu.memref_slice %arg6[%dma_wait3A_1492, %dma_wait3A_1493, %dma_wait3A_1500] : memref<2x40x128xi32, #tpu.memory_space<vmem>> -> memref<1x1x128xi32, #tpu.memory_space<vmem>>
      %dma_wait3A_1502 = tpu.memref_squeeze %dma_wait3A_1501 : memref<1x1x128xi32, #tpu.memory_space<vmem>> -> memref<128xi32, #tpu.memory_space<vmem>>
      %dma_wait3A_1503 = arith.constant 0 : i32
      %dma_wait3A_1504 = arith.constant 0 : i32
      %dma_wait3A_1505 = tpu.memref_slice %arg2[%dma_wait3A_1503, %dma_wait3A_1504] : memref<10000x128xf32, #tpu.memory_space<hbm>> -> memref<10000x128xf32, #tpu.memory_space<hbm>>
      %dma_wait3A_1506 = tpu.memref_slice %arg9[%dma_wait3A_1495] : memref<2x!tpu.dma_semaphore, #tpu.memory_space<semaphore_mem>> -> memref<1x!tpu.dma_semaphore, #tpu.memory_space<semaphore_mem>>
      %dma_wait3A_1507 = tpu.memref_squeeze %dma_wait3A_1506 : memref<1x!tpu.dma_semaphore, #tpu.memory_space<semaphore_mem>> -> memref<!tpu.dma_semaphore, #tpu.memory_space<semaphore_mem>>
      tpu.wait_indirect_dma semaphore(%dma_wait3A_1507 : memref<!tpu.dma_semaphore, #tpu.memory_space<semaphore_mem>>) src(%dma_wait3A_1505 : memref<10000x128xf32, #tpu.memory_space<hbm>>) dst(%dma_wait3A_1499 : memref<128x128xf32, #tpu.memory_space<vmem>>)
      %dma_start3A_1508 = arith.constant 1 : i32
      %dma_start3A_1509 = arith.constant 1 : i32
      %dma_start3A_1510 = arith.constant 23 : i32
      %dma_start3A_1511 = arith.constant 1 : i32
      %dma_start3A_1512 = arith.constant 0 : i32
      %dma_start3A_1513 = arith.constant 0 : i32
      %dma_start3A_1514 = tpu.memref_slice %arg7[%dma_start3A_1508, %dma_start3A_1512, %dma_start3A_1513] : memref<2x128x128xf32, #tpu.memory_space<vmem>> -> memref<1x128x128xf32, #tpu.memory_space<vmem>>
      %dma_start3A_1515 = tpu.memref_squeeze %dma_start3A_1514 : memref<1x128x128xf32, #tpu.memory_space<vmem>> -> memref<128x128xf32, #tpu.memory_space<vmem>>
      %dma_start3A_1516 = arith.constant 0 : i32
      %dma_start3A_1517 = tpu.memref_slice %arg6[%dma_start3A_1509, %dma_start3A_1510, %dma_start3A_1516] : memref<2x40x128xi32, #tpu.memory_space<vmem>> -> memref<1x1x128xi32, #tpu.memory_space<vmem>>
      %dma_start3A_1518 = tpu.memref_squeeze %dma_start3A_1517 : memref<1x1x128xi32, #tpu.memory_space<vmem>> -> memref<128xi32, #tpu.memory_space<vmem>>
      %dma_start3A_1519 = arith.constant 0 : i32
      %dma_start3A_1520 = arith.constant 0 : i32
      %dma_start3A_1521 = tpu.memref_slice %arg8[%dma_start3A_1519, %dma_start3A_1520] : memref<10112x128xf32, #tpu.memory_space<vmem_shared>> -> memref<10112x128xf32, #tpu.memory_space<vmem_shared>>
      %dma_start3A_1522 = tpu.memref_slice %arg10[%dma_start3A_1511] : memref<2x!tpu.dma_semaphore, #tpu.memory_space<semaphore_mem>> -> memref<1x!tpu.dma_semaphore, #tpu.memory_space<semaphore_mem>>
      %dma_start3A_1523 = tpu.memref_squeeze %dma_start3A_1522 : memref<1x!tpu.dma_semaphore, #tpu.memory_space<semaphore_mem>> -> memref<!tpu.dma_semaphore, #tpu.memory_space<semaphore_mem>>
      tpu.enqueue_indirect_dma source(%dma_start3A_1515 : memref<128x128xf32, #tpu.memory_space<vmem>>) target(%dma_start3A_1521 : memref<10112x128xf32, #tpu.memory_space<vmem_shared>>) offsets(%dma_start3A_1518 : memref<128xi32, #tpu.memory_space<vmem>>) semaphore(%dma_start3A_1523 : memref<!tpu.dma_semaphore, #tpu.memory_space<semaphore_mem>>) {add = true}
      %dma_wait3A_1524 = arith.constant 0 : i32
      %dma_wait3A_1525 = arith.constant 1 : i32
      %dma_wait3A_1526 = arith.constant 22 : i32
      %dma_wait3A_1527 = arith.constant 0 : i32
      %dma_wait3A_1528 = arith.constant 0 : i32
      %dma_wait3A_1529 = arith.constant 0 : i32
      %dma_wait3A_1530 = tpu.memref_slice %arg7[%dma_wait3A_1524, %dma_wait3A_1528, %dma_wait3A_1529] : memref<2x128x128xf32, #tpu.memory_space<vmem>> -> memref<1x128x128xf32, #tpu.memory_space<vmem>>
      %dma_wait3A_1531 = tpu.memref_squeeze %dma_wait3A_1530 : memref<1x128x128xf32, #tpu.memory_space<vmem>> -> memref<128x128xf32, #tpu.memory_space<vmem>>
      %dma_wait3A_1532 = arith.constant 0 : i32
      %dma_wait3A_1533 = tpu.memref_slice %arg6[%dma_wait3A_1525, %dma_wait3A_1526, %dma_wait3A_1532] : memref<2x40x128xi32, #tpu.memory_space<vmem>> -> memref<1x1x128xi32, #tpu.memory_space<vmem>>
      %dma_wait3A_1534 = tpu.memref_squeeze %dma_wait3A_1533 : memref<1x1x128xi32, #tpu.memory_space<vmem>> -> memref<128xi32, #tpu.memory_space<vmem>>
      %dma_wait3A_1535 = arith.constant 0 : i32
      %dma_wait3A_1536 = arith.constant 0 : i32
      %dma_wait3A_1537 = tpu.memref_slice %arg8[%dma_wait3A_1535, %dma_wait3A_1536] : memref<10112x128xf32, #tpu.memory_space<vmem_shared>> -> memref<10112x128xf32, #tpu.memory_space<vmem_shared>>
      %dma_wait3A_1538 = tpu.memref_slice %arg10[%dma_wait3A_1527] : memref<2x!tpu.dma_semaphore, #tpu.memory_space<semaphore_mem>> -> memref<1x!tpu.dma_semaphore, #tpu.memory_space<semaphore_mem>>
      %dma_wait3A_1539 = tpu.memref_squeeze %dma_wait3A_1538 : memref<1x!tpu.dma_semaphore, #tpu.memory_space<semaphore_mem>> -> memref<!tpu.dma_semaphore, #tpu.memory_space<semaphore_mem>>
      tpu.wait_indirect_dma semaphore(%dma_wait3A_1539 : memref<!tpu.dma_semaphore, #tpu.memory_space<semaphore_mem>>) src(%dma_wait3A_1531 : memref<128x128xf32, #tpu.memory_space<vmem>>) dst(%dma_wait3A_1537 : memref<10112x128xf32, #tpu.memory_space<vmem_shared>>)
      %dma_start3A_1540 = arith.constant 0 : i32
      %dma_start3A_1541 = arith.constant 24 : i32
      %dma_start3A_1542 = arith.constant 0 : i32
      %dma_start3A_1543 = arith.constant 0 : i32
      %dma_start3A_1544 = arith.constant 0 : i32
      %dma_start3A_1545 = arith.constant 0 : i32
      %dma_start3A_1546 = tpu.memref_slice %arg7[%dma_start3A_1542, %dma_start3A_1544, %dma_start3A_1545] : memref<2x128x128xf32, #tpu.memory_space<vmem>> -> memref<1x128x128xf32, #tpu.memory_space<vmem>>
      %dma_start3A_1547 = tpu.memref_squeeze %dma_start3A_1546 : memref<1x128x128xf32, #tpu.memory_space<vmem>> -> memref<128x128xf32, #tpu.memory_space<vmem>>
      %dma_start3A_1548 = arith.constant 0 : i32
      %dma_start3A_1549 = tpu.memref_slice %arg6[%dma_start3A_1540, %dma_start3A_1541, %dma_start3A_1548] : memref<2x40x128xi32, #tpu.memory_space<vmem>> -> memref<1x1x128xi32, #tpu.memory_space<vmem>>
      %dma_start3A_1550 = tpu.memref_squeeze %dma_start3A_1549 : memref<1x1x128xi32, #tpu.memory_space<vmem>> -> memref<128xi32, #tpu.memory_space<vmem>>
      %dma_start3A_1551 = arith.constant 0 : i32
      %dma_start3A_1552 = arith.constant 0 : i32
      %dma_start3A_1553 = tpu.memref_slice %arg2[%dma_start3A_1551, %dma_start3A_1552] : memref<10000x128xf32, #tpu.memory_space<hbm>> -> memref<10000x128xf32, #tpu.memory_space<hbm>>
      %dma_start3A_1554 = tpu.memref_slice %arg9[%dma_start3A_1543] : memref<2x!tpu.dma_semaphore, #tpu.memory_space<semaphore_mem>> -> memref<1x!tpu.dma_semaphore, #tpu.memory_space<semaphore_mem>>
      %dma_start3A_1555 = tpu.memref_squeeze %dma_start3A_1554 : memref<1x!tpu.dma_semaphore, #tpu.memory_space<semaphore_mem>> -> memref<!tpu.dma_semaphore, #tpu.memory_space<semaphore_mem>>
      tpu.enqueue_indirect_dma source(%dma_start3A_1553 : memref<10000x128xf32, #tpu.memory_space<hbm>>) target(%dma_start3A_1547 : memref<128x128xf32, #tpu.memory_space<vmem>>) offsets(%dma_start3A_1550 : memref<128xi32, #tpu.memory_space<vmem>>) semaphore(%dma_start3A_1555 : memref<!tpu.dma_semaphore, #tpu.memory_space<semaphore_mem>>)
      %dma_wait3A_1556 = arith.constant 0 : i32
      %dma_wait3A_1557 = arith.constant 24 : i32
      %dma_wait3A_1558 = arith.constant 0 : i32
      %dma_wait3A_1559 = arith.constant 0 : i32
      %dma_wait3A_1560 = arith.constant 0 : i32
      %dma_wait3A_1561 = arith.constant 0 : i32
      %dma_wait3A_1562 = tpu.memref_slice %arg7[%dma_wait3A_1558, %dma_wait3A_1560, %dma_wait3A_1561] : memref<2x128x128xf32, #tpu.memory_space<vmem>> -> memref<1x128x128xf32, #tpu.memory_space<vmem>>
      %dma_wait3A_1563 = tpu.memref_squeeze %dma_wait3A_1562 : memref<1x128x128xf32, #tpu.memory_space<vmem>> -> memref<128x128xf32, #tpu.memory_space<vmem>>
      %dma_wait3A_1564 = arith.constant 0 : i32
      %dma_wait3A_1565 = tpu.memref_slice %arg6[%dma_wait3A_1556, %dma_wait3A_1557, %dma_wait3A_1564] : memref<2x40x128xi32, #tpu.memory_space<vmem>> -> memref<1x1x128xi32, #tpu.memory_space<vmem>>
      %dma_wait3A_1566 = tpu.memref_squeeze %dma_wait3A_1565 : memref<1x1x128xi32, #tpu.memory_space<vmem>> -> memref<128xi32, #tpu.memory_space<vmem>>
      %dma_wait3A_1567 = arith.constant 0 : i32
      %dma_wait3A_1568 = arith.constant 0 : i32
      %dma_wait3A_1569 = tpu.memref_slice %arg2[%dma_wait3A_1567, %dma_wait3A_1568] : memref<10000x128xf32, #tpu.memory_space<hbm>> -> memref<10000x128xf32, #tpu.memory_space<hbm>>
      %dma_wait3A_1570 = tpu.memref_slice %arg9[%dma_wait3A_1559] : memref<2x!tpu.dma_semaphore, #tpu.memory_space<semaphore_mem>> -> memref<1x!tpu.dma_semaphore, #tpu.memory_space<semaphore_mem>>
      %dma_wait3A_1571 = tpu.memref_squeeze %dma_wait3A_1570 : memref<1x!tpu.dma_semaphore, #tpu.memory_space<semaphore_mem>> -> memref<!tpu.dma_semaphore, #tpu.memory_space<semaphore_mem>>
      tpu.wait_indirect_dma semaphore(%dma_wait3A_1571 : memref<!tpu.dma_semaphore, #tpu.memory_space<semaphore_mem>>) src(%dma_wait3A_1569 : memref<10000x128xf32, #tpu.memory_space<hbm>>) dst(%dma_wait3A_1563 : memref<128x128xf32, #tpu.memory_space<vmem>>)
      %dma_start3A_1572 = arith.constant 0 : i32
      %dma_start3A_1573 = arith.constant 1 : i32
      %dma_start3A_1574 = arith.constant 24 : i32
      %dma_start3A_1575 = arith.constant 0 : i32
      %dma_start3A_1576 = arith.constant 0 : i32
      %dma_start3A_1577 = arith.constant 0 : i32
      %dma_start3A_1578 = tpu.memref_slice %arg7[%dma_start3A_1572, %dma_start3A_1576, %dma_start3A_1577] : memref<2x128x128xf32, #tpu.memory_space<vmem>> -> memref<1x128x128xf32, #tpu.memory_space<vmem>>
      %dma_start3A_1579 = tpu.memref_squeeze %dma_start3A_1578 : memref<1x128x128xf32, #tpu.memory_space<vmem>> -> memref<128x128xf32, #tpu.memory_space<vmem>>
      %dma_start3A_1580 = arith.constant 0 : i32
      %dma_start3A_1581 = tpu.memref_slice %arg6[%dma_start3A_1573, %dma_start3A_1574, %dma_start3A_1580] : memref<2x40x128xi32, #tpu.memory_space<vmem>> -> memref<1x1x128xi32, #tpu.memory_space<vmem>>
      %dma_start3A_1582 = tpu.memref_squeeze %dma_start3A_1581 : memref<1x1x128xi32, #tpu.memory_space<vmem>> -> memref<128xi32, #tpu.memory_space<vmem>>
      %dma_start3A_1583 = arith.constant 0 : i32
      %dma_start3A_1584 = arith.constant 0 : i32
      %dma_start3A_1585 = tpu.memref_slice %arg8[%dma_start3A_1583, %dma_start3A_1584] : memref<10112x128xf32, #tpu.memory_space<vmem_shared>> -> memref<10112x128xf32, #tpu.memory_space<vmem_shared>>
      %dma_start3A_1586 = tpu.memref_slice %arg10[%dma_start3A_1575] : memref<2x!tpu.dma_semaphore, #tpu.memory_space<semaphore_mem>> -> memref<1x!tpu.dma_semaphore, #tpu.memory_space<semaphore_mem>>
      %dma_start3A_1587 = tpu.memref_squeeze %dma_start3A_1586 : memref<1x!tpu.dma_semaphore, #tpu.memory_space<semaphore_mem>> -> memref<!tpu.dma_semaphore, #tpu.memory_space<semaphore_mem>>
      tpu.enqueue_indirect_dma source(%dma_start3A_1579 : memref<128x128xf32, #tpu.memory_space<vmem>>) target(%dma_start3A_1585 : memref<10112x128xf32, #tpu.memory_space<vmem_shared>>) offsets(%dma_start3A_1582 : memref<128xi32, #tpu.memory_space<vmem>>) semaphore(%dma_start3A_1587 : memref<!tpu.dma_semaphore, #tpu.memory_space<semaphore_mem>>) {add = true}
      %dma_wait3A_1588 = arith.constant 1 : i32
      %dma_wait3A_1589 = arith.constant 1 : i32
      %dma_wait3A_1590 = arith.constant 23 : i32
      %dma_wait3A_1591 = arith.constant 1 : i32
      %dma_wait3A_1592 = arith.constant 0 : i32
      %dma_wait3A_1593 = arith.constant 0 : i32
      %dma_wait3A_1594 = tpu.memref_slice %arg7[%dma_wait3A_1588, %dma_wait3A_1592, %dma_wait3A_1593] : memref<2x128x128xf32, #tpu.memory_space<vmem>> -> memref<1x128x128xf32, #tpu.memory_space<vmem>>
      %dma_wait3A_1595 = tpu.memref_squeeze %dma_wait3A_1594 : memref<1x128x128xf32, #tpu.memory_space<vmem>> -> memref<128x128xf32, #tpu.memory_space<vmem>>
      %dma_wait3A_1596 = arith.constant 0 : i32
      %dma_wait3A_1597 = tpu.memref_slice %arg6[%dma_wait3A_1589, %dma_wait3A_1590, %dma_wait3A_1596] : memref<2x40x128xi32, #tpu.memory_space<vmem>> -> memref<1x1x128xi32, #tpu.memory_space<vmem>>
      %dma_wait3A_1598 = tpu.memref_squeeze %dma_wait3A_1597 : memref<1x1x128xi32, #tpu.memory_space<vmem>> -> memref<128xi32, #tpu.memory_space<vmem>>
      %dma_wait3A_1599 = arith.constant 0 : i32
      %dma_wait3A_1600 = arith.constant 0 : i32
      %dma_wait3A_1601 = tpu.memref_slice %arg8[%dma_wait3A_1599, %dma_wait3A_1600] : memref<10112x128xf32, #tpu.memory_space<vmem_shared>> -> memref<10112x128xf32, #tpu.memory_space<vmem_shared>>
      %dma_wait3A_1602 = tpu.memref_slice %arg10[%dma_wait3A_1591] : memref<2x!tpu.dma_semaphore, #tpu.memory_space<semaphore_mem>> -> memref<1x!tpu.dma_semaphore, #tpu.memory_space<semaphore_mem>>
      %dma_wait3A_1603 = tpu.memref_squeeze %dma_wait3A_1602 : memref<1x!tpu.dma_semaphore, #tpu.memory_space<semaphore_mem>> -> memref<!tpu.dma_semaphore, #tpu.memory_space<semaphore_mem>>
      tpu.wait_indirect_dma semaphore(%dma_wait3A_1603 : memref<!tpu.dma_semaphore, #tpu.memory_space<semaphore_mem>>) src(%dma_wait3A_1595 : memref<128x128xf32, #tpu.memory_space<vmem>>) dst(%dma_wait3A_1601 : memref<10112x128xf32, #tpu.memory_space<vmem_shared>>)
      %dma_start3A_1604 = arith.constant 0 : i32
      %dma_start3A_1605 = arith.constant 25 : i32
      %dma_start3A_1606 = arith.constant 1 : i32
      %dma_start3A_1607 = arith.constant 1 : i32
      %dma_start3A_1608 = arith.constant 0 : i32
      %dma_start3A_1609 = arith.constant 0 : i32
      %dma_start3A_1610 = tpu.memref_slice %arg7[%dma_start3A_1606, %dma_start3A_1608, %dma_start3A_1609] : memref<2x128x128xf32, #tpu.memory_space<vmem>> -> memref<1x128x128xf32, #tpu.memory_space<vmem>>
      %dma_start3A_1611 = tpu.memref_squeeze %dma_start3A_1610 : memref<1x128x128xf32, #tpu.memory_space<vmem>> -> memref<128x128xf32, #tpu.memory_space<vmem>>
      %dma_start3A_1612 = arith.constant 0 : i32
      %dma_start3A_1613 = tpu.memref_slice %arg6[%dma_start3A_1604, %dma_start3A_1605, %dma_start3A_1612] : memref<2x40x128xi32, #tpu.memory_space<vmem>> -> memref<1x1x128xi32, #tpu.memory_space<vmem>>
      %dma_start3A_1614 = tpu.memref_squeeze %dma_start3A_1613 : memref<1x1x128xi32, #tpu.memory_space<vmem>> -> memref<128xi32, #tpu.memory_space<vmem>>
      %dma_start3A_1615 = arith.constant 0 : i32
      %dma_start3A_1616 = arith.constant 0 : i32
      %dma_start3A_1617 = tpu.memref_slice %arg2[%dma_start3A_1615, %dma_start3A_1616] : memref<10000x128xf32, #tpu.memory_space<hbm>> -> memref<10000x128xf32, #tpu.memory_space<hbm>>
      %dma_start3A_1618 = tpu.memref_slice %arg9[%dma_start3A_1607] : memref<2x!tpu.dma_semaphore, #tpu.memory_space<semaphore_mem>> -> memref<1x!tpu.dma_semaphore, #tpu.memory_space<semaphore_mem>>
      %dma_start3A_1619 = tpu.memref_squeeze %dma_start3A_1618 : memref<1x!tpu.dma_semaphore, #tpu.memory_space<semaphore_mem>> -> memref<!tpu.dma_semaphore, #tpu.memory_space<semaphore_mem>>
      tpu.enqueue_indirect_dma source(%dma_start3A_1617 : memref<10000x128xf32, #tpu.memory_space<hbm>>) target(%dma_start3A_1611 : memref<128x128xf32, #tpu.memory_space<vmem>>) offsets(%dma_start3A_1614 : memref<128xi32, #tpu.memory_space<vmem>>) semaphore(%dma_start3A_1619 : memref<!tpu.dma_semaphore, #tpu.memory_space<semaphore_mem>>)
      %dma_wait3A_1620 = arith.constant 0 : i32
      %dma_wait3A_1621 = arith.constant 25 : i32
      %dma_wait3A_1622 = arith.constant 1 : i32
      %dma_wait3A_1623 = arith.constant 1 : i32
      %dma_wait3A_1624 = arith.constant 0 : i32
      %dma_wait3A_1625 = arith.constant 0 : i32
      %dma_wait3A_1626 = tpu.memref_slice %arg7[%dma_wait3A_1622, %dma_wait3A_1624, %dma_wait3A_1625] : memref<2x128x128xf32, #tpu.memory_space<vmem>> -> memref<1x128x128xf32, #tpu.memory_space<vmem>>
      %dma_wait3A_1627 = tpu.memref_squeeze %dma_wait3A_1626 : memref<1x128x128xf32, #tpu.memory_space<vmem>> -> memref<128x128xf32, #tpu.memory_space<vmem>>
      %dma_wait3A_1628 = arith.constant 0 : i32
      %dma_wait3A_1629 = tpu.memref_slice %arg6[%dma_wait3A_1620, %dma_wait3A_1621, %dma_wait3A_1628] : memref<2x40x128xi32, #tpu.memory_space<vmem>> -> memref<1x1x128xi32, #tpu.memory_space<vmem>>
      %dma_wait3A_1630 = tpu.memref_squeeze %dma_wait3A_1629 : memref<1x1x128xi32, #tpu.memory_space<vmem>> -> memref<128xi32, #tpu.memory_space<vmem>>
      %dma_wait3A_1631 = arith.constant 0 : i32
      %dma_wait3A_1632 = arith.constant 0 : i32
      %dma_wait3A_1633 = tpu.memref_slice %arg2[%dma_wait3A_1631, %dma_wait3A_1632] : memref<10000x128xf32, #tpu.memory_space<hbm>> -> memref<10000x128xf32, #tpu.memory_space<hbm>>
      %dma_wait3A_1634 = tpu.memref_slice %arg9[%dma_wait3A_1623] : memref<2x!tpu.dma_semaphore, #tpu.memory_space<semaphore_mem>> -> memref<1x!tpu.dma_semaphore, #tpu.memory_space<semaphore_mem>>
      %dma_wait3A_1635 = tpu.memref_squeeze %dma_wait3A_1634 : memref<1x!tpu.dma_semaphore, #tpu.memory_space<semaphore_mem>> -> memref<!tpu.dma_semaphore, #tpu.memory_space<semaphore_mem>>
      tpu.wait_indirect_dma semaphore(%dma_wait3A_1635 : memref<!tpu.dma_semaphore, #tpu.memory_space<semaphore_mem>>) src(%dma_wait3A_1633 : memref<10000x128xf32, #tpu.memory_space<hbm>>) dst(%dma_wait3A_1627 : memref<128x128xf32, #tpu.memory_space<vmem>>)
      %dma_start3A_1636 = arith.constant 1 : i32
      %dma_start3A_1637 = arith.constant 1 : i32
      %dma_start3A_1638 = arith.constant 25 : i32
      %dma_start3A_1639 = arith.constant 1 : i32
      %dma_start3A_1640 = arith.constant 0 : i32
      %dma_start3A_1641 = arith.constant 0 : i32
      %dma_start3A_1642 = tpu.memref_slice %arg7[%dma_start3A_1636, %dma_start3A_1640, %dma_start3A_1641] : memref<2x128x128xf32, #tpu.memory_space<vmem>> -> memref<1x128x128xf32, #tpu.memory_space<vmem>>
      %dma_start3A_1643 = tpu.memref_squeeze %dma_start3A_1642 : memref<1x128x128xf32, #tpu.memory_space<vmem>> -> memref<128x128xf32, #tpu.memory_space<vmem>>
      %dma_start3A_1644 = arith.constant 0 : i32
      %dma_start3A_1645 = tpu.memref_slice %arg6[%dma_start3A_1637, %dma_start3A_1638, %dma_start3A_1644] : memref<2x40x128xi32, #tpu.memory_space<vmem>> -> memref<1x1x128xi32, #tpu.memory_space<vmem>>
      %dma_start3A_1646 = tpu.memref_squeeze %dma_start3A_1645 : memref<1x1x128xi32, #tpu.memory_space<vmem>> -> memref<128xi32, #tpu.memory_space<vmem>>
      %dma_start3A_1647 = arith.constant 0 : i32
      %dma_start3A_1648 = arith.constant 0 : i32
      %dma_start3A_1649 = tpu.memref_slice %arg8[%dma_start3A_1647, %dma_start3A_1648] : memref<10112x128xf32, #tpu.memory_space<vmem_shared>> -> memref<10112x128xf32, #tpu.memory_space<vmem_shared>>
      %dma_start3A_1650 = tpu.memref_slice %arg10[%dma_start3A_1639] : memref<2x!tpu.dma_semaphore, #tpu.memory_space<semaphore_mem>> -> memref<1x!tpu.dma_semaphore, #tpu.memory_space<semaphore_mem>>
      %dma_start3A_1651 = tpu.memref_squeeze %dma_start3A_1650 : memref<1x!tpu.dma_semaphore, #tpu.memory_space<semaphore_mem>> -> memref<!tpu.dma_semaphore, #tpu.memory_space<semaphore_mem>>
      tpu.enqueue_indirect_dma source(%dma_start3A_1643 : memref<128x128xf32, #tpu.memory_space<vmem>>) target(%dma_start3A_1649 : memref<10112x128xf32, #tpu.memory_space<vmem_shared>>) offsets(%dma_start3A_1646 : memref<128xi32, #tpu.memory_space<vmem>>) semaphore(%dma_start3A_1651 : memref<!tpu.dma_semaphore, #tpu.memory_space<semaphore_mem>>) {add = true}
      %dma_wait3A_1652 = arith.constant 0 : i32
      %dma_wait3A_1653 = arith.constant 1 : i32
      %dma_wait3A_1654 = arith.constant 24 : i32
      %dma_wait3A_1655 = arith.constant 0 : i32
      %dma_wait3A_1656 = arith.constant 0 : i32
      %dma_wait3A_1657 = arith.constant 0 : i32
      %dma_wait3A_1658 = tpu.memref_slice %arg7[%dma_wait3A_1652, %dma_wait3A_1656, %dma_wait3A_1657] : memref<2x128x128xf32, #tpu.memory_space<vmem>> -> memref<1x128x128xf32, #tpu.memory_space<vmem>>
      %dma_wait3A_1659 = tpu.memref_squeeze %dma_wait3A_1658 : memref<1x128x128xf32, #tpu.memory_space<vmem>> -> memref<128x128xf32, #tpu.memory_space<vmem>>
      %dma_wait3A_1660 = arith.constant 0 : i32
      %dma_wait3A_1661 = tpu.memref_slice %arg6[%dma_wait3A_1653, %dma_wait3A_1654, %dma_wait3A_1660] : memref<2x40x128xi32, #tpu.memory_space<vmem>> -> memref<1x1x128xi32, #tpu.memory_space<vmem>>
      %dma_wait3A_1662 = tpu.memref_squeeze %dma_wait3A_1661 : memref<1x1x128xi32, #tpu.memory_space<vmem>> -> memref<128xi32, #tpu.memory_space<vmem>>
      %dma_wait3A_1663 = arith.constant 0 : i32
      %dma_wait3A_1664 = arith.constant 0 : i32
      %dma_wait3A_1665 = tpu.memref_slice %arg8[%dma_wait3A_1663, %dma_wait3A_1664] : memref<10112x128xf32, #tpu.memory_space<vmem_shared>> -> memref<10112x128xf32, #tpu.memory_space<vmem_shared>>
      %dma_wait3A_1666 = tpu.memref_slice %arg10[%dma_wait3A_1655] : memref<2x!tpu.dma_semaphore, #tpu.memory_space<semaphore_mem>> -> memref<1x!tpu.dma_semaphore, #tpu.memory_space<semaphore_mem>>
      %dma_wait3A_1667 = tpu.memref_squeeze %dma_wait3A_1666 : memref<1x!tpu.dma_semaphore, #tpu.memory_space<semaphore_mem>> -> memref<!tpu.dma_semaphore, #tpu.memory_space<semaphore_mem>>
      tpu.wait_indirect_dma semaphore(%dma_wait3A_1667 : memref<!tpu.dma_semaphore, #tpu.memory_space<semaphore_mem>>) src(%dma_wait3A_1659 : memref<128x128xf32, #tpu.memory_space<vmem>>) dst(%dma_wait3A_1665 : memref<10112x128xf32, #tpu.memory_space<vmem_shared>>)
      %dma_start3A_1668 = arith.constant 0 : i32
      %dma_start3A_1669 = arith.constant 26 : i32
      %dma_start3A_1670 = arith.constant 0 : i32
      %dma_start3A_1671 = arith.constant 0 : i32
      %dma_start3A_1672 = arith.constant 0 : i32
      %dma_start3A_1673 = arith.constant 0 : i32
      %dma_start3A_1674 = tpu.memref_slice %arg7[%dma_start3A_1670, %dma_start3A_1672, %dma_start3A_1673] : memref<2x128x128xf32, #tpu.memory_space<vmem>> -> memref<1x128x128xf32, #tpu.memory_space<vmem>>
      %dma_start3A_1675 = tpu.memref_squeeze %dma_start3A_1674 : memref<1x128x128xf32, #tpu.memory_space<vmem>> -> memref<128x128xf32, #tpu.memory_space<vmem>>
      %dma_start3A_1676 = arith.constant 0 : i32
      %dma_start3A_1677 = tpu.memref_slice %arg6[%dma_start3A_1668, %dma_start3A_1669, %dma_start3A_1676] : memref<2x40x128xi32, #tpu.memory_space<vmem>> -> memref<1x1x128xi32, #tpu.memory_space<vmem>>
      %dma_start3A_1678 = tpu.memref_squeeze %dma_start3A_1677 : memref<1x1x128xi32, #tpu.memory_space<vmem>> -> memref<128xi32, #tpu.memory_space<vmem>>
      %dma_start3A_1679 = arith.constant 0 : i32
      %dma_start3A_1680 = arith.constant 0 : i32
      %dma_start3A_1681 = tpu.memref_slice %arg2[%dma_start3A_1679, %dma_start3A_1680] : memref<10000x128xf32, #tpu.memory_space<hbm>> -> memref<10000x128xf32, #tpu.memory_space<hbm>>
      %dma_start3A_1682 = tpu.memref_slice %arg9[%dma_start3A_1671] : memref<2x!tpu.dma_semaphore, #tpu.memory_space<semaphore_mem>> -> memref<1x!tpu.dma_semaphore, #tpu.memory_space<semaphore_mem>>
      %dma_start3A_1683 = tpu.memref_squeeze %dma_start3A_1682 : memref<1x!tpu.dma_semaphore, #tpu.memory_space<semaphore_mem>> -> memref<!tpu.dma_semaphore, #tpu.memory_space<semaphore_mem>>
      tpu.enqueue_indirect_dma source(%dma_start3A_1681 : memref<10000x128xf32, #tpu.memory_space<hbm>>) target(%dma_start3A_1675 : memref<128x128xf32, #tpu.memory_space<vmem>>) offsets(%dma_start3A_1678 : memref<128xi32, #tpu.memory_space<vmem>>) semaphore(%dma_start3A_1683 : memref<!tpu.dma_semaphore, #tpu.memory_space<semaphore_mem>>)
      %dma_wait3A_1684 = arith.constant 0 : i32
      %dma_wait3A_1685 = arith.constant 26 : i32
      %dma_wait3A_1686 = arith.constant 0 : i32
      %dma_wait3A_1687 = arith.constant 0 : i32
      %dma_wait3A_1688 = arith.constant 0 : i32
      %dma_wait3A_1689 = arith.constant 0 : i32
      %dma_wait3A_1690 = tpu.memref_slice %arg7[%dma_wait3A_1686, %dma_wait3A_1688, %dma_wait3A_1689] : memref<2x128x128xf32, #tpu.memory_space<vmem>> -> memref<1x128x128xf32, #tpu.memory_space<vmem>>
      %dma_wait3A_1691 = tpu.memref_squeeze %dma_wait3A_1690 : memref<1x128x128xf32, #tpu.memory_space<vmem>> -> memref<128x128xf32, #tpu.memory_space<vmem>>
      %dma_wait3A_1692 = arith.constant 0 : i32
      %dma_wait3A_1693 = tpu.memref_slice %arg6[%dma_wait3A_1684, %dma_wait3A_1685, %dma_wait3A_1692] : memref<2x40x128xi32, #tpu.memory_space<vmem>> -> memref<1x1x128xi32, #tpu.memory_space<vmem>>
      %dma_wait3A_1694 = tpu.memref_squeeze %dma_wait3A_1693 : memref<1x1x128xi32, #tpu.memory_space<vmem>> -> memref<128xi32, #tpu.memory_space<vmem>>
      %dma_wait3A_1695 = arith.constant 0 : i32
      %dma_wait3A_1696 = arith.constant 0 : i32
      %dma_wait3A_1697 = tpu.memref_slice %arg2[%dma_wait3A_1695, %dma_wait3A_1696] : memref<10000x128xf32, #tpu.memory_space<hbm>> -> memref<10000x128xf32, #tpu.memory_space<hbm>>
      %dma_wait3A_1698 = tpu.memref_slice %arg9[%dma_wait3A_1687] : memref<2x!tpu.dma_semaphore, #tpu.memory_space<semaphore_mem>> -> memref<1x!tpu.dma_semaphore, #tpu.memory_space<semaphore_mem>>
      %dma_wait3A_1699 = tpu.memref_squeeze %dma_wait3A_1698 : memref<1x!tpu.dma_semaphore, #tpu.memory_space<semaphore_mem>> -> memref<!tpu.dma_semaphore, #tpu.memory_space<semaphore_mem>>
      tpu.wait_indirect_dma semaphore(%dma_wait3A_1699 : memref<!tpu.dma_semaphore, #tpu.memory_space<semaphore_mem>>) src(%dma_wait3A_1697 : memref<10000x128xf32, #tpu.memory_space<hbm>>) dst(%dma_wait3A_1691 : memref<128x128xf32, #tpu.memory_space<vmem>>)
      %dma_start3A_1700 = arith.constant 0 : i32
      %dma_start3A_1701 = arith.constant 1 : i32
      %dma_start3A_1702 = arith.constant 26 : i32
      %dma_start3A_1703 = arith.constant 0 : i32
      %dma_start3A_1704 = arith.constant 0 : i32
      %dma_start3A_1705 = arith.constant 0 : i32
      %dma_start3A_1706 = tpu.memref_slice %arg7[%dma_start3A_1700, %dma_start3A_1704, %dma_start3A_1705] : memref<2x128x128xf32, #tpu.memory_space<vmem>> -> memref<1x128x128xf32, #tpu.memory_space<vmem>>
      %dma_start3A_1707 = tpu.memref_squeeze %dma_start3A_1706 : memref<1x128x128xf32, #tpu.memory_space<vmem>> -> memref<128x128xf32, #tpu.memory_space<vmem>>
      %dma_start3A_1708 = arith.constant 0 : i32
      %dma_start3A_1709 = tpu.memref_slice %arg6[%dma_start3A_1701, %dma_start3A_1702, %dma_start3A_1708] : memref<2x40x128xi32, #tpu.memory_space<vmem>> -> memref<1x1x128xi32, #tpu.memory_space<vmem>>
      %dma_start3A_1710 = tpu.memref_squeeze %dma_start3A_1709 : memref<1x1x128xi32, #tpu.memory_space<vmem>> -> memref<128xi32, #tpu.memory_space<vmem>>
      %dma_start3A_1711 = arith.constant 0 : i32
      %dma_start3A_1712 = arith.constant 0 : i32
      %dma_start3A_1713 = tpu.memref_slice %arg8[%dma_start3A_1711, %dma_start3A_1712] : memref<10112x128xf32, #tpu.memory_space<vmem_shared>> -> memref<10112x128xf32, #tpu.memory_space<vmem_shared>>
      %dma_start3A_1714 = tpu.memref_slice %arg10[%dma_start3A_1703] : memref<2x!tpu.dma_semaphore, #tpu.memory_space<semaphore_mem>> -> memref<1x!tpu.dma_semaphore, #tpu.memory_space<semaphore_mem>>
      %dma_start3A_1715 = tpu.memref_squeeze %dma_start3A_1714 : memref<1x!tpu.dma_semaphore, #tpu.memory_space<semaphore_mem>> -> memref<!tpu.dma_semaphore, #tpu.memory_space<semaphore_mem>>
      tpu.enqueue_indirect_dma source(%dma_start3A_1707 : memref<128x128xf32, #tpu.memory_space<vmem>>) target(%dma_start3A_1713 : memref<10112x128xf32, #tpu.memory_space<vmem_shared>>) offsets(%dma_start3A_1710 : memref<128xi32, #tpu.memory_space<vmem>>) semaphore(%dma_start3A_1715 : memref<!tpu.dma_semaphore, #tpu.memory_space<semaphore_mem>>) {add = true}
      %dma_wait3A_1716 = arith.constant 1 : i32
      %dma_wait3A_1717 = arith.constant 1 : i32
      %dma_wait3A_1718 = arith.constant 25 : i32
      %dma_wait3A_1719 = arith.constant 1 : i32
      %dma_wait3A_1720 = arith.constant 0 : i32
      %dma_wait3A_1721 = arith.constant 0 : i32
      %dma_wait3A_1722 = tpu.memref_slice %arg7[%dma_wait3A_1716, %dma_wait3A_1720, %dma_wait3A_1721] : memref<2x128x128xf32, #tpu.memory_space<vmem>> -> memref<1x128x128xf32, #tpu.memory_space<vmem>>
      %dma_wait3A_1723 = tpu.memref_squeeze %dma_wait3A_1722 : memref<1x128x128xf32, #tpu.memory_space<vmem>> -> memref<128x128xf32, #tpu.memory_space<vmem>>
      %dma_wait3A_1724 = arith.constant 0 : i32
      %dma_wait3A_1725 = tpu.memref_slice %arg6[%dma_wait3A_1717, %dma_wait3A_1718, %dma_wait3A_1724] : memref<2x40x128xi32, #tpu.memory_space<vmem>> -> memref<1x1x128xi32, #tpu.memory_space<vmem>>
      %dma_wait3A_1726 = tpu.memref_squeeze %dma_wait3A_1725 : memref<1x1x128xi32, #tpu.memory_space<vmem>> -> memref<128xi32, #tpu.memory_space<vmem>>
      %dma_wait3A_1727 = arith.constant 0 : i32
      %dma_wait3A_1728 = arith.constant 0 : i32
      %dma_wait3A_1729 = tpu.memref_slice %arg8[%dma_wait3A_1727, %dma_wait3A_1728] : memref<10112x128xf32, #tpu.memory_space<vmem_shared>> -> memref<10112x128xf32, #tpu.memory_space<vmem_shared>>
      %dma_wait3A_1730 = tpu.memref_slice %arg10[%dma_wait3A_1719] : memref<2x!tpu.dma_semaphore, #tpu.memory_space<semaphore_mem>> -> memref<1x!tpu.dma_semaphore, #tpu.memory_space<semaphore_mem>>
      %dma_wait3A_1731 = tpu.memref_squeeze %dma_wait3A_1730 : memref<1x!tpu.dma_semaphore, #tpu.memory_space<semaphore_mem>> -> memref<!tpu.dma_semaphore, #tpu.memory_space<semaphore_mem>>
      tpu.wait_indirect_dma semaphore(%dma_wait3A_1731 : memref<!tpu.dma_semaphore, #tpu.memory_space<semaphore_mem>>) src(%dma_wait3A_1723 : memref<128x128xf32, #tpu.memory_space<vmem>>) dst(%dma_wait3A_1729 : memref<10112x128xf32, #tpu.memory_space<vmem_shared>>)
      %dma_start3A_1732 = arith.constant 0 : i32
      %dma_start3A_1733 = arith.constant 27 : i32
      %dma_start3A_1734 = arith.constant 1 : i32
      %dma_start3A_1735 = arith.constant 1 : i32
      %dma_start3A_1736 = arith.constant 0 : i32
      %dma_start3A_1737 = arith.constant 0 : i32
      %dma_start3A_1738 = tpu.memref_slice %arg7[%dma_start3A_1734, %dma_start3A_1736, %dma_start3A_1737] : memref<2x128x128xf32, #tpu.memory_space<vmem>> -> memref<1x128x128xf32, #tpu.memory_space<vmem>>
      %dma_start3A_1739 = tpu.memref_squeeze %dma_start3A_1738 : memref<1x128x128xf32, #tpu.memory_space<vmem>> -> memref<128x128xf32, #tpu.memory_space<vmem>>
      %dma_start3A_1740 = arith.constant 0 : i32
      %dma_start3A_1741 = tpu.memref_slice %arg6[%dma_start3A_1732, %dma_start3A_1733, %dma_start3A_1740] : memref<2x40x128xi32, #tpu.memory_space<vmem>> -> memref<1x1x128xi32, #tpu.memory_space<vmem>>
      %dma_start3A_1742 = tpu.memref_squeeze %dma_start3A_1741 : memref<1x1x128xi32, #tpu.memory_space<vmem>> -> memref<128xi32, #tpu.memory_space<vmem>>
      %dma_start3A_1743 = arith.constant 0 : i32
      %dma_start3A_1744 = arith.constant 0 : i32
      %dma_start3A_1745 = tpu.memref_slice %arg2[%dma_start3A_1743, %dma_start3A_1744] : memref<10000x128xf32, #tpu.memory_space<hbm>> -> memref<10000x128xf32, #tpu.memory_space<hbm>>
      %dma_start3A_1746 = tpu.memref_slice %arg9[%dma_start3A_1735] : memref<2x!tpu.dma_semaphore, #tpu.memory_space<semaphore_mem>> -> memref<1x!tpu.dma_semaphore, #tpu.memory_space<semaphore_mem>>
      %dma_start3A_1747 = tpu.memref_squeeze %dma_start3A_1746 : memref<1x!tpu.dma_semaphore, #tpu.memory_space<semaphore_mem>> -> memref<!tpu.dma_semaphore, #tpu.memory_space<semaphore_mem>>
      tpu.enqueue_indirect_dma source(%dma_start3A_1745 : memref<10000x128xf32, #tpu.memory_space<hbm>>) target(%dma_start3A_1739 : memref<128x128xf32, #tpu.memory_space<vmem>>) offsets(%dma_start3A_1742 : memref<128xi32, #tpu.memory_space<vmem>>) semaphore(%dma_start3A_1747 : memref<!tpu.dma_semaphore, #tpu.memory_space<semaphore_mem>>)
      %dma_wait3A_1748 = arith.constant 0 : i32
      %dma_wait3A_1749 = arith.constant 27 : i32
      %dma_wait3A_1750 = arith.constant 1 : i32
      %dma_wait3A_1751 = arith.constant 1 : i32
      %dma_wait3A_1752 = arith.constant 0 : i32
      %dma_wait3A_1753 = arith.constant 0 : i32
      %dma_wait3A_1754 = tpu.memref_slice %arg7[%dma_wait3A_1750, %dma_wait3A_1752, %dma_wait3A_1753] : memref<2x128x128xf32, #tpu.memory_space<vmem>> -> memref<1x128x128xf32, #tpu.memory_space<vmem>>
      %dma_wait3A_1755 = tpu.memref_squeeze %dma_wait3A_1754 : memref<1x128x128xf32, #tpu.memory_space<vmem>> -> memref<128x128xf32, #tpu.memory_space<vmem>>
      %dma_wait3A_1756 = arith.constant 0 : i32
      %dma_wait3A_1757 = tpu.memref_slice %arg6[%dma_wait3A_1748, %dma_wait3A_1749, %dma_wait3A_1756] : memref<2x40x128xi32, #tpu.memory_space<vmem>> -> memref<1x1x128xi32, #tpu.memory_space<vmem>>
      %dma_wait3A_1758 = tpu.memref_squeeze %dma_wait3A_1757 : memref<1x1x128xi32, #tpu.memory_space<vmem>> -> memref<128xi32, #tpu.memory_space<vmem>>
      %dma_wait3A_1759 = arith.constant 0 : i32
      %dma_wait3A_1760 = arith.constant 0 : i32
      %dma_wait3A_1761 = tpu.memref_slice %arg2[%dma_wait3A_1759, %dma_wait3A_1760] : memref<10000x128xf32, #tpu.memory_space<hbm>> -> memref<10000x128xf32, #tpu.memory_space<hbm>>
      %dma_wait3A_1762 = tpu.memref_slice %arg9[%dma_wait3A_1751] : memref<2x!tpu.dma_semaphore, #tpu.memory_space<semaphore_mem>> -> memref<1x!tpu.dma_semaphore, #tpu.memory_space<semaphore_mem>>
      %dma_wait3A_1763 = tpu.memref_squeeze %dma_wait3A_1762 : memref<1x!tpu.dma_semaphore, #tpu.memory_space<semaphore_mem>> -> memref<!tpu.dma_semaphore, #tpu.memory_space<semaphore_mem>>
      tpu.wait_indirect_dma semaphore(%dma_wait3A_1763 : memref<!tpu.dma_semaphore, #tpu.memory_space<semaphore_mem>>) src(%dma_wait3A_1761 : memref<10000x128xf32, #tpu.memory_space<hbm>>) dst(%dma_wait3A_1755 : memref<128x128xf32, #tpu.memory_space<vmem>>)
      %dma_start3A_1764 = arith.constant 1 : i32
      %dma_start3A_1765 = arith.constant 1 : i32
      %dma_start3A_1766 = arith.constant 27 : i32
      %dma_start3A_1767 = arith.constant 1 : i32
      %dma_start3A_1768 = arith.constant 0 : i32
      %dma_start3A_1769 = arith.constant 0 : i32
      %dma_start3A_1770 = tpu.memref_slice %arg7[%dma_start3A_1764, %dma_start3A_1768, %dma_start3A_1769] : memref<2x128x128xf32, #tpu.memory_space<vmem>> -> memref<1x128x128xf32, #tpu.memory_space<vmem>>
      %dma_start3A_1771 = tpu.memref_squeeze %dma_start3A_1770 : memref<1x128x128xf32, #tpu.memory_space<vmem>> -> memref<128x128xf32, #tpu.memory_space<vmem>>
      %dma_start3A_1772 = arith.constant 0 : i32
      %dma_start3A_1773 = tpu.memref_slice %arg6[%dma_start3A_1765, %dma_start3A_1766, %dma_start3A_1772] : memref<2x40x128xi32, #tpu.memory_space<vmem>> -> memref<1x1x128xi32, #tpu.memory_space<vmem>>
      %dma_start3A_1774 = tpu.memref_squeeze %dma_start3A_1773 : memref<1x1x128xi32, #tpu.memory_space<vmem>> -> memref<128xi32, #tpu.memory_space<vmem>>
      %dma_start3A_1775 = arith.constant 0 : i32
      %dma_start3A_1776 = arith.constant 0 : i32
      %dma_start3A_1777 = tpu.memref_slice %arg8[%dma_start3A_1775, %dma_start3A_1776] : memref<10112x128xf32, #tpu.memory_space<vmem_shared>> -> memref<10112x128xf32, #tpu.memory_space<vmem_shared>>
      %dma_start3A_1778 = tpu.memref_slice %arg10[%dma_start3A_1767] : memref<2x!tpu.dma_semaphore, #tpu.memory_space<semaphore_mem>> -> memref<1x!tpu.dma_semaphore, #tpu.memory_space<semaphore_mem>>
      %dma_start3A_1779 = tpu.memref_squeeze %dma_start3A_1778 : memref<1x!tpu.dma_semaphore, #tpu.memory_space<semaphore_mem>> -> memref<!tpu.dma_semaphore, #tpu.memory_space<semaphore_mem>>
      tpu.enqueue_indirect_dma source(%dma_start3A_1771 : memref<128x128xf32, #tpu.memory_space<vmem>>) target(%dma_start3A_1777 : memref<10112x128xf32, #tpu.memory_space<vmem_shared>>) offsets(%dma_start3A_1774 : memref<128xi32, #tpu.memory_space<vmem>>) semaphore(%dma_start3A_1779 : memref<!tpu.dma_semaphore, #tpu.memory_space<semaphore_mem>>) {add = true}
      %dma_wait3A_1780 = arith.constant 0 : i32
      %dma_wait3A_1781 = arith.constant 1 : i32
      %dma_wait3A_1782 = arith.constant 26 : i32
      %dma_wait3A_1783 = arith.constant 0 : i32
      %dma_wait3A_1784 = arith.constant 0 : i32
      %dma_wait3A_1785 = arith.constant 0 : i32
      %dma_wait3A_1786 = tpu.memref_slice %arg7[%dma_wait3A_1780, %dma_wait3A_1784, %dma_wait3A_1785] : memref<2x128x128xf32, #tpu.memory_space<vmem>> -> memref<1x128x128xf32, #tpu.memory_space<vmem>>
      %dma_wait3A_1787 = tpu.memref_squeeze %dma_wait3A_1786 : memref<1x128x128xf32, #tpu.memory_space<vmem>> -> memref<128x128xf32, #tpu.memory_space<vmem>>
      %dma_wait3A_1788 = arith.constant 0 : i32
      %dma_wait3A_1789 = tpu.memref_slice %arg6[%dma_wait3A_1781, %dma_wait3A_1782, %dma_wait3A_1788] : memref<2x40x128xi32, #tpu.memory_space<vmem>> -> memref<1x1x128xi32, #tpu.memory_space<vmem>>
      %dma_wait3A_1790 = tpu.memref_squeeze %dma_wait3A_1789 : memref<1x1x128xi32, #tpu.memory_space<vmem>> -> memref<128xi32, #tpu.memory_space<vmem>>
      %dma_wait3A_1791 = arith.constant 0 : i32
      %dma_wait3A_1792 = arith.constant 0 : i32
      %dma_wait3A_1793 = tpu.memref_slice %arg8[%dma_wait3A_1791, %dma_wait3A_1792] : memref<10112x128xf32, #tpu.memory_space<vmem_shared>> -> memref<10112x128xf32, #tpu.memory_space<vmem_shared>>
      %dma_wait3A_1794 = tpu.memref_slice %arg10[%dma_wait3A_1783] : memref<2x!tpu.dma_semaphore, #tpu.memory_space<semaphore_mem>> -> memref<1x!tpu.dma_semaphore, #tpu.memory_space<semaphore_mem>>
      %dma_wait3A_1795 = tpu.memref_squeeze %dma_wait3A_1794 : memref<1x!tpu.dma_semaphore, #tpu.memory_space<semaphore_mem>> -> memref<!tpu.dma_semaphore, #tpu.memory_space<semaphore_mem>>
      tpu.wait_indirect_dma semaphore(%dma_wait3A_1795 : memref<!tpu.dma_semaphore, #tpu.memory_space<semaphore_mem>>) src(%dma_wait3A_1787 : memref<128x128xf32, #tpu.memory_space<vmem>>) dst(%dma_wait3A_1793 : memref<10112x128xf32, #tpu.memory_space<vmem_shared>>)
      %dma_start3A_1796 = arith.constant 0 : i32
      %dma_start3A_1797 = arith.constant 28 : i32
      %dma_start3A_1798 = arith.constant 0 : i32
      %dma_start3A_1799 = arith.constant 0 : i32
      %dma_start3A_1800 = arith.constant 0 : i32
      %dma_start3A_1801 = arith.constant 0 : i32
      %dma_start3A_1802 = tpu.memref_slice %arg7[%dma_start3A_1798, %dma_start3A_1800, %dma_start3A_1801] : memref<2x128x128xf32, #tpu.memory_space<vmem>> -> memref<1x128x128xf32, #tpu.memory_space<vmem>>
      %dma_start3A_1803 = tpu.memref_squeeze %dma_start3A_1802 : memref<1x128x128xf32, #tpu.memory_space<vmem>> -> memref<128x128xf32, #tpu.memory_space<vmem>>
      %dma_start3A_1804 = arith.constant 0 : i32
      %dma_start3A_1805 = tpu.memref_slice %arg6[%dma_start3A_1796, %dma_start3A_1797, %dma_start3A_1804] : memref<2x40x128xi32, #tpu.memory_space<vmem>> -> memref<1x1x128xi32, #tpu.memory_space<vmem>>
      %dma_start3A_1806 = tpu.memref_squeeze %dma_start3A_1805 : memref<1x1x128xi32, #tpu.memory_space<vmem>> -> memref<128xi32, #tpu.memory_space<vmem>>
      %dma_start3A_1807 = arith.constant 0 : i32
      %dma_start3A_1808 = arith.constant 0 : i32
      %dma_start3A_1809 = tpu.memref_slice %arg2[%dma_start3A_1807, %dma_start3A_1808] : memref<10000x128xf32, #tpu.memory_space<hbm>> -> memref<10000x128xf32, #tpu.memory_space<hbm>>
      %dma_start3A_1810 = tpu.memref_slice %arg9[%dma_start3A_1799] : memref<2x!tpu.dma_semaphore, #tpu.memory_space<semaphore_mem>> -> memref<1x!tpu.dma_semaphore, #tpu.memory_space<semaphore_mem>>
      %dma_start3A_1811 = tpu.memref_squeeze %dma_start3A_1810 : memref<1x!tpu.dma_semaphore, #tpu.memory_space<semaphore_mem>> -> memref<!tpu.dma_semaphore, #tpu.memory_space<semaphore_mem>>
      tpu.enqueue_indirect_dma source(%dma_start3A_1809 : memref<10000x128xf32, #tpu.memory_space<hbm>>) target(%dma_start3A_1803 : memref<128x128xf32, #tpu.memory_space<vmem>>) offsets(%dma_start3A_1806 : memref<128xi32, #tpu.memory_space<vmem>>) semaphore(%dma_start3A_1811 : memref<!tpu.dma_semaphore, #tpu.memory_space<semaphore_mem>>)
      %dma_wait3A_1812 = arith.constant 0 : i32
      %dma_wait3A_1813 = arith.constant 28 : i32
      %dma_wait3A_1814 = arith.constant 0 : i32
      %dma_wait3A_1815 = arith.constant 0 : i32
      %dma_wait3A_1816 = arith.constant 0 : i32
      %dma_wait3A_1817 = arith.constant 0 : i32
      %dma_wait3A_1818 = tpu.memref_slice %arg7[%dma_wait3A_1814, %dma_wait3A_1816, %dma_wait3A_1817] : memref<2x128x128xf32, #tpu.memory_space<vmem>> -> memref<1x128x128xf32, #tpu.memory_space<vmem>>
      %dma_wait3A_1819 = tpu.memref_squeeze %dma_wait3A_1818 : memref<1x128x128xf32, #tpu.memory_space<vmem>> -> memref<128x128xf32, #tpu.memory_space<vmem>>
      %dma_wait3A_1820 = arith.constant 0 : i32
      %dma_wait3A_1821 = tpu.memref_slice %arg6[%dma_wait3A_1812, %dma_wait3A_1813, %dma_wait3A_1820] : memref<2x40x128xi32, #tpu.memory_space<vmem>> -> memref<1x1x128xi32, #tpu.memory_space<vmem>>
      %dma_wait3A_1822 = tpu.memref_squeeze %dma_wait3A_1821 : memref<1x1x128xi32, #tpu.memory_space<vmem>> -> memref<128xi32, #tpu.memory_space<vmem>>
      %dma_wait3A_1823 = arith.constant 0 : i32
      %dma_wait3A_1824 = arith.constant 0 : i32
      %dma_wait3A_1825 = tpu.memref_slice %arg2[%dma_wait3A_1823, %dma_wait3A_1824] : memref<10000x128xf32, #tpu.memory_space<hbm>> -> memref<10000x128xf32, #tpu.memory_space<hbm>>
      %dma_wait3A_1826 = tpu.memref_slice %arg9[%dma_wait3A_1815] : memref<2x!tpu.dma_semaphore, #tpu.memory_space<semaphore_mem>> -> memref<1x!tpu.dma_semaphore, #tpu.memory_space<semaphore_mem>>
      %dma_wait3A_1827 = tpu.memref_squeeze %dma_wait3A_1826 : memref<1x!tpu.dma_semaphore, #tpu.memory_space<semaphore_mem>> -> memref<!tpu.dma_semaphore, #tpu.memory_space<semaphore_mem>>
      tpu.wait_indirect_dma semaphore(%dma_wait3A_1827 : memref<!tpu.dma_semaphore, #tpu.memory_space<semaphore_mem>>) src(%dma_wait3A_1825 : memref<10000x128xf32, #tpu.memory_space<hbm>>) dst(%dma_wait3A_1819 : memref<128x128xf32, #tpu.memory_space<vmem>>)
      %dma_start3A_1828 = arith.constant 0 : i32
      %dma_start3A_1829 = arith.constant 1 : i32
      %dma_start3A_1830 = arith.constant 28 : i32
      %dma_start3A_1831 = arith.constant 0 : i32
      %dma_start3A_1832 = arith.constant 0 : i32
      %dma_start3A_1833 = arith.constant 0 : i32
      %dma_start3A_1834 = tpu.memref_slice %arg7[%dma_start3A_1828, %dma_start3A_1832, %dma_start3A_1833] : memref<2x128x128xf32, #tpu.memory_space<vmem>> -> memref<1x128x128xf32, #tpu.memory_space<vmem>>
      %dma_start3A_1835 = tpu.memref_squeeze %dma_start3A_1834 : memref<1x128x128xf32, #tpu.memory_space<vmem>> -> memref<128x128xf32, #tpu.memory_space<vmem>>
      %dma_start3A_1836 = arith.constant 0 : i32
      %dma_start3A_1837 = tpu.memref_slice %arg6[%dma_start3A_1829, %dma_start3A_1830, %dma_start3A_1836] : memref<2x40x128xi32, #tpu.memory_space<vmem>> -> memref<1x1x128xi32, #tpu.memory_space<vmem>>
      %dma_start3A_1838 = tpu.memref_squeeze %dma_start3A_1837 : memref<1x1x128xi32, #tpu.memory_space<vmem>> -> memref<128xi32, #tpu.memory_space<vmem>>
      %dma_start3A_1839 = arith.constant 0 : i32
      %dma_start3A_1840 = arith.constant 0 : i32
      %dma_start3A_1841 = tpu.memref_slice %arg8[%dma_start3A_1839, %dma_start3A_1840] : memref<10112x128xf32, #tpu.memory_space<vmem_shared>> -> memref<10112x128xf32, #tpu.memory_space<vmem_shared>>
      %dma_start3A_1842 = tpu.memref_slice %arg10[%dma_start3A_1831] : memref<2x!tpu.dma_semaphore, #tpu.memory_space<semaphore_mem>> -> memref<1x!tpu.dma_semaphore, #tpu.memory_space<semaphore_mem>>
      %dma_start3A_1843 = tpu.memref_squeeze %dma_start3A_1842 : memref<1x!tpu.dma_semaphore, #tpu.memory_space<semaphore_mem>> -> memref<!tpu.dma_semaphore, #tpu.memory_space<semaphore_mem>>
      tpu.enqueue_indirect_dma source(%dma_start3A_1835 : memref<128x128xf32, #tpu.memory_space<vmem>>) target(%dma_start3A_1841 : memref<10112x128xf32, #tpu.memory_space<vmem_shared>>) offsets(%dma_start3A_1838 : memref<128xi32, #tpu.memory_space<vmem>>) semaphore(%dma_start3A_1843 : memref<!tpu.dma_semaphore, #tpu.memory_space<semaphore_mem>>) {add = true}
      %dma_wait3A_1844 = arith.constant 1 : i32
      %dma_wait3A_1845 = arith.constant 1 : i32
      %dma_wait3A_1846 = arith.constant 27 : i32
      %dma_wait3A_1847 = arith.constant 1 : i32
      %dma_wait3A_1848 = arith.constant 0 : i32
      %dma_wait3A_1849 = arith.constant 0 : i32
      %dma_wait3A_1850 = tpu.memref_slice %arg7[%dma_wait3A_1844, %dma_wait3A_1848, %dma_wait3A_1849] : memref<2x128x128xf32, #tpu.memory_space<vmem>> -> memref<1x128x128xf32, #tpu.memory_space<vmem>>
      %dma_wait3A_1851 = tpu.memref_squeeze %dma_wait3A_1850 : memref<1x128x128xf32, #tpu.memory_space<vmem>> -> memref<128x128xf32, #tpu.memory_space<vmem>>
      %dma_wait3A_1852 = arith.constant 0 : i32
      %dma_wait3A_1853 = tpu.memref_slice %arg6[%dma_wait3A_1845, %dma_wait3A_1846, %dma_wait3A_1852] : memref<2x40x128xi32, #tpu.memory_space<vmem>> -> memref<1x1x128xi32, #tpu.memory_space<vmem>>
      %dma_wait3A_1854 = tpu.memref_squeeze %dma_wait3A_1853 : memref<1x1x128xi32, #tpu.memory_space<vmem>> -> memref<128xi32, #tpu.memory_space<vmem>>
      %dma_wait3A_1855 = arith.constant 0 : i32
      %dma_wait3A_1856 = arith.constant 0 : i32
      %dma_wait3A_1857 = tpu.memref_slice %arg8[%dma_wait3A_1855, %dma_wait3A_1856] : memref<10112x128xf32, #tpu.memory_space<vmem_shared>> -> memref<10112x128xf32, #tpu.memory_space<vmem_shared>>
      %dma_wait3A_1858 = tpu.memref_slice %arg10[%dma_wait3A_1847] : memref<2x!tpu.dma_semaphore, #tpu.memory_space<semaphore_mem>> -> memref<1x!tpu.dma_semaphore, #tpu.memory_space<semaphore_mem>>
      %dma_wait3A_1859 = tpu.memref_squeeze %dma_wait3A_1858 : memref<1x!tpu.dma_semaphore, #tpu.memory_space<semaphore_mem>> -> memref<!tpu.dma_semaphore, #tpu.memory_space<semaphore_mem>>
      tpu.wait_indirect_dma semaphore(%dma_wait3A_1859 : memref<!tpu.dma_semaphore, #tpu.memory_space<semaphore_mem>>) src(%dma_wait3A_1851 : memref<128x128xf32, #tpu.memory_space<vmem>>) dst(%dma_wait3A_1857 : memref<10112x128xf32, #tpu.memory_space<vmem_shared>>)
      %dma_start3A_1860 = arith.constant 0 : i32
      %dma_start3A_1861 = arith.constant 29 : i32
      %dma_start3A_1862 = arith.constant 1 : i32
      %dma_start3A_1863 = arith.constant 1 : i32
      %dma_start3A_1864 = arith.constant 0 : i32
      %dma_start3A_1865 = arith.constant 0 : i32
      %dma_start3A_1866 = tpu.memref_slice %arg7[%dma_start3A_1862, %dma_start3A_1864, %dma_start3A_1865] : memref<2x128x128xf32, #tpu.memory_space<vmem>> -> memref<1x128x128xf32, #tpu.memory_space<vmem>>
      %dma_start3A_1867 = tpu.memref_squeeze %dma_start3A_1866 : memref<1x128x128xf32, #tpu.memory_space<vmem>> -> memref<128x128xf32, #tpu.memory_space<vmem>>
      %dma_start3A_1868 = arith.constant 0 : i32
      %dma_start3A_1869 = tpu.memref_slice %arg6[%dma_start3A_1860, %dma_start3A_1861, %dma_start3A_1868] : memref<2x40x128xi32, #tpu.memory_space<vmem>> -> memref<1x1x128xi32, #tpu.memory_space<vmem>>
      %dma_start3A_1870 = tpu.memref_squeeze %dma_start3A_1869 : memref<1x1x128xi32, #tpu.memory_space<vmem>> -> memref<128xi32, #tpu.memory_space<vmem>>
      %dma_start3A_1871 = arith.constant 0 : i32
      %dma_start3A_1872 = arith.constant 0 : i32
      %dma_start3A_1873 = tpu.memref_slice %arg2[%dma_start3A_1871, %dma_start3A_1872] : memref<10000x128xf32, #tpu.memory_space<hbm>> -> memref<10000x128xf32, #tpu.memory_space<hbm>>
      %dma_start3A_1874 = tpu.memref_slice %arg9[%dma_start3A_1863] : memref<2x!tpu.dma_semaphore, #tpu.memory_space<semaphore_mem>> -> memref<1x!tpu.dma_semaphore, #tpu.memory_space<semaphore_mem>>
      %dma_start3A_1875 = tpu.memref_squeeze %dma_start3A_1874 : memref<1x!tpu.dma_semaphore, #tpu.memory_space<semaphore_mem>> -> memref<!tpu.dma_semaphore, #tpu.memory_space<semaphore_mem>>
      tpu.enqueue_indirect_dma source(%dma_start3A_1873 : memref<10000x128xf32, #tpu.memory_space<hbm>>) target(%dma_start3A_1867 : memref<128x128xf32, #tpu.memory_space<vmem>>) offsets(%dma_start3A_1870 : memref<128xi32, #tpu.memory_space<vmem>>) semaphore(%dma_start3A_1875 : memref<!tpu.dma_semaphore, #tpu.memory_space<semaphore_mem>>)
      %dma_wait3A_1876 = arith.constant 0 : i32
      %dma_wait3A_1877 = arith.constant 29 : i32
      %dma_wait3A_1878 = arith.constant 1 : i32
      %dma_wait3A_1879 = arith.constant 1 : i32
      %dma_wait3A_1880 = arith.constant 0 : i32
      %dma_wait3A_1881 = arith.constant 0 : i32
      %dma_wait3A_1882 = tpu.memref_slice %arg7[%dma_wait3A_1878, %dma_wait3A_1880, %dma_wait3A_1881] : memref<2x128x128xf32, #tpu.memory_space<vmem>> -> memref<1x128x128xf32, #tpu.memory_space<vmem>>
      %dma_wait3A_1883 = tpu.memref_squeeze %dma_wait3A_1882 : memref<1x128x128xf32, #tpu.memory_space<vmem>> -> memref<128x128xf32, #tpu.memory_space<vmem>>
      %dma_wait3A_1884 = arith.constant 0 : i32
      %dma_wait3A_1885 = tpu.memref_slice %arg6[%dma_wait3A_1876, %dma_wait3A_1877, %dma_wait3A_1884] : memref<2x40x128xi32, #tpu.memory_space<vmem>> -> memref<1x1x128xi32, #tpu.memory_space<vmem>>
      %dma_wait3A_1886 = tpu.memref_squeeze %dma_wait3A_1885 : memref<1x1x128xi32, #tpu.memory_space<vmem>> -> memref<128xi32, #tpu.memory_space<vmem>>
      %dma_wait3A_1887 = arith.constant 0 : i32
      %dma_wait3A_1888 = arith.constant 0 : i32
      %dma_wait3A_1889 = tpu.memref_slice %arg2[%dma_wait3A_1887, %dma_wait3A_1888] : memref<10000x128xf32, #tpu.memory_space<hbm>> -> memref<10000x128xf32, #tpu.memory_space<hbm>>
      %dma_wait3A_1890 = tpu.memref_slice %arg9[%dma_wait3A_1879] : memref<2x!tpu.dma_semaphore, #tpu.memory_space<semaphore_mem>> -> memref<1x!tpu.dma_semaphore, #tpu.memory_space<semaphore_mem>>
      %dma_wait3A_1891 = tpu.memref_squeeze %dma_wait3A_1890 : memref<1x!tpu.dma_semaphore, #tpu.memory_space<semaphore_mem>> -> memref<!tpu.dma_semaphore, #tpu.memory_space<semaphore_mem>>
      tpu.wait_indirect_dma semaphore(%dma_wait3A_1891 : memref<!tpu.dma_semaphore, #tpu.memory_space<semaphore_mem>>) src(%dma_wait3A_1889 : memref<10000x128xf32, #tpu.memory_space<hbm>>) dst(%dma_wait3A_1883 : memref<128x128xf32, #tpu.memory_space<vmem>>)
      %dma_start3A_1892 = arith.constant 1 : i32
      %dma_start3A_1893 = arith.constant 1 : i32
      %dma_start3A_1894 = arith.constant 29 : i32
      %dma_start3A_1895 = arith.constant 1 : i32
      %dma_start3A_1896 = arith.constant 0 : i32
      %dma_start3A_1897 = arith.constant 0 : i32
      %dma_start3A_1898 = tpu.memref_slice %arg7[%dma_start3A_1892, %dma_start3A_1896, %dma_start3A_1897] : memref<2x128x128xf32, #tpu.memory_space<vmem>> -> memref<1x128x128xf32, #tpu.memory_space<vmem>>
      %dma_start3A_1899 = tpu.memref_squeeze %dma_start3A_1898 : memref<1x128x128xf32, #tpu.memory_space<vmem>> -> memref<128x128xf32, #tpu.memory_space<vmem>>
      %dma_start3A_1900 = arith.constant 0 : i32
      %dma_start3A_1901 = tpu.memref_slice %arg6[%dma_start3A_1893, %dma_start3A_1894, %dma_start3A_1900] : memref<2x40x128xi32, #tpu.memory_space<vmem>> -> memref<1x1x128xi32, #tpu.memory_space<vmem>>
      %dma_start3A_1902 = tpu.memref_squeeze %dma_start3A_1901 : memref<1x1x128xi32, #tpu.memory_space<vmem>> -> memref<128xi32, #tpu.memory_space<vmem>>
      %dma_start3A_1903 = arith.constant 0 : i32
      %dma_start3A_1904 = arith.constant 0 : i32
      %dma_start3A_1905 = tpu.memref_slice %arg8[%dma_start3A_1903, %dma_start3A_1904] : memref<10112x128xf32, #tpu.memory_space<vmem_shared>> -> memref<10112x128xf32, #tpu.memory_space<vmem_shared>>
      %dma_start3A_1906 = tpu.memref_slice %arg10[%dma_start3A_1895] : memref<2x!tpu.dma_semaphore, #tpu.memory_space<semaphore_mem>> -> memref<1x!tpu.dma_semaphore, #tpu.memory_space<semaphore_mem>>
      %dma_start3A_1907 = tpu.memref_squeeze %dma_start3A_1906 : memref<1x!tpu.dma_semaphore, #tpu.memory_space<semaphore_mem>> -> memref<!tpu.dma_semaphore, #tpu.memory_space<semaphore_mem>>
      tpu.enqueue_indirect_dma source(%dma_start3A_1899 : memref<128x128xf32, #tpu.memory_space<vmem>>) target(%dma_start3A_1905 : memref<10112x128xf32, #tpu.memory_space<vmem_shared>>) offsets(%dma_start3A_1902 : memref<128xi32, #tpu.memory_space<vmem>>) semaphore(%dma_start3A_1907 : memref<!tpu.dma_semaphore, #tpu.memory_space<semaphore_mem>>) {add = true}
      %dma_wait3A_1908 = arith.constant 0 : i32
      %dma_wait3A_1909 = arith.constant 1 : i32
      %dma_wait3A_1910 = arith.constant 28 : i32
      %dma_wait3A_1911 = arith.constant 0 : i32
      %dma_wait3A_1912 = arith.constant 0 : i32
      %dma_wait3A_1913 = arith.constant 0 : i32
      %dma_wait3A_1914 = tpu.memref_slice %arg7[%dma_wait3A_1908, %dma_wait3A_1912, %dma_wait3A_1913] : memref<2x128x128xf32, #tpu.memory_space<vmem>> -> memref<1x128x128xf32, #tpu.memory_space<vmem>>
      %dma_wait3A_1915 = tpu.memref_squeeze %dma_wait3A_1914 : memref<1x128x128xf32, #tpu.memory_space<vmem>> -> memref<128x128xf32, #tpu.memory_space<vmem>>
      %dma_wait3A_1916 = arith.constant 0 : i32
      %dma_wait3A_1917 = tpu.memref_slice %arg6[%dma_wait3A_1909, %dma_wait3A_1910, %dma_wait3A_1916] : memref<2x40x128xi32, #tpu.memory_space<vmem>> -> memref<1x1x128xi32, #tpu.memory_space<vmem>>
      %dma_wait3A_1918 = tpu.memref_squeeze %dma_wait3A_1917 : memref<1x1x128xi32, #tpu.memory_space<vmem>> -> memref<128xi32, #tpu.memory_space<vmem>>
      %dma_wait3A_1919 = arith.constant 0 : i32
      %dma_wait3A_1920 = arith.constant 0 : i32
      %dma_wait3A_1921 = tpu.memref_slice %arg8[%dma_wait3A_1919, %dma_wait3A_1920] : memref<10112x128xf32, #tpu.memory_space<vmem_shared>> -> memref<10112x128xf32, #tpu.memory_space<vmem_shared>>
      %dma_wait3A_1922 = tpu.memref_slice %arg10[%dma_wait3A_1911] : memref<2x!tpu.dma_semaphore, #tpu.memory_space<semaphore_mem>> -> memref<1x!tpu.dma_semaphore, #tpu.memory_space<semaphore_mem>>
      %dma_wait3A_1923 = tpu.memref_squeeze %dma_wait3A_1922 : memref<1x!tpu.dma_semaphore, #tpu.memory_space<semaphore_mem>> -> memref<!tpu.dma_semaphore, #tpu.memory_space<semaphore_mem>>
      tpu.wait_indirect_dma semaphore(%dma_wait3A_1923 : memref<!tpu.dma_semaphore, #tpu.memory_space<semaphore_mem>>) src(%dma_wait3A_1915 : memref<128x128xf32, #tpu.memory_space<vmem>>) dst(%dma_wait3A_1921 : memref<10112x128xf32, #tpu.memory_space<vmem_shared>>)
      %dma_start3A_1924 = arith.constant 0 : i32
      %dma_start3A_1925 = arith.constant 30 : i32
      %dma_start3A_1926 = arith.constant 0 : i32
      %dma_start3A_1927 = arith.constant 0 : i32
      %dma_start3A_1928 = arith.constant 0 : i32
      %dma_start3A_1929 = arith.constant 0 : i32
      %dma_start3A_1930 = tpu.memref_slice %arg7[%dma_start3A_1926, %dma_start3A_1928, %dma_start3A_1929] : memref<2x128x128xf32, #tpu.memory_space<vmem>> -> memref<1x128x128xf32, #tpu.memory_space<vmem>>
      %dma_start3A_1931 = tpu.memref_squeeze %dma_start3A_1930 : memref<1x128x128xf32, #tpu.memory_space<vmem>> -> memref<128x128xf32, #tpu.memory_space<vmem>>
      %dma_start3A_1932 = arith.constant 0 : i32
      %dma_start3A_1933 = tpu.memref_slice %arg6[%dma_start3A_1924, %dma_start3A_1925, %dma_start3A_1932] : memref<2x40x128xi32, #tpu.memory_space<vmem>> -> memref<1x1x128xi32, #tpu.memory_space<vmem>>
      %dma_start3A_1934 = tpu.memref_squeeze %dma_start3A_1933 : memref<1x1x128xi32, #tpu.memory_space<vmem>> -> memref<128xi32, #tpu.memory_space<vmem>>
      %dma_start3A_1935 = arith.constant 0 : i32
      %dma_start3A_1936 = arith.constant 0 : i32
      %dma_start3A_1937 = tpu.memref_slice %arg2[%dma_start3A_1935, %dma_start3A_1936] : memref<10000x128xf32, #tpu.memory_space<hbm>> -> memref<10000x128xf32, #tpu.memory_space<hbm>>
      %dma_start3A_1938 = tpu.memref_slice %arg9[%dma_start3A_1927] : memref<2x!tpu.dma_semaphore, #tpu.memory_space<semaphore_mem>> -> memref<1x!tpu.dma_semaphore, #tpu.memory_space<semaphore_mem>>
      %dma_start3A_1939 = tpu.memref_squeeze %dma_start3A_1938 : memref<1x!tpu.dma_semaphore, #tpu.memory_space<semaphore_mem>> -> memref<!tpu.dma_semaphore, #tpu.memory_space<semaphore_mem>>
      tpu.enqueue_indirect_dma source(%dma_start3A_1937 : memref<10000x128xf32, #tpu.memory_space<hbm>>) target(%dma_start3A_1931 : memref<128x128xf32, #tpu.memory_space<vmem>>) offsets(%dma_start3A_1934 : memref<128xi32, #tpu.memory_space<vmem>>) semaphore(%dma_start3A_1939 : memref<!tpu.dma_semaphore, #tpu.memory_space<semaphore_mem>>)
      %dma_wait3A_1940 = arith.constant 0 : i32
      %dma_wait3A_1941 = arith.constant 30 : i32
      %dma_wait3A_1942 = arith.constant 0 : i32
      %dma_wait3A_1943 = arith.constant 0 : i32
      %dma_wait3A_1944 = arith.constant 0 : i32
      %dma_wait3A_1945 = arith.constant 0 : i32
      %dma_wait3A_1946 = tpu.memref_slice %arg7[%dma_wait3A_1942, %dma_wait3A_1944, %dma_wait3A_1945] : memref<2x128x128xf32, #tpu.memory_space<vmem>> -> memref<1x128x128xf32, #tpu.memory_space<vmem>>
      %dma_wait3A_1947 = tpu.memref_squeeze %dma_wait3A_1946 : memref<1x128x128xf32, #tpu.memory_space<vmem>> -> memref<128x128xf32, #tpu.memory_space<vmem>>
      %dma_wait3A_1948 = arith.constant 0 : i32
      %dma_wait3A_1949 = tpu.memref_slice %arg6[%dma_wait3A_1940, %dma_wait3A_1941, %dma_wait3A_1948] : memref<2x40x128xi32, #tpu.memory_space<vmem>> -> memref<1x1x128xi32, #tpu.memory_space<vmem>>
      %dma_wait3A_1950 = tpu.memref_squeeze %dma_wait3A_1949 : memref<1x1x128xi32, #tpu.memory_space<vmem>> -> memref<128xi32, #tpu.memory_space<vmem>>
      %dma_wait3A_1951 = arith.constant 0 : i32
      %dma_wait3A_1952 = arith.constant 0 : i32
      %dma_wait3A_1953 = tpu.memref_slice %arg2[%dma_wait3A_1951, %dma_wait3A_1952] : memref<10000x128xf32, #tpu.memory_space<hbm>> -> memref<10000x128xf32, #tpu.memory_space<hbm>>
      %dma_wait3A_1954 = tpu.memref_slice %arg9[%dma_wait3A_1943] : memref<2x!tpu.dma_semaphore, #tpu.memory_space<semaphore_mem>> -> memref<1x!tpu.dma_semaphore, #tpu.memory_space<semaphore_mem>>
      %dma_wait3A_1955 = tpu.memref_squeeze %dma_wait3A_1954 : memref<1x!tpu.dma_semaphore, #tpu.memory_space<semaphore_mem>> -> memref<!tpu.dma_semaphore, #tpu.memory_space<semaphore_mem>>
      tpu.wait_indirect_dma semaphore(%dma_wait3A_1955 : memref<!tpu.dma_semaphore, #tpu.memory_space<semaphore_mem>>) src(%dma_wait3A_1953 : memref<10000x128xf32, #tpu.memory_space<hbm>>) dst(%dma_wait3A_1947 : memref<128x128xf32, #tpu.memory_space<vmem>>)
      %dma_start3A_1956 = arith.constant 0 : i32
      %dma_start3A_1957 = arith.constant 1 : i32
      %dma_start3A_1958 = arith.constant 30 : i32
      %dma_start3A_1959 = arith.constant 0 : i32
      %dma_start3A_1960 = arith.constant 0 : i32
      %dma_start3A_1961 = arith.constant 0 : i32
      %dma_start3A_1962 = tpu.memref_slice %arg7[%dma_start3A_1956, %dma_start3A_1960, %dma_start3A_1961] : memref<2x128x128xf32, #tpu.memory_space<vmem>> -> memref<1x128x128xf32, #tpu.memory_space<vmem>>
      %dma_start3A_1963 = tpu.memref_squeeze %dma_start3A_1962 : memref<1x128x128xf32, #tpu.memory_space<vmem>> -> memref<128x128xf32, #tpu.memory_space<vmem>>
      %dma_start3A_1964 = arith.constant 0 : i32
      %dma_start3A_1965 = tpu.memref_slice %arg6[%dma_start3A_1957, %dma_start3A_1958, %dma_start3A_1964] : memref<2x40x128xi32, #tpu.memory_space<vmem>> -> memref<1x1x128xi32, #tpu.memory_space<vmem>>
      %dma_start3A_1966 = tpu.memref_squeeze %dma_start3A_1965 : memref<1x1x128xi32, #tpu.memory_space<vmem>> -> memref<128xi32, #tpu.memory_space<vmem>>
      %dma_start3A_1967 = arith.constant 0 : i32
      %dma_start3A_1968 = arith.constant 0 : i32
      %dma_start3A_1969 = tpu.memref_slice %arg8[%dma_start3A_1967, %dma_start3A_1968] : memref<10112x128xf32, #tpu.memory_space<vmem_shared>> -> memref<10112x128xf32, #tpu.memory_space<vmem_shared>>
      %dma_start3A_1970 = tpu.memref_slice %arg10[%dma_start3A_1959] : memref<2x!tpu.dma_semaphore, #tpu.memory_space<semaphore_mem>> -> memref<1x!tpu.dma_semaphore, #tpu.memory_space<semaphore_mem>>
      %dma_start3A_1971 = tpu.memref_squeeze %dma_start3A_1970 : memref<1x!tpu.dma_semaphore, #tpu.memory_space<semaphore_mem>> -> memref<!tpu.dma_semaphore, #tpu.memory_space<semaphore_mem>>
      tpu.enqueue_indirect_dma source(%dma_start3A_1963 : memref<128x128xf32, #tpu.memory_space<vmem>>) target(%dma_start3A_1969 : memref<10112x128xf32, #tpu.memory_space<vmem_shared>>) offsets(%dma_start3A_1966 : memref<128xi32, #tpu.memory_space<vmem>>) semaphore(%dma_start3A_1971 : memref<!tpu.dma_semaphore, #tpu.memory_space<semaphore_mem>>) {add = true}
      %dma_wait3A_1972 = arith.constant 1 : i32
      %dma_wait3A_1973 = arith.constant 1 : i32
      %dma_wait3A_1974 = arith.constant 29 : i32
      %dma_wait3A_1975 = arith.constant 1 : i32
      %dma_wait3A_1976 = arith.constant 0 : i32
      %dma_wait3A_1977 = arith.constant 0 : i32
      %dma_wait3A_1978 = tpu.memref_slice %arg7[%dma_wait3A_1972, %dma_wait3A_1976, %dma_wait3A_1977] : memref<2x128x128xf32, #tpu.memory_space<vmem>> -> memref<1x128x128xf32, #tpu.memory_space<vmem>>
      %dma_wait3A_1979 = tpu.memref_squeeze %dma_wait3A_1978 : memref<1x128x128xf32, #tpu.memory_space<vmem>> -> memref<128x128xf32, #tpu.memory_space<vmem>>
      %dma_wait3A_1980 = arith.constant 0 : i32
      %dma_wait3A_1981 = tpu.memref_slice %arg6[%dma_wait3A_1973, %dma_wait3A_1974, %dma_wait3A_1980] : memref<2x40x128xi32, #tpu.memory_space<vmem>> -> memref<1x1x128xi32, #tpu.memory_space<vmem>>
      %dma_wait3A_1982 = tpu.memref_squeeze %dma_wait3A_1981 : memref<1x1x128xi32, #tpu.memory_space<vmem>> -> memref<128xi32, #tpu.memory_space<vmem>>
      %dma_wait3A_1983 = arith.constant 0 : i32
      %dma_wait3A_1984 = arith.constant 0 : i32
      %dma_wait3A_1985 = tpu.memref_slice %arg8[%dma_wait3A_1983, %dma_wait3A_1984] : memref<10112x128xf32, #tpu.memory_space<vmem_shared>> -> memref<10112x128xf32, #tpu.memory_space<vmem_shared>>
      %dma_wait3A_1986 = tpu.memref_slice %arg10[%dma_wait3A_1975] : memref<2x!tpu.dma_semaphore, #tpu.memory_space<semaphore_mem>> -> memref<1x!tpu.dma_semaphore, #tpu.memory_space<semaphore_mem>>
      %dma_wait3A_1987 = tpu.memref_squeeze %dma_wait3A_1986 : memref<1x!tpu.dma_semaphore, #tpu.memory_space<semaphore_mem>> -> memref<!tpu.dma_semaphore, #tpu.memory_space<semaphore_mem>>
      tpu.wait_indirect_dma semaphore(%dma_wait3A_1987 : memref<!tpu.dma_semaphore, #tpu.memory_space<semaphore_mem>>) src(%dma_wait3A_1979 : memref<128x128xf32, #tpu.memory_space<vmem>>) dst(%dma_wait3A_1985 : memref<10112x128xf32, #tpu.memory_space<vmem_shared>>)
      %dma_start3A_1988 = arith.constant 0 : i32
      %dma_start3A_1989 = arith.constant 31 : i32
      %dma_start3A_1990 = arith.constant 1 : i32
      %dma_start3A_1991 = arith.constant 1 : i32
      %dma_start3A_1992 = arith.constant 0 : i32
      %dma_start3A_1993 = arith.constant 0 : i32
      %dma_start3A_1994 = tpu.memref_slice %arg7[%dma_start3A_1990, %dma_start3A_1992, %dma_start3A_1993] : memref<2x128x128xf32, #tpu.memory_space<vmem>> -> memref<1x128x128xf32, #tpu.memory_space<vmem>>
      %dma_start3A_1995 = tpu.memref_squeeze %dma_start3A_1994 : memref<1x128x128xf32, #tpu.memory_space<vmem>> -> memref<128x128xf32, #tpu.memory_space<vmem>>
      %dma_start3A_1996 = arith.constant 0 : i32
      %dma_start3A_1997 = tpu.memref_slice %arg6[%dma_start3A_1988, %dma_start3A_1989, %dma_start3A_1996] : memref<2x40x128xi32, #tpu.memory_space<vmem>> -> memref<1x1x128xi32, #tpu.memory_space<vmem>>
      %dma_start3A_1998 = tpu.memref_squeeze %dma_start3A_1997 : memref<1x1x128xi32, #tpu.memory_space<vmem>> -> memref<128xi32, #tpu.memory_space<vmem>>
      %dma_start3A_1999 = arith.constant 0 : i32
      %dma_start3A_2000 = arith.constant 0 : i32
      %dma_start3A_2001 = tpu.memref_slice %arg2[%dma_start3A_1999, %dma_start3A_2000] : memref<10000x128xf32, #tpu.memory_space<hbm>> -> memref<10000x128xf32, #tpu.memory_space<hbm>>
      %dma_start3A_2002 = tpu.memref_slice %arg9[%dma_start3A_1991] : memref<2x!tpu.dma_semaphore, #tpu.memory_space<semaphore_mem>> -> memref<1x!tpu.dma_semaphore, #tpu.memory_space<semaphore_mem>>
      %dma_start3A_2003 = tpu.memref_squeeze %dma_start3A_2002 : memref<1x!tpu.dma_semaphore, #tpu.memory_space<semaphore_mem>> -> memref<!tpu.dma_semaphore, #tpu.memory_space<semaphore_mem>>
      tpu.enqueue_indirect_dma source(%dma_start3A_2001 : memref<10000x128xf32, #tpu.memory_space<hbm>>) target(%dma_start3A_1995 : memref<128x128xf32, #tpu.memory_space<vmem>>) offsets(%dma_start3A_1998 : memref<128xi32, #tpu.memory_space<vmem>>) semaphore(%dma_start3A_2003 : memref<!tpu.dma_semaphore, #tpu.memory_space<semaphore_mem>>)
      %dma_wait3A_2004 = arith.constant 0 : i32
      %dma_wait3A_2005 = arith.constant 31 : i32
      %dma_wait3A_2006 = arith.constant 1 : i32
      %dma_wait3A_2007 = arith.constant 1 : i32
      %dma_wait3A_2008 = arith.constant 0 : i32
      %dma_wait3A_2009 = arith.constant 0 : i32
      %dma_wait3A_2010 = tpu.memref_slice %arg7[%dma_wait3A_2006, %dma_wait3A_2008, %dma_wait3A_2009] : memref<2x128x128xf32, #tpu.memory_space<vmem>> -> memref<1x128x128xf32, #tpu.memory_space<vmem>>
      %dma_wait3A_2011 = tpu.memref_squeeze %dma_wait3A_2010 : memref<1x128x128xf32, #tpu.memory_space<vmem>> -> memref<128x128xf32, #tpu.memory_space<vmem>>
      %dma_wait3A_2012 = arith.constant 0 : i32
      %dma_wait3A_2013 = tpu.memref_slice %arg6[%dma_wait3A_2004, %dma_wait3A_2005, %dma_wait3A_2012] : memref<2x40x128xi32, #tpu.memory_space<vmem>> -> memref<1x1x128xi32, #tpu.memory_space<vmem>>
      %dma_wait3A_2014 = tpu.memref_squeeze %dma_wait3A_2013 : memref<1x1x128xi32, #tpu.memory_space<vmem>> -> memref<128xi32, #tpu.memory_space<vmem>>
      %dma_wait3A_2015 = arith.constant 0 : i32
      %dma_wait3A_2016 = arith.constant 0 : i32
      %dma_wait3A_2017 = tpu.memref_slice %arg2[%dma_wait3A_2015, %dma_wait3A_2016] : memref<10000x128xf32, #tpu.memory_space<hbm>> -> memref<10000x128xf32, #tpu.memory_space<hbm>>
      %dma_wait3A_2018 = tpu.memref_slice %arg9[%dma_wait3A_2007] : memref<2x!tpu.dma_semaphore, #tpu.memory_space<semaphore_mem>> -> memref<1x!tpu.dma_semaphore, #tpu.memory_space<semaphore_mem>>
      %dma_wait3A_2019 = tpu.memref_squeeze %dma_wait3A_2018 : memref<1x!tpu.dma_semaphore, #tpu.memory_space<semaphore_mem>> -> memref<!tpu.dma_semaphore, #tpu.memory_space<semaphore_mem>>
      tpu.wait_indirect_dma semaphore(%dma_wait3A_2019 : memref<!tpu.dma_semaphore, #tpu.memory_space<semaphore_mem>>) src(%dma_wait3A_2017 : memref<10000x128xf32, #tpu.memory_space<hbm>>) dst(%dma_wait3A_2011 : memref<128x128xf32, #tpu.memory_space<vmem>>)
      %dma_start3A_2020 = arith.constant 1 : i32
      %dma_start3A_2021 = arith.constant 1 : i32
      %dma_start3A_2022 = arith.constant 31 : i32
      %dma_start3A_2023 = arith.constant 1 : i32
      %dma_start3A_2024 = arith.constant 0 : i32
      %dma_start3A_2025 = arith.constant 0 : i32
      %dma_start3A_2026 = tpu.memref_slice %arg7[%dma_start3A_2020, %dma_start3A_2024, %dma_start3A_2025] : memref<2x128x128xf32, #tpu.memory_space<vmem>> -> memref<1x128x128xf32, #tpu.memory_space<vmem>>
      %dma_start3A_2027 = tpu.memref_squeeze %dma_start3A_2026 : memref<1x128x128xf32, #tpu.memory_space<vmem>> -> memref<128x128xf32, #tpu.memory_space<vmem>>
      %dma_start3A_2028 = arith.constant 0 : i32
      %dma_start3A_2029 = tpu.memref_slice %arg6[%dma_start3A_2021, %dma_start3A_2022, %dma_start3A_2028] : memref<2x40x128xi32, #tpu.memory_space<vmem>> -> memref<1x1x128xi32, #tpu.memory_space<vmem>>
      %dma_start3A_2030 = tpu.memref_squeeze %dma_start3A_2029 : memref<1x1x128xi32, #tpu.memory_space<vmem>> -> memref<128xi32, #tpu.memory_space<vmem>>
      %dma_start3A_2031 = arith.constant 0 : i32
      %dma_start3A_2032 = arith.constant 0 : i32
      %dma_start3A_2033 = tpu.memref_slice %arg8[%dma_start3A_2031, %dma_start3A_2032] : memref<10112x128xf32, #tpu.memory_space<vmem_shared>> -> memref<10112x128xf32, #tpu.memory_space<vmem_shared>>
      %dma_start3A_2034 = tpu.memref_slice %arg10[%dma_start3A_2023] : memref<2x!tpu.dma_semaphore, #tpu.memory_space<semaphore_mem>> -> memref<1x!tpu.dma_semaphore, #tpu.memory_space<semaphore_mem>>
      %dma_start3A_2035 = tpu.memref_squeeze %dma_start3A_2034 : memref<1x!tpu.dma_semaphore, #tpu.memory_space<semaphore_mem>> -> memref<!tpu.dma_semaphore, #tpu.memory_space<semaphore_mem>>
      tpu.enqueue_indirect_dma source(%dma_start3A_2027 : memref<128x128xf32, #tpu.memory_space<vmem>>) target(%dma_start3A_2033 : memref<10112x128xf32, #tpu.memory_space<vmem_shared>>) offsets(%dma_start3A_2030 : memref<128xi32, #tpu.memory_space<vmem>>) semaphore(%dma_start3A_2035 : memref<!tpu.dma_semaphore, #tpu.memory_space<semaphore_mem>>) {add = true}
      %dma_wait3A_2036 = arith.constant 0 : i32
      %dma_wait3A_2037 = arith.constant 1 : i32
      %dma_wait3A_2038 = arith.constant 30 : i32
      %dma_wait3A_2039 = arith.constant 0 : i32
      %dma_wait3A_2040 = arith.constant 0 : i32
      %dma_wait3A_2041 = arith.constant 0 : i32
      %dma_wait3A_2042 = tpu.memref_slice %arg7[%dma_wait3A_2036, %dma_wait3A_2040, %dma_wait3A_2041] : memref<2x128x128xf32, #tpu.memory_space<vmem>> -> memref<1x128x128xf32, #tpu.memory_space<vmem>>
      %dma_wait3A_2043 = tpu.memref_squeeze %dma_wait3A_2042 : memref<1x128x128xf32, #tpu.memory_space<vmem>> -> memref<128x128xf32, #tpu.memory_space<vmem>>
      %dma_wait3A_2044 = arith.constant 0 : i32
      %dma_wait3A_2045 = tpu.memref_slice %arg6[%dma_wait3A_2037, %dma_wait3A_2038, %dma_wait3A_2044] : memref<2x40x128xi32, #tpu.memory_space<vmem>> -> memref<1x1x128xi32, #tpu.memory_space<vmem>>
      %dma_wait3A_2046 = tpu.memref_squeeze %dma_wait3A_2045 : memref<1x1x128xi32, #tpu.memory_space<vmem>> -> memref<128xi32, #tpu.memory_space<vmem>>
      %dma_wait3A_2047 = arith.constant 0 : i32
      %dma_wait3A_2048 = arith.constant 0 : i32
      %dma_wait3A_2049 = tpu.memref_slice %arg8[%dma_wait3A_2047, %dma_wait3A_2048] : memref<10112x128xf32, #tpu.memory_space<vmem_shared>> -> memref<10112x128xf32, #tpu.memory_space<vmem_shared>>
      %dma_wait3A_2050 = tpu.memref_slice %arg10[%dma_wait3A_2039] : memref<2x!tpu.dma_semaphore, #tpu.memory_space<semaphore_mem>> -> memref<1x!tpu.dma_semaphore, #tpu.memory_space<semaphore_mem>>
      %dma_wait3A_2051 = tpu.memref_squeeze %dma_wait3A_2050 : memref<1x!tpu.dma_semaphore, #tpu.memory_space<semaphore_mem>> -> memref<!tpu.dma_semaphore, #tpu.memory_space<semaphore_mem>>
      tpu.wait_indirect_dma semaphore(%dma_wait3A_2051 : memref<!tpu.dma_semaphore, #tpu.memory_space<semaphore_mem>>) src(%dma_wait3A_2043 : memref<128x128xf32, #tpu.memory_space<vmem>>) dst(%dma_wait3A_2049 : memref<10112x128xf32, #tpu.memory_space<vmem_shared>>)
      %dma_start3A_2052 = arith.constant 0 : i32
      %dma_start3A_2053 = arith.constant 32 : i32
      %dma_start3A_2054 = arith.constant 0 : i32
      %dma_start3A_2055 = arith.constant 0 : i32
      %dma_start3A_2056 = arith.constant 0 : i32
      %dma_start3A_2057 = arith.constant 0 : i32
      %dma_start3A_2058 = tpu.memref_slice %arg7[%dma_start3A_2054, %dma_start3A_2056, %dma_start3A_2057] : memref<2x128x128xf32, #tpu.memory_space<vmem>> -> memref<1x128x128xf32, #tpu.memory_space<vmem>>
      %dma_start3A_2059 = tpu.memref_squeeze %dma_start3A_2058 : memref<1x128x128xf32, #tpu.memory_space<vmem>> -> memref<128x128xf32, #tpu.memory_space<vmem>>
      %dma_start3A_2060 = arith.constant 0 : i32
      %dma_start3A_2061 = tpu.memref_slice %arg6[%dma_start3A_2052, %dma_start3A_2053, %dma_start3A_2060] : memref<2x40x128xi32, #tpu.memory_space<vmem>> -> memref<1x1x128xi32, #tpu.memory_space<vmem>>
      %dma_start3A_2062 = tpu.memref_squeeze %dma_start3A_2061 : memref<1x1x128xi32, #tpu.memory_space<vmem>> -> memref<128xi32, #tpu.memory_space<vmem>>
      %dma_start3A_2063 = arith.constant 0 : i32
      %dma_start3A_2064 = arith.constant 0 : i32
      %dma_start3A_2065 = tpu.memref_slice %arg2[%dma_start3A_2063, %dma_start3A_2064] : memref<10000x128xf32, #tpu.memory_space<hbm>> -> memref<10000x128xf32, #tpu.memory_space<hbm>>
      %dma_start3A_2066 = tpu.memref_slice %arg9[%dma_start3A_2055] : memref<2x!tpu.dma_semaphore, #tpu.memory_space<semaphore_mem>> -> memref<1x!tpu.dma_semaphore, #tpu.memory_space<semaphore_mem>>
      %dma_start3A_2067 = tpu.memref_squeeze %dma_start3A_2066 : memref<1x!tpu.dma_semaphore, #tpu.memory_space<semaphore_mem>> -> memref<!tpu.dma_semaphore, #tpu.memory_space<semaphore_mem>>
      tpu.enqueue_indirect_dma source(%dma_start3A_2065 : memref<10000x128xf32, #tpu.memory_space<hbm>>) target(%dma_start3A_2059 : memref<128x128xf32, #tpu.memory_space<vmem>>) offsets(%dma_start3A_2062 : memref<128xi32, #tpu.memory_space<vmem>>) semaphore(%dma_start3A_2067 : memref<!tpu.dma_semaphore, #tpu.memory_space<semaphore_mem>>)
      %dma_wait3A_2068 = arith.constant 0 : i32
      %dma_wait3A_2069 = arith.constant 32 : i32
      %dma_wait3A_2070 = arith.constant 0 : i32
      %dma_wait3A_2071 = arith.constant 0 : i32
      %dma_wait3A_2072 = arith.constant 0 : i32
      %dma_wait3A_2073 = arith.constant 0 : i32
      %dma_wait3A_2074 = tpu.memref_slice %arg7[%dma_wait3A_2070, %dma_wait3A_2072, %dma_wait3A_2073] : memref<2x128x128xf32, #tpu.memory_space<vmem>> -> memref<1x128x128xf32, #tpu.memory_space<vmem>>
      %dma_wait3A_2075 = tpu.memref_squeeze %dma_wait3A_2074 : memref<1x128x128xf32, #tpu.memory_space<vmem>> -> memref<128x128xf32, #tpu.memory_space<vmem>>
      %dma_wait3A_2076 = arith.constant 0 : i32
      %dma_wait3A_2077 = tpu.memref_slice %arg6[%dma_wait3A_2068, %dma_wait3A_2069, %dma_wait3A_2076] : memref<2x40x128xi32, #tpu.memory_space<vmem>> -> memref<1x1x128xi32, #tpu.memory_space<vmem>>
      %dma_wait3A_2078 = tpu.memref_squeeze %dma_wait3A_2077 : memref<1x1x128xi32, #tpu.memory_space<vmem>> -> memref<128xi32, #tpu.memory_space<vmem>>
      %dma_wait3A_2079 = arith.constant 0 : i32
      %dma_wait3A_2080 = arith.constant 0 : i32
      %dma_wait3A_2081 = tpu.memref_slice %arg2[%dma_wait3A_2079, %dma_wait3A_2080] : memref<10000x128xf32, #tpu.memory_space<hbm>> -> memref<10000x128xf32, #tpu.memory_space<hbm>>
      %dma_wait3A_2082 = tpu.memref_slice %arg9[%dma_wait3A_2071] : memref<2x!tpu.dma_semaphore, #tpu.memory_space<semaphore_mem>> -> memref<1x!tpu.dma_semaphore, #tpu.memory_space<semaphore_mem>>
      %dma_wait3A_2083 = tpu.memref_squeeze %dma_wait3A_2082 : memref<1x!tpu.dma_semaphore, #tpu.memory_space<semaphore_mem>> -> memref<!tpu.dma_semaphore, #tpu.memory_space<semaphore_mem>>
      tpu.wait_indirect_dma semaphore(%dma_wait3A_2083 : memref<!tpu.dma_semaphore, #tpu.memory_space<semaphore_mem>>) src(%dma_wait3A_2081 : memref<10000x128xf32, #tpu.memory_space<hbm>>) dst(%dma_wait3A_2075 : memref<128x128xf32, #tpu.memory_space<vmem>>)
      %dma_start3A_2084 = arith.constant 0 : i32
      %dma_start3A_2085 = arith.constant 1 : i32
      %dma_start3A_2086 = arith.constant 32 : i32
      %dma_start3A_2087 = arith.constant 0 : i32
      %dma_start3A_2088 = arith.constant 0 : i32
      %dma_start3A_2089 = arith.constant 0 : i32
      %dma_start3A_2090 = tpu.memref_slice %arg7[%dma_start3A_2084, %dma_start3A_2088, %dma_start3A_2089] : memref<2x128x128xf32, #tpu.memory_space<vmem>> -> memref<1x128x128xf32, #tpu.memory_space<vmem>>
      %dma_start3A_2091 = tpu.memref_squeeze %dma_start3A_2090 : memref<1x128x128xf32, #tpu.memory_space<vmem>> -> memref<128x128xf32, #tpu.memory_space<vmem>>
      %dma_start3A_2092 = arith.constant 0 : i32
      %dma_start3A_2093 = tpu.memref_slice %arg6[%dma_start3A_2085, %dma_start3A_2086, %dma_start3A_2092] : memref<2x40x128xi32, #tpu.memory_space<vmem>> -> memref<1x1x128xi32, #tpu.memory_space<vmem>>
      %dma_start3A_2094 = tpu.memref_squeeze %dma_start3A_2093 : memref<1x1x128xi32, #tpu.memory_space<vmem>> -> memref<128xi32, #tpu.memory_space<vmem>>
      %dma_start3A_2095 = arith.constant 0 : i32
      %dma_start3A_2096 = arith.constant 0 : i32
      %dma_start3A_2097 = tpu.memref_slice %arg8[%dma_start3A_2095, %dma_start3A_2096] : memref<10112x128xf32, #tpu.memory_space<vmem_shared>> -> memref<10112x128xf32, #tpu.memory_space<vmem_shared>>
      %dma_start3A_2098 = tpu.memref_slice %arg10[%dma_start3A_2087] : memref<2x!tpu.dma_semaphore, #tpu.memory_space<semaphore_mem>> -> memref<1x!tpu.dma_semaphore, #tpu.memory_space<semaphore_mem>>
      %dma_start3A_2099 = tpu.memref_squeeze %dma_start3A_2098 : memref<1x!tpu.dma_semaphore, #tpu.memory_space<semaphore_mem>> -> memref<!tpu.dma_semaphore, #tpu.memory_space<semaphore_mem>>
      tpu.enqueue_indirect_dma source(%dma_start3A_2091 : memref<128x128xf32, #tpu.memory_space<vmem>>) target(%dma_start3A_2097 : memref<10112x128xf32, #tpu.memory_space<vmem_shared>>) offsets(%dma_start3A_2094 : memref<128xi32, #tpu.memory_space<vmem>>) semaphore(%dma_start3A_2099 : memref<!tpu.dma_semaphore, #tpu.memory_space<semaphore_mem>>) {add = true}
      %dma_wait3A_2100 = arith.constant 1 : i32
      %dma_wait3A_2101 = arith.constant 1 : i32
      %dma_wait3A_2102 = arith.constant 31 : i32
      %dma_wait3A_2103 = arith.constant 1 : i32
      %dma_wait3A_2104 = arith.constant 0 : i32
      %dma_wait3A_2105 = arith.constant 0 : i32
      %dma_wait3A_2106 = tpu.memref_slice %arg7[%dma_wait3A_2100, %dma_wait3A_2104, %dma_wait3A_2105] : memref<2x128x128xf32, #tpu.memory_space<vmem>> -> memref<1x128x128xf32, #tpu.memory_space<vmem>>
      %dma_wait3A_2107 = tpu.memref_squeeze %dma_wait3A_2106 : memref<1x128x128xf32, #tpu.memory_space<vmem>> -> memref<128x128xf32, #tpu.memory_space<vmem>>
      %dma_wait3A_2108 = arith.constant 0 : i32
      %dma_wait3A_2109 = tpu.memref_slice %arg6[%dma_wait3A_2101, %dma_wait3A_2102, %dma_wait3A_2108] : memref<2x40x128xi32, #tpu.memory_space<vmem>> -> memref<1x1x128xi32, #tpu.memory_space<vmem>>
      %dma_wait3A_2110 = tpu.memref_squeeze %dma_wait3A_2109 : memref<1x1x128xi32, #tpu.memory_space<vmem>> -> memref<128xi32, #tpu.memory_space<vmem>>
      %dma_wait3A_2111 = arith.constant 0 : i32
      %dma_wait3A_2112 = arith.constant 0 : i32
      %dma_wait3A_2113 = tpu.memref_slice %arg8[%dma_wait3A_2111, %dma_wait3A_2112] : memref<10112x128xf32, #tpu.memory_space<vmem_shared>> -> memref<10112x128xf32, #tpu.memory_space<vmem_shared>>
      %dma_wait3A_2114 = tpu.memref_slice %arg10[%dma_wait3A_2103] : memref<2x!tpu.dma_semaphore, #tpu.memory_space<semaphore_mem>> -> memref<1x!tpu.dma_semaphore, #tpu.memory_space<semaphore_mem>>
      %dma_wait3A_2115 = tpu.memref_squeeze %dma_wait3A_2114 : memref<1x!tpu.dma_semaphore, #tpu.memory_space<semaphore_mem>> -> memref<!tpu.dma_semaphore, #tpu.memory_space<semaphore_mem>>
      tpu.wait_indirect_dma semaphore(%dma_wait3A_2115 : memref<!tpu.dma_semaphore, #tpu.memory_space<semaphore_mem>>) src(%dma_wait3A_2107 : memref<128x128xf32, #tpu.memory_space<vmem>>) dst(%dma_wait3A_2113 : memref<10112x128xf32, #tpu.memory_space<vmem_shared>>)
      %dma_start3A_2116 = arith.constant 0 : i32
      %dma_start3A_2117 = arith.constant 33 : i32
      %dma_start3A_2118 = arith.constant 1 : i32
      %dma_start3A_2119 = arith.constant 1 : i32
      %dma_start3A_2120 = arith.constant 0 : i32
      %dma_start3A_2121 = arith.constant 0 : i32
      %dma_start3A_2122 = tpu.memref_slice %arg7[%dma_start3A_2118, %dma_start3A_2120, %dma_start3A_2121] : memref<2x128x128xf32, #tpu.memory_space<vmem>> -> memref<1x128x128xf32, #tpu.memory_space<vmem>>
      %dma_start3A_2123 = tpu.memref_squeeze %dma_start3A_2122 : memref<1x128x128xf32, #tpu.memory_space<vmem>> -> memref<128x128xf32, #tpu.memory_space<vmem>>
      %dma_start3A_2124 = arith.constant 0 : i32
      %dma_start3A_2125 = tpu.memref_slice %arg6[%dma_start3A_2116, %dma_start3A_2117, %dma_start3A_2124] : memref<2x40x128xi32, #tpu.memory_space<vmem>> -> memref<1x1x128xi32, #tpu.memory_space<vmem>>
      %dma_start3A_2126 = tpu.memref_squeeze %dma_start3A_2125 : memref<1x1x128xi32, #tpu.memory_space<vmem>> -> memref<128xi32, #tpu.memory_space<vmem>>
      %dma_start3A_2127 = arith.constant 0 : i32
      %dma_start3A_2128 = arith.constant 0 : i32
      %dma_start3A_2129 = tpu.memref_slice %arg2[%dma_start3A_2127, %dma_start3A_2128] : memref<10000x128xf32, #tpu.memory_space<hbm>> -> memref<10000x128xf32, #tpu.memory_space<hbm>>
      %dma_start3A_2130 = tpu.memref_slice %arg9[%dma_start3A_2119] : memref<2x!tpu.dma_semaphore, #tpu.memory_space<semaphore_mem>> -> memref<1x!tpu.dma_semaphore, #tpu.memory_space<semaphore_mem>>
      %dma_start3A_2131 = tpu.memref_squeeze %dma_start3A_2130 : memref<1x!tpu.dma_semaphore, #tpu.memory_space<semaphore_mem>> -> memref<!tpu.dma_semaphore, #tpu.memory_space<semaphore_mem>>
      tpu.enqueue_indirect_dma source(%dma_start3A_2129 : memref<10000x128xf32, #tpu.memory_space<hbm>>) target(%dma_start3A_2123 : memref<128x128xf32, #tpu.memory_space<vmem>>) offsets(%dma_start3A_2126 : memref<128xi32, #tpu.memory_space<vmem>>) semaphore(%dma_start3A_2131 : memref<!tpu.dma_semaphore, #tpu.memory_space<semaphore_mem>>)
      %dma_wait3A_2132 = arith.constant 0 : i32
      %dma_wait3A_2133 = arith.constant 33 : i32
      %dma_wait3A_2134 = arith.constant 1 : i32
      %dma_wait3A_2135 = arith.constant 1 : i32
      %dma_wait3A_2136 = arith.constant 0 : i32
      %dma_wait3A_2137 = arith.constant 0 : i32
      %dma_wait3A_2138 = tpu.memref_slice %arg7[%dma_wait3A_2134, %dma_wait3A_2136, %dma_wait3A_2137] : memref<2x128x128xf32, #tpu.memory_space<vmem>> -> memref<1x128x128xf32, #tpu.memory_space<vmem>>
      %dma_wait3A_2139 = tpu.memref_squeeze %dma_wait3A_2138 : memref<1x128x128xf32, #tpu.memory_space<vmem>> -> memref<128x128xf32, #tpu.memory_space<vmem>>
      %dma_wait3A_2140 = arith.constant 0 : i32
      %dma_wait3A_2141 = tpu.memref_slice %arg6[%dma_wait3A_2132, %dma_wait3A_2133, %dma_wait3A_2140] : memref<2x40x128xi32, #tpu.memory_space<vmem>> -> memref<1x1x128xi32, #tpu.memory_space<vmem>>
      %dma_wait3A_2142 = tpu.memref_squeeze %dma_wait3A_2141 : memref<1x1x128xi32, #tpu.memory_space<vmem>> -> memref<128xi32, #tpu.memory_space<vmem>>
      %dma_wait3A_2143 = arith.constant 0 : i32
      %dma_wait3A_2144 = arith.constant 0 : i32
      %dma_wait3A_2145 = tpu.memref_slice %arg2[%dma_wait3A_2143, %dma_wait3A_2144] : memref<10000x128xf32, #tpu.memory_space<hbm>> -> memref<10000x128xf32, #tpu.memory_space<hbm>>
      %dma_wait3A_2146 = tpu.memref_slice %arg9[%dma_wait3A_2135] : memref<2x!tpu.dma_semaphore, #tpu.memory_space<semaphore_mem>> -> memref<1x!tpu.dma_semaphore, #tpu.memory_space<semaphore_mem>>
      %dma_wait3A_2147 = tpu.memref_squeeze %dma_wait3A_2146 : memref<1x!tpu.dma_semaphore, #tpu.memory_space<semaphore_mem>> -> memref<!tpu.dma_semaphore, #tpu.memory_space<semaphore_mem>>
      tpu.wait_indirect_dma semaphore(%dma_wait3A_2147 : memref<!tpu.dma_semaphore, #tpu.memory_space<semaphore_mem>>) src(%dma_wait3A_2145 : memref<10000x128xf32, #tpu.memory_space<hbm>>) dst(%dma_wait3A_2139 : memref<128x128xf32, #tpu.memory_space<vmem>>)
      %dma_start3A_2148 = arith.constant 1 : i32
      %dma_start3A_2149 = arith.constant 1 : i32
      %dma_start3A_2150 = arith.constant 33 : i32
      %dma_start3A_2151 = arith.constant 1 : i32
      %dma_start3A_2152 = arith.constant 0 : i32
      %dma_start3A_2153 = arith.constant 0 : i32
      %dma_start3A_2154 = tpu.memref_slice %arg7[%dma_start3A_2148, %dma_start3A_2152, %dma_start3A_2153] : memref<2x128x128xf32, #tpu.memory_space<vmem>> -> memref<1x128x128xf32, #tpu.memory_space<vmem>>
      %dma_start3A_2155 = tpu.memref_squeeze %dma_start3A_2154 : memref<1x128x128xf32, #tpu.memory_space<vmem>> -> memref<128x128xf32, #tpu.memory_space<vmem>>
      %dma_start3A_2156 = arith.constant 0 : i32
      %dma_start3A_2157 = tpu.memref_slice %arg6[%dma_start3A_2149, %dma_start3A_2150, %dma_start3A_2156] : memref<2x40x128xi32, #tpu.memory_space<vmem>> -> memref<1x1x128xi32, #tpu.memory_space<vmem>>
      %dma_start3A_2158 = tpu.memref_squeeze %dma_start3A_2157 : memref<1x1x128xi32, #tpu.memory_space<vmem>> -> memref<128xi32, #tpu.memory_space<vmem>>
      %dma_start3A_2159 = arith.constant 0 : i32
      %dma_start3A_2160 = arith.constant 0 : i32
      %dma_start3A_2161 = tpu.memref_slice %arg8[%dma_start3A_2159, %dma_start3A_2160] : memref<10112x128xf32, #tpu.memory_space<vmem_shared>> -> memref<10112x128xf32, #tpu.memory_space<vmem_shared>>
      %dma_start3A_2162 = tpu.memref_slice %arg10[%dma_start3A_2151] : memref<2x!tpu.dma_semaphore, #tpu.memory_space<semaphore_mem>> -> memref<1x!tpu.dma_semaphore, #tpu.memory_space<semaphore_mem>>
      %dma_start3A_2163 = tpu.memref_squeeze %dma_start3A_2162 : memref<1x!tpu.dma_semaphore, #tpu.memory_space<semaphore_mem>> -> memref<!tpu.dma_semaphore, #tpu.memory_space<semaphore_mem>>
      tpu.enqueue_indirect_dma source(%dma_start3A_2155 : memref<128x128xf32, #tpu.memory_space<vmem>>) target(%dma_start3A_2161 : memref<10112x128xf32, #tpu.memory_space<vmem_shared>>) offsets(%dma_start3A_2158 : memref<128xi32, #tpu.memory_space<vmem>>) semaphore(%dma_start3A_2163 : memref<!tpu.dma_semaphore, #tpu.memory_space<semaphore_mem>>) {add = true}
      %dma_wait3A_2164 = arith.constant 0 : i32
      %dma_wait3A_2165 = arith.constant 1 : i32
      %dma_wait3A_2166 = arith.constant 32 : i32
      %dma_wait3A_2167 = arith.constant 0 : i32
      %dma_wait3A_2168 = arith.constant 0 : i32
      %dma_wait3A_2169 = arith.constant 0 : i32
      %dma_wait3A_2170 = tpu.memref_slice %arg7[%dma_wait3A_2164, %dma_wait3A_2168, %dma_wait3A_2169] : memref<2x128x128xf32, #tpu.memory_space<vmem>> -> memref<1x128x128xf32, #tpu.memory_space<vmem>>
      %dma_wait3A_2171 = tpu.memref_squeeze %dma_wait3A_2170 : memref<1x128x128xf32, #tpu.memory_space<vmem>> -> memref<128x128xf32, #tpu.memory_space<vmem>>
      %dma_wait3A_2172 = arith.constant 0 : i32
      %dma_wait3A_2173 = tpu.memref_slice %arg6[%dma_wait3A_2165, %dma_wait3A_2166, %dma_wait3A_2172] : memref<2x40x128xi32, #tpu.memory_space<vmem>> -> memref<1x1x128xi32, #tpu.memory_space<vmem>>
      %dma_wait3A_2174 = tpu.memref_squeeze %dma_wait3A_2173 : memref<1x1x128xi32, #tpu.memory_space<vmem>> -> memref<128xi32, #tpu.memory_space<vmem>>
      %dma_wait3A_2175 = arith.constant 0 : i32
      %dma_wait3A_2176 = arith.constant 0 : i32
      %dma_wait3A_2177 = tpu.memref_slice %arg8[%dma_wait3A_2175, %dma_wait3A_2176] : memref<10112x128xf32, #tpu.memory_space<vmem_shared>> -> memref<10112x128xf32, #tpu.memory_space<vmem_shared>>
      %dma_wait3A_2178 = tpu.memref_slice %arg10[%dma_wait3A_2167] : memref<2x!tpu.dma_semaphore, #tpu.memory_space<semaphore_mem>> -> memref<1x!tpu.dma_semaphore, #tpu.memory_space<semaphore_mem>>
      %dma_wait3A_2179 = tpu.memref_squeeze %dma_wait3A_2178 : memref<1x!tpu.dma_semaphore, #tpu.memory_space<semaphore_mem>> -> memref<!tpu.dma_semaphore, #tpu.memory_space<semaphore_mem>>
      tpu.wait_indirect_dma semaphore(%dma_wait3A_2179 : memref<!tpu.dma_semaphore, #tpu.memory_space<semaphore_mem>>) src(%dma_wait3A_2171 : memref<128x128xf32, #tpu.memory_space<vmem>>) dst(%dma_wait3A_2177 : memref<10112x128xf32, #tpu.memory_space<vmem_shared>>)
      %dma_start3A_2180 = arith.constant 0 : i32
      %dma_start3A_2181 = arith.constant 34 : i32
      %dma_start3A_2182 = arith.constant 0 : i32
      %dma_start3A_2183 = arith.constant 0 : i32
      %dma_start3A_2184 = arith.constant 0 : i32
      %dma_start3A_2185 = arith.constant 0 : i32
      %dma_start3A_2186 = tpu.memref_slice %arg7[%dma_start3A_2182, %dma_start3A_2184, %dma_start3A_2185] : memref<2x128x128xf32, #tpu.memory_space<vmem>> -> memref<1x128x128xf32, #tpu.memory_space<vmem>>
      %dma_start3A_2187 = tpu.memref_squeeze %dma_start3A_2186 : memref<1x128x128xf32, #tpu.memory_space<vmem>> -> memref<128x128xf32, #tpu.memory_space<vmem>>
      %dma_start3A_2188 = arith.constant 0 : i32
      %dma_start3A_2189 = tpu.memref_slice %arg6[%dma_start3A_2180, %dma_start3A_2181, %dma_start3A_2188] : memref<2x40x128xi32, #tpu.memory_space<vmem>> -> memref<1x1x128xi32, #tpu.memory_space<vmem>>
      %dma_start3A_2190 = tpu.memref_squeeze %dma_start3A_2189 : memref<1x1x128xi32, #tpu.memory_space<vmem>> -> memref<128xi32, #tpu.memory_space<vmem>>
      %dma_start3A_2191 = arith.constant 0 : i32
      %dma_start3A_2192 = arith.constant 0 : i32
      %dma_start3A_2193 = tpu.memref_slice %arg2[%dma_start3A_2191, %dma_start3A_2192] : memref<10000x128xf32, #tpu.memory_space<hbm>> -> memref<10000x128xf32, #tpu.memory_space<hbm>>
      %dma_start3A_2194 = tpu.memref_slice %arg9[%dma_start3A_2183] : memref<2x!tpu.dma_semaphore, #tpu.memory_space<semaphore_mem>> -> memref<1x!tpu.dma_semaphore, #tpu.memory_space<semaphore_mem>>
      %dma_start3A_2195 = tpu.memref_squeeze %dma_start3A_2194 : memref<1x!tpu.dma_semaphore, #tpu.memory_space<semaphore_mem>> -> memref<!tpu.dma_semaphore, #tpu.memory_space<semaphore_mem>>
      tpu.enqueue_indirect_dma source(%dma_start3A_2193 : memref<10000x128xf32, #tpu.memory_space<hbm>>) target(%dma_start3A_2187 : memref<128x128xf32, #tpu.memory_space<vmem>>) offsets(%dma_start3A_2190 : memref<128xi32, #tpu.memory_space<vmem>>) semaphore(%dma_start3A_2195 : memref<!tpu.dma_semaphore, #tpu.memory_space<semaphore_mem>>)
      %dma_wait3A_2196 = arith.constant 0 : i32
      %dma_wait3A_2197 = arith.constant 34 : i32
      %dma_wait3A_2198 = arith.constant 0 : i32
      %dma_wait3A_2199 = arith.constant 0 : i32
      %dma_wait3A_2200 = arith.constant 0 : i32
      %dma_wait3A_2201 = arith.constant 0 : i32
      %dma_wait3A_2202 = tpu.memref_slice %arg7[%dma_wait3A_2198, %dma_wait3A_2200, %dma_wait3A_2201] : memref<2x128x128xf32, #tpu.memory_space<vmem>> -> memref<1x128x128xf32, #tpu.memory_space<vmem>>
      %dma_wait3A_2203 = tpu.memref_squeeze %dma_wait3A_2202 : memref<1x128x128xf32, #tpu.memory_space<vmem>> -> memref<128x128xf32, #tpu.memory_space<vmem>>
      %dma_wait3A_2204 = arith.constant 0 : i32
      %dma_wait3A_2205 = tpu.memref_slice %arg6[%dma_wait3A_2196, %dma_wait3A_2197, %dma_wait3A_2204] : memref<2x40x128xi32, #tpu.memory_space<vmem>> -> memref<1x1x128xi32, #tpu.memory_space<vmem>>
      %dma_wait3A_2206 = tpu.memref_squeeze %dma_wait3A_2205 : memref<1x1x128xi32, #tpu.memory_space<vmem>> -> memref<128xi32, #tpu.memory_space<vmem>>
      %dma_wait3A_2207 = arith.constant 0 : i32
      %dma_wait3A_2208 = arith.constant 0 : i32
      %dma_wait3A_2209 = tpu.memref_slice %arg2[%dma_wait3A_2207, %dma_wait3A_2208] : memref<10000x128xf32, #tpu.memory_space<hbm>> -> memref<10000x128xf32, #tpu.memory_space<hbm>>
      %dma_wait3A_2210 = tpu.memref_slice %arg9[%dma_wait3A_2199] : memref<2x!tpu.dma_semaphore, #tpu.memory_space<semaphore_mem>> -> memref<1x!tpu.dma_semaphore, #tpu.memory_space<semaphore_mem>>
      %dma_wait3A_2211 = tpu.memref_squeeze %dma_wait3A_2210 : memref<1x!tpu.dma_semaphore, #tpu.memory_space<semaphore_mem>> -> memref<!tpu.dma_semaphore, #tpu.memory_space<semaphore_mem>>
      tpu.wait_indirect_dma semaphore(%dma_wait3A_2211 : memref<!tpu.dma_semaphore, #tpu.memory_space<semaphore_mem>>) src(%dma_wait3A_2209 : memref<10000x128xf32, #tpu.memory_space<hbm>>) dst(%dma_wait3A_2203 : memref<128x128xf32, #tpu.memory_space<vmem>>)
      %dma_start3A_2212 = arith.constant 0 : i32
      %dma_start3A_2213 = arith.constant 1 : i32
      %dma_start3A_2214 = arith.constant 34 : i32
      %dma_start3A_2215 = arith.constant 0 : i32
      %dma_start3A_2216 = arith.constant 0 : i32
      %dma_start3A_2217 = arith.constant 0 : i32
      %dma_start3A_2218 = tpu.memref_slice %arg7[%dma_start3A_2212, %dma_start3A_2216, %dma_start3A_2217] : memref<2x128x128xf32, #tpu.memory_space<vmem>> -> memref<1x128x128xf32, #tpu.memory_space<vmem>>
      %dma_start3A_2219 = tpu.memref_squeeze %dma_start3A_2218 : memref<1x128x128xf32, #tpu.memory_space<vmem>> -> memref<128x128xf32, #tpu.memory_space<vmem>>
      %dma_start3A_2220 = arith.constant 0 : i32
      %dma_start3A_2221 = tpu.memref_slice %arg6[%dma_start3A_2213, %dma_start3A_2214, %dma_start3A_2220] : memref<2x40x128xi32, #tpu.memory_space<vmem>> -> memref<1x1x128xi32, #tpu.memory_space<vmem>>
      %dma_start3A_2222 = tpu.memref_squeeze %dma_start3A_2221 : memref<1x1x128xi32, #tpu.memory_space<vmem>> -> memref<128xi32, #tpu.memory_space<vmem>>
      %dma_start3A_2223 = arith.constant 0 : i32
      %dma_start3A_2224 = arith.constant 0 : i32
      %dma_start3A_2225 = tpu.memref_slice %arg8[%dma_start3A_2223, %dma_start3A_2224] : memref<10112x128xf32, #tpu.memory_space<vmem_shared>> -> memref<10112x128xf32, #tpu.memory_space<vmem_shared>>
      %dma_start3A_2226 = tpu.memref_slice %arg10[%dma_start3A_2215] : memref<2x!tpu.dma_semaphore, #tpu.memory_space<semaphore_mem>> -> memref<1x!tpu.dma_semaphore, #tpu.memory_space<semaphore_mem>>
      %dma_start3A_2227 = tpu.memref_squeeze %dma_start3A_2226 : memref<1x!tpu.dma_semaphore, #tpu.memory_space<semaphore_mem>> -> memref<!tpu.dma_semaphore, #tpu.memory_space<semaphore_mem>>
      tpu.enqueue_indirect_dma source(%dma_start3A_2219 : memref<128x128xf32, #tpu.memory_space<vmem>>) target(%dma_start3A_2225 : memref<10112x128xf32, #tpu.memory_space<vmem_shared>>) offsets(%dma_start3A_2222 : memref<128xi32, #tpu.memory_space<vmem>>) semaphore(%dma_start3A_2227 : memref<!tpu.dma_semaphore, #tpu.memory_space<semaphore_mem>>) {add = true}
      %dma_wait3A_2228 = arith.constant 1 : i32
      %dma_wait3A_2229 = arith.constant 1 : i32
      %dma_wait3A_2230 = arith.constant 33 : i32
      %dma_wait3A_2231 = arith.constant 1 : i32
      %dma_wait3A_2232 = arith.constant 0 : i32
      %dma_wait3A_2233 = arith.constant 0 : i32
      %dma_wait3A_2234 = tpu.memref_slice %arg7[%dma_wait3A_2228, %dma_wait3A_2232, %dma_wait3A_2233] : memref<2x128x128xf32, #tpu.memory_space<vmem>> -> memref<1x128x128xf32, #tpu.memory_space<vmem>>
      %dma_wait3A_2235 = tpu.memref_squeeze %dma_wait3A_2234 : memref<1x128x128xf32, #tpu.memory_space<vmem>> -> memref<128x128xf32, #tpu.memory_space<vmem>>
      %dma_wait3A_2236 = arith.constant 0 : i32
      %dma_wait3A_2237 = tpu.memref_slice %arg6[%dma_wait3A_2229, %dma_wait3A_2230, %dma_wait3A_2236] : memref<2x40x128xi32, #tpu.memory_space<vmem>> -> memref<1x1x128xi32, #tpu.memory_space<vmem>>
      %dma_wait3A_2238 = tpu.memref_squeeze %dma_wait3A_2237 : memref<1x1x128xi32, #tpu.memory_space<vmem>> -> memref<128xi32, #tpu.memory_space<vmem>>
      %dma_wait3A_2239 = arith.constant 0 : i32
      %dma_wait3A_2240 = arith.constant 0 : i32
      %dma_wait3A_2241 = tpu.memref_slice %arg8[%dma_wait3A_2239, %dma_wait3A_2240] : memref<10112x128xf32, #tpu.memory_space<vmem_shared>> -> memref<10112x128xf32, #tpu.memory_space<vmem_shared>>
      %dma_wait3A_2242 = tpu.memref_slice %arg10[%dma_wait3A_2231] : memref<2x!tpu.dma_semaphore, #tpu.memory_space<semaphore_mem>> -> memref<1x!tpu.dma_semaphore, #tpu.memory_space<semaphore_mem>>
      %dma_wait3A_2243 = tpu.memref_squeeze %dma_wait3A_2242 : memref<1x!tpu.dma_semaphore, #tpu.memory_space<semaphore_mem>> -> memref<!tpu.dma_semaphore, #tpu.memory_space<semaphore_mem>>
      tpu.wait_indirect_dma semaphore(%dma_wait3A_2243 : memref<!tpu.dma_semaphore, #tpu.memory_space<semaphore_mem>>) src(%dma_wait3A_2235 : memref<128x128xf32, #tpu.memory_space<vmem>>) dst(%dma_wait3A_2241 : memref<10112x128xf32, #tpu.memory_space<vmem_shared>>)
      %dma_start3A_2244 = arith.constant 0 : i32
      %dma_start3A_2245 = arith.constant 35 : i32
      %dma_start3A_2246 = arith.constant 1 : i32
      %dma_start3A_2247 = arith.constant 1 : i32
      %dma_start3A_2248 = arith.constant 0 : i32
      %dma_start3A_2249 = arith.constant 0 : i32
      %dma_start3A_2250 = tpu.memref_slice %arg7[%dma_start3A_2246, %dma_start3A_2248, %dma_start3A_2249] : memref<2x128x128xf32, #tpu.memory_space<vmem>> -> memref<1x128x128xf32, #tpu.memory_space<vmem>>
      %dma_start3A_2251 = tpu.memref_squeeze %dma_start3A_2250 : memref<1x128x128xf32, #tpu.memory_space<vmem>> -> memref<128x128xf32, #tpu.memory_space<vmem>>
      %dma_start3A_2252 = arith.constant 0 : i32
      %dma_start3A_2253 = tpu.memref_slice %arg6[%dma_start3A_2244, %dma_start3A_2245, %dma_start3A_2252] : memref<2x40x128xi32, #tpu.memory_space<vmem>> -> memref<1x1x128xi32, #tpu.memory_space<vmem>>
      %dma_start3A_2254 = tpu.memref_squeeze %dma_start3A_2253 : memref<1x1x128xi32, #tpu.memory_space<vmem>> -> memref<128xi32, #tpu.memory_space<vmem>>
      %dma_start3A_2255 = arith.constant 0 : i32
      %dma_start3A_2256 = arith.constant 0 : i32
      %dma_start3A_2257 = tpu.memref_slice %arg2[%dma_start3A_2255, %dma_start3A_2256] : memref<10000x128xf32, #tpu.memory_space<hbm>> -> memref<10000x128xf32, #tpu.memory_space<hbm>>
      %dma_start3A_2258 = tpu.memref_slice %arg9[%dma_start3A_2247] : memref<2x!tpu.dma_semaphore, #tpu.memory_space<semaphore_mem>> -> memref<1x!tpu.dma_semaphore, #tpu.memory_space<semaphore_mem>>
      %dma_start3A_2259 = tpu.memref_squeeze %dma_start3A_2258 : memref<1x!tpu.dma_semaphore, #tpu.memory_space<semaphore_mem>> -> memref<!tpu.dma_semaphore, #tpu.memory_space<semaphore_mem>>
      tpu.enqueue_indirect_dma source(%dma_start3A_2257 : memref<10000x128xf32, #tpu.memory_space<hbm>>) target(%dma_start3A_2251 : memref<128x128xf32, #tpu.memory_space<vmem>>) offsets(%dma_start3A_2254 : memref<128xi32, #tpu.memory_space<vmem>>) semaphore(%dma_start3A_2259 : memref<!tpu.dma_semaphore, #tpu.memory_space<semaphore_mem>>)
      %dma_wait3A_2260 = arith.constant 0 : i32
      %dma_wait3A_2261 = arith.constant 35 : i32
      %dma_wait3A_2262 = arith.constant 1 : i32
      %dma_wait3A_2263 = arith.constant 1 : i32
      %dma_wait3A_2264 = arith.constant 0 : i32
      %dma_wait3A_2265 = arith.constant 0 : i32
      %dma_wait3A_2266 = tpu.memref_slice %arg7[%dma_wait3A_2262, %dma_wait3A_2264, %dma_wait3A_2265] : memref<2x128x128xf32, #tpu.memory_space<vmem>> -> memref<1x128x128xf32, #tpu.memory_space<vmem>>
      %dma_wait3A_2267 = tpu.memref_squeeze %dma_wait3A_2266 : memref<1x128x128xf32, #tpu.memory_space<vmem>> -> memref<128x128xf32, #tpu.memory_space<vmem>>
      %dma_wait3A_2268 = arith.constant 0 : i32
      %dma_wait3A_2269 = tpu.memref_slice %arg6[%dma_wait3A_2260, %dma_wait3A_2261, %dma_wait3A_2268] : memref<2x40x128xi32, #tpu.memory_space<vmem>> -> memref<1x1x128xi32, #tpu.memory_space<vmem>>
      %dma_wait3A_2270 = tpu.memref_squeeze %dma_wait3A_2269 : memref<1x1x128xi32, #tpu.memory_space<vmem>> -> memref<128xi32, #tpu.memory_space<vmem>>
      %dma_wait3A_2271 = arith.constant 0 : i32
      %dma_wait3A_2272 = arith.constant 0 : i32
      %dma_wait3A_2273 = tpu.memref_slice %arg2[%dma_wait3A_2271, %dma_wait3A_2272] : memref<10000x128xf32, #tpu.memory_space<hbm>> -> memref<10000x128xf32, #tpu.memory_space<hbm>>
      %dma_wait3A_2274 = tpu.memref_slice %arg9[%dma_wait3A_2263] : memref<2x!tpu.dma_semaphore, #tpu.memory_space<semaphore_mem>> -> memref<1x!tpu.dma_semaphore, #tpu.memory_space<semaphore_mem>>
      %dma_wait3A_2275 = tpu.memref_squeeze %dma_wait3A_2274 : memref<1x!tpu.dma_semaphore, #tpu.memory_space<semaphore_mem>> -> memref<!tpu.dma_semaphore, #tpu.memory_space<semaphore_mem>>
      tpu.wait_indirect_dma semaphore(%dma_wait3A_2275 : memref<!tpu.dma_semaphore, #tpu.memory_space<semaphore_mem>>) src(%dma_wait3A_2273 : memref<10000x128xf32, #tpu.memory_space<hbm>>) dst(%dma_wait3A_2267 : memref<128x128xf32, #tpu.memory_space<vmem>>)
      %dma_start3A_2276 = arith.constant 1 : i32
      %dma_start3A_2277 = arith.constant 1 : i32
      %dma_start3A_2278 = arith.constant 35 : i32
      %dma_start3A_2279 = arith.constant 1 : i32
      %dma_start3A_2280 = arith.constant 0 : i32
      %dma_start3A_2281 = arith.constant 0 : i32
      %dma_start3A_2282 = tpu.memref_slice %arg7[%dma_start3A_2276, %dma_start3A_2280, %dma_start3A_2281] : memref<2x128x128xf32, #tpu.memory_space<vmem>> -> memref<1x128x128xf32, #tpu.memory_space<vmem>>
      %dma_start3A_2283 = tpu.memref_squeeze %dma_start3A_2282 : memref<1x128x128xf32, #tpu.memory_space<vmem>> -> memref<128x128xf32, #tpu.memory_space<vmem>>
      %dma_start3A_2284 = arith.constant 0 : i32
      %dma_start3A_2285 = tpu.memref_slice %arg6[%dma_start3A_2277, %dma_start3A_2278, %dma_start3A_2284] : memref<2x40x128xi32, #tpu.memory_space<vmem>> -> memref<1x1x128xi32, #tpu.memory_space<vmem>>
      %dma_start3A_2286 = tpu.memref_squeeze %dma_start3A_2285 : memref<1x1x128xi32, #tpu.memory_space<vmem>> -> memref<128xi32, #tpu.memory_space<vmem>>
      %dma_start3A_2287 = arith.constant 0 : i32
      %dma_start3A_2288 = arith.constant 0 : i32
      %dma_start3A_2289 = tpu.memref_slice %arg8[%dma_start3A_2287, %dma_start3A_2288] : memref<10112x128xf32, #tpu.memory_space<vmem_shared>> -> memref<10112x128xf32, #tpu.memory_space<vmem_shared>>
      %dma_start3A_2290 = tpu.memref_slice %arg10[%dma_start3A_2279] : memref<2x!tpu.dma_semaphore, #tpu.memory_space<semaphore_mem>> -> memref<1x!tpu.dma_semaphore, #tpu.memory_space<semaphore_mem>>
      %dma_start3A_2291 = tpu.memref_squeeze %dma_start3A_2290 : memref<1x!tpu.dma_semaphore, #tpu.memory_space<semaphore_mem>> -> memref<!tpu.dma_semaphore, #tpu.memory_space<semaphore_mem>>
      tpu.enqueue_indirect_dma source(%dma_start3A_2283 : memref<128x128xf32, #tpu.memory_space<vmem>>) target(%dma_start3A_2289 : memref<10112x128xf32, #tpu.memory_space<vmem_shared>>) offsets(%dma_start3A_2286 : memref<128xi32, #tpu.memory_space<vmem>>) semaphore(%dma_start3A_2291 : memref<!tpu.dma_semaphore, #tpu.memory_space<semaphore_mem>>) {add = true}
      %dma_wait3A_2292 = arith.constant 0 : i32
      %dma_wait3A_2293 = arith.constant 1 : i32
      %dma_wait3A_2294 = arith.constant 34 : i32
      %dma_wait3A_2295 = arith.constant 0 : i32
      %dma_wait3A_2296 = arith.constant 0 : i32
      %dma_wait3A_2297 = arith.constant 0 : i32
      %dma_wait3A_2298 = tpu.memref_slice %arg7[%dma_wait3A_2292, %dma_wait3A_2296, %dma_wait3A_2297] : memref<2x128x128xf32, #tpu.memory_space<vmem>> -> memref<1x128x128xf32, #tpu.memory_space<vmem>>
      %dma_wait3A_2299 = tpu.memref_squeeze %dma_wait3A_2298 : memref<1x128x128xf32, #tpu.memory_space<vmem>> -> memref<128x128xf32, #tpu.memory_space<vmem>>
      %dma_wait3A_2300 = arith.constant 0 : i32
      %dma_wait3A_2301 = tpu.memref_slice %arg6[%dma_wait3A_2293, %dma_wait3A_2294, %dma_wait3A_2300] : memref<2x40x128xi32, #tpu.memory_space<vmem>> -> memref<1x1x128xi32, #tpu.memory_space<vmem>>
      %dma_wait3A_2302 = tpu.memref_squeeze %dma_wait3A_2301 : memref<1x1x128xi32, #tpu.memory_space<vmem>> -> memref<128xi32, #tpu.memory_space<vmem>>
      %dma_wait3A_2303 = arith.constant 0 : i32
      %dma_wait3A_2304 = arith.constant 0 : i32
      %dma_wait3A_2305 = tpu.memref_slice %arg8[%dma_wait3A_2303, %dma_wait3A_2304] : memref<10112x128xf32, #tpu.memory_space<vmem_shared>> -> memref<10112x128xf32, #tpu.memory_space<vmem_shared>>
      %dma_wait3A_2306 = tpu.memref_slice %arg10[%dma_wait3A_2295] : memref<2x!tpu.dma_semaphore, #tpu.memory_space<semaphore_mem>> -> memref<1x!tpu.dma_semaphore, #tpu.memory_space<semaphore_mem>>
      %dma_wait3A_2307 = tpu.memref_squeeze %dma_wait3A_2306 : memref<1x!tpu.dma_semaphore, #tpu.memory_space<semaphore_mem>> -> memref<!tpu.dma_semaphore, #tpu.memory_space<semaphore_mem>>
      tpu.wait_indirect_dma semaphore(%dma_wait3A_2307 : memref<!tpu.dma_semaphore, #tpu.memory_space<semaphore_mem>>) src(%dma_wait3A_2299 : memref<128x128xf32, #tpu.memory_space<vmem>>) dst(%dma_wait3A_2305 : memref<10112x128xf32, #tpu.memory_space<vmem_shared>>)
      %dma_start3A_2308 = arith.constant 0 : i32
      %dma_start3A_2309 = arith.constant 36 : i32
      %dma_start3A_2310 = arith.constant 0 : i32
      %dma_start3A_2311 = arith.constant 0 : i32
      %dma_start3A_2312 = arith.constant 0 : i32
      %dma_start3A_2313 = arith.constant 0 : i32
      %dma_start3A_2314 = tpu.memref_slice %arg7[%dma_start3A_2310, %dma_start3A_2312, %dma_start3A_2313] : memref<2x128x128xf32, #tpu.memory_space<vmem>> -> memref<1x128x128xf32, #tpu.memory_space<vmem>>
      %dma_start3A_2315 = tpu.memref_squeeze %dma_start3A_2314 : memref<1x128x128xf32, #tpu.memory_space<vmem>> -> memref<128x128xf32, #tpu.memory_space<vmem>>
      %dma_start3A_2316 = arith.constant 0 : i32
      %dma_start3A_2317 = tpu.memref_slice %arg6[%dma_start3A_2308, %dma_start3A_2309, %dma_start3A_2316] : memref<2x40x128xi32, #tpu.memory_space<vmem>> -> memref<1x1x128xi32, #tpu.memory_space<vmem>>
      %dma_start3A_2318 = tpu.memref_squeeze %dma_start3A_2317 : memref<1x1x128xi32, #tpu.memory_space<vmem>> -> memref<128xi32, #tpu.memory_space<vmem>>
      %dma_start3A_2319 = arith.constant 0 : i32
      %dma_start3A_2320 = arith.constant 0 : i32
      %dma_start3A_2321 = tpu.memref_slice %arg2[%dma_start3A_2319, %dma_start3A_2320] : memref<10000x128xf32, #tpu.memory_space<hbm>> -> memref<10000x128xf32, #tpu.memory_space<hbm>>
      %dma_start3A_2322 = tpu.memref_slice %arg9[%dma_start3A_2311] : memref<2x!tpu.dma_semaphore, #tpu.memory_space<semaphore_mem>> -> memref<1x!tpu.dma_semaphore, #tpu.memory_space<semaphore_mem>>
      %dma_start3A_2323 = tpu.memref_squeeze %dma_start3A_2322 : memref<1x!tpu.dma_semaphore, #tpu.memory_space<semaphore_mem>> -> memref<!tpu.dma_semaphore, #tpu.memory_space<semaphore_mem>>
      tpu.enqueue_indirect_dma source(%dma_start3A_2321 : memref<10000x128xf32, #tpu.memory_space<hbm>>) target(%dma_start3A_2315 : memref<128x128xf32, #tpu.memory_space<vmem>>) offsets(%dma_start3A_2318 : memref<128xi32, #tpu.memory_space<vmem>>) semaphore(%dma_start3A_2323 : memref<!tpu.dma_semaphore, #tpu.memory_space<semaphore_mem>>)
      %dma_wait3A_2324 = arith.constant 0 : i32
      %dma_wait3A_2325 = arith.constant 36 : i32
      %dma_wait3A_2326 = arith.constant 0 : i32
      %dma_wait3A_2327 = arith.constant 0 : i32
      %dma_wait3A_2328 = arith.constant 0 : i32
      %dma_wait3A_2329 = arith.constant 0 : i32
      %dma_wait3A_2330 = tpu.memref_slice %arg7[%dma_wait3A_2326, %dma_wait3A_2328, %dma_wait3A_2329] : memref<2x128x128xf32, #tpu.memory_space<vmem>> -> memref<1x128x128xf32, #tpu.memory_space<vmem>>
      %dma_wait3A_2331 = tpu.memref_squeeze %dma_wait3A_2330 : memref<1x128x128xf32, #tpu.memory_space<vmem>> -> memref<128x128xf32, #tpu.memory_space<vmem>>
      %dma_wait3A_2332 = arith.constant 0 : i32
      %dma_wait3A_2333 = tpu.memref_slice %arg6[%dma_wait3A_2324, %dma_wait3A_2325, %dma_wait3A_2332] : memref<2x40x128xi32, #tpu.memory_space<vmem>> -> memref<1x1x128xi32, #tpu.memory_space<vmem>>
      %dma_wait3A_2334 = tpu.memref_squeeze %dma_wait3A_2333 : memref<1x1x128xi32, #tpu.memory_space<vmem>> -> memref<128xi32, #tpu.memory_space<vmem>>
      %dma_wait3A_2335 = arith.constant 0 : i32
      %dma_wait3A_2336 = arith.constant 0 : i32
      %dma_wait3A_2337 = tpu.memref_slice %arg2[%dma_wait3A_2335, %dma_wait3A_2336] : memref<10000x128xf32, #tpu.memory_space<hbm>> -> memref<10000x128xf32, #tpu.memory_space<hbm>>
      %dma_wait3A_2338 = tpu.memref_slice %arg9[%dma_wait3A_2327] : memref<2x!tpu.dma_semaphore, #tpu.memory_space<semaphore_mem>> -> memref<1x!tpu.dma_semaphore, #tpu.memory_space<semaphore_mem>>
      %dma_wait3A_2339 = tpu.memref_squeeze %dma_wait3A_2338 : memref<1x!tpu.dma_semaphore, #tpu.memory_space<semaphore_mem>> -> memref<!tpu.dma_semaphore, #tpu.memory_space<semaphore_mem>>
      tpu.wait_indirect_dma semaphore(%dma_wait3A_2339 : memref<!tpu.dma_semaphore, #tpu.memory_space<semaphore_mem>>) src(%dma_wait3A_2337 : memref<10000x128xf32, #tpu.memory_space<hbm>>) dst(%dma_wait3A_2331 : memref<128x128xf32, #tpu.memory_space<vmem>>)
      %dma_start3A_2340 = arith.constant 0 : i32
      %dma_start3A_2341 = arith.constant 1 : i32
      %dma_start3A_2342 = arith.constant 36 : i32
      %dma_start3A_2343 = arith.constant 0 : i32
      %dma_start3A_2344 = arith.constant 0 : i32
      %dma_start3A_2345 = arith.constant 0 : i32
      %dma_start3A_2346 = tpu.memref_slice %arg7[%dma_start3A_2340, %dma_start3A_2344, %dma_start3A_2345] : memref<2x128x128xf32, #tpu.memory_space<vmem>> -> memref<1x128x128xf32, #tpu.memory_space<vmem>>
      %dma_start3A_2347 = tpu.memref_squeeze %dma_start3A_2346 : memref<1x128x128xf32, #tpu.memory_space<vmem>> -> memref<128x128xf32, #tpu.memory_space<vmem>>
      %dma_start3A_2348 = arith.constant 0 : i32
      %dma_start3A_2349 = tpu.memref_slice %arg6[%dma_start3A_2341, %dma_start3A_2342, %dma_start3A_2348] : memref<2x40x128xi32, #tpu.memory_space<vmem>> -> memref<1x1x128xi32, #tpu.memory_space<vmem>>
      %dma_start3A_2350 = tpu.memref_squeeze %dma_start3A_2349 : memref<1x1x128xi32, #tpu.memory_space<vmem>> -> memref<128xi32, #tpu.memory_space<vmem>>
      %dma_start3A_2351 = arith.constant 0 : i32
      %dma_start3A_2352 = arith.constant 0 : i32
      %dma_start3A_2353 = tpu.memref_slice %arg8[%dma_start3A_2351, %dma_start3A_2352] : memref<10112x128xf32, #tpu.memory_space<vmem_shared>> -> memref<10112x128xf32, #tpu.memory_space<vmem_shared>>
      %dma_start3A_2354 = tpu.memref_slice %arg10[%dma_start3A_2343] : memref<2x!tpu.dma_semaphore, #tpu.memory_space<semaphore_mem>> -> memref<1x!tpu.dma_semaphore, #tpu.memory_space<semaphore_mem>>
      %dma_start3A_2355 = tpu.memref_squeeze %dma_start3A_2354 : memref<1x!tpu.dma_semaphore, #tpu.memory_space<semaphore_mem>> -> memref<!tpu.dma_semaphore, #tpu.memory_space<semaphore_mem>>
      tpu.enqueue_indirect_dma source(%dma_start3A_2347 : memref<128x128xf32, #tpu.memory_space<vmem>>) target(%dma_start3A_2353 : memref<10112x128xf32, #tpu.memory_space<vmem_shared>>) offsets(%dma_start3A_2350 : memref<128xi32, #tpu.memory_space<vmem>>) semaphore(%dma_start3A_2355 : memref<!tpu.dma_semaphore, #tpu.memory_space<semaphore_mem>>) {add = true}
      %dma_wait3A_2356 = arith.constant 1 : i32
      %dma_wait3A_2357 = arith.constant 1 : i32
      %dma_wait3A_2358 = arith.constant 35 : i32
      %dma_wait3A_2359 = arith.constant 1 : i32
      %dma_wait3A_2360 = arith.constant 0 : i32
      %dma_wait3A_2361 = arith.constant 0 : i32
      %dma_wait3A_2362 = tpu.memref_slice %arg7[%dma_wait3A_2356, %dma_wait3A_2360, %dma_wait3A_2361] : memref<2x128x128xf32, #tpu.memory_space<vmem>> -> memref<1x128x128xf32, #tpu.memory_space<vmem>>
      %dma_wait3A_2363 = tpu.memref_squeeze %dma_wait3A_2362 : memref<1x128x128xf32, #tpu.memory_space<vmem>> -> memref<128x128xf32, #tpu.memory_space<vmem>>
      %dma_wait3A_2364 = arith.constant 0 : i32
      %dma_wait3A_2365 = tpu.memref_slice %arg6[%dma_wait3A_2357, %dma_wait3A_2358, %dma_wait3A_2364] : memref<2x40x128xi32, #tpu.memory_space<vmem>> -> memref<1x1x128xi32, #tpu.memory_space<vmem>>
      %dma_wait3A_2366 = tpu.memref_squeeze %dma_wait3A_2365 : memref<1x1x128xi32, #tpu.memory_space<vmem>> -> memref<128xi32, #tpu.memory_space<vmem>>
      %dma_wait3A_2367 = arith.constant 0 : i32
      %dma_wait3A_2368 = arith.constant 0 : i32
      %dma_wait3A_2369 = tpu.memref_slice %arg8[%dma_wait3A_2367, %dma_wait3A_2368] : memref<10112x128xf32, #tpu.memory_space<vmem_shared>> -> memref<10112x128xf32, #tpu.memory_space<vmem_shared>>
      %dma_wait3A_2370 = tpu.memref_slice %arg10[%dma_wait3A_2359] : memref<2x!tpu.dma_semaphore, #tpu.memory_space<semaphore_mem>> -> memref<1x!tpu.dma_semaphore, #tpu.memory_space<semaphore_mem>>
      %dma_wait3A_2371 = tpu.memref_squeeze %dma_wait3A_2370 : memref<1x!tpu.dma_semaphore, #tpu.memory_space<semaphore_mem>> -> memref<!tpu.dma_semaphore, #tpu.memory_space<semaphore_mem>>
      tpu.wait_indirect_dma semaphore(%dma_wait3A_2371 : memref<!tpu.dma_semaphore, #tpu.memory_space<semaphore_mem>>) src(%dma_wait3A_2363 : memref<128x128xf32, #tpu.memory_space<vmem>>) dst(%dma_wait3A_2369 : memref<10112x128xf32, #tpu.memory_space<vmem_shared>>)
      %dma_start3A_2372 = arith.constant 0 : i32
      %dma_start3A_2373 = arith.constant 37 : i32
      %dma_start3A_2374 = arith.constant 1 : i32
      %dma_start3A_2375 = arith.constant 1 : i32
      %dma_start3A_2376 = arith.constant 0 : i32
      %dma_start3A_2377 = arith.constant 0 : i32
      %dma_start3A_2378 = tpu.memref_slice %arg7[%dma_start3A_2374, %dma_start3A_2376, %dma_start3A_2377] : memref<2x128x128xf32, #tpu.memory_space<vmem>> -> memref<1x128x128xf32, #tpu.memory_space<vmem>>
      %dma_start3A_2379 = tpu.memref_squeeze %dma_start3A_2378 : memref<1x128x128xf32, #tpu.memory_space<vmem>> -> memref<128x128xf32, #tpu.memory_space<vmem>>
      %dma_start3A_2380 = arith.constant 0 : i32
      %dma_start3A_2381 = tpu.memref_slice %arg6[%dma_start3A_2372, %dma_start3A_2373, %dma_start3A_2380] : memref<2x40x128xi32, #tpu.memory_space<vmem>> -> memref<1x1x128xi32, #tpu.memory_space<vmem>>
      %dma_start3A_2382 = tpu.memref_squeeze %dma_start3A_2381 : memref<1x1x128xi32, #tpu.memory_space<vmem>> -> memref<128xi32, #tpu.memory_space<vmem>>
      %dma_start3A_2383 = arith.constant 0 : i32
      %dma_start3A_2384 = arith.constant 0 : i32
      %dma_start3A_2385 = tpu.memref_slice %arg2[%dma_start3A_2383, %dma_start3A_2384] : memref<10000x128xf32, #tpu.memory_space<hbm>> -> memref<10000x128xf32, #tpu.memory_space<hbm>>
      %dma_start3A_2386 = tpu.memref_slice %arg9[%dma_start3A_2375] : memref<2x!tpu.dma_semaphore, #tpu.memory_space<semaphore_mem>> -> memref<1x!tpu.dma_semaphore, #tpu.memory_space<semaphore_mem>>
      %dma_start3A_2387 = tpu.memref_squeeze %dma_start3A_2386 : memref<1x!tpu.dma_semaphore, #tpu.memory_space<semaphore_mem>> -> memref<!tpu.dma_semaphore, #tpu.memory_space<semaphore_mem>>
      tpu.enqueue_indirect_dma source(%dma_start3A_2385 : memref<10000x128xf32, #tpu.memory_space<hbm>>) target(%dma_start3A_2379 : memref<128x128xf32, #tpu.memory_space<vmem>>) offsets(%dma_start3A_2382 : memref<128xi32, #tpu.memory_space<vmem>>) semaphore(%dma_start3A_2387 : memref<!tpu.dma_semaphore, #tpu.memory_space<semaphore_mem>>)
      %dma_wait3A_2388 = arith.constant 0 : i32
      %dma_wait3A_2389 = arith.constant 37 : i32
      %dma_wait3A_2390 = arith.constant 1 : i32
      %dma_wait3A_2391 = arith.constant 1 : i32
      %dma_wait3A_2392 = arith.constant 0 : i32
      %dma_wait3A_2393 = arith.constant 0 : i32
      %dma_wait3A_2394 = tpu.memref_slice %arg7[%dma_wait3A_2390, %dma_wait3A_2392, %dma_wait3A_2393] : memref<2x128x128xf32, #tpu.memory_space<vmem>> -> memref<1x128x128xf32, #tpu.memory_space<vmem>>
      %dma_wait3A_2395 = tpu.memref_squeeze %dma_wait3A_2394 : memref<1x128x128xf32, #tpu.memory_space<vmem>> -> memref<128x128xf32, #tpu.memory_space<vmem>>
      %dma_wait3A_2396 = arith.constant 0 : i32
      %dma_wait3A_2397 = tpu.memref_slice %arg6[%dma_wait3A_2388, %dma_wait3A_2389, %dma_wait3A_2396] : memref<2x40x128xi32, #tpu.memory_space<vmem>> -> memref<1x1x128xi32, #tpu.memory_space<vmem>>
      %dma_wait3A_2398 = tpu.memref_squeeze %dma_wait3A_2397 : memref<1x1x128xi32, #tpu.memory_space<vmem>> -> memref<128xi32, #tpu.memory_space<vmem>>
      %dma_wait3A_2399 = arith.constant 0 : i32
      %dma_wait3A_2400 = arith.constant 0 : i32
      %dma_wait3A_2401 = tpu.memref_slice %arg2[%dma_wait3A_2399, %dma_wait3A_2400] : memref<10000x128xf32, #tpu.memory_space<hbm>> -> memref<10000x128xf32, #tpu.memory_space<hbm>>
      %dma_wait3A_2402 = tpu.memref_slice %arg9[%dma_wait3A_2391] : memref<2x!tpu.dma_semaphore, #tpu.memory_space<semaphore_mem>> -> memref<1x!tpu.dma_semaphore, #tpu.memory_space<semaphore_mem>>
      %dma_wait3A_2403 = tpu.memref_squeeze %dma_wait3A_2402 : memref<1x!tpu.dma_semaphore, #tpu.memory_space<semaphore_mem>> -> memref<!tpu.dma_semaphore, #tpu.memory_space<semaphore_mem>>
      tpu.wait_indirect_dma semaphore(%dma_wait3A_2403 : memref<!tpu.dma_semaphore, #tpu.memory_space<semaphore_mem>>) src(%dma_wait3A_2401 : memref<10000x128xf32, #tpu.memory_space<hbm>>) dst(%dma_wait3A_2395 : memref<128x128xf32, #tpu.memory_space<vmem>>)
      %dma_start3A_2404 = arith.constant 1 : i32
      %dma_start3A_2405 = arith.constant 1 : i32
      %dma_start3A_2406 = arith.constant 37 : i32
      %dma_start3A_2407 = arith.constant 1 : i32
      %dma_start3A_2408 = arith.constant 0 : i32
      %dma_start3A_2409 = arith.constant 0 : i32
      %dma_start3A_2410 = tpu.memref_slice %arg7[%dma_start3A_2404, %dma_start3A_2408, %dma_start3A_2409] : memref<2x128x128xf32, #tpu.memory_space<vmem>> -> memref<1x128x128xf32, #tpu.memory_space<vmem>>
      %dma_start3A_2411 = tpu.memref_squeeze %dma_start3A_2410 : memref<1x128x128xf32, #tpu.memory_space<vmem>> -> memref<128x128xf32, #tpu.memory_space<vmem>>
      %dma_start3A_2412 = arith.constant 0 : i32
      %dma_start3A_2413 = tpu.memref_slice %arg6[%dma_start3A_2405, %dma_start3A_2406, %dma_start3A_2412] : memref<2x40x128xi32, #tpu.memory_space<vmem>> -> memref<1x1x128xi32, #tpu.memory_space<vmem>>
      %dma_start3A_2414 = tpu.memref_squeeze %dma_start3A_2413 : memref<1x1x128xi32, #tpu.memory_space<vmem>> -> memref<128xi32, #tpu.memory_space<vmem>>
      %dma_start3A_2415 = arith.constant 0 : i32
      %dma_start3A_2416 = arith.constant 0 : i32
      %dma_start3A_2417 = tpu.memref_slice %arg8[%dma_start3A_2415, %dma_start3A_2416] : memref<10112x128xf32, #tpu.memory_space<vmem_shared>> -> memref<10112x128xf32, #tpu.memory_space<vmem_shared>>
      %dma_start3A_2418 = tpu.memref_slice %arg10[%dma_start3A_2407] : memref<2x!tpu.dma_semaphore, #tpu.memory_space<semaphore_mem>> -> memref<1x!tpu.dma_semaphore, #tpu.memory_space<semaphore_mem>>
      %dma_start3A_2419 = tpu.memref_squeeze %dma_start3A_2418 : memref<1x!tpu.dma_semaphore, #tpu.memory_space<semaphore_mem>> -> memref<!tpu.dma_semaphore, #tpu.memory_space<semaphore_mem>>
      tpu.enqueue_indirect_dma source(%dma_start3A_2411 : memref<128x128xf32, #tpu.memory_space<vmem>>) target(%dma_start3A_2417 : memref<10112x128xf32, #tpu.memory_space<vmem_shared>>) offsets(%dma_start3A_2414 : memref<128xi32, #tpu.memory_space<vmem>>) semaphore(%dma_start3A_2419 : memref<!tpu.dma_semaphore, #tpu.memory_space<semaphore_mem>>) {add = true}
      %dma_wait3A_2420 = arith.constant 0 : i32
      %dma_wait3A_2421 = arith.constant 1 : i32
      %dma_wait3A_2422 = arith.constant 36 : i32
      %dma_wait3A_2423 = arith.constant 0 : i32
      %dma_wait3A_2424 = arith.constant 0 : i32
      %dma_wait3A_2425 = arith.constant 0 : i32
      %dma_wait3A_2426 = tpu.memref_slice %arg7[%dma_wait3A_2420, %dma_wait3A_2424, %dma_wait3A_2425] : memref<2x128x128xf32, #tpu.memory_space<vmem>> -> memref<1x128x128xf32, #tpu.memory_space<vmem>>
      %dma_wait3A_2427 = tpu.memref_squeeze %dma_wait3A_2426 : memref<1x128x128xf32, #tpu.memory_space<vmem>> -> memref<128x128xf32, #tpu.memory_space<vmem>>
      %dma_wait3A_2428 = arith.constant 0 : i32
      %dma_wait3A_2429 = tpu.memref_slice %arg6[%dma_wait3A_2421, %dma_wait3A_2422, %dma_wait3A_2428] : memref<2x40x128xi32, #tpu.memory_space<vmem>> -> memref<1x1x128xi32, #tpu.memory_space<vmem>>
      %dma_wait3A_2430 = tpu.memref_squeeze %dma_wait3A_2429 : memref<1x1x128xi32, #tpu.memory_space<vmem>> -> memref<128xi32, #tpu.memory_space<vmem>>
      %dma_wait3A_2431 = arith.constant 0 : i32
      %dma_wait3A_2432 = arith.constant 0 : i32
      %dma_wait3A_2433 = tpu.memref_slice %arg8[%dma_wait3A_2431, %dma_wait3A_2432] : memref<10112x128xf32, #tpu.memory_space<vmem_shared>> -> memref<10112x128xf32, #tpu.memory_space<vmem_shared>>
      %dma_wait3A_2434 = tpu.memref_slice %arg10[%dma_wait3A_2423] : memref<2x!tpu.dma_semaphore, #tpu.memory_space<semaphore_mem>> -> memref<1x!tpu.dma_semaphore, #tpu.memory_space<semaphore_mem>>
      %dma_wait3A_2435 = tpu.memref_squeeze %dma_wait3A_2434 : memref<1x!tpu.dma_semaphore, #tpu.memory_space<semaphore_mem>> -> memref<!tpu.dma_semaphore, #tpu.memory_space<semaphore_mem>>
      tpu.wait_indirect_dma semaphore(%dma_wait3A_2435 : memref<!tpu.dma_semaphore, #tpu.memory_space<semaphore_mem>>) src(%dma_wait3A_2427 : memref<128x128xf32, #tpu.memory_space<vmem>>) dst(%dma_wait3A_2433 : memref<10112x128xf32, #tpu.memory_space<vmem_shared>>)
      %dma_start3A_2436 = arith.constant 0 : i32
      %dma_start3A_2437 = arith.constant 38 : i32
      %dma_start3A_2438 = arith.constant 0 : i32
      %dma_start3A_2439 = arith.constant 0 : i32
      %dma_start3A_2440 = arith.constant 0 : i32
      %dma_start3A_2441 = arith.constant 0 : i32
      %dma_start3A_2442 = tpu.memref_slice %arg7[%dma_start3A_2438, %dma_start3A_2440, %dma_start3A_2441] : memref<2x128x128xf32, #tpu.memory_space<vmem>> -> memref<1x128x128xf32, #tpu.memory_space<vmem>>
      %dma_start3A_2443 = tpu.memref_squeeze %dma_start3A_2442 : memref<1x128x128xf32, #tpu.memory_space<vmem>> -> memref<128x128xf32, #tpu.memory_space<vmem>>
      %dma_start3A_2444 = arith.constant 0 : i32
      %dma_start3A_2445 = tpu.memref_slice %arg6[%dma_start3A_2436, %dma_start3A_2437, %dma_start3A_2444] : memref<2x40x128xi32, #tpu.memory_space<vmem>> -> memref<1x1x128xi32, #tpu.memory_space<vmem>>
      %dma_start3A_2446 = tpu.memref_squeeze %dma_start3A_2445 : memref<1x1x128xi32, #tpu.memory_space<vmem>> -> memref<128xi32, #tpu.memory_space<vmem>>
      %dma_start3A_2447 = arith.constant 0 : i32
      %dma_start3A_2448 = arith.constant 0 : i32
      %dma_start3A_2449 = tpu.memref_slice %arg2[%dma_start3A_2447, %dma_start3A_2448] : memref<10000x128xf32, #tpu.memory_space<hbm>> -> memref<10000x128xf32, #tpu.memory_space<hbm>>
      %dma_start3A_2450 = tpu.memref_slice %arg9[%dma_start3A_2439] : memref<2x!tpu.dma_semaphore, #tpu.memory_space<semaphore_mem>> -> memref<1x!tpu.dma_semaphore, #tpu.memory_space<semaphore_mem>>
      %dma_start3A_2451 = tpu.memref_squeeze %dma_start3A_2450 : memref<1x!tpu.dma_semaphore, #tpu.memory_space<semaphore_mem>> -> memref<!tpu.dma_semaphore, #tpu.memory_space<semaphore_mem>>
      tpu.enqueue_indirect_dma source(%dma_start3A_2449 : memref<10000x128xf32, #tpu.memory_space<hbm>>) target(%dma_start3A_2443 : memref<128x128xf32, #tpu.memory_space<vmem>>) offsets(%dma_start3A_2446 : memref<128xi32, #tpu.memory_space<vmem>>) semaphore(%dma_start3A_2451 : memref<!tpu.dma_semaphore, #tpu.memory_space<semaphore_mem>>)
      %dma_wait3A_2452 = arith.constant 0 : i32
      %dma_wait3A_2453 = arith.constant 38 : i32
      %dma_wait3A_2454 = arith.constant 0 : i32
      %dma_wait3A_2455 = arith.constant 0 : i32
      %dma_wait3A_2456 = arith.constant 0 : i32
      %dma_wait3A_2457 = arith.constant 0 : i32
      %dma_wait3A_2458 = tpu.memref_slice %arg7[%dma_wait3A_2454, %dma_wait3A_2456, %dma_wait3A_2457] : memref<2x128x128xf32, #tpu.memory_space<vmem>> -> memref<1x128x128xf32, #tpu.memory_space<vmem>>
      %dma_wait3A_2459 = tpu.memref_squeeze %dma_wait3A_2458 : memref<1x128x128xf32, #tpu.memory_space<vmem>> -> memref<128x128xf32, #tpu.memory_space<vmem>>
      %dma_wait3A_2460 = arith.constant 0 : i32
      %dma_wait3A_2461 = tpu.memref_slice %arg6[%dma_wait3A_2452, %dma_wait3A_2453, %dma_wait3A_2460] : memref<2x40x128xi32, #tpu.memory_space<vmem>> -> memref<1x1x128xi32, #tpu.memory_space<vmem>>
      %dma_wait3A_2462 = tpu.memref_squeeze %dma_wait3A_2461 : memref<1x1x128xi32, #tpu.memory_space<vmem>> -> memref<128xi32, #tpu.memory_space<vmem>>
      %dma_wait3A_2463 = arith.constant 0 : i32
      %dma_wait3A_2464 = arith.constant 0 : i32
      %dma_wait3A_2465 = tpu.memref_slice %arg2[%dma_wait3A_2463, %dma_wait3A_2464] : memref<10000x128xf32, #tpu.memory_space<hbm>> -> memref<10000x128xf32, #tpu.memory_space<hbm>>
      %dma_wait3A_2466 = tpu.memref_slice %arg9[%dma_wait3A_2455] : memref<2x!tpu.dma_semaphore, #tpu.memory_space<semaphore_mem>> -> memref<1x!tpu.dma_semaphore, #tpu.memory_space<semaphore_mem>>
      %dma_wait3A_2467 = tpu.memref_squeeze %dma_wait3A_2466 : memref<1x!tpu.dma_semaphore, #tpu.memory_space<semaphore_mem>> -> memref<!tpu.dma_semaphore, #tpu.memory_space<semaphore_mem>>
      tpu.wait_indirect_dma semaphore(%dma_wait3A_2467 : memref<!tpu.dma_semaphore, #tpu.memory_space<semaphore_mem>>) src(%dma_wait3A_2465 : memref<10000x128xf32, #tpu.memory_space<hbm>>) dst(%dma_wait3A_2459 : memref<128x128xf32, #tpu.memory_space<vmem>>)
      %dma_start3A_2468 = arith.constant 0 : i32
      %dma_start3A_2469 = arith.constant 1 : i32
      %dma_start3A_2470 = arith.constant 38 : i32
      %dma_start3A_2471 = arith.constant 0 : i32
      %dma_start3A_2472 = arith.constant 0 : i32
      %dma_start3A_2473 = arith.constant 0 : i32
      %dma_start3A_2474 = tpu.memref_slice %arg7[%dma_start3A_2468, %dma_start3A_2472, %dma_start3A_2473] : memref<2x128x128xf32, #tpu.memory_space<vmem>> -> memref<1x128x128xf32, #tpu.memory_space<vmem>>
      %dma_start3A_2475 = tpu.memref_squeeze %dma_start3A_2474 : memref<1x128x128xf32, #tpu.memory_space<vmem>> -> memref<128x128xf32, #tpu.memory_space<vmem>>
      %dma_start3A_2476 = arith.constant 0 : i32
      %dma_start3A_2477 = tpu.memref_slice %arg6[%dma_start3A_2469, %dma_start3A_2470, %dma_start3A_2476] : memref<2x40x128xi32, #tpu.memory_space<vmem>> -> memref<1x1x128xi32, #tpu.memory_space<vmem>>
      %dma_start3A_2478 = tpu.memref_squeeze %dma_start3A_2477 : memref<1x1x128xi32, #tpu.memory_space<vmem>> -> memref<128xi32, #tpu.memory_space<vmem>>
      %dma_start3A_2479 = arith.constant 0 : i32
      %dma_start3A_2480 = arith.constant 0 : i32
      %dma_start3A_2481 = tpu.memref_slice %arg8[%dma_start3A_2479, %dma_start3A_2480] : memref<10112x128xf32, #tpu.memory_space<vmem_shared>> -> memref<10112x128xf32, #tpu.memory_space<vmem_shared>>
      %dma_start3A_2482 = tpu.memref_slice %arg10[%dma_start3A_2471] : memref<2x!tpu.dma_semaphore, #tpu.memory_space<semaphore_mem>> -> memref<1x!tpu.dma_semaphore, #tpu.memory_space<semaphore_mem>>
      %dma_start3A_2483 = tpu.memref_squeeze %dma_start3A_2482 : memref<1x!tpu.dma_semaphore, #tpu.memory_space<semaphore_mem>> -> memref<!tpu.dma_semaphore, #tpu.memory_space<semaphore_mem>>
      tpu.enqueue_indirect_dma source(%dma_start3A_2475 : memref<128x128xf32, #tpu.memory_space<vmem>>) target(%dma_start3A_2481 : memref<10112x128xf32, #tpu.memory_space<vmem_shared>>) offsets(%dma_start3A_2478 : memref<128xi32, #tpu.memory_space<vmem>>) semaphore(%dma_start3A_2483 : memref<!tpu.dma_semaphore, #tpu.memory_space<semaphore_mem>>) {add = true}
      %dma_wait3A_2484 = arith.constant 1 : i32
      %dma_wait3A_2485 = arith.constant 1 : i32
      %dma_wait3A_2486 = arith.constant 37 : i32
      %dma_wait3A_2487 = arith.constant 1 : i32
      %dma_wait3A_2488 = arith.constant 0 : i32
      %dma_wait3A_2489 = arith.constant 0 : i32
      %dma_wait3A_2490 = tpu.memref_slice %arg7[%dma_wait3A_2484, %dma_wait3A_2488, %dma_wait3A_2489] : memref<2x128x128xf32, #tpu.memory_space<vmem>> -> memref<1x128x128xf32, #tpu.memory_space<vmem>>
      %dma_wait3A_2491 = tpu.memref_squeeze %dma_wait3A_2490 : memref<1x128x128xf32, #tpu.memory_space<vmem>> -> memref<128x128xf32, #tpu.memory_space<vmem>>
      %dma_wait3A_2492 = arith.constant 0 : i32
      %dma_wait3A_2493 = tpu.memref_slice %arg6[%dma_wait3A_2485, %dma_wait3A_2486, %dma_wait3A_2492] : memref<2x40x128xi32, #tpu.memory_space<vmem>> -> memref<1x1x128xi32, #tpu.memory_space<vmem>>
      %dma_wait3A_2494 = tpu.memref_squeeze %dma_wait3A_2493 : memref<1x1x128xi32, #tpu.memory_space<vmem>> -> memref<128xi32, #tpu.memory_space<vmem>>
      %dma_wait3A_2495 = arith.constant 0 : i32
      %dma_wait3A_2496 = arith.constant 0 : i32
      %dma_wait3A_2497 = tpu.memref_slice %arg8[%dma_wait3A_2495, %dma_wait3A_2496] : memref<10112x128xf32, #tpu.memory_space<vmem_shared>> -> memref<10112x128xf32, #tpu.memory_space<vmem_shared>>
      %dma_wait3A_2498 = tpu.memref_slice %arg10[%dma_wait3A_2487] : memref<2x!tpu.dma_semaphore, #tpu.memory_space<semaphore_mem>> -> memref<1x!tpu.dma_semaphore, #tpu.memory_space<semaphore_mem>>
      %dma_wait3A_2499 = tpu.memref_squeeze %dma_wait3A_2498 : memref<1x!tpu.dma_semaphore, #tpu.memory_space<semaphore_mem>> -> memref<!tpu.dma_semaphore, #tpu.memory_space<semaphore_mem>>
      tpu.wait_indirect_dma semaphore(%dma_wait3A_2499 : memref<!tpu.dma_semaphore, #tpu.memory_space<semaphore_mem>>) src(%dma_wait3A_2491 : memref<128x128xf32, #tpu.memory_space<vmem>>) dst(%dma_wait3A_2497 : memref<10112x128xf32, #tpu.memory_space<vmem_shared>>)
      %dma_start3A_2500 = arith.constant 0 : i32
      %dma_start3A_2501 = arith.constant 39 : i32
      %dma_start3A_2502 = arith.constant 1 : i32
      %dma_start3A_2503 = arith.constant 1 : i32
      %dma_start3A_2504 = arith.constant 0 : i32
      %dma_start3A_2505 = arith.constant 0 : i32
      %dma_start3A_2506 = tpu.memref_slice %arg7[%dma_start3A_2502, %dma_start3A_2504, %dma_start3A_2505] : memref<2x128x128xf32, #tpu.memory_space<vmem>> -> memref<1x128x128xf32, #tpu.memory_space<vmem>>
      %dma_start3A_2507 = tpu.memref_squeeze %dma_start3A_2506 : memref<1x128x128xf32, #tpu.memory_space<vmem>> -> memref<128x128xf32, #tpu.memory_space<vmem>>
      %dma_start3A_2508 = arith.constant 0 : i32
      %dma_start3A_2509 = tpu.memref_slice %arg6[%dma_start3A_2500, %dma_start3A_2501, %dma_start3A_2508] : memref<2x40x128xi32, #tpu.memory_space<vmem>> -> memref<1x1x128xi32, #tpu.memory_space<vmem>>
      %dma_start3A_2510 = tpu.memref_squeeze %dma_start3A_2509 : memref<1x1x128xi32, #tpu.memory_space<vmem>> -> memref<128xi32, #tpu.memory_space<vmem>>
      %dma_start3A_2511 = arith.constant 0 : i32
      %dma_start3A_2512 = arith.constant 0 : i32
      %dma_start3A_2513 = tpu.memref_slice %arg2[%dma_start3A_2511, %dma_start3A_2512] : memref<10000x128xf32, #tpu.memory_space<hbm>> -> memref<10000x128xf32, #tpu.memory_space<hbm>>
      %dma_start3A_2514 = tpu.memref_slice %arg9[%dma_start3A_2503] : memref<2x!tpu.dma_semaphore, #tpu.memory_space<semaphore_mem>> -> memref<1x!tpu.dma_semaphore, #tpu.memory_space<semaphore_mem>>
      %dma_start3A_2515 = tpu.memref_squeeze %dma_start3A_2514 : memref<1x!tpu.dma_semaphore, #tpu.memory_space<semaphore_mem>> -> memref<!tpu.dma_semaphore, #tpu.memory_space<semaphore_mem>>
      tpu.enqueue_indirect_dma source(%dma_start3A_2513 : memref<10000x128xf32, #tpu.memory_space<hbm>>) target(%dma_start3A_2507 : memref<128x128xf32, #tpu.memory_space<vmem>>) offsets(%dma_start3A_2510 : memref<128xi32, #tpu.memory_space<vmem>>) semaphore(%dma_start3A_2515 : memref<!tpu.dma_semaphore, #tpu.memory_space<semaphore_mem>>)
      %dma_wait3A_2516 = arith.constant 0 : i32
      %dma_wait3A_2517 = arith.constant 39 : i32
      %dma_wait3A_2518 = arith.constant 1 : i32
      %dma_wait3A_2519 = arith.constant 1 : i32
      %dma_wait3A_2520 = arith.constant 0 : i32
      %dma_wait3A_2521 = arith.constant 0 : i32
      %dma_wait3A_2522 = tpu.memref_slice %arg7[%dma_wait3A_2518, %dma_wait3A_2520, %dma_wait3A_2521] : memref<2x128x128xf32, #tpu.memory_space<vmem>> -> memref<1x128x128xf32, #tpu.memory_space<vmem>>
      %dma_wait3A_2523 = tpu.memref_squeeze %dma_wait3A_2522 : memref<1x128x128xf32, #tpu.memory_space<vmem>> -> memref<128x128xf32, #tpu.memory_space<vmem>>
      %dma_wait3A_2524 = arith.constant 0 : i32
      %dma_wait3A_2525 = tpu.memref_slice %arg6[%dma_wait3A_2516, %dma_wait3A_2517, %dma_wait3A_2524] : memref<2x40x128xi32, #tpu.memory_space<vmem>> -> memref<1x1x128xi32, #tpu.memory_space<vmem>>
      %dma_wait3A_2526 = tpu.memref_squeeze %dma_wait3A_2525 : memref<1x1x128xi32, #tpu.memory_space<vmem>> -> memref<128xi32, #tpu.memory_space<vmem>>
      %dma_wait3A_2527 = arith.constant 0 : i32
      %dma_wait3A_2528 = arith.constant 0 : i32
      %dma_wait3A_2529 = tpu.memref_slice %arg2[%dma_wait3A_2527, %dma_wait3A_2528] : memref<10000x128xf32, #tpu.memory_space<hbm>> -> memref<10000x128xf32, #tpu.memory_space<hbm>>
      %dma_wait3A_2530 = tpu.memref_slice %arg9[%dma_wait3A_2519] : memref<2x!tpu.dma_semaphore, #tpu.memory_space<semaphore_mem>> -> memref<1x!tpu.dma_semaphore, #tpu.memory_space<semaphore_mem>>
      %dma_wait3A_2531 = tpu.memref_squeeze %dma_wait3A_2530 : memref<1x!tpu.dma_semaphore, #tpu.memory_space<semaphore_mem>> -> memref<!tpu.dma_semaphore, #tpu.memory_space<semaphore_mem>>
      tpu.wait_indirect_dma semaphore(%dma_wait3A_2531 : memref<!tpu.dma_semaphore, #tpu.memory_space<semaphore_mem>>) src(%dma_wait3A_2529 : memref<10000x128xf32, #tpu.memory_space<hbm>>) dst(%dma_wait3A_2523 : memref<128x128xf32, #tpu.memory_space<vmem>>)
      %dma_start3A_2532 = arith.constant 1 : i32
      %dma_start3A_2533 = arith.constant 1 : i32
      %dma_start3A_2534 = arith.constant 39 : i32
      %dma_start3A_2535 = arith.constant 1 : i32
      %dma_start3A_2536 = arith.constant 0 : i32
      %dma_start3A_2537 = arith.constant 0 : i32
      %dma_start3A_2538 = tpu.memref_slice %arg7[%dma_start3A_2532, %dma_start3A_2536, %dma_start3A_2537] : memref<2x128x128xf32, #tpu.memory_space<vmem>> -> memref<1x128x128xf32, #tpu.memory_space<vmem>>
      %dma_start3A_2539 = tpu.memref_squeeze %dma_start3A_2538 : memref<1x128x128xf32, #tpu.memory_space<vmem>> -> memref<128x128xf32, #tpu.memory_space<vmem>>
      %dma_start3A_2540 = arith.constant 0 : i32
      %dma_start3A_2541 = tpu.memref_slice %arg6[%dma_start3A_2533, %dma_start3A_2534, %dma_start3A_2540] : memref<2x40x128xi32, #tpu.memory_space<vmem>> -> memref<1x1x128xi32, #tpu.memory_space<vmem>>
      %dma_start3A_2542 = tpu.memref_squeeze %dma_start3A_2541 : memref<1x1x128xi32, #tpu.memory_space<vmem>> -> memref<128xi32, #tpu.memory_space<vmem>>
      %dma_start3A_2543 = arith.constant 0 : i32
      %dma_start3A_2544 = arith.constant 0 : i32
      %dma_start3A_2545 = tpu.memref_slice %arg8[%dma_start3A_2543, %dma_start3A_2544] : memref<10112x128xf32, #tpu.memory_space<vmem_shared>> -> memref<10112x128xf32, #tpu.memory_space<vmem_shared>>
      %dma_start3A_2546 = tpu.memref_slice %arg10[%dma_start3A_2535] : memref<2x!tpu.dma_semaphore, #tpu.memory_space<semaphore_mem>> -> memref<1x!tpu.dma_semaphore, #tpu.memory_space<semaphore_mem>>
      %dma_start3A_2547 = tpu.memref_squeeze %dma_start3A_2546 : memref<1x!tpu.dma_semaphore, #tpu.memory_space<semaphore_mem>> -> memref<!tpu.dma_semaphore, #tpu.memory_space<semaphore_mem>>
      tpu.enqueue_indirect_dma source(%dma_start3A_2539 : memref<128x128xf32, #tpu.memory_space<vmem>>) target(%dma_start3A_2545 : memref<10112x128xf32, #tpu.memory_space<vmem_shared>>) offsets(%dma_start3A_2542 : memref<128xi32, #tpu.memory_space<vmem>>) semaphore(%dma_start3A_2547 : memref<!tpu.dma_semaphore, #tpu.memory_space<semaphore_mem>>) {add = true}
      %dma_wait3A_2548 = arith.constant 0 : i32
      %dma_wait3A_2549 = arith.constant 1 : i32
      %dma_wait3A_2550 = arith.constant 38 : i32
      %dma_wait3A_2551 = arith.constant 0 : i32
      %dma_wait3A_2552 = arith.constant 0 : i32
      %dma_wait3A_2553 = arith.constant 0 : i32
      %dma_wait3A_2554 = tpu.memref_slice %arg7[%dma_wait3A_2548, %dma_wait3A_2552, %dma_wait3A_2553] : memref<2x128x128xf32, #tpu.memory_space<vmem>> -> memref<1x128x128xf32, #tpu.memory_space<vmem>>
      %dma_wait3A_2555 = tpu.memref_squeeze %dma_wait3A_2554 : memref<1x128x128xf32, #tpu.memory_space<vmem>> -> memref<128x128xf32, #tpu.memory_space<vmem>>
      %dma_wait3A_2556 = arith.constant 0 : i32
      %dma_wait3A_2557 = tpu.memref_slice %arg6[%dma_wait3A_2549, %dma_wait3A_2550, %dma_wait3A_2556] : memref<2x40x128xi32, #tpu.memory_space<vmem>> -> memref<1x1x128xi32, #tpu.memory_space<vmem>>
      %dma_wait3A_2558 = tpu.memref_squeeze %dma_wait3A_2557 : memref<1x1x128xi32, #tpu.memory_space<vmem>> -> memref<128xi32, #tpu.memory_space<vmem>>
      %dma_wait3A_2559 = arith.constant 0 : i32
      %dma_wait3A_2560 = arith.constant 0 : i32
      %dma_wait3A_2561 = tpu.memref_slice %arg8[%dma_wait3A_2559, %dma_wait3A_2560] : memref<10112x128xf32, #tpu.memory_space<vmem_shared>> -> memref<10112x128xf32, #tpu.memory_space<vmem_shared>>
      %dma_wait3A_2562 = tpu.memref_slice %arg10[%dma_wait3A_2551] : memref<2x!tpu.dma_semaphore, #tpu.memory_space<semaphore_mem>> -> memref<1x!tpu.dma_semaphore, #tpu.memory_space<semaphore_mem>>
      %dma_wait3A_2563 = tpu.memref_squeeze %dma_wait3A_2562 : memref<1x!tpu.dma_semaphore, #tpu.memory_space<semaphore_mem>> -> memref<!tpu.dma_semaphore, #tpu.memory_space<semaphore_mem>>
      tpu.wait_indirect_dma semaphore(%dma_wait3A_2563 : memref<!tpu.dma_semaphore, #tpu.memory_space<semaphore_mem>>) src(%dma_wait3A_2555 : memref<128x128xf32, #tpu.memory_space<vmem>>) dst(%dma_wait3A_2561 : memref<10112x128xf32, #tpu.memory_space<vmem_shared>>)
      %dma_wait3A_2564 = arith.constant 1 : i32
      %dma_wait3A_2565 = arith.constant 1 : i32
      %dma_wait3A_2566 = arith.constant 39 : i32
      %dma_wait3A_2567 = arith.constant 1 : i32
      %dma_wait3A_2568 = arith.constant 0 : i32
      %dma_wait3A_2569 = arith.constant 0 : i32
      %dma_wait3A_2570 = tpu.memref_slice %arg7[%dma_wait3A_2564, %dma_wait3A_2568, %dma_wait3A_2569] : memref<2x128x128xf32, #tpu.memory_space<vmem>> -> memref<1x128x128xf32, #tpu.memory_space<vmem>>
      %dma_wait3A_2571 = tpu.memref_squeeze %dma_wait3A_2570 : memref<1x128x128xf32, #tpu.memory_space<vmem>> -> memref<128x128xf32, #tpu.memory_space<vmem>>
      %dma_wait3A_2572 = arith.constant 0 : i32
      %dma_wait3A_2573 = tpu.memref_slice %arg6[%dma_wait3A_2565, %dma_wait3A_2566, %dma_wait3A_2572] : memref<2x40x128xi32, #tpu.memory_space<vmem>> -> memref<1x1x128xi32, #tpu.memory_space<vmem>>
      %dma_wait3A_2574 = tpu.memref_squeeze %dma_wait3A_2573 : memref<1x1x128xi32, #tpu.memory_space<vmem>> -> memref<128xi32, #tpu.memory_space<vmem>>
      %dma_wait3A_2575 = arith.constant 0 : i32
      %dma_wait3A_2576 = arith.constant 0 : i32
      %dma_wait3A_2577 = tpu.memref_slice %arg8[%dma_wait3A_2575, %dma_wait3A_2576] : memref<10112x128xf32, #tpu.memory_space<vmem_shared>> -> memref<10112x128xf32, #tpu.memory_space<vmem_shared>>
      %dma_wait3A_2578 = tpu.memref_slice %arg10[%dma_wait3A_2567] : memref<2x!tpu.dma_semaphore, #tpu.memory_space<semaphore_mem>> -> memref<1x!tpu.dma_semaphore, #tpu.memory_space<semaphore_mem>>
      %dma_wait3A_2579 = tpu.memref_squeeze %dma_wait3A_2578 : memref<1x!tpu.dma_semaphore, #tpu.memory_space<semaphore_mem>> -> memref<!tpu.dma_semaphore, #tpu.memory_space<semaphore_mem>>
      tpu.wait_indirect_dma semaphore(%dma_wait3A_2579 : memref<!tpu.dma_semaphore, #tpu.memory_space<semaphore_mem>>) src(%dma_wait3A_2571 : memref<128x128xf32, #tpu.memory_space<vmem>>) dst(%dma_wait3A_2577 : memref<10112x128xf32, #tpu.memory_space<vmem_shared>>)
    }
    %scan3A_8 = arith.constant 2 : i32
    %barrier3A_9 = arith.constant 0 : index
    tpu.barrier barrier_id(%barrier3A_9)
    %mul3A_10 = arith.constant 632 : i32
    %mul3A_11 = arith.muli %arg1, %mul3A_10 : i32
    %mul3A_12 = arith.constant 632 : i32
    %mul3A_13 = arith.muli %arg1, %mul3A_12 : i32
    "tpu.region"() ({
      %run_scoped3A = tpu.sem_alloc : memref<!tpu.dma_semaphore, #tpu.memory_space<semaphore_mem>>
      %dma_start3A = arith.constant 0 : i32
      %dma_start3A_14 = tpu.memref_slice %arg5[%arg0, %mul3A_13, %dma_start3A] : memref<2x10112x128xf32, #tpu.memory_space<hbm>> -> memref<1x632x128xf32, #tpu.memory_space<hbm>>
      %dma_start3A_15 = tpu.memref_squeeze %dma_start3A_14 : memref<1x632x128xf32, #tpu.memory_space<hbm>> -> memref<632x128xf32, #tpu.memory_space<hbm>>
      %dma_start3A_16 = arith.constant 0 : i32
      %dma_start3A_17 = tpu.memref_slice %arg8[%mul3A_11, %dma_start3A_16] : memref<10112x128xf32, #tpu.memory_space<vmem_shared>> -> memref<632x128xf32, #tpu.memory_space<vmem_shared>>
      tpu.enqueue_dma source(%dma_start3A_17 : memref<632x128xf32, #tpu.memory_space<vmem_shared>>) target(%dma_start3A_15 : memref<632x128xf32, #tpu.memory_space<hbm>>) target_semaphore(%run_scoped3A : memref<!tpu.dma_semaphore, #tpu.memory_space<semaphore_mem>>)
      %dma_wait3A = arith.constant 0 : i32
      %dma_wait3A_18 = tpu.memref_slice %arg5[%arg0, %mul3A_13, %dma_wait3A] : memref<2x10112x128xf32, #tpu.memory_space<hbm>> -> memref<1x632x128xf32, #tpu.memory_space<hbm>>
      %dma_wait3A_19 = tpu.memref_squeeze %dma_wait3A_18 : memref<1x632x128xf32, #tpu.memory_space<hbm>> -> memref<632x128xf32, #tpu.memory_space<hbm>>
      %dma_wait3A_20 = arith.constant 0 : i32
      %dma_wait3A_21 = tpu.memref_slice %arg8[%mul3A_11, %dma_wait3A_20] : memref<10112x128xf32, #tpu.memory_space<vmem_shared>> -> memref<632x128xf32, #tpu.memory_space<vmem_shared>>
      tpu.wait_dma2 semaphore(%run_scoped3A : memref<!tpu.dma_semaphore, #tpu.memory_space<semaphore_mem>>) src(%dma_wait3A_21 : memref<632x128xf32, #tpu.memory_space<vmem_shared>>) dst(%dma_wait3A_19 : memref<632x128xf32, #tpu.memory_space<hbm>>)
      tpu.yield
    }) : () -> ()
    return
  }
}

module attributes {stable_mosaic.version = 14 : i64} {
  func.func @_tc_dense_body(%arg0: i32, %arg1: memref<1000x128xf32, #tpu.memory_space<vmem>>, %arg2: memref<2x1000x128xf32, #tpu.memory_space<vmem>>, %arg3: memref<128x128xf32, #tpu.memory_space<vmem>>, %arg4: memref<128x128xf32, #tpu.memory_space<vmem>>, %arg5: memref<1x128xf32, #tpu.memory_space<vmem>>, %arg6: memref<1000x128xf32, #tpu.memory_space<vmem>>) attributes {dimension_semantics = [#tpu.dimension_semantics<arbitrary>], iteration_bounds = array<i64: 10>, scalar_prefetch = 0 : i64, scratch_operands = 0 : i64, tpu.core_type = #tpu.core_type<tc>, window_params = [{transform_indices = @transform_0, window_bounds = array<i64: 1000, 128>}, {transform_indices = @transform_1, window_bounds = array<i64: 2, 1000, 128>}, {pipeline_mode = #tpu.pipeline_mode<synchronous>, transform_indices = @transform_2, window_bounds = array<i64: 128, 128>}, {pipeline_mode = #tpu.pipeline_mode<synchronous>, transform_indices = @transform_3, window_bounds = array<i64: 128, 128>}, {pipeline_mode = #tpu.pipeline_mode<synchronous>, transform_indices = @transform_4, window_bounds = array<i64: 1, 128>}, {transform_indices = @transform_5, window_bounds = array<i64: 1000, 128>}]} {
    %get3A = arith.constant 0 : index
    %get3A_0 = arith.constant 0 : index
    %get3A_1 = arith.constant 0 : index
    %get3A_2 = vector.load %arg2[%get3A, %get3A_0, %get3A_1] : memref<2x1000x128xf32, #tpu.memory_space<vmem>>, vector<1x1000x128xf32>
    %get3A_3 = vector.shape_cast %get3A_2 : vector<1x1000x128xf32> to vector<1000x128xf32>
    %get3A_4 = arith.constant 1 : index
    %get3A_5 = arith.constant 0 : index
    %get3A_6 = arith.constant 0 : index
    %get3A_7 = vector.load %arg2[%get3A_4, %get3A_5, %get3A_6] : memref<2x1000x128xf32, #tpu.memory_space<vmem>>, vector<1x1000x128xf32>
    %get3A_8 = vector.shape_cast %get3A_7 : vector<1x1000x128xf32> to vector<1000x128xf32>
    %add3A = arith.addf %get3A_3, %get3A_8 : vector<1000x128xf32>
    %get3A_9 = arith.constant 0 : index
    %get3A_10 = arith.constant 0 : index
    %get3A_11 = vector.load %arg1[%get3A_9, %get3A_10] : memref<1000x128xf32, #tpu.memory_space<vmem>>, vector<1000x128xf32>
    %get3A_12 = arith.constant 0 : index
    %get3A_13 = arith.constant 0 : index
    %get3A_14 = vector.load %arg3[%get3A_12, %get3A_13] : memref<128x128xf32, #tpu.memory_space<vmem>>, vector<128x128xf32>
    %dot_general3A = arith.constant dense<0.000000e+00> : vector<1000x128xf32>
    %dot_general3A_15 = tpu.matmul %get3A_11, %get3A_14, %dot_general3A {dimension_numbers = #tpu.dot_dimension_numbers<[1], [0], [0], [1], [0, 0, 1, 1], [], []>, transpose_lhs_hint = false} : vector<1000x128xf32>, vector<128x128xf32>, vector<1000x128xf32> -> vector<1000x128xf32>
    %get3A_16 = arith.constant 0 : index
    %get3A_17 = arith.constant 0 : index
    %get3A_18 = vector.load %arg4[%get3A_16, %get3A_17] : memref<128x128xf32, #tpu.memory_space<vmem>>, vector<128x128xf32>
    %dot_general3A_19 = arith.constant dense<0.000000e+00> : vector<1000x128xf32>
    %dot_general3A_20 = tpu.matmul %add3A, %get3A_18, %dot_general3A_19 {dimension_numbers = #tpu.dot_dimension_numbers<[1], [0], [0], [1], [0, 0, 1, 1], [], []>, transpose_lhs_hint = false} : vector<1000x128xf32>, vector<128x128xf32>, vector<1000x128xf32> -> vector<1000x128xf32>
    %add3A_21 = arith.addf %dot_general3A_15, %dot_general3A_20 : vector<1000x128xf32>
    %get3A_22 = arith.constant 0 : index
    %get3A_23 = arith.constant 0 : index
    %get3A_24 = vector.load %arg5[%get3A_22, %get3A_23] : memref<1x128xf32, #tpu.memory_space<vmem>>, vector<1x128xf32>
    %add3A_25 = vector.broadcast %get3A_24 : vector<1x128xf32> to vector<1000x128xf32>
    %add3A_26 = arith.addf %add3A_21, %add3A_25 : vector<1000x128xf32>
    %max3A = arith.constant 0.000000e+00 : f32
    %max3A_27 = vector.broadcast %max3A : f32 to vector<1000x128xf32>
    %max3A_28 = arith.maximumf %add3A_26, %max3A_27 : vector<1000x128xf32>
    %swap3A = arith.constant 0 : index
    %swap3A_29 = arith.constant 0 : index
    %swap3A_30 = vector.load %arg6[%swap3A, %swap3A_29] : memref<1000x128xf32, #tpu.memory_space<vmem>>, vector<1000x128xf32>
    tpu.vector_store %arg6[%swap3A, %swap3A_29], %max3A_28 {strides = array<i32>} : memref<1000x128xf32, #tpu.memory_space<vmem>>, vector<1000x128xf32>,
    return
  }
  func.func @transform_0(%arg0: i32) -> (i32, i32) {
    %c0_i32 = arith.constant 0 : i32
    %c0_i32_0 = arith.constant 0 : i32
    return %arg0, %c0_i32 : i32, i32
  }
  func.func @transform_1(%arg0: i32) -> (i32, i32, i32) {
    %c0_i32 = arith.constant 0 : i32
    %c0_i32_0 = arith.constant 0 : i32
    %c0_i32_1 = arith.constant 0 : i32
    return %c0_i32, %arg0, %c0_i32_0 : i32, i32, i32
  }
  func.func @transform_2(%arg0: i32) -> (i32, i32) {
    %c0_i32 = arith.constant 0 : i32
    %c0_i32_0 = arith.constant 0 : i32
    %c0_i32_1 = arith.constant 0 : i32
    return %c0_i32, %c0_i32_0 : i32, i32
  }
  func.func @transform_3(%arg0: i32) -> (i32, i32) {
    %c0_i32 = arith.constant 0 : i32
    %c0_i32_0 = arith.constant 0 : i32
    %c0_i32_1 = arith.constant 0 : i32
    return %c0_i32, %c0_i32_0 : i32, i32
  }
  func.func @transform_4(%arg0: i32) -> (i32, i32) {
    %c0_i32 = arith.constant 0 : i32
    %c0_i32_0 = arith.constant 0 : i32
    %c0_i32_1 = arith.constant 0 : i32
    return %c0_i32, %c0_i32_0 : i32, i32
  }
  func.func @transform_5(%arg0: i32) -> (i32, i32) {
    %c0_i32 = arith.constant 0 : i32
    %c0_i32_0 = arith.constant 0 : i32
    return %arg0, %c0_i32 : i32, i32
  }
}

</mosaic_0001>

<sc_bundles>
// kernel: kernel.4.cloned.1.call-start
scs
__scs_entry_jumppad:
0x0: {  	(pc) =	sbr.rel $0x88, $3  }
0x1: {  	(tag) =	ssettag $0x0;
	lr =	simm.s32 $0x1  }
0x2: {  	[smem:$0x3F9D] =	sst lr;
	_ =	strace $0xD0000000  }
0x3: {  	_ = 	snop  }
0x4: {  	_ = 	snop  }
0x5: {  	_ = 	snop  }
0x6: {  	_ = 	snop  }
0x7: {  	_ = 	snop  }
__scs_overlays_trampoline_lowered:
0x8: {  	[smem:$0x3FAC] =	sst s0  }
0x9: {  	[smem:$0x3FAD] =	sst s1  }
0xa: {  	[smem:$0x3FAE] =	sst s2  }
0xb: {  	[smem:$0x3FAF] =	sst s3  }
0xc: {  	[smem:$0x3FB0] =	sst s4  }
0xd: {  	[smem:$0x3FB1] =	sst s5  }
0xe: {  	[smem:$0x3FB2] =	sst s6  }
0xf: {  	[smem:$0x3FB3] =	sst s7  }
0x10: {  	[smem:$0x3FB4] =	sst s8  }
0x11: {  	[smem:$0x3FB5] =	sst s9;
	s0 =	simm.s32 @!p0 $0x0  }
0x12: {  	s1 =	sld [smem:$0x3F9B];
	s0 =	simm.s32 @p0 $0x1  }
0x13: {  	[smem:$0x3FB6] =	sst s0;
	s0 =	simm.s32 @!p1 $0x0  }
0x14: {  	s2 =	sld [smem:$0x3F9A];
	s0 =	simm.s32 @p1 $0x1  }
0x15: {  	[smem:$0x3FB7] =	sst s0;
	s0 =	simm.s32 @!p2 $0x0  }
0x16: {  	s3 =	sld [smem:$0x3FDB];
	s0 =	simm.s32 @p2 $0x1  }
0x17: {  	s4 =	simm.s32 $0x1BF5;
	[smem:$0x3FB9] =	sst s0  }
0x18: {  	s0 =	sld [smem:$0x3F9C];
	_ =	swait.ge [sflag:s4], $0x0  }
0x19: {  	s7 =	sld [smem:$0x3F9D]  }
0x1a: {  	s8 =	sadd.s32 $0xFFFFE003, lr  }
0x1b: {  	s9 =	sadd.s32 $0xFFFFFEF7, lr;
	s5 =	simm.s32 $0xFFFFFFFF;
	p2 =	slt.u32 s8, $0xFFFFF086  }
0x1c: {  	p1 =	slt.u32 s9, $0xF7A;
	s5 =	simm.s32 @!p2 $0x0  }
0x1d: {  	s5 =	simm.s32 @p1 $0x1;
	p0 =	seq.s32 s7, s2  }
0x1e: {  	s7 =	smul.u32 @!p0 $0xF7A, s2;
	p2 =	seq.s32 @!p0 s5, $0x0  }
0x1f: {  	s9 =	smul.u32 $0xF7A, s1;
	s8 =	simm.s32 @!p0 $0x1BF5;
	p2 =	por !p2, p0  }
0x20: {  	[sflag:s8] =	ssyncset.s32 @!p0 $0xFFFFF086;
	s6 =	sadd.s32 @!p0 s3, s7;
	s7 =	simm.s32 @!p0 $0x108  }
0x21: {  	s3 =	sadd.s32 s3, s9;
	s6 =	sadd.s32 @!p0 $0x88, s6;
	s7 =	simm.s32 @p2 $0x1082  }
0x22: {  	[simem:s7], [sflag:s8] =	dma.local @!p0 [hbm:s6], $0xF7A  }
0x23: {  	s9 =	sor.u32 $0xD0000000, s2;
	s6 =	simm.s32 $0x108;
	_ =	swait.ge @!p0 [sflag:s8], $0x0  }
0x24: {  	s3 =	sadd.s32 $0x88, s3;
	s6 =	simm.s32 @!p1 $0x1082;
	[sflag:s4] =	ssyncset.s32 $0xFFFFF086  }
0x25: {  	[simem:s6], [sflag:s4] =	dma.local [hbm:s3], $0xF7A  }
0x26: {  	[smem:$0x3F9D] =	sst s1;
	(tag) =	ssettag s2;
	_ =	strace s9  }
0x27: {  	s1 =	sld [smem:$0x3FAD]  }
0x28: {  	s2 =	sld [smem:$0x3FAE]  }
0x29: {  	s4 =	sld [smem:$0x3FB0]  }
0x2a: {  	p0 =	seq.s32 s5, $0x0;
	s5 =	sld [smem:$0x3FB1]  }
0x2b: {  	s6 =	sld [smem:$0x3FB2]  }
0x2c: {  	s7 =	sld [smem:$0x3FB3]  }
0x2d: {  	s3 =	simm.s32 $0x108;
	s8 =	sld [smem:$0x3FB4]  }
0x2e: {  	s3 =	simm.s32 @!p0 $0x1082;
	s9 =	sld [smem:$0x3FB5]  }
0x2f: {  	lr =	sadd.s32 s0, s3;
	s0 =	sld [smem:$0x3FAC]  }
0x30: {  	s3 =	sld [smem:$0x3FAF]  }
0x31: {  	[smem:$0x3FB8] =	sst s10  }
0x32: {  	s10 =	sld [smem:$0x3FB6];
	_ =	sdelay $0x3  }
0x33: {  	p0 =	seq.s32 s10, $0x1;
	s10 =	sld [smem:$0x3FB8];
	_ =	sdelay $0x3  }
0x34: {  	[smem:$0x3FB8] =	sst s10  }
0x35: {  	s10 =	sld [smem:$0x3FB7];
	_ =	sdelay $0x3  }
0x36: {  	p1 =	seq.s32 s10, $0x1;
	s10 =	sld [smem:$0x3FB8];
	_ =	sdelay $0x3  }
0x37: {  	[smem:$0x3FB8] =	sst s10  }
0x38: {  	s10 =	sld [smem:$0x3FB9]  }
0x39: {  	_ = 	snop;
	(pc) =	sbr.ind lr, $3  }
0x3a: {  	_ = 	snop  }
0x3b: {  	_ = 	snop  }
0x3c: {  	p2 =	seq.s32 s10, $0x1;
	s10 =	sld [smem:$0x3FB8]  }
0x3d: {  	_ =	shalt  }
0x3e: {  	_ =	shalt  }
0x3f: {  	_ =	shalt  }
0x40: {  	_ =	shalt  }
0x41: {  	_ =	shalt  }
0x42: {  	_ =	shalt  }
0x43: {  	_ =	shalt  }
0x44: {  	_ =	shalt  }
0x45: {  	_ =	shalt  }
0x46: {  	_ =	shalt  }
0x47: {  	_ =	shalt  }
0x48: {  	_ =	shalt  }
0x49: {  	_ =	shalt  }
0x4a: {  	_ =	shalt  }
0x4b: {  	_ =	shalt  }
0x4c: {  	_ =	shalt  }
0x4d: {  	_ =	shalt  }
0x4e: {  	_ =	shalt  }
0x4f: {  	_ =	shalt  }
0x50: {  	_ =	shalt  }
0x51: {  	_ =	shalt  }
0x52: {  	_ =	shalt  }
0x53: {  	_ =	shalt  }
0x54: {  	_ =	shalt  }
0x55: {  	_ =	shalt  }
0x56: {  	_ =	shalt  }
0x57: {  	_ =	shalt  }
0x58: {  	_ =	shalt  }
0x59: {  	_ =	shalt  }
0x5a: {  	_ =	shalt  }
0x5b: {  	_ =	shalt  }
0x5c: {  	_ =	shalt  }
0x5d: {  	_ =	shalt  }
0x5e: {  	_ =	shalt  }
0x5f: {  	_ =	shalt  }
0x60: {  	_ =	shalt  }
0x61: {  	_ =	shalt  }
0x62: {  	_ =	shalt  }
0x63: {  	_ =	shalt  }
0x64: {  	_ =	shalt  }
0x65: {  	_ =	shalt  }
0x66: {  	_ =	shalt  }
0x67: {  	_ =	shalt  }
0x68: {  	_ =	shalt  }
0x69: {  	_ =	shalt  }
0x6a: {  	_ =	shalt  }
0x6b: {  	_ =	shalt  }
0x6c: {  	_ =	shalt  }
0x6d: {  	_ =	shalt  }
0x6e: {  	_ =	shalt  }
0x6f: {  	_ =	shalt  }
0x70: {  	_ =	shalt  }
0x71: {  	_ =	shalt  }
0x72: {  	_ =	shalt  }
0x73: {  	_ =	shalt  }
0x74: {  	_ =	shalt  }
0x75: {  	_ =	shalt  }
0x76: {  	_ =	shalt  }
0x77: {  	_ =	shalt  }
0x78: {  	_ =	shalt  }
0x79: {  	_ =	shalt  }
0x7a: {  	_ =	shalt  }
0x7b: {  	_ =	shalt  }
0x7c: {  	_ =	shalt  }
0x7d: {  	_ =	shalt  }
0x7e: {  	_ =	shalt  }
0x7f: {  	_ =	shalt  }
0x80: {  	_ =	shalt  }
0x81: {  	_ =	shalt  }
0x82: {  	_ =	shalt  }
0x83: {  	_ =	shalt  }
0x84: {  	_ =	shalt  }
0x85: {  	_ =	shalt  }
0x86: {  	_ =	shalt  }
0x87: {  	_ =	shalt  }
.Lfunc_end0:
.L_simem_size_0:
called_computation_lowered:
.L_overlay_start_0:
0x88: {  	s2 =	sld [smem:$0x3FD9]  }
0x89: {  	s3 =	sld [smem:$0x3FFE];
	_ =	sdelay $0x1  }
0x8a: {  	s1 =	srdreg.scid  }
0x8b: {  	s0 =	sand.u32 $0x1, s1  }
0x8c: {  	s17 =	sshll.u32 s0, $0xA;
	s2 =	sadd.s32 s3, s2  }
0x8d: {  	s2 =	sadd.s32 s2, s17  }
0x8e: {  	[smem:$0x3FC4] =	sst s2  }
0x8f: {  	_ = 	snop  }
0x90: {  	s2 =	sld [smem:$0x3FC9]  }
0x91: {  	s18 =	sld [smem:$0x3FD0];
	(tm) =	ssettm $0x1  }
0x92: {  	s4 =	sld [smem:$0x3FFB];
	_ =	sdelay $0x3  }
0x93: {  	_ =	strace s4  }
0x94: {  	s4 =	sld [smem:$0x3FFC];
	_ =	sdelay $0x3  }
0x95: {  	_ =	strace s4  }
0x96: {  	s4 =	sld [smem:$0x3FFD];
	_ =	sdelay $0x3  }
0x97: {  	_ =	strace s4  }
0x98: {  	_ =	strace $0x8FFFFFFF  }
0x99: {  	s19 =	sld [smem:$0x3FDB];
	_ =	sdelay $0x1  }
0x9a: {  	s5 =	simm.s32 $_scs_section_size  }
0x9b: {  	s6 =	simm.s32 $_size__tile_overlayer_lowered;
	s7 =	simm.s32 $_tile_overlayer_lowered  }
0x9c: {  	s22 =	simm.s32 $0x1BFF;
	s21 =	sshll.u32 s7, $0x1;
	s4 =	sadd.s32 s5, s19  }
0x9d: {  	s8 =	simm.s32 $0x0;
	s20 =	sshll.u32 s6, $0x1;
	s6 =	sadd.s32 s21, s4  }
0x9e: {  	[timem:s8], [sflag:s22] =	dma.local [hbm:s6], s20  }
0x9f: {  	_ =	swait.ge [sflag:s22], s20  }
0xa0: {  	s5 =	ssub.s32 $0x0, s20;
	[sflag:s22] =	ssyncset.done $0x0  }
0xa1: {  	[sflag:s22] =	ssyncadd.s32 s5;
	_ =	sdelay $0x1  }
0xa2: {  	s23 =	simm.s32 $0x1B8B  }
0xa3: {  	_ =	swait.ge [sflag:s23], $0x1  }
0xa4: {  	[sflag:s23] =	ssyncset.done $0x0  }
0xa5: {  	s25 =	simm.s32 $0x1B8E;
	s24 =	sld [smem:$0x3FFE];
	[sflag:s23] =	ssyncadd.s32 $0xFFFFFFFF  }
0xa6: {  	s26 =	simm.s32 $execute0_lowered;
	[smem:$0x3FD2] =	sst s25  }
0xa7: {  	s6 =	sshll.u32 s26, $0x1;
	_ =	strace $0x80000046;
	[dreg:$0x1] =	wrdreg $0xFFFFFFFF  }
0xa8: {  	s28 =	simm.s32 $_size_execute0_lowered;
	s4 =	sadd.s32 s4, s6;
	[dreg:$0x0] =	wrdreg $0x0  }
0xa9: {  	s6 =	sshll.u32 s28, $0x1;
	[dreg:$0x2] =	wrdreg s4  }
0xaa: {  	[dreg:$0x3] =	wrdreg s6  }
0xab: {  	[dreg:$0x4] =	wrdreg $0xC0  }
0xac: {  	_ =	task [dreg:s8], $0x5FFFF  }
0xad: {  	[dreg:$0x1] =	wrdreg $0xFFFFFFFF  }
0xae: {  	[dreg:$0x0] =	wrdreg $0x60  }
0xaf: {  	[dreg:$0x2] =	wrdreg s2  }
0xb0: {  	[dreg:$0x3] =	wrdreg s18  }
0xb1: {  	[dreg:$0x4] =	wrdreg s24  }
0xb2: {  	[dreg:$0x5] =	wrdreg $0xA8000  }
0xb3: {  	[dreg:$0x6] =	wrdreg $0x9  }
0xb4: {  	_ =	task.clear_ibuf [dreg:s8], $0x7FFFF;
	_ =	strace $0x90000046  }
0xb5: {  	s29 =	simm.s32 $0x9;
	_ =	strace $0x80000048  }
0xb6: {  	_ =	swait.ge [sflag:s29], $0x1  }
0xb7: {  	[sflag:s29] =	ssyncadd.s32 $0xFFFFFFFF  }
0xb8: {  	_ =	strace $0x90000048  }
0xb9: {  	_ =	sfence  }
0xba: {  	s30 =	sld [smem:$0x0];
	_ =	sdelay $0x2  }
0xbb: {  	s31 =	sshll.u32 s1, $0xD;
	s1 =	sshrl.u32 s1, $0x2  }
0xbc: {  	s3 =	sand.u32 $0x4000, s31;
	s1 =	sadd.s32 s1, s30  }
0xbd: {  	s0 =	sor.u32 s3, s0;
	s1 =	sshll.u32 s1, $0x11  }
0xbe: {  	s0 =	sor.u32 s1, s0  }
0xbf: {  	s0 =	sadd.s32 $0x8F2B, s0  }
0xc0: {  	[sflag:s0] =	ssyncadd.remote.s32 $0x1  }
0xc1: {  	_ =	sfence.sel $0xFFFF  }
0xc2: {  	[dreg:$0x0] =	wrdreg $0xFFFFFFFF;
	(pc) =	sbr.abs _section_cstart, $3  }
0xc3: {  	[dreg:$0x1] =	wrdreg $0xFFFFFFFF  }
0xc4: {  	_ =	task.clear_ibuf [dreg:s8], $0x2FFFF;
	_ =	strace $0x9FFFFFFF  }
0xc5: {  	(tm) =	ssettm $0x7FFFFFFF  }
tec
execute0_lowered:
.L_overlay_start_1:
0x0: {  	(tag) =	ssettag $0x1  }
0x1: {  	s0 =	rddreg [dreg:$0x0]  }
0x2: {  	s1 =	rddreg [dreg:$0x2];
	s2 =	srdreg.scid  }
0x3: {  	s4 =	rddreg [dreg:$0x3];
	s8 =	stileid.u32;
	s5 =	simm.s32 $0x0  }
0x4: {  	s12 =	simm.s32 $0x5;
	s13 =	simm.s32 $0x1400;
	s15 =	simm.s32 $0x80  }
0x5: {  	s16 =	simm.s32 $0x2800;
	s17 =	simm.s32 $0x6800;
	s18 =	simm.s32 $0x1  }
0x6: {  	s19 =	simm.s32 $0x2;
	s21 =	simm.s32 $0x3;
	s20 =	simm.s32 $0x1000  }
0x7: {  	s31 =	simm.s32 $0x1180;
	s10 =	simm.s32 $0x2680;
	s11 =	simm.s32 $0x2700  }
0x8: {  	s2 =	sand.u32 $0x1, s2;
	s6 =	smul.u32 $0x13C00, s8;
	[smem:$0x7FF] =	sst s5  }
0x9: {  	s7 =	smul.u32 $0x4F000, s8;
	s9 =	sadd.s32 $0xE00, s1;
	s24 =	sshll.u32 s8, $0x1  }
0xa: {  	s26 =	sshll.u32 s8, $0x6;
	s3 =	smul.u32 $0x13C000, s2;
	_ =	strace $0x80000047  }
0xb: {  	s22 =	ssub.s32 $0x2, s2;
	[dreg:$0x5] =	wrdreg s9;
	s2 =	sor.u32 s2, s24  }
0xc: {  	s29 =	sor.u32 $0x1C05, s26;
	s24 =	simm.s32 $0x4;
	s26 =	simm.s32 $0x1100  }
0xd: {  	s9 =	simm.s32 $0x1280;
	s23 =	sshrl.u32 s22, $0x1;
	s7 =	sshrl.u32 s7, $0x2  }
0xe: {  	s8 =	smul.u32 $0x50, s2;
	[dreg:$0x6] =	wrdreg s29;
	s2 =	simm.s32 $0x2580  }
0xf: {  	s3 =	sadd.s32 s6, s3;
	s25 =	sadd.s32 s7, s4;
	s6 =	simm.s32 $0x2600  }
0x10: {  	s7 =	simm.s32 $0x1300;
	s3 =	sshrl.u32 s3, $0x3;
	s30 =	sshrl.u32 s25, $0x3  }
0x11: {  	s25 =	simm.s32 $0x2480;
	s1 =	sadd.s32 s3, s1;
	s3 =	ssub.s32 s22, s23  }
0x12: {  	[dreg:$0x9] =	wrdreg s30;
	s22 =	simm.s32 $0x2400;
	s1 =	sadd.s32 $0x3600, s1  }
0x13: {  	s23 =	simm.s32 $0x1080;
	s28 =	smax.u32 s3, $0x1;
	[dreg:$0x7] =	wrdreg s1  }
0x14: {  	s3 =	simm.s32 $0x1200;
	[dreg:$0x8] =	wrdreg s28;
	s1 =	simm.s32 $0x0  }
.LBB2_1:
0x15: {  	[dreg:$0xa] =	wrdreg s1  }
0x16: {  	s28 =	rddreg [dreg:$0x5]  }
0x17: {  	[spmem:s30], [sflag:s29] =	dma.local [hbm:s28], $0x2780  }
0x18: {  	_ =	swait.ge [sflag:s12], $0x2780  }
0x19: {  	p0 =	por $0x1, $0x1;
	[sflag:s12] =	ssyncset.done $0x0  }
0x1a: {  	s1 =	simm.s32 $0x2780;
	s28 =	simm.s32 $0x0;
	[sflag:s12] =	ssyncadd.s32 $0xFFFFD880  }
0x1b: {  	s30 =	simm.s32 $0x2500;
	s29 =	simm.s32 $0x1380;
	[bflag:$0x0] =	sbarrier.arrive $0xFFFF  }
.LBB2_2:
0x1c: {  	s28 =	sadd.s32 s8, s28  }
0x1d: {  	s14 =	rddreg [dreg:$0x1];
	s28 =	sshll.u32 s28, $0x4  }
0x1e: {  	s28 =	sadd.s32 s14, s28;
	s14 =	simm.s32 $0x50000  }
0x1f: {  	[tilespmem:s5], [sflag:$0x5] =	stream.strided.gather [hbm4b:s28+s13], $0x2800, s14, s13, $0x38;
	[tilespmem:$0x1E400] =	vst v63  }
0x20: {  	_ =	swait.ge [sflag:s12], $0x2800  }
0x21: {  	[sflag:s12] =	ssyncset.done $0x0  }
0x22: {  	[sflag:s12] =	ssyncadd.s32 $0xFFFFD800  }
0x23: {  	[tilespmem:s16], [sflag:$0x1] =	stream.indirect.gather [hbm4b:s0+s15], $0x80, s5, s15, $0xb8;
	[tilespmem:$0x1E400] =	vst v63  }
0x24: {  	_ = 	snop  }
0x25: {  	[tilespmem:s17], [sflag:$0x2] =	stream.indirect.gather [hbm4b:s0+s15], $0x80, s15, s15, $0xb8;
	[tilespmem:$0x1E400] =	vst v63  }
0x26: {  	_ =	swait.ge [sflag:s18], $0x4000  }
0x27: {  	[sflag:s18] =	ssyncset.done $0x0  }
0x28: {  	[sflag:s18] =	ssyncadd.s32 $0xFFFFC000  }
0x29: {  	[spmem:s4] =	stream.indirect.scatter.add.f32 [tilespmem:s16], [sflag:$0x3], $0x80, s13, s15, $0xb8;
	[tilespmem:$0x1E400] =	vst v63  }
0x2a: {  	_ =	swait.ge [sflag:s19], $0x4000  }
0x2b: {  	[sflag:s19] =	ssyncset.done $0x0  }
0x2c: {  	s14 =	simm.s32 $0x1480;
	[sflag:s19] =	ssyncadd.s32 $0xFFFFC000  }
0x2d: {  	[spmem:s4] =	stream.indirect.scatter.add.f32 [tilespmem:s17], [sflag:$0x4], $0x80, s14, s15, $0xb8;
	[tilespmem:$0x1E400] =	vst v63  }
0x2e: {  	_ =	swait.ge [sflag:s21], $0x4000  }
0x2f: {  	[sflag:s21] =	ssyncset.done $0x0  }
0x30: {  	s14 =	simm.s32 $0x100;
	[sflag:s21] =	ssyncadd.s32 $0xFFFFC000  }
0x31: {  	[tilespmem:s16], [sflag:$0x1] =	stream.indirect.gather [hbm4b:s0+s15], $0x80, s14, s15, $0xb8;
	[tilespmem:$0x1E400] =	vst v63  }
0x32: {  	_ =	swait.ge [sflag:s18], $0x4000  }
0x33: {  	[sflag:s18] =	ssyncset.done $0x0  }
0x34: {  	s14 =	simm.s32 $0x1500;
	[sflag:s18] =	ssyncadd.s32 $0xFFFFC000  }
0x35: {  	[spmem:s4] =	stream.indirect.scatter.add.f32 [tilespmem:s16], [sflag:$0x3], $0x80, s14, s15, $0xb8;
	[tilespmem:$0x1E400] =	vst v63  }
0x36: {  	_ =	swait.ge [sflag:s24], $0x4000  }
0x37: {  	[sflag:s24] =	ssyncset.done $0x0  }
0x38: {  	s14 =	simm.s32 $0x180;
	[sflag:s24] =	ssyncadd.s32 $0xFFFFC000  }
0x39: {  	[tilespmem:s17], [sflag:$0x2] =	stream.indirect.gather [hbm4b:s0+s15], $0x80, s14, s15, $0xb8;
	[tilespmem:$0x1E400] =	vst v63  }
0x3a: {  	_ =	swait.ge [sflag:s19], $0x4000  }
0x3b: {  	[sflag:s19] =	ssyncset.done $0x0  }
0x3c: {  	s14 =	simm.s32 $0x1580;
	[sflag:s19] =	ssyncadd.s32 $0xFFFFC000  }
0x3d: {  	[spmem:s4] =	stream.indirect.scatter.add.f32 [tilespmem:s17], [sflag:$0x4], $0x80, s14, s15, $0xb8;
	[tilespmem:$0x1E400] =	vst v63  }
0x3e: {  	_ =	swait.ge [sflag:s21], $0x4000  }
0x3f: {  	[sflag:s21] =	ssyncset.done $0x0  }
0x40: {  	s14 =	simm.s32 $0x200;
	[sflag:s21] =	ssyncadd.s32 $0xFFFFC000  }
0x41: {  	[tilespmem:s16], [sflag:$0x1] =	stream.indirect.gather [hbm4b:s0+s15], $0x80, s14, s15, $0xb8;
	[tilespmem:$0x1E400] =	vst v63  }
0x42: {  	_ =	swait.ge [sflag:s18], $0x4000  }
0x43: {  	[sflag:s18] =	ssyncset.done $0x0  }
0x44: {  	s14 =	simm.s32 $0x1600;
	[sflag:s18] =	ssyncadd.s32 $0xFFFFC000  }
0x45: {  	[spmem:s4] =	stream.indirect.scatter.add.f32 [tilespmem:s16], [sflag:$0x3], $0x80, s14, s15, $0xb8;
	[tilespmem:$0x1E400] =	vst v63  }
0x46: {  	_ =	swait.ge [sflag:s24], $0x4000  }
0x47: {  	[sflag:s24] =	ssyncset.done $0x0  }
0x48: {  	s14 =	simm.s32 $0x280;
	[sflag:s24] =	ssyncadd.s32 $0xFFFFC000  }
0x49: {  	[tilespmem:s17], [sflag:$0x2] =	stream.indirect.gather [hbm4b:s0+s15], $0x80, s14, s15, $0xb8;
	[tilespmem:$0x1E400] =	vst v63  }
0x4a: {  	_ =	swait.ge [sflag:s19], $0x4000  }
0x4b: {  	[sflag:s19] =	ssyncset.done $0x0  }
0x4c: {  	s14 =	simm.s32 $0x1680;
	[sflag:s19] =	ssyncadd.s32 $0xFFFFC000  }
0x4d: {  	[spmem:s4] =	stream.indirect.scatter.add.f32 [tilespmem:s17], [sflag:$0x4], $0x80, s14, s15, $0xb8;
	[tilespmem:$0x1E400] =	vst v63  }
0x4e: {  	_ =	swait.ge [sflag:s21], $0x4000  }
0x4f: {  	[sflag:s21] =	ssyncset.done $0x0  }
0x50: {  	s14 =	simm.s32 $0x300;
	[sflag:s21] =	ssyncadd.s32 $0xFFFFC000  }
0x51: {  	[tilespmem:s16], [sflag:$0x1] =	stream.indirect.gather [hbm4b:s0+s15], $0x80, s14, s15, $0xb8;
	[tilespmem:$0x1E400] =	vst v63  }
0x52: {  	_ =	swait.ge [sflag:s18], $0x4000  }
0x53: {  	[sflag:s18] =	ssyncset.done $0x0  }
0x54: {  	s14 =	simm.s32 $0x1700;
	[sflag:s18] =	ssyncadd.s32 $0xFFFFC000  }
0x55: {  	[spmem:s4] =	stream.indirect.scatter.add.f32 [tilespmem:s16], [sflag:$0x3], $0x80, s14, s15, $0xb8;
	[tilespmem:$0x1E400] =	vst v63  }
0x56: {  	_ =	swait.ge [sflag:s24], $0x4000  }
0x57: {  	[sflag:s24] =	ssyncset.done $0x0  }
0x58: {  	s14 =	simm.s32 $0x380;
	[sflag:s24] =	ssyncadd.s32 $0xFFFFC000  }
0x59: {  	[tilespmem:s17], [sflag:$0x2] =	stream.indirect.gather [hbm4b:s0+s15], $0x80, s14, s15, $0xb8;
	[tilespmem:$0x1E400] =	vst v63  }
0x5a: {  	_ =	swait.ge [sflag:s19], $0x4000  }
0x5b: {  	[sflag:s19] =	ssyncset.done $0x0  }
0x5c: {  	s14 =	simm.s32 $0x1780;
	[sflag:s19] =	ssyncadd.s32 $0xFFFFC000  }
0x5d: {  	[spmem:s4] =	stream.indirect.scatter.add.f32 [tilespmem:s17], [sflag:$0x4], $0x80, s14, s15, $0xb8;
	[tilespmem:$0x1E400] =	vst v63  }
0x5e: {  	_ =	swait.ge [sflag:s21], $0x4000  }
0x5f: {  	[sflag:s21] =	ssyncset.done $0x0  }
0x60: {  	s14 =	simm.s32 $0x400;
	[sflag:s21] =	ssyncadd.s32 $0xFFFFC000  }
0x61: {  	[tilespmem:s16], [sflag:$0x1] =	stream.indirect.gather [hbm4b:s0+s15], $0x80, s14, s15, $0xb8;
	[tilespmem:$0x1E400] =	vst v63  }
0x62: {  	_ =	swait.ge [sflag:s18], $0x4000  }
0x63: {  	[sflag:s18] =	ssyncset.done $0x0  }
0x64: {  	s14 =	simm.s32 $0x1800;
	[sflag:s18] =	ssyncadd.s32 $0xFFFFC000  }
0x65: {  	[spmem:s4] =	stream.indirect.scatter.add.f32 [tilespmem:s16], [sflag:$0x3], $0x80, s14, s15, $0xb8;
	[tilespmem:$0x1E400] =	vst v63  }
0x66: {  	_ =	swait.ge [sflag:s24], $0x4000  }
0x67: {  	[sflag:s24] =	ssyncset.done $0x0  }
0x68: {  	s14 =	simm.s32 $0x480;
	[sflag:s24] =	ssyncadd.s32 $0xFFFFC000  }
0x69: {  	[tilespmem:s17], [sflag:$0x2] =	stream.indirect.gather [hbm4b:s0+s15], $0x80, s14, s15, $0xb8;
	[tilespmem:$0x1E400] =	vst v63  }
0x6a: {  	_ =	swait.ge [sflag:s19], $0x4000  }
0x6b: {  	[sflag:s19] =	ssyncset.done $0x0  }
0x6c: {  	s14 =	simm.s32 $0x1880;
	[sflag:s19] =	ssyncadd.s32 $0xFFFFC000  }
0x6d: {  	[spmem:s4] =	stream.indirect.scatter.add.f32 [tilespmem:s17], [sflag:$0x4], $0x80, s14, s15, $0xb8;
	[tilespmem:$0x1E400] =	vst v63  }
0x6e: {  	_ =	swait.ge [sflag:s21], $0x4000  }
0x6f: {  	[sflag:s21] =	ssyncset.done $0x0  }
0x70: {  	s14 =	simm.s32 $0x500;
	[sflag:s21] =	ssyncadd.s32 $0xFFFFC000  }
0x71: {  	[tilespmem:s16], [sflag:$0x1] =	stream.indirect.gather [hbm4b:s0+s15], $0x80, s14, s15, $0xb8;
	[tilespmem:$0x1E400] =	vst v63  }
0x72: {  	_ =	swait.ge [sflag:s18], $0x4000  }
0x73: {  	[sflag:s18] =	ssyncset.done $0x0  }
0x74: {  	s14 =	simm.s32 $0x1900;
	[sflag:s18] =	ssyncadd.s32 $0xFFFFC000  }
0x75: {  	[spmem:s4] =	stream.indirect.scatter.add.f32 [tilespmem:s16], [sflag:$0x3], $0x80, s14, s15, $0xb8;
	[tilespmem:$0x1E400] =	vst v63  }
0x76: {  	_ =	swait.ge [sflag:s24], $0x4000  }
0x77: {  	[sflag:s24] =	ssyncset.done $0x0  }
0x78: {  	s14 =	simm.s32 $0x580;
	[sflag:s24] =	ssyncadd.s32 $0xFFFFC000  }
0x79: {  	[tilespmem:s17], [sflag:$0x2] =	stream.indirect.gather [hbm4b:s0+s15], $0x80, s14, s15, $0xb8;
	[tilespmem:$0x1E400] =	vst v63  }
0x7a: {  	_ =	swait.ge [sflag:s19], $0x4000  }
0x7b: {  	[sflag:s19] =	ssyncset.done $0x0  }
0x7c: {  	s14 =	simm.s32 $0x1980;
	[sflag:s19] =	ssyncadd.s32 $0xFFFFC000  }
0x7d: {  	[spmem:s4] =	stream.indirect.scatter.add.f32 [tilespmem:s17], [sflag:$0x4], $0x80, s14, s15, $0xb8;
	[tilespmem:$0x1E400] =	vst v63  }
0x7e: {  	_ =	swait.ge [sflag:s21], $0x4000  }
0x7f: {  	[sflag:s21] =	ssyncset.done $0x0  }
0x80: {  	s14 =	simm.s32 $0x600;
	[sflag:s21] =	ssyncadd.s32 $0xFFFFC000  }
0x81: {  	[tilespmem:s16], [sflag:$0x1] =	stream.indirect.gather [hbm4b:s0+s15], $0x80, s14, s15, $0xb8;
	[tilespmem:$0x1E400] =	vst v63  }
0x82: {  	_ =	swait.ge [sflag:s18], $0x4000  }
0x83: {  	[sflag:s18] =	ssyncset.done $0x0  }
0x84: {  	s14 =	simm.s32 $0x1A00;
	[sflag:s18] =	ssyncadd.s32 $0xFFFFC000  }
0x85: {  	[spmem:s4] =	stream.indirect.scatter.add.f32 [tilespmem:s16], [sflag:$0x3], $0x80, s14, s15, $0xb8;
	[tilespmem:$0x1E400] =	vst v63  }
0x86: {  	_ =	swait.ge [sflag:s24], $0x4000  }
0x87: {  	[sflag:s24] =	ssyncset.done $0x0  }
0x88: {  	s14 =	simm.s32 $0x680;
	[sflag:s24] =	ssyncadd.s32 $0xFFFFC000  }
0x89: {  	[tilespmem:s17], [sflag:$0x2] =	stream.indirect.gather [hbm4b:s0+s15], $0x80, s14, s15, $0xb8;
	[tilespmem:$0x1E400] =	vst v63  }
0x8a: {  	_ =	swait.ge [sflag:s19], $0x4000  }
0x8b: {  	[sflag:s19] =	ssyncset.done $0x0  }
0x8c: {  	s14 =	simm.s32 $0x1A80;
	[sflag:s19] =	ssyncadd.s32 $0xFFFFC000  }
0x8d: {  	[spmem:s4] =	stream.indirect.scatter.add.f32 [tilespmem:s17], [sflag:$0x4], $0x80, s14, s15, $0xb8;
	[tilespmem:$0x1E400] =	vst v63  }
0x8e: {  	_ =	swait.ge [sflag:s21], $0x4000  }
0x8f: {  	[sflag:s21] =	ssyncset.done $0x0  }
0x90: {  	s14 =	simm.s32 $0x700;
	[sflag:s21] =	ssyncadd.s32 $0xFFFFC000  }
0x91: {  	[tilespmem:s16], [sflag:$0x1] =	stream.indirect.gather [hbm4b:s0+s15], $0x80, s14, s15, $0xb8;
	[tilespmem:$0x1E400] =	vst v63  }
0x92: {  	_ =	swait.ge [sflag:s18], $0x4000  }
0x93: {  	[sflag:s18] =	ssyncset.done $0x0  }
0x94: {  	s14 =	simm.s32 $0x1B00;
	[sflag:s18] =	ssyncadd.s32 $0xFFFFC000  }
0x95: {  	[spmem:s4] =	stream.indirect.scatter.add.f32 [tilespmem:s16], [sflag:$0x3], $0x80, s14, s15, $0xb8;
	[tilespmem:$0x1E400] =	vst v63  }
0x96: {  	_ =	swait.ge [sflag:s24], $0x4000  }
0x97: {  	[sflag:s24] =	ssyncset.done $0x0  }
0x98: {  	s14 =	simm.s32 $0x780;
	[sflag:s24] =	ssyncadd.s32 $0xFFFFC000  }
0x99: {  	[tilespmem:s17], [sflag:$0x2] =	stream.indirect.gather [hbm4b:s0+s15], $0x80, s14, s15, $0xb8;
	[tilespmem:$0x1E400] =	vst v63  }
0x9a: {  	_ =	swait.ge [sflag:s19], $0x4000  }
0x9b: {  	[sflag:s19] =	ssyncset.done $0x0  }
0x9c: {  	s14 =	simm.s32 $0x1B80;
	[sflag:s19] =	ssyncadd.s32 $0xFFFFC000  }
0x9d: {  	[spmem:s4] =	stream.indirect.scatter.add.f32 [tilespmem:s17], [sflag:$0x4], $0x80, s14, s15, $0xb8;
	[tilespmem:$0x1E400] =	vst v63  }
0x9e: {  	_ =	swait.ge [sflag:s21], $0x4000  }
0x9f: {  	[sflag:s21] =	ssyncset.done $0x0  }
0xa0: {  	s14 =	simm.s32 $0x800;
	[sflag:s21] =	ssyncadd.s32 $0xFFFFC000  }
0xa1: {  	[tilespmem:s16], [sflag:$0x1] =	stream.indirect.gather [hbm4b:s0+s15], $0x80, s14, s15, $0xb8;
	[tilespmem:$0x1E400] =	vst v63  }
0xa2: {  	_ =	swait.ge [sflag:s18], $0x4000  }
0xa3: {  	[sflag:s18] =	ssyncset.done $0x0  }
0xa4: {  	s14 =	simm.s32 $0x1C00;
	[sflag:s18] =	ssyncadd.s32 $0xFFFFC000  }
0xa5: {  	[spmem:s4] =	stream.indirect.scatter.add.f32 [tilespmem:s16], [sflag:$0x3], $0x80, s14, s15, $0xb8;
	[tilespmem:$0x1E400] =	vst v63  }
0xa6: {  	_ =	swait.ge [sflag:s24], $0x4000  }
0xa7: {  	[sflag:s24] =	ssyncset.done $0x0  }
0xa8: {  	s14 =	simm.s32 $0x880;
	[sflag:s24] =	ssyncadd.s32 $0xFFFFC000  }
0xa9: {  	[tilespmem:s17], [sflag:$0x2] =	stream.indirect.gather [hbm4b:s0+s15], $0x80, s14, s15, $0xb8;
	[tilespmem:$0x1E400] =	vst v63  }
0xaa: {  	_ =	swait.ge [sflag:s19], $0x4000  }
0xab: {  	[sflag:s19] =	ssyncset.done $0x0  }
0xac: {  	s14 =	simm.s32 $0x1C80;
	[sflag:s19] =	ssyncadd.s32 $0xFFFFC000  }
0xad: {  	[spmem:s4] =	stream.indirect.scatter.add.f32 [tilespmem:s17], [sflag:$0x4], $0x80, s14, s15, $0xb8;
	[tilespmem:$0x1E400] =	vst v63  }
0xae: {  	_ =	swait.ge [sflag:s21], $0x4000  }
0xaf: {  	[sflag:s21] =	ssyncset.done $0x0  }
0xb0: {  	s14 =	simm.s32 $0x900;
	[sflag:s21] =	ssyncadd.s32 $0xFFFFC000  }
0xb1: {  	[tilespmem:s16], [sflag:$0x1] =	stream.indirect.gather [hbm4b:s0+s15], $0x80, s14, s15, $0xb8;
	[tilespmem:$0x1E400] =	vst v63  }
0xb2: {  	_ =	swait.ge [sflag:s18], $0x4000  }
0xb3: {  	[sflag:s18] =	ssyncset.done $0x0  }
0xb4: {  	s14 =	simm.s32 $0x1D00;
	[sflag:s18] =	ssyncadd.s32 $0xFFFFC000  }
0xb5: {  	[spmem:s4] =	stream.indirect.scatter.add.f32 [tilespmem:s16], [sflag:$0x3], $0x80, s14, s15, $0xb8;
	[tilespmem:$0x1E400] =	vst v63  }
0xb6: {  	_ =	swait.ge [sflag:s24], $0x4000  }
0xb7: {  	[sflag:s24] =	ssyncset.done $0x0  }
0xb8: {  	s14 =	simm.s32 $0x980;
	[sflag:s24] =	ssyncadd.s32 $0xFFFFC000  }
0xb9: {  	[tilespmem:s17], [sflag:$0x2] =	stream.indirect.gather [hbm4b:s0+s15], $0x80, s14, s15, $0xb8;
	[tilespmem:$0x1E400] =	vst v63  }
0xba: {  	_ =	swait.ge [sflag:s19], $0x4000  }
0xbb: {  	[sflag:s19] =	ssyncset.done $0x0  }
0xbc: {  	s14 =	simm.s32 $0x1D80;
	[sflag:s19] =	ssyncadd.s32 $0xFFFFC000  }
0xbd: {  	[spmem:s4] =	stream.indirect.scatter.add.f32 [tilespmem:s17], [sflag:$0x4], $0x80, s14, s15, $0xb8;
	[tilespmem:$0x1E400] =	vst v63  }
0xbe: {  	_ =	swait.ge [sflag:s21], $0x4000  }
0xbf: {  	[sflag:s21] =	ssyncset.done $0x0  }
0xc0: {  	s14 =	simm.s32 $0xA00;
	[sflag:s21] =	ssyncadd.s32 $0xFFFFC000  }
0xc1: {  	[tilespmem:s16], [sflag:$0x1] =	stream.indirect.gather [hbm4b:s0+s15], $0x80, s14, s15, $0xb8;
	[tilespmem:$0x1E400] =	vst v63  }
0xc2: {  	_ =	swait.ge [sflag:s18], $0x4000  }
0xc3: {  	[sflag:s18] =	ssyncset.done $0x0  }
0xc4: {  	s14 =	simm.s32 $0x1E00;
	[sflag:s18] =	ssyncadd.s32 $0xFFFFC000  }
0xc5: {  	[spmem:s4] =	stream.indirect.scatter.add.f32 [tilespmem:s16], [sflag:$0x3], $0x80, s14, s15, $0xb8;
	[tilespmem:$0x1E400] =	vst v63  }
0xc6: {  	_ =	swait.ge [sflag:s24], $0x4000  }
0xc7: {  	[sflag:s24] =	ssyncset.done $0x0  }
0xc8: {  	s14 =	simm.s32 $0xA80;
	[sflag:s24] =	ssyncadd.s32 $0xFFFFC000  }
0xc9: {  	[tilespmem:s17], [sflag:$0x2] =	stream.indirect.gather [hbm4b:s0+s15], $0x80, s14, s15, $0xb8;
	[tilespmem:$0x1E400] =	vst v63  }
0xca: {  	_ =	swait.ge [sflag:s19], $0x4000  }
0xcb: {  	[sflag:s19] =	ssyncset.done $0x0  }
0xcc: {  	s14 =	simm.s32 $0x1E80;
	[sflag:s19] =	ssyncadd.s32 $0xFFFFC000  }
0xcd: {  	[spmem:s4] =	stream.indirect.scatter.add.f32 [tilespmem:s17], [sflag:$0x4], $0x80, s14, s15, $0xb8;
	[tilespmem:$0x1E400] =	vst v63  }
0xce: {  	_ =	swait.ge [sflag:s21], $0x4000  }
0xcf: {  	[sflag:s21] =	ssyncset.done $0x0  }
0xd0: {  	s14 =	simm.s32 $0xB00;
	[sflag:s21] =	ssyncadd.s32 $0xFFFFC000  }
0xd1: {  	[tilespmem:s16], [sflag:$0x1] =	stream.indirect.gather [hbm4b:s0+s15], $0x80, s14, s15, $0xb8;
	[tilespmem:$0x1E400] =	vst v63  }
0xd2: {  	_ =	swait.ge [sflag:s18], $0x4000  }
0xd3: {  	[sflag:s18] =	ssyncset.done $0x0  }
0xd4: {  	s14 =	simm.s32 $0x1F00;
	[sflag:s18] =	ssyncadd.s32 $0xFFFFC000  }
0xd5: {  	[spmem:s4] =	stream.indirect.scatter.add.f32 [tilespmem:s16], [sflag:$0x3], $0x80, s14, s15, $0xb8;
	[tilespmem:$0x1E400] =	vst v63  }
0xd6: {  	_ =	swait.ge [sflag:s24], $0x4000  }
0xd7: {  	[sflag:s24] =	ssyncset.done $0x0  }
0xd8: {  	s14 =	simm.s32 $0xB80;
	[sflag:s24] =	ssyncadd.s32 $0xFFFFC000  }
0xd9: {  	[tilespmem:s17], [sflag:$0x2] =	stream.indirect.gather [hbm4b:s0+s15], $0x80, s14, s15, $0xb8;
	[tilespmem:$0x1E400] =	vst v63  }
0xda: {  	_ =	swait.ge [sflag:s19], $0x4000  }
0xdb: {  	[sflag:s19] =	ssyncset.done $0x0  }
0xdc: {  	s14 =	simm.s32 $0x1F80;
	[sflag:s19] =	ssyncadd.s32 $0xFFFFC000  }
0xdd: {  	[spmem:s4] =	stream.indirect.scatter.add.f32 [tilespmem:s17], [sflag:$0x4], $0x80, s14, s15, $0xb8;
	[tilespmem:$0x1E400] =	vst v63  }
0xde: {  	_ =	swait.ge [sflag:s21], $0x4000  }
0xdf: {  	[sflag:s21] =	ssyncset.done $0x0  }
0xe0: {  	s14 =	simm.s32 $0xC00;
	[sflag:s21] =	ssyncadd.s32 $0xFFFFC000  }
0xe1: {  	[tilespmem:s16], [sflag:$0x1] =	stream.indirect.gather [hbm4b:s0+s15], $0x80, s14, s15, $0xb8;
	[tilespmem:$0x1E400] =	vst v63  }
0xe2: {  	_ =	swait.ge [sflag:s18], $0x4000  }
0xe3: {  	[sflag:s18] =	ssyncset.done $0x0  }
0xe4: {  	s14 =	simm.s32 $0x2000;
	[sflag:s18] =	ssyncadd.s32 $0xFFFFC000  }
0xe5: {  	[spmem:s4] =	stream.indirect.scatter.add.f32 [tilespmem:s16], [sflag:$0x3], $0x80, s14, s15, $0xb8;
	[tilespmem:$0x1E400] =	vst v63  }
0xe6: {  	_ =	swait.ge [sflag:s24], $0x4000  }
0xe7: {  	[sflag:s24] =	ssyncset.done $0x0  }
0xe8: {  	s14 =	simm.s32 $0xC80;
	[sflag:s24] =	ssyncadd.s32 $0xFFFFC000  }
0xe9: {  	[tilespmem:s17], [sflag:$0x2] =	stream.indirect.gather [hbm4b:s0+s15], $0x80, s14, s15, $0xb8;
	[tilespmem:$0x1E400] =	vst v63  }
0xea: {  	_ =	swait.ge [sflag:s19], $0x4000  }
0xeb: {  	[sflag:s19] =	ssyncset.done $0x0  }
0xec: {  	s14 =	simm.s32 $0x2080;
	[sflag:s19] =	ssyncadd.s32 $0xFFFFC000  }
0xed: {  	[spmem:s4] =	stream.indirect.scatter.add.f32 [tilespmem:s17], [sflag:$0x4], $0x80, s14, s15, $0xb8;
	[tilespmem:$0x1E400] =	vst v63  }
0xee: {  	_ =	swait.ge [sflag:s21], $0x4000  }
0xef: {  	[sflag:s21] =	ssyncset.done $0x0  }
0xf0: {  	s14 =	simm.s32 $0xD00;
	[sflag:s21] =	ssyncadd.s32 $0xFFFFC000  }
0xf1: {  	[tilespmem:s16], [sflag:$0x1] =	stream.indirect.gather [hbm4b:s0+s15], $0x80, s14, s15, $0xb8;
	[tilespmem:$0x1E400] =	vst v63  }
0xf2: {  	_ =	swait.ge [sflag:s18], $0x4000  }
0xf3: {  	[sflag:s18] =	ssyncset.done $0x0  }
0xf4: {  	s14 =	simm.s32 $0x2100;
	[sflag:s18] =	ssyncadd.s32 $0xFFFFC000  }
0xf5: {  	[spmem:s4] =	stream.indirect.scatter.add.f32 [tilespmem:s16], [sflag:$0x3], $0x80, s14, s15, $0xb8;
	[tilespmem:$0x1E400] =	vst v63  }
0xf6: {  	_ =	swait.ge [sflag:s24], $0x4000  }
0xf7: {  	[sflag:s24] =	ssyncset.done $0x0  }
0xf8: {  	s14 =	simm.s32 $0xD80;
	[sflag:s24] =	ssyncadd.s32 $0xFFFFC000  }
0xf9: {  	[tilespmem:s17], [sflag:$0x2] =	stream.indirect.gather [hbm4b:s0+s15], $0x80, s14, s15, $0xb8;
	[tilespmem:$0x1E400] =	vst v63  }
0xfa: {  	_ =	swait.ge [sflag:s19], $0x4000  }
0xfb: {  	[sflag:s19] =	ssyncset.done $0x0  }
0xfc: {  	s14 =	simm.s32 $0x2180;
	[sflag:s19] =	ssyncadd.s32 $0xFFFFC000  }
0xfd: {  	[spmem:s4] =	stream.indirect.scatter.add.f32 [tilespmem:s17], [sflag:$0x4], $0x80, s14, s15, $0xb8;
	[tilespmem:$0x1E400] =	vst v63  }
0xfe: {  	_ =	swait.ge [sflag:s21], $0x4000  }
0xff: {  	[sflag:s21] =	ssyncset.done $0x0  }
0x100: {  	s14 =	simm.s32 $0xE00;
	[sflag:s21] =	ssyncadd.s32 $0xFFFFC000  }
0x101: {  	[tilespmem:s16], [sflag:$0x1] =	stream.indirect.gather [hbm4b:s0+s15], $0x80, s14, s15, $0xb8;
	[tilespmem:$0x1E400] =	vst v63  }
0x102: {  	_ =	swait.ge [sflag:s18], $0x4000  }
0x103: {  	[sflag:s18] =	ssyncset.done $0x0  }
0x104: {  	s14 =	simm.s32 $0x2200;
	[sflag:s18] =	ssyncadd.s32 $0xFFFFC000  }
0x105: {  	[spmem:s4] =	stream.indirect.scatter.add.f32 [tilespmem:s16], [sflag:$0x3], $0x80, s14, s15, $0xb8;
	[tilespmem:$0x1E400] =	vst v63  }
0x106: {  	_ =	swait.ge [sflag:s24], $0x4000  }
0x107: {  	[sflag:s24] =	ssyncset.done $0x0  }
0x108: {  	s14 =	simm.s32 $0xE80;
	[sflag:s24] =	ssyncadd.s32 $0xFFFFC000  }
0x109: {  	[tilespmem:s17], [sflag:$0x2] =	stream.indirect.gather [hbm4b:s0+s15], $0x80, s14, s15, $0xb8;
	[tilespmem:$0x1E400] =	vst v63  }
0x10a: {  	_ =	swait.ge [sflag:s19], $0x4000  }
0x10b: {  	[sflag:s19] =	ssyncset.done $0x0  }
0x10c: {  	s14 =	simm.s32 $0x2280;
	[sflag:s19] =	ssyncadd.s32 $0xFFFFC000  }
0x10d: {  	[spmem:s4] =	stream.indirect.scatter.add.f32 [tilespmem:s17], [sflag:$0x4], $0x80, s14, s15, $0xb8;
	[tilespmem:$0x1E400] =	vst v63  }
0x10e: {  	_ =	swait.ge [sflag:s21], $0x4000  }
0x10f: {  	[sflag:s21] =	ssyncset.done $0x0  }
0x110: {  	s14 =	simm.s32 $0xF00;
	[sflag:s21] =	ssyncadd.s32 $0xFFFFC000  }
0x111: {  	[tilespmem:s16], [sflag:$0x1] =	stream.indirect.gather [hbm4b:s0+s15], $0x80, s14, s15, $0xb8;
	[tilespmem:$0x1E400] =	vst v63  }
0x112: {  	_ =	swait.ge [sflag:s18], $0x4000  }
0x113: {  	[sflag:s18] =	ssyncset.done $0x0  }
0x114: {  	s14 =	simm.s32 $0x2300;
	[sflag:s18] =	ssyncadd.s32 $0xFFFFC000  }
0x115: {  	[spmem:s4] =	stream.indirect.scatter.add.f32 [tilespmem:s16], [sflag:$0x3], $0x80, s14, s15, $0xb8;
	[tilespmem:$0x1E400] =	vst v63  }
0x116: {  	_ =	swait.ge [sflag:s24], $0x4000  }
0x117: {  	[sflag:s24] =	ssyncset.done $0x0  }
0x118: {  	s14 =	simm.s32 $0xF80;
	[sflag:s24] =	ssyncadd.s32 $0xFFFFC000  }
0x119: {  	[tilespmem:s17], [sflag:$0x2] =	stream.indirect.gather [hbm4b:s0+s15], $0x80, s14, s15, $0xb8;
	[tilespmem:$0x1E400] =	vst v63  }
0x11a: {  	_ =	swait.ge [sflag:s19], $0x4000  }
0x11b: {  	[sflag:s19] =	ssyncset.done $0x0  }
0x11c: {  	s14 =	simm.s32 $0x2380;
	[sflag:s19] =	ssyncadd.s32 $0xFFFFC000  }
0x11d: {  	[spmem:s4] =	stream.indirect.scatter.add.f32 [tilespmem:s17], [sflag:$0x4], $0x80, s14, s15, $0xb8;
	[tilespmem:$0x1E400] =	vst v63  }
0x11e: {  	_ =	swait.ge [sflag:s21], $0x4000  }
0x11f: {  	[sflag:s21] =	ssyncset.done $0x0  }
0x120: {  	[sflag:s21] =	ssyncadd.s32 $0xFFFFC000  }
0x121: {  	[tilespmem:s16], [sflag:$0x1] =	stream.indirect.gather [hbm4b:s0+s15], $0x80, s20, s15, $0xb8;
	[tilespmem:$0x1E400] =	vst v63  }
0x122: {  	_ =	swait.ge [sflag:s18], $0x4000  }
0x123: {  	[sflag:s18] =	ssyncset.done $0x0  }
0x124: {  	[sflag:s18] =	ssyncadd.s32 $0xFFFFC000  }
0x125: {  	[spmem:s4] =	stream.indirect.scatter.add.f32 [tilespmem:s16], [sflag:$0x3], $0x80, s22, s15, $0xb8;
	[tilespmem:$0x1E400] =	vst v63  }
0x126: {  	_ =	swait.ge [sflag:s24], $0x4000  }
0x127: {  	[sflag:s24] =	ssyncset.done $0x0  }
0x128: {  	[sflag:s24] =	ssyncadd.s32 $0xFFFFC000  }
0x129: {  	[tilespmem:s17], [sflag:$0x2] =	stream.indirect.gather [hbm4b:s0+s15], $0x80, s23, s15, $0xb8;
	[tilespmem:$0x1E400] =	vst v63  }
0x12a: {  	_ =	swait.ge [sflag:s19], $0x4000  }
0x12b: {  	[sflag:s19] =	ssyncset.done $0x0  }
0x12c: {  	[sflag:s19] =	ssyncadd.s32 $0xFFFFC000  }
0x12d: {  	[spmem:s4] =	stream.indirect.scatter.add.f32 [tilespmem:s17], [sflag:$0x4], $0x80, s25, s15, $0xb8;
	[tilespmem:$0x1E400] =	vst v63  }
0x12e: {  	_ =	swait.ge [sflag:s21], $0x4000  }
0x12f: {  	[sflag:s21] =	ssyncset.done $0x0  }
0x130: {  	[sflag:s21] =	ssyncadd.s32 $0xFFFFC000  }
0x131: {  	[tilespmem:s16], [sflag:$0x1] =	stream.indirect.gather [hbm4b:s0+s15], $0x80, s26, s15, $0xb8;
	[tilespmem:$0x1E400] =	vst v63  }
0x132: {  	_ =	swait.ge [sflag:s18], $0x4000  }
0x133: {  	[sflag:s18] =	ssyncset.done $0x0  }
0x134: {  	[sflag:s18] =	ssyncadd.s32 $0xFFFFC000  }
0x135: {  	[spmem:s4] =	stream.indirect.scatter.add.f32 [tilespmem:s16], [sflag:$0x3], $0x80, s30, s15, $0xb8;
	[tilespmem:$0x1E400] =	vst v63  }
0x136: {  	_ =	swait.ge [sflag:s24], $0x4000  }
0x137: {  	[sflag:s24] =	ssyncset.done $0x0  }
0x138: {  	[sflag:s24] =	ssyncadd.s32 $0xFFFFC000  }
0x139: {  	[tilespmem:s17], [sflag:$0x2] =	stream.indirect.gather [hbm4b:s0+s15], $0x80, s31, s15, $0xb8;
	[tilespmem:$0x1E400] =	vst v63  }
0x13a: {  	_ =	swait.ge [sflag:s19], $0x4000  }
0x13b: {  	[sflag:s19] =	ssyncset.done $0x0  }
0x13c: {  	[sflag:s19] =	ssyncadd.s32 $0xFFFFC000  }
0x13d: {  	[spmem:s4] =	stream.indirect.scatter.add.f32 [tilespmem:s17], [sflag:$0x4], $0x80, s2, s15, $0xb8;
	[tilespmem:$0x1E400] =	vst v63  }
0x13e: {  	_ =	swait.ge [sflag:s21], $0x4000  }
0x13f: {  	[sflag:s21] =	ssyncset.done $0x0  }
0x140: {  	[sflag:s21] =	ssyncadd.s32 $0xFFFFC000  }
0x141: {  	[tilespmem:s16], [sflag:$0x1] =	stream.indirect.gather [hbm4b:s0+s15], $0x80, s3, s15, $0xb8;
	[tilespmem:$0x1E400] =	vst v63  }
0x142: {  	_ =	swait.ge [sflag:s18], $0x4000  }
0x143: {  	[sflag:s18] =	ssyncset.done $0x0  }
0x144: {  	[sflag:s18] =	ssyncadd.s32 $0xFFFFC000  }
0x145: {  	[spmem:s4] =	stream.indirect.scatter.add.f32 [tilespmem:s16], [sflag:$0x3], $0x80, s6, s15, $0xb8;
	[tilespmem:$0x1E400] =	vst v63  }
0x146: {  	_ =	swait.ge [sflag:s24], $0x4000  }
0x147: {  	[sflag:s24] =	ssyncset.done $0x0  }
0x148: {  	[sflag:s24] =	ssyncadd.s32 $0xFFFFC000  }
0x149: {  	[tilespmem:s17], [sflag:$0x2] =	stream.indirect.gather [hbm4b:s0+s15], $0x80, s9, s15, $0xb8;
	[tilespmem:$0x1E400] =	vst v63  }
0x14a: {  	_ =	swait.ge [sflag:s19], $0x4000  }
0x14b: {  	[sflag:s19] =	ssyncset.done $0x0  }
0x14c: {  	[sflag:s19] =	ssyncadd.s32 $0xFFFFC000  }
0x14d: {  	[spmem:s4] =	stream.indirect.scatter.add.f32 [tilespmem:s17], [sflag:$0x4], $0x80, s10, s15, $0xb8;
	[tilespmem:$0x1E400] =	vst v63  }
0x14e: {  	_ =	swait.ge [sflag:s21], $0x4000  }
0x14f: {  	[sflag:s21] =	ssyncset.done $0x0  }
0x150: {  	[sflag:s21] =	ssyncadd.s32 $0xFFFFC000  }
0x151: {  	[tilespmem:s16], [sflag:$0x1] =	stream.indirect.gather [hbm4b:s0+s15], $0x80, s7, s15, $0xb8;
	[tilespmem:$0x1E400] =	vst v63  }
0x152: {  	_ =	swait.ge [sflag:s18], $0x4000  }
0x153: {  	[sflag:s18] =	ssyncset.done $0x0  }
0x154: {  	[sflag:s18] =	ssyncadd.s32 $0xFFFFC000  }
0x155: {  	[spmem:s4] =	stream.indirect.scatter.add.f32 [tilespmem:s16], [sflag:$0x3], $0x80, s11, s15, $0xb8;
	[tilespmem:$0x1E400] =	vst v63  }
0x156: {  	_ =	swait.ge [sflag:s24], $0x4000  }
0x157: {  	[sflag:s24] =	ssyncset.done $0x0  }
0x158: {  	[sflag:s24] =	ssyncadd.s32 $0xFFFFC000  }
0x159: {  	[tilespmem:s17], [sflag:$0x2] =	stream.indirect.gather [hbm4b:s0+s15], $0x80, s29, s15, $0xb8;
	[tilespmem:$0x1E400] =	vst v63  }
0x15a: {  	_ =	swait.ge [sflag:s19], $0x4000  }
0x15b: {  	[sflag:s19] =	ssyncset.done $0x0  }
0x15c: {  	[sflag:s19] =	ssyncadd.s32 $0xFFFFC000  }
0x15d: {  	[spmem:s4] =	stream.indirect.scatter.add.f32 [tilespmem:s17], [sflag:$0x4], $0x80, s1, s15, $0xb8;
	[tilespmem:$0x1E400] =	vst v63  }
0x15e: {  	p1 =	por p0, p0;
	_ =	swait.ge [sflag:s21], $0x4000  }
.Ltmp0:
0x15f: {  	[sflag:s21] =	ssyncset.done $0x0;
	(pc) =	sbr.rel @p1 .LBB2_2-.Ltmp0, $4  }
0x160: {  	[sflag:s21] =	ssyncadd.s32 $0xFFFFC000  }
0x161: {  	_ =	swait.ge [sflag:s24], $0x4000  }
0x162: {  	[sflag:s24] =	ssyncset.done $0x0  }
0x163: {  	p0 =	por $0x0, $0x0;
	s28 =	simm.s32 $0x28;
	[sflag:s24] =	ssyncadd.s32 $0xFFFFC000  }
0x164: {  	[bflag:$0x0] =	sbarrier.arrive $0xFFFF  }
0x165: {  	s29 =	rddreg [dreg:$0x6]  }
0x166: {  	s28 =	rddreg [dreg:$0x7]  }
0x167: {  	s30 =	rddreg [dreg:$0x9]  }
0x168: {  	[hbm:s28], [sflag:s29] =	dma.local [spmem:s30], $0x2780  }
0x169: {  	_ =	swait.ge [sflag:s12], $0x2780  }
0x16a: {  	s1 =	rddreg [dreg:$0xa]  }
0x16b: {  	s14 =	rddreg [dreg:$0x8];
	s1 =	sadd.s32 $0x1, s1  }
0x16c: {  	p0 =	sne.s32 s1, s14  }
.Ltmp1:
0x16d: {  	_ = 	snop;
	(pc) =	sbr.rel @p0 .LBB2_1-.Ltmp1, $3  }
0x16e: {  	_ =	sdelay $0x1  }
0x16f: {  	[sflag:s12] =	ssyncset.done $0x0  }
0x170: {  	[sflag:s12] =	ssyncadd.s32 $0xFFFFD880  }
0x171: {  	_ =	sfence.sel $0x180000  }
0x172: {  	[bflag:$0x0] =	sbarrier.arrive $0xFFFF  }
0x173: {  	_ =	strace $0x90000047  }
0x174: {  	s0 =	stileid.u32;
	[bflag:$0x2] =	sbarrier.arrive $0xFFFF  }
0x175: {  	p0 =	sne.s32 s0, $0x0;
	s0 =	rddreg [dreg:$0x4]  }
0x176: {  	s0 =	sadd.s32 @!p0 $0x100000, s0  }
0x177: {  	[sflag:s0] =	ssyncadd.tile.s32 @!p0 $0x1;
	_ =	shalt  }
.Lfunc_end2:
_tile_overlayer_lowered:
.L_overlay_start_2:
0x178: {  	(tag) =	ssettag $0x2  }
0x179: {  	s0 =	rddreg [dreg:$0x0];
	s2 =	stileid.u32  }
0x17a: {  	s1 =	rddreg [dreg:$0x1];
	p0 =	sne.s32 s2, $0x0  }
0x17b: {  	s3 =	rddreg [dreg:$0x2];
	[bflag:$0x3] =	sbarrier.arrive $0xFFFF;
	s2 =	simm.s32 @!p0 $0x1C05  }
0x17c: {  	[timem:s3], [sflag:s2] =	dma.local @!p0 [hbm:s0], s1  }
0x17d: {  	s0 =	simm.s32 @!p0 $0x5  }
0x17e: {  	_ =	swait.ge @!p0 [sflag:s0], s1  }
0x17f: {  	s1 =	ssub.s32 @!p0 $0x0, s1;
	[sflag:s0] =	ssyncset.done @!p0 $0x0  }
0x180: {  	[sflag:s0] =	ssyncadd.s32 @!p0 s1  }
0x181: {  	[bflag:$0x3] =	sbarrier.arrive $0xFFFF  }
0x182: {  	_ =	shalt  }

</sc_bundles>
